<compile_context>
chip_gen: v7x
topology: tpu7x:2x2x1
jax: 0.10.2.dev20260603
libtpu: 0.0.44.dev20260713+nightly
codegen_flags: <defaults>
</compile_context>

<pallas_src>
import functools

import jax
import jax.numpy as jnp
from jax import lax
from jax.experimental import pallas as pl
from jax.experimental.pallas import tpu as pltpu
from jax.experimental.pallas import tpu_sc as plsc

N = 10000
B = 4096
EPP = 320000
EPQ = 90112
H = 128
PED = 64
CD = 15

NC = 2
NS = 16
NW = NC * NS
CW = 128

EPP_PAD = 327680
EW_PP = EPP_PAD // NW
CH_PP = EW_PP // CW
EPQ_PAD = 98304
EW_PQ = EPQ_PAD // NW
CH_PQ = EW_PQ // CW

ACC_P = 10112
ZP = ACC_P // NS
ACC_Q = 4224
ZQ = ACC_Q // NS
OQ = B // NS

IDS_PAD = 10240
IW = IDS_PAD // NW
DW = 16

PBLK = 2000
PGRID = N // PBLK


def _f32(shape):
    return jax.ShapeDtypeStruct(shape, jnp.float32)



@functools.lru_cache(maxsize=None)
def _sc_emb_deg():
    mesh = plsc.VectorSubcoreMesh(core_axis_name="c", subcore_axis_name="s")

    @functools.partial(
        pl.kernel, mesh=mesh,
        out_type=(_f32((IDS_PAD, H)), _f32((NC, ACC_P, H)), _f32((NC, B, H))),
        scratch_types=[
            pltpu.MemorySpace.VMEM_SHARED((ACC_P, H), jnp.float32),
            pltpu.MemorySpace.VMEM((IW,), jnp.int32),
            pltpu.MemorySpace.VMEM((CH_PP, CW), jnp.int32),
            pltpu.MemorySpace.VMEM((CH_PQ, CW), jnp.int32),
            pltpu.MemorySpace.VMEM((80, H), jnp.float32),
            pltpu.MemorySpace.VMEM((CW, H), jnp.float32),
            pltpu.SemaphoreType.DMA,
        ],
    )
    def k(emb_hbm, ids_hbm, dpp_hbm, dpq_hbm, ones_hbm, zeros_hbm,
          emb_out, dp_out, dq_out,
          acc, idsv, dppv, dpqv, ebuf, onesv, sem):
        cc = lax.axis_index("c")
        ss = lax.axis_index("s")
        wid = ss * NC + cc
        pltpu.sync_copy(zeros_hbm, acc.at[pl.ds(ss * ZP, ZP)])
        pltpu.sync_copy(ids_hbm.at[pl.ds(wid * IW, IW)], idsv)
        pltpu.sync_copy(dpp_hbm.at[pl.ds(wid * CH_PP, CH_PP)], dppv)
        pltpu.sync_copy(dpq_hbm.at[pl.ds(wid * CH_PQ, CH_PQ)], dpqv)
        pltpu.sync_copy(ones_hbm, onesv)
        for c in range(IW // 80):
            pltpu.async_copy(emb_hbm.at[idsv.at[pl.ds(c * 80, 80)]], ebuf,
                             sem).wait()
            pltpu.sync_copy(ebuf, emb_out.at[pl.ds(wid * IW + c * 80, 80)])
        plsc.subcore_barrier()

        def deg_scatter(dstv_ref, nch):
            def group(i, _):
                for j in range(8):
                    pltpu.async_copy(onesv, acc.at[dstv_ref.at[i * 8 + j]],
                                     sem, add=True)
                for j in range(8):
                    pltpu.make_async_copy(onesv, acc.at[dstv_ref.at[i * 8 + j]],
                                          sem).wait()
                return ()

            lax.fori_loop(0, nch // 8, group, ())

        deg_scatter(dppv, CH_PP)
        plsc.subcore_barrier()
        pltpu.sync_copy(acc.at[pl.ds(ss * ZP, ZP)],
                        dp_out.at[cc, pl.ds(ss * ZP, ZP)])
        plsc.subcore_barrier()
        pltpu.sync_copy(zeros_hbm.at[pl.ds(0, ZQ)], acc.at[pl.ds(ss * ZQ, ZQ)])
        plsc.subcore_barrier()
        deg_scatter(dpqv, CH_PQ)
        plsc.subcore_barrier()
        pltpu.sync_copy(acc.at[pl.ds(ss * OQ, OQ)],
                        dq_out.at[cc, pl.ds(ss * OQ, OQ)])

    return k


HCH = CH_PP // 2


@functools.lru_cache(maxsize=None)
def _sc_seg():
    mesh = plsc.VectorSubcoreMesh(core_axis_name="c", subcore_axis_name="s")

    @functools.partial(
        pl.kernel, mesh=mesh,
        out_type=(_f32((NC, ACC_P, H)), _f32((NC, B, H))),
        scratch_types=[
            pltpu.MemorySpace.VMEM_SHARED((ACC_P, H), jnp.float32),
            pltpu.MemorySpace.VMEM((HCH * CW,), jnp.int32),
            pltpu.MemorySpace.VMEM((HCH, CW), jnp.int32),
            pltpu.MemorySpace.VMEM((CW, H), jnp.float32),
            pltpu.MemorySpace.VMEM((CW, H), jnp.float32),
            pltpu.SemaphoreType.DMA,
            pltpu.SemaphoreType.DMA,
            pltpu.SemaphoreType.DMA,
            pltpu.SemaphoreType.DMA,
        ],
    )
    def k(yp_hbm, yq_hbm, spp_hbm, dpp_hbm, spq_hbm, dpq_hbm, zeros_hbm,
          pp_out, pq_out,
          acc, srcv, dstv, r0, r1, s0, s1, t0, t1):
        cc = lax.axis_index("c")
        ss = lax.axis_index("s")
        wid = ss * NC + cc
        rows = (r0, r1)
        sems = (s0, s1)
        ssems = (t0, t1)

        def load_idx(src_hbm, src_off, dst_hbm, dst_off, nch):
            pltpu.sync_copy(src_hbm.at[pl.ds(src_off, nch * CW)],
                            srcv.at[pl.ds(0, nch * CW)])
            pltpu.sync_copy(dst_hbm.at[pl.ds(dst_off, nch)],
                            dstv.at[pl.ds(0, nch)])

        def run_edges(y_hbm, nch):
            def issue(c, b):
                pltpu.async_copy(y_hbm.at[srcv.at[pl.ds(c * CW, CW)]],
                                 rows[b], sems[b])

            issue(0, 0)
            issue(1, 1)

            def body(i, _):
                for b in range(2):
                    c = i * 2 + b
                    pltpu.make_async_copy(
                        y_hbm.at[srcv.at[pl.ds(c * CW, CW)]],
                        rows[b], sems[b]).wait()
                    pltpu.sync_copy(rows[b], acc.at[dstv.at[c]], add=True)

                    @pl.when(c + 2 < nch)
                    def _():
                        issue(c + 2, b)
                return ()

            lax.fori_loop(0, nch // 2, body, ())

        pltpu.sync_copy(zeros_hbm, acc.at[pl.ds(ss * ZP, ZP)])
        load_idx(spp_hbm, wid * EW_PP, dpp_hbm, wid * CH_PP, HCH)
        plsc.subcore_barrier()
        run_edges(yp_hbm, HCH)
        load_idx(spp_hbm, wid * EW_PP + HCH * CW, dpp_hbm,
                 wid * CH_PP + HCH, HCH)
        run_edges(yp_hbm, HCH)
        plsc.subcore_barrier()
        pltpu.sync_copy(acc.at[pl.ds(ss * ZP, ZP)],
                        pp_out.at[cc, pl.ds(ss * ZP, ZP)])
        plsc.subcore_barrier()
        pltpu.sync_copy(zeros_hbm.at[pl.ds(0, ZQ)], acc.at[pl.ds(ss * ZQ, ZQ)])
        load_idx(spq_hbm, wid * EW_PQ, dpq_hbm, wid * CH_PQ, CH_PQ)
        plsc.subcore_barrier()
        run_edges(yq_hbm, CH_PQ)
        plsc.subcore_barrier()
        pltpu.sync_copy(acc.at[pl.ds(ss * OQ, OQ)],
                        pq_out.at[cc, pl.ds(ss * OQ, OQ)])

    return k



def _dot(a, b):
    return jnp.dot(a, b, preferred_element_type=jnp.float32)


def _relu(x):
    return jnp.maximum(x, 0.0)


def _tc_p_enc(emb_rows, w_enc, b_enc, wpp0, wpq0):

    def body(e_ref, w_ref, b_ref, wpp_ref, wpq_ref, xp_ref, yp_ref, ypq_ref):
        xp = _relu(_dot(e_ref[...], w_ref[...]) + b_ref[...])
        xp_ref[...] = xp
        yp_ref[...] = _dot(xp, wpp_ref[...])
        ypq_ref[...] = _dot(xp, wpq_ref[...])

    return pl.pallas_call(
        body,
        grid=(PGRID,),
        in_specs=[
            pl.BlockSpec((PBLK, H), lambda i: (i, 0)),
            pl.BlockSpec((H, H), lambda i: (0, 0)),
            pl.BlockSpec((1, H), lambda i: (0, 0)),
            pl.BlockSpec((H, H), lambda i: (0, 0)),
            pl.BlockSpec((H, H), lambda i: (0, 0)),
        ],
        out_specs=[pl.BlockSpec((PBLK, H), lambda i: (i, 0))] * 3,
        out_shape=[_f32((N, H))] * 3,
    )(emb_rows, w_enc, b_enc, wpp0, wpq0)


def _tc_q_enc(qf, w_enc, b_enc, dp_parts, dq_parts):

    def body(q_ref, w_ref, b_ref, dp_ref, dq_ref, xq_ref, ip_ref, iq_ref):
        xq_ref[...] = _relu(_dot(q_ref[...], w_ref[...]) + b_ref[...])
        ip_ref[...] = 1.0 / jnp.maximum(dp_ref[0][:, :DW] + dp_ref[1][:, :DW],
                                        1.0)
        iq_ref[...] = 1.0 / jnp.maximum(dq_ref[0][:, :DW] + dq_ref[1][:, :DW],
                                        1.0)

    return pl.pallas_call(
        body,
        out_shape=[_f32((B, H)), _f32((ACC_P, DW)), _f32((B, DW))],
    )(qf, w_enc, b_enc, dp_parts, dq_parts)


def _tc_p_upd(xp, pp_parts, invp, w_self, b, wpp_n, wpq_n):

    def body(x_ref, p_ref, i_ref, w_ref, b_ref, wpp_ref, wpq_ref,
             xo_ref, yp_ref, ypq_ref):
        x = x_ref[...]
        agg = (p_ref[0] + p_ref[1]) * i_ref[:, 0:1]
        x2 = x + _relu(_dot(x, w_ref[...]) + agg + b_ref[...])
        xo_ref[...] = x2
        yp_ref[...] = _dot(x2, wpp_ref[...])
        ypq_ref[...] = _dot(x2, wpq_ref[...])

    return pl.pallas_call(
        body,
        grid=(PGRID,),
        in_specs=[
            pl.BlockSpec((PBLK, H), lambda i: (i, 0)),
            pl.BlockSpec((NC, PBLK, H), lambda i: (0, i, 0)),
            pl.BlockSpec((PBLK, DW), lambda i: (i, 0)),
            pl.BlockSpec((H, H), lambda i: (0, 0)),
            pl.BlockSpec((1, H), lambda i: (0, 0)),
            pl.BlockSpec((H, H), lambda i: (0, 0)),
            pl.BlockSpec((H, H), lambda i: (0, 0)),
        ],
        out_specs=[pl.BlockSpec((PBLK, H), lambda i: (i, 0))] * 3,
        out_shape=[_f32((N, H))] * 3,
    )(xp, pp_parts, invp, w_self, b, wpp_n, wpq_n)


def _tc_q_upd(xq, pq_parts, invq, w_self, b):

    def body(x_ref, p_ref, i_ref, w_ref, b_ref, xo_ref):
        x = x_ref[...]
        agg = (p_ref[0] + p_ref[1]) * i_ref[:, 0:1]
        xo_ref[...] = x + _relu(_dot(x, w_ref[...]) + agg + b_ref[...])

    return pl.pallas_call(body, out_shape=_f32((B, H)))(
        xq, pq_parts, invq, w_self, b)


def _tc_final(xq, pq_parts, invq, w_self, b, wb1, bb1, wb2, bb2,
              ww1, bw1, ww2, bw2):

    def body(x_ref, p_ref, i_ref, w_ref, b_ref, wb1_ref, bb1_ref, wb2_ref,
             bb2_ref, ww1_ref, bw1_ref, ww2_ref, bw2_ref, o_ref):
        x = x_ref[...]
        agg = (p_ref[0] + p_ref[1]) * i_ref[:, 0:1]
        x2 = x + _relu(_dot(x, w_ref[...]) + agg + b_ref[...])
        hb = _relu(_dot(x2, wb1_ref[...]) + bb1_ref[...])
        hw = _relu(_dot(x2, ww1_ref[...]) + bw1_ref[...])
        ob = _dot(hb, wb2_ref[...]) + bb2_ref[...]
        ow = _dot(hw, ww2_ref[...]) + bw2_ref[...]
        o_ref[...] = jnp.concatenate([ob, ow], axis=1)

    return pl.pallas_call(body, out_shape=_f32((B, 2 * 8)))(
        xq, pq_parts, invq, w_self, b, wb1, bb1, wb2, bb2, ww1, bw1, ww2, bw2)



def kernel(player_ids, query_feat, edge_index_pp, src_pq, dst_pq, emb_table,
           W_p_enc, b_p_enc, W_q_enc, b_q_enc, W_pp, W_pq, W_self_p, W_self_q,
           b_p, b_q, Wb1, bb1, Wb2, bb2, Ww1, bw1, Ww2, bw2):
    i32 = jnp.int32
    ids_pad = jnp.concatenate(
        [player_ids.astype(i32), (jnp.arange(IDS_PAD - N, dtype=i32) * 37) % N])
    npad = EPP_PAD - EPP
    src_pp_pad = jnp.concatenate(
        [edge_index_pp[0].astype(i32),
         (jnp.arange(npad, dtype=i32) * 37) % N])
    dst_pp_pad = jnp.concatenate(
        [edge_index_pp[1].astype(i32),
         N + (jnp.arange(npad, dtype=i32) % 32)])
    dpp2d = dst_pp_pad.reshape(NW * CH_PP, CW)
    qpad = EPQ_PAD - EPQ
    spq = jnp.concatenate(
        [src_pq.astype(i32), (jnp.arange(qpad, dtype=i32) * 37) % N])
    dst_pq_pad = jnp.concatenate(
        [dst_pq.astype(i32), B + (jnp.arange(qpad, dtype=i32) % 32)])
    dpq2d = dst_pq_pad.reshape(NW * CH_PQ, CW)

    zeros_h = jnp.zeros((ZP, H), jnp.float32)
    ones_h = jnp.ones((CW, H), jnp.float32)

    emb_pad = jnp.pad(emb_table, ((0, 0), (0, H - PED)))
    wp_pad = jnp.pad(W_p_enc, ((0, H - PED), (0, 0)))
    emb_rows, dp_parts, dq_parts = _sc_emb_deg()(
        emb_pad, ids_pad, dpp2d, dpq2d, ones_h, zeros_h)

    xp, yp, ypq = _tc_p_enc(emb_rows, wp_pad,
                            b_p_enc.reshape(1, H), W_pp[0], W_pq[0])
    qf_pad = jnp.pad(query_feat, ((0, 0), (0, 1)))
    wq_pad = jnp.pad(W_q_enc, ((0, 1), (0, 0)))
    xq, invp, invq = _tc_q_enc(qf_pad, wq_pad, b_q_enc.reshape(1, H),
                               dp_parts, dq_parts)

    wb2p = jnp.pad(Wb2, ((0, 0), (0, 7)))
    ww2p = jnp.pad(Ww2, ((0, 0), (0, 7)))
    bb2p = jnp.pad(bb2.reshape(1, 1), ((0, 0), (0, 7)))
    bw2p = jnp.pad(bw2.reshape(1, 1), ((0, 0), (0, 7)))

    out = None
    for l in range(3):
        pp_parts, pq_parts = _sc_seg()(
            yp, ypq, src_pp_pad, dpp2d, spq, dpq2d, zeros_h)
        if l < 2:
            xp, yp, ypq = _tc_p_upd(xp, pp_parts, invp, W_self_p[l],
                                    b_p[l].reshape(1, H),
                                    W_pp[l + 1], W_pq[l + 1])
            xq = _tc_q_upd(xq, pq_parts, invq, W_self_q[l],
                           b_q[l].reshape(1, H))
        else:
            out = _tc_final(xq, pq_parts, invq, W_self_q[2],
                            b_q[2].reshape(1, H),
                            Wb1, bb1.reshape(1, H // 2), wb2p, bb2p,
                            Ww1, bw1.reshape(1, H // 2), ww2p, bw2p)

    return (out[:, 0:1], out[:, 8:9])

# --- scband reference (transcript-rebuilt; emitter-appended) ---
"""Pipeline reference for scband-cricket-hetero-gnn-75814762709600 (READ-ONLY COPY).

The authoritative reference and input builder live on the scoring server;
editing this copy changes nothing except your own understanding.
"""

import jax, jax.numpy as jnp
import numpy as np

N = 10000
B = 4096
E_PP = 320000
E_PQ = 90112
H = 128
L = 3
PED = 64
CD = 15


def setup_inputs(seed: int = 0) -> dict:
    key = jax.random.key(seed)
    ks = jax.random.split(key, 30)
    s = 0.05
    inp = {}
    inp['player_ids'] = jax.random.randint(ks[0], (N,), 0, N)
    inp['query_feat'] = jax.random.normal(ks[1], (B, CD), dtype=jnp.float32)
    inp['edge_index_pp'] = jax.random.randint(ks[2], (2, E_PP), 0, N)
    inp['src_pq'] = jax.random.randint(ks[3], (E_PQ,), 0, N)
    inp['dst_pq'] = jax.random.randint(ks[4], (E_PQ,), 0, B)
    inp['emb_table'] = jax.random.normal(ks[5], (N, PED), dtype=jnp.float32) * s
    inp['W_p_enc'] = jax.random.normal(ks[6], (PED, H), dtype=jnp.float32) * s
    inp['b_p_enc'] = jnp.zeros((H,), dtype=jnp.float32)
    inp['W_q_enc'] = jax.random.normal(ks[7], (CD, H), dtype=jnp.float32) * s
    inp['b_q_enc'] = jnp.zeros((H,), dtype=jnp.float32)
    inp['W_pp'] = jax.random.normal(ks[8], (L, H, H), dtype=jnp.float32) * s
    inp['W_pq'] = jax.random.normal(ks[9], (L, H, H), dtype=jnp.float32) * s
    inp['W_self_p'] = jax.random.normal(ks[10], (L, H, H), dtype=jnp.float32) * s
    inp['W_self_q'] = jax.random.normal(ks[11], (L, H, H), dtype=jnp.float32) * s
    inp['b_p'] = jnp.zeros((L, H), dtype=jnp.float32)
    inp['b_q'] = jnp.zeros((L, H), dtype=jnp.float32)
    inp['Wb1'] = jax.random.normal(ks[12], (H, H // 2), dtype=jnp.float32) * s
    inp['bb1'] = jnp.zeros((H // 2,), dtype=jnp.float32)
    inp['Wb2'] = jax.random.normal(ks[13], (H // 2, 1), dtype=jnp.float32) * s
    inp['bb2'] = jnp.zeros((1,), dtype=jnp.float32)
    inp['Ww1'] = jax.random.normal(ks[14], (H, H // 2), dtype=jnp.float32) * s
    inp['bw1'] = jnp.zeros((H // 2,), dtype=jnp.float32)
    inp['Ww2'] = jax.random.normal(ks[15], (H // 2, 1), dtype=jnp.float32) * s
    inp['bw2'] = jnp.zeros((1,), dtype=jnp.float32)
    return inp


def reference(player_ids, query_feat, edge_index_pp, src_pq, dst_pq, emb_table,
              W_p_enc, b_p_enc, W_q_enc, b_q_enc, W_pp, W_pq, W_self_p, W_self_q,
              b_p, b_q, Wb1, bb1, Wb2, bb2, Ww1, bw1, Ww2, bw2):
    # Node encoders: player nodes via embedding lookup + linear; query node via linear
    x_p = jax.nn.relu(jnp.take(emb_table, player_ids, axis=0) @ W_p_enc + b_p_enc)
    x_q = jax.nn.relu(query_feat @ W_q_enc + b_q_enc)
    src_pp = edge_index_pp[0]
    dst_pp = edge_index_pp[1]
    deg_p = jnp.maximum(jax.ops.segment_sum(jnp.ones((E_PP,), jnp.float32), dst_pp, num_segments=N), 1.0)[:, None]
    deg_q = jnp.maximum(jax.ops.segment_sum(jnp.ones((E_PQ,), jnp.float32), dst_pq, num_segments=B), 1.0)[:, None]
    # Stack of hetero conv blocks: per-edge-type linear transform, gather, segment-mean
    # aggregation into destination node type, self transform, residual + ReLU
    for l in range(L):
        m_p = jnp.take(x_p @ W_pp[l], src_pp, axis=0)
        agg_p = jax.ops.segment_sum(m_p, dst_pp, num_segments=N) / deg_p
        m_q = jnp.take(x_p @ W_pq[l], src_pq, axis=0)
        agg_q = jax.ops.segment_sum(m_q, dst_pq, num_segments=B) / deg_q
        x_p = x_p + jax.nn.relu(x_p @ W_self_p[l] + agg_p + b_p[l])
        x_q = x_q + jax.nn.relu(x_q @ W_self_q[l] + agg_q + b_q[l])
    # Readout: query node representations; two binary prediction heads
    readout = x_q
    boundary = jax.nn.relu(readout @ Wb1 + bb1) @ Wb2 + bb2
    wicket = jax.nn.relu(readout @ Ww1 + bw1) @ Ww2 + bw2
    return (boundary, wicket)

if __name__ == "__main__":
    import jax
    _d = setup_inputs()
    print(jax.jit(kernel)(*tuple(_d.values())))

</pallas_src>

<mosaic_0001>
#map = affine_map<(d0, d1) -> (0, 0)>
#map1 = affine_map<(d0, d1) -> (0)>
#map2 = affine_map<(d0, d1) -> (0, 0, 0)>
module attributes {stable_mosaic.version = 14 : i64} {
  func.func @k(%arg0: i32, %arg1: i32, %arg2: memref<10000x128xf32, #tpu.memory_space<hbm>>, %arg3: memref<10000x128xf32, #tpu.memory_space<hbm>>, %arg4: memref<327680xi32, #tpu.memory_space<hbm>>, %arg5: memref<2560x128xi32, #tpu.memory_space<hbm>>, %arg6: memref<98304xi32, #tpu.memory_space<hbm>>, %arg7: memref<768x128xi32, #tpu.memory_space<hbm>>, %arg8: memref<632x128xf32, #tpu.memory_space<hbm>>, %arg9: memref<2x10112x128xf32, #tpu.memory_space<hbm>>, %arg10: memref<2x4096x128xf32, #tpu.memory_space<hbm>>, %arg11: memref<10112x128xf32, #tpu.memory_space<vmem_shared>>, %arg12: memref<5120xi32, #tpu.memory_space<vmem>>, %arg13: memref<40x128xi32, #tpu.memory_space<vmem>>, %arg14: memref<128x128xf32, #tpu.memory_space<vmem>>, %arg15: memref<128x128xf32, #tpu.memory_space<vmem>>, %arg16: memref<!tpu.dma_semaphore, #tpu.memory_space<semaphore_mem>>, %arg17: memref<!tpu.dma_semaphore, #tpu.memory_space<semaphore_mem>>, %arg18: memref<!tpu.dma_semaphore, #tpu.memory_space<semaphore_mem>>, %arg19: memref<!tpu.dma_semaphore, #tpu.memory_space<semaphore_mem>>) attributes {dimension_semantics = [#tpu.dimension_semantics<core_parallel>, #tpu.dimension_semantics<subcore_parallel>], iteration_bounds = array<i64: 2, 16>, scalar_prefetch = 0 : i64, scratch_operands = 9 : i64, tpu.core_type = #tpu.core_type<sc_vector_subcore>, window_params = [{transform_indices = #map}, {transform_indices = #map}, {transform_indices = #map1}, {transform_indices = #map}, {transform_indices = #map1}, {transform_indices = #map}, {transform_indices = #map}, {transform_indices = #map2}, {transform_indices = #map2}]} {
    %mul3A = arith.constant 2 : i32
    %mul3A_0 = arith.muli %arg1, %mul3A : i32
    %add3A = arith.addi %mul3A_0, %arg0 : i32
    %mul3A_1 = arith.constant 632 : i32
    %mul3A_2 = arith.muli %arg1, %mul3A_1 : i32
    "tpu.region"() ({
      %run_scoped3A = tpu.sem_alloc : memref<!tpu.dma_semaphore, #tpu.memory_space<semaphore_mem>>
      %dma_start3A_76 = arith.constant 0 : i32
      %dma_start3A_77 = tpu.memref_slice %arg11[%mul3A_2, %dma_start3A_76] : memref<10112x128xf32, #tpu.memory_space<vmem_shared>> -> memref<632x128xf32, #tpu.memory_space<vmem_shared>>
      tpu.enqueue_dma source(%arg8 : memref<632x128xf32, #tpu.memory_space<hbm>>) target(%dma_start3A_77 : memref<632x128xf32, #tpu.memory_space<vmem_shared>>) target_semaphore(%run_scoped3A : memref<!tpu.dma_semaphore, #tpu.memory_space<semaphore_mem>>)
      %dma_wait3A = arith.constant 0 : i32
      %dma_wait3A_78 = tpu.memref_slice %arg11[%mul3A_2, %dma_wait3A] : memref<10112x128xf32, #tpu.memory_space<vmem_shared>> -> memref<632x128xf32, #tpu.memory_space<vmem_shared>>
      tpu.wait_dma2 semaphore(%run_scoped3A : memref<!tpu.dma_semaphore, #tpu.memory_space<semaphore_mem>>) src(%arg8 : memref<632x128xf32, #tpu.memory_space<hbm>>) dst(%dma_wait3A_78 : memref<632x128xf32, #tpu.memory_space<vmem_shared>>)
      tpu.yield
    }) : () -> ()
    %mul3A_3 = arith.constant 10240 : i32
    %mul3A_4 = arith.muli %add3A, %mul3A_3 : i32
    %mul3A_5 = arith.constant 80 : i32
    %mul3A_6 = arith.muli %add3A, %mul3A_5 : i32
    "tpu.region"() ({
      %run_scoped3A = tpu.sem_alloc : memref<!tpu.dma_semaphore, #tpu.memory_space<semaphore_mem>>
      %dma_start3A_76 = arith.constant 0 : i32
      %dma_start3A_77 = tpu.memref_slice %arg12[%dma_start3A_76] : memref<5120xi32, #tpu.memory_space<vmem>> -> memref<5120xi32, #tpu.memory_space<vmem>>
      %dma_start3A_78 = tpu.memref_slice %arg4[%mul3A_4] : memref<327680xi32, #tpu.memory_space<hbm>> -> memref<5120xi32, #tpu.memory_space<hbm>>
      %dma_start3A_79 = arith.constant 0 : i32
      %dma_start3A_80 = tpu.memref_slice %arg12[%dma_start3A_79] : memref<5120xi32, #tpu.memory_space<vmem>> -> memref<5120xi32, #tpu.memory_space<vmem>>
      %dma_start3A_81 = tpu.memref_slice %arg4[%mul3A_4] : memref<327680xi32, #tpu.memory_space<hbm>> -> memref<5120xi32, #tpu.memory_space<hbm>>
      tpu.enqueue_dma source(%dma_start3A_81 : memref<5120xi32, #tpu.memory_space<hbm>>) target(%dma_start3A_80 : memref<5120xi32, #tpu.memory_space<vmem>>) target_semaphore(%run_scoped3A : memref<!tpu.dma_semaphore, #tpu.memory_space<semaphore_mem>>)
      %dma_wait3A = arith.constant 0 : i32
      %dma_wait3A_82 = tpu.memref_slice %arg12[%dma_wait3A] : memref<5120xi32, #tpu.memory_space<vmem>> -> memref<5120xi32, #tpu.memory_space<vmem>>
      %dma_wait3A_83 = tpu.memref_slice %arg4[%mul3A_4] : memref<327680xi32, #tpu.memory_space<hbm>> -> memref<5120xi32, #tpu.memory_space<hbm>>
      %dma_wait3A_84 = arith.constant 0 : i32
      %dma_wait3A_85 = tpu.memref_slice %arg12[%dma_wait3A_84] : memref<5120xi32, #tpu.memory_space<vmem>> -> memref<5120xi32, #tpu.memory_space<vmem>>
      %dma_wait3A_86 = tpu.memref_slice %arg4[%mul3A_4] : memref<327680xi32, #tpu.memory_space<hbm>> -> memref<5120xi32, #tpu.memory_space<hbm>>
      tpu.wait_dma2 semaphore(%run_scoped3A : memref<!tpu.dma_semaphore, #tpu.memory_space<semaphore_mem>>) src(%dma_wait3A_86 : memref<5120xi32, #tpu.memory_space<hbm>>) dst(%dma_wait3A_85 : memref<5120xi32, #tpu.memory_space<vmem>>)
      tpu.yield
    }) : () -> ()
    "tpu.region"() ({
      %run_scoped3A = tpu.sem_alloc : memref<!tpu.dma_semaphore, #tpu.memory_space<semaphore_mem>>
      %dma_start3A_76 = arith.constant 0 : i32
      %dma_start3A_77 = arith.constant 0 : i32
      %dma_start3A_78 = tpu.memref_slice %arg13[%dma_start3A_76, %dma_start3A_77] : memref<40x128xi32, #tpu.memory_space<vmem>> -> memref<40x128xi32, #tpu.memory_space<vmem>>
      %dma_start3A_79 = arith.constant 0 : i32
      %dma_start3A_80 = tpu.memref_slice %arg5[%mul3A_6, %dma_start3A_79] : memref<2560x128xi32, #tpu.memory_space<hbm>> -> memref<40x128xi32, #tpu.memory_space<hbm>>
      %dma_start3A_81 = arith.constant 0 : i32
      %dma_start3A_82 = arith.constant 0 : i32
      %dma_start3A_83 = tpu.memref_slice %arg13[%dma_start3A_81, %dma_start3A_82] : memref<40x128xi32, #tpu.memory_space<vmem>> -> memref<40x128xi32, #tpu.memory_space<vmem>>
      %dma_start3A_84 = arith.constant 0 : i32
      %dma_start3A_85 = tpu.memref_slice %arg5[%mul3A_6, %dma_start3A_84] : memref<2560x128xi32, #tpu.memory_space<hbm>> -> memref<40x128xi32, #tpu.memory_space<hbm>>
      tpu.enqueue_dma source(%dma_start3A_85 : memref<40x128xi32, #tpu.memory_space<hbm>>) target(%dma_start3A_83 : memref<40x128xi32, #tpu.memory_space<vmem>>) target_semaphore(%run_scoped3A : memref<!tpu.dma_semaphore, #tpu.memory_space<semaphore_mem>>)
      %dma_wait3A = arith.constant 0 : i32
      %dma_wait3A_86 = arith.constant 0 : i32
      %dma_wait3A_87 = tpu.memref_slice %arg13[%dma_wait3A, %dma_wait3A_86] : memref<40x128xi32, #tpu.memory_space<vmem>> -> memref<40x128xi32, #tpu.memory_space<vmem>>
      %dma_wait3A_88 = arith.constant 0 : i32
      %dma_wait3A_89 = tpu.memref_slice %arg5[%mul3A_6, %dma_wait3A_88] : memref<2560x128xi32, #tpu.memory_space<hbm>> -> memref<40x128xi32, #tpu.memory_space<hbm>>
      %dma_wait3A_90 = arith.constant 0 : i32
      %dma_wait3A_91 = arith.constant 0 : i32
      %dma_wait3A_92 = tpu.memref_slice %arg13[%dma_wait3A_90, %dma_wait3A_91] : memref<40x128xi32, #tpu.memory_space<vmem>> -> memref<40x128xi32, #tpu.memory_space<vmem>>
      %dma_wait3A_93 = arith.constant 0 : i32
      %dma_wait3A_94 = tpu.memref_slice %arg5[%mul3A_6, %dma_wait3A_93] : memref<2560x128xi32, #tpu.memory_space<hbm>> -> memref<40x128xi32, #tpu.memory_space<hbm>>
      tpu.wait_dma2 semaphore(%run_scoped3A : memref<!tpu.dma_semaphore, #tpu.memory_space<semaphore_mem>>) src(%dma_wait3A_94 : memref<40x128xi32, #tpu.memory_space<hbm>>) dst(%dma_wait3A_92 : memref<40x128xi32, #tpu.memory_space<vmem>>)
      tpu.yield
    }) : () -> ()
    %barrier3A = arith.constant 0 : index
    tpu.barrier barrier_id(%barrier3A)
    %dma_start3A = arith.constant 0 : i32
    %dma_start3A_7 = tpu.memref_slice %arg12[%dma_start3A] : memref<5120xi32, #tpu.memory_space<vmem>> -> memref<128xi32, #tpu.memory_space<vmem>>
    %dma_start3A_8 = arith.constant 0 : i32
    %dma_start3A_9 = arith.constant 0 : i32
    %dma_start3A_10 = tpu.memref_slice %arg2[%dma_start3A_8, %dma_start3A_9] : memref<10000x128xf32, #tpu.memory_space<hbm>> -> memref<10000x128xf32, #tpu.memory_space<hbm>>
    tpu.enqueue_indirect_dma source(%dma_start3A_10 : memref<10000x128xf32, #tpu.memory_space<hbm>>) target(%arg14 : memref<128x128xf32, #tpu.memory_space<vmem>>) offsets(%dma_start3A_7 : memref<128xi32, #tpu.memory_space<vmem>>) semaphore(%arg16 : memref<!tpu.dma_semaphore, #tpu.memory_space<semaphore_mem>>)
    %dma_start3A_11 = arith.constant 128 : i32
    %dma_start3A_12 = tpu.memref_slice %arg12[%dma_start3A_11] : memref<5120xi32, #tpu.memory_space<vmem>> -> memref<128xi32, #tpu.memory_space<vmem>>
    %dma_start3A_13 = arith.constant 0 : i32
    %dma_start3A_14 = arith.constant 0 : i32
    %dma_start3A_15 = tpu.memref_slice %arg2[%dma_start3A_13, %dma_start3A_14] : memref<10000x128xf32, #tpu.memory_space<hbm>> -> memref<10000x128xf32, #tpu.memory_space<hbm>>
    tpu.enqueue_indirect_dma source(%dma_start3A_15 : memref<10000x128xf32, #tpu.memory_space<hbm>>) target(%arg15 : memref<128x128xf32, #tpu.memory_space<vmem>>) offsets(%dma_start3A_12 : memref<128xi32, #tpu.memory_space<vmem>>) semaphore(%arg17 : memref<!tpu.dma_semaphore, #tpu.memory_space<semaphore_mem>>)
    %scan3A = arith.constant 0 : i32
    %scan3A_16 = arith.constant 20 : i32
    %scan3A_17 = arith.addi %scan3A, %scan3A_16 : i32
    %scan3A_18 = arith.constant 1 : i32
    scf.for %scan3A_76 = %scan3A to %scan3A_17 step %scan3A_18  : i32 {
      %mul3A_77 = arith.constant 2 : i32
      %mul3A_78 = arith.muli %scan3A_76, %mul3A_77 : i32
      %add3A_79 = arith.constant 0 : i32
      %add3A_80 = arith.addi %mul3A_78, %add3A_79 : i32
      %mul3A_81 = arith.constant 128 : i32
      %mul3A_82 = arith.muli %add3A_80, %mul3A_81 : i32
      %dma_wait3A = tpu.memref_slice %arg12[%mul3A_82] : memref<5120xi32, #tpu.memory_space<vmem>> -> memref<128xi32, #tpu.memory_space<vmem>>
      %dma_wait3A_83 = arith.constant 0 : i32
      %dma_wait3A_84 = arith.constant 0 : i32
      %dma_wait3A_85 = tpu.memref_slice %arg2[%dma_wait3A_83, %dma_wait3A_84] : memref<10000x128xf32, #tpu.memory_space<hbm>> -> memref<10000x128xf32, #tpu.memory_space<hbm>>
      tpu.wait_indirect_dma semaphore(%arg16 : memref<!tpu.dma_semaphore, #tpu.memory_space<semaphore_mem>>) src(%dma_wait3A_85 : memref<10000x128xf32, #tpu.memory_space<hbm>>) dst(%arg14 : memref<128x128xf32, #tpu.memory_space<vmem>>)
      "tpu.region"() ({
        %run_scoped3A = tpu.sem_alloc : memref<!tpu.dma_semaphore, #tpu.memory_space<semaphore_mem>>
        %dma_start3A_107 = arith.constant 0 : i32
        %dma_start3A_108 = tpu.memref_slice %arg13[%add3A_80, %dma_start3A_107] : memref<40x128xi32, #tpu.memory_space<vmem>> -> memref<1x128xi32, #tpu.memory_space<vmem>>
        %dma_start3A_109 = tpu.memref_squeeze %dma_start3A_108 : memref<1x128xi32, #tpu.memory_space<vmem>> -> memref<128xi32, #tpu.memory_space<vmem>>
        %dma_start3A_110 = arith.constant 0 : i32
        %dma_start3A_111 = arith.constant 0 : i32
        %dma_start3A_112 = tpu.memref_slice %arg11[%dma_start3A_110, %dma_start3A_111] : memref<10112x128xf32, #tpu.memory_space<vmem_shared>> -> memref<10112x128xf32, #tpu.memory_space<vmem_shared>>
        tpu.enqueue_indirect_dma source(%arg14 : memref<128x128xf32, #tpu.memory_space<vmem>>) target(%dma_start3A_112 : memref<10112x128xf32, #tpu.memory_space<vmem_shared>>) offsets(%dma_start3A_109 : memref<128xi32, #tpu.memory_space<vmem>>) semaphore(%run_scoped3A : memref<!tpu.dma_semaphore, #tpu.memory_space<semaphore_mem>>) {add = true}
        %dma_wait3A_113 = arith.constant 0 : i32
        %dma_wait3A_114 = tpu.memref_slice %arg13[%add3A_80, %dma_wait3A_113] : memref<40x128xi32, #tpu.memory_space<vmem>> -> memref<1x128xi32, #tpu.memory_space<vmem>>
        %dma_wait3A_115 = tpu.memref_squeeze %dma_wait3A_114 : memref<1x128xi32, #tpu.memory_space<vmem>> -> memref<128xi32, #tpu.memory_space<vmem>>
        %dma_wait3A_116 = arith.constant 0 : i32
        %dma_wait3A_117 = arith.constant 0 : i32
        %dma_wait3A_118 = tpu.memref_slice %arg11[%dma_wait3A_116, %dma_wait3A_117] : memref<10112x128xf32, #tpu.memory_space<vmem_shared>> -> memref<10112x128xf32, #tpu.memory_space<vmem_shared>>
        tpu.wait_indirect_dma semaphore(%run_scoped3A : memref<!tpu.dma_semaphore, #tpu.memory_space<semaphore_mem>>) src(%arg14 : memref<128x128xf32, #tpu.memory_space<vmem>>) dst(%dma_wait3A_118 : memref<10112x128xf32, #tpu.memory_space<vmem_shared>>)
        tpu.yield
      }) : () -> ()
      %add3A_86 = arith.constant 2 : i32
      %add3A_87 = arith.addi %add3A_80, %add3A_86 : i32
      %lt3A = arith.constant 40 : i32
      %lt3A_88 = arith.cmpi slt, %add3A_87, %lt3A : i32
      %convert_element_type3A = arith.extui %lt3A_88 : i1 to i32
      %cond3A = arith.constant 0 : i32
      %cond3A_89 = arith.cmpi ne, %convert_element_type3A, %cond3A : i32
      scf.if %cond3A_89 {
        %add3A_107 = arith.constant 2 : i32
        %add3A_108 = arith.addi %add3A_80, %add3A_107 : i32
        %mul3A_109 = arith.constant 128 : i32
        %mul3A_110 = arith.muli %add3A_108, %mul3A_109 : i32
        %dma_start3A_111 = tpu.memref_slice %arg12[%mul3A_110] : memref<5120xi32, #tpu.memory_space<vmem>> -> memref<128xi32, #tpu.memory_space<vmem>>
        %dma_start3A_112 = arith.constant 0 : i32
        %dma_start3A_113 = arith.constant 0 : i32
        %dma_start3A_114 = tpu.memref_slice %arg2[%dma_start3A_112, %dma_start3A_113] : memref<10000x128xf32, #tpu.memory_space<hbm>> -> memref<10000x128xf32, #tpu.memory_space<hbm>>
        tpu.enqueue_indirect_dma source(%dma_start3A_114 : memref<10000x128xf32, #tpu.memory_space<hbm>>) target(%arg14 : memref<128x128xf32, #tpu.memory_space<vmem>>) offsets(%dma_start3A_111 : memref<128xi32, #tpu.memory_space<vmem>>) semaphore(%arg16 : memref<!tpu.dma_semaphore, #tpu.memory_space<semaphore_mem>>)
      } else {
      }
      %mul3A_90 = arith.constant 2 : i32
      %mul3A_91 = arith.muli %scan3A_76, %mul3A_90 : i32
      %add3A_92 = arith.constant 1 : i32
      %add3A_93 = arith.addi %mul3A_91, %add3A_92 : i32
      %mul3A_94 = arith.constant 128 : i32
      %mul3A_95 = arith.muli %add3A_93, %mul3A_94 : i32
      %dma_wait3A_96 = tpu.memref_slice %arg12[%mul3A_95] : memref<5120xi32, #tpu.memory_space<vmem>> -> memref<128xi32, #tpu.memory_space<vmem>>
      %dma_wait3A_97 = arith.constant 0 : i32
      %dma_wait3A_98 = arith.constant 0 : i32
      %dma_wait3A_99 = tpu.memref_slice %arg2[%dma_wait3A_97, %dma_wait3A_98] : memref<10000x128xf32, #tpu.memory_space<hbm>> -> memref<10000x128xf32, #tpu.memory_space<hbm>>
      tpu.wait_indirect_dma semaphore(%arg17 : memref<!tpu.dma_semaphore, #tpu.memory_space<semaphore_mem>>) src(%dma_wait3A_99 : memref<10000x128xf32, #tpu.memory_space<hbm>>) dst(%arg15 : memref<128x128xf32, #tpu.memory_space<vmem>>)
      "tpu.region"() ({
        %run_scoped3A = tpu.sem_alloc : memref<!tpu.dma_semaphore, #tpu.memory_space<semaphore_mem>>
        %dma_start3A_107 = arith.constant 0 : i32
        %dma_start3A_108 = tpu.memref_slice %arg13[%add3A_93, %dma_start3A_107] : memref<40x128xi32, #tpu.memory_space<vmem>> -> memref<1x128xi32, #tpu.memory_space<vmem>>
        %dma_start3A_109 = tpu.memref_squeeze %dma_start3A_108 : memref<1x128xi32, #tpu.memory_space<vmem>> -> memref<128xi32, #tpu.memory_space<vmem>>
        %dma_start3A_110 = arith.constant 0 : i32
        %dma_start3A_111 = arith.constant 0 : i32
        %dma_start3A_112 = tpu.memref_slice %arg11[%dma_start3A_110, %dma_start3A_111] : memref<10112x128xf32, #tpu.memory_space<vmem_shared>> -> memref<10112x128xf32, #tpu.memory_space<vmem_shared>>
        tpu.enqueue_indirect_dma source(%arg15 : memref<128x128xf32, #tpu.memory_space<vmem>>) target(%dma_start3A_112 : memref<10112x128xf32, #tpu.memory_space<vmem_shared>>) offsets(%dma_start3A_109 : memref<128xi32, #tpu.memory_space<vmem>>) semaphore(%run_scoped3A : memref<!tpu.dma_semaphore, #tpu.memory_space<semaphore_mem>>) {add = true}
        %dma_wait3A_113 = arith.constant 0 : i32
        %dma_wait3A_114 = tpu.memref_slice %arg13[%add3A_93, %dma_wait3A_113] : memref<40x128xi32, #tpu.memory_space<vmem>> -> memref<1x128xi32, #tpu.memory_space<vmem>>
        %dma_wait3A_115 = tpu.memref_squeeze %dma_wait3A_114 : memref<1x128xi32, #tpu.memory_space<vmem>> -> memref<128xi32, #tpu.memory_space<vmem>>
        %dma_wait3A_116 = arith.constant 0 : i32
        %dma_wait3A_117 = arith.constant 0 : i32
        %dma_wait3A_118 = tpu.memref_slice %arg11[%dma_wait3A_116, %dma_wait3A_117] : memref<10112x128xf32, #tpu.memory_space<vmem_shared>> -> memref<10112x128xf32, #tpu.memory_space<vmem_shared>>
        tpu.wait_indirect_dma semaphore(%run_scoped3A : memref<!tpu.dma_semaphore, #tpu.memory_space<semaphore_mem>>) src(%arg15 : memref<128x128xf32, #tpu.memory_space<vmem>>) dst(%dma_wait3A_118 : memref<10112x128xf32, #tpu.memory_space<vmem_shared>>)
        tpu.yield
      }) : () -> ()
      %add3A_100 = arith.constant 2 : i32
      %add3A_101 = arith.addi %add3A_93, %add3A_100 : i32
      %lt3A_102 = arith.constant 40 : i32
      %lt3A_103 = arith.cmpi slt, %add3A_101, %lt3A_102 : i32
      %convert_element_type3A_104 = arith.extui %lt3A_103 : i1 to i32
      %cond3A_105 = arith.constant 0 : i32
      %cond3A_106 = arith.cmpi ne, %convert_element_type3A_104, %cond3A_105 : i32
      scf.if %cond3A_106 {
        %add3A_107 = arith.constant 2 : i32
        %add3A_108 = arith.addi %add3A_93, %add3A_107 : i32
        %mul3A_109 = arith.constant 128 : i32
        %mul3A_110 = arith.muli %add3A_108, %mul3A_109 : i32
        %dma_start3A_111 = tpu.memref_slice %arg12[%mul3A_110] : memref<5120xi32, #tpu.memory_space<vmem>> -> memref<128xi32, #tpu.memory_space<vmem>>
        %dma_start3A_112 = arith.constant 0 : i32
        %dma_start3A_113 = arith.constant 0 : i32
        %dma_start3A_114 = tpu.memref_slice %arg2[%dma_start3A_112, %dma_start3A_113] : memref<10000x128xf32, #tpu.memory_space<hbm>> -> memref<10000x128xf32, #tpu.memory_space<hbm>>
        tpu.enqueue_indirect_dma source(%dma_start3A_114 : memref<10000x128xf32, #tpu.memory_space<hbm>>) target(%arg15 : memref<128x128xf32, #tpu.memory_space<vmem>>) offsets(%dma_start3A_111 : memref<128xi32, #tpu.memory_space<vmem>>) semaphore(%arg17 : memref<!tpu.dma_semaphore, #tpu.memory_space<semaphore_mem>>)
      } else {
      }
    }
    %scan3A_19 = arith.constant 20 : i32
    %mul3A_20 = arith.constant 10240 : i32
    %mul3A_21 = arith.muli %add3A, %mul3A_20 : i32
    %add3A_22 = arith.constant 5120 : i32
    %add3A_23 = arith.addi %mul3A_21, %add3A_22 : i32
    %mul3A_24 = arith.constant 80 : i32
    %mul3A_25 = arith.muli %add3A, %mul3A_24 : i32
    %add3A_26 = arith.constant 40 : i32
    %add3A_27 = arith.addi %mul3A_25, %add3A_26 : i32
    "tpu.region"() ({
      %run_scoped3A = tpu.sem_alloc : memref<!tpu.dma_semaphore, #tpu.memory_space<semaphore_mem>>
      %dma_start3A_76 = arith.constant 0 : i32
      %dma_start3A_77 = tpu.memref_slice %arg12[%dma_start3A_76] : memref<5120xi32, #tpu.memory_space<vmem>> -> memref<5120xi32, #tpu.memory_space<vmem>>
      %dma_start3A_78 = tpu.memref_slice %arg4[%add3A_23] : memref<327680xi32, #tpu.memory_space<hbm>> -> memref<5120xi32, #tpu.memory_space<hbm>>
      %dma_start3A_79 = arith.constant 0 : i32
      %dma_start3A_80 = tpu.memref_slice %arg12[%dma_start3A_79] : memref<5120xi32, #tpu.memory_space<vmem>> -> memref<5120xi32, #tpu.memory_space<vmem>>
      %dma_start3A_81 = tpu.memref_slice %arg4[%add3A_23] : memref<327680xi32, #tpu.memory_space<hbm>> -> memref<5120xi32, #tpu.memory_space<hbm>>
      tpu.enqueue_dma source(%dma_start3A_81 : memref<5120xi32, #tpu.memory_space<hbm>>) target(%dma_start3A_80 : memref<5120xi32, #tpu.memory_space<vmem>>) target_semaphore(%run_scoped3A : memref<!tpu.dma_semaphore, #tpu.memory_space<semaphore_mem>>)
      %dma_wait3A = arith.constant 0 : i32
      %dma_wait3A_82 = tpu.memref_slice %arg12[%dma_wait3A] : memref<5120xi32, #tpu.memory_space<vmem>> -> memref<5120xi32, #tpu.memory_space<vmem>>
      %dma_wait3A_83 = tpu.memref_slice %arg4[%add3A_23] : memref<327680xi32, #tpu.memory_space<hbm>> -> memref<5120xi32, #tpu.memory_space<hbm>>
      %dma_wait3A_84 = arith.constant 0 : i32
      %dma_wait3A_85 = tpu.memref_slice %arg12[%dma_wait3A_84] : memref<5120xi32, #tpu.memory_space<vmem>> -> memref<5120xi32, #tpu.memory_space<vmem>>
      %dma_wait3A_86 = tpu.memref_slice %arg4[%add3A_23] : memref<327680xi32, #tpu.memory_space<hbm>> -> memref<5120xi32, #tpu.memory_space<hbm>>
      tpu.wait_dma2 semaphore(%run_scoped3A : memref<!tpu.dma_semaphore, #tpu.memory_space<semaphore_mem>>) src(%dma_wait3A_86 : memref<5120xi32, #tpu.memory_space<hbm>>) dst(%dma_wait3A_85 : memref<5120xi32, #tpu.memory_space<vmem>>)
      tpu.yield
    }) : () -> ()
    "tpu.region"() ({
      %run_scoped3A = tpu.sem_alloc : memref<!tpu.dma_semaphore, #tpu.memory_space<semaphore_mem>>
      %dma_start3A_76 = arith.constant 0 : i32
      %dma_start3A_77 = arith.constant 0 : i32
      %dma_start3A_78 = tpu.memref_slice %arg13[%dma_start3A_76, %dma_start3A_77] : memref<40x128xi32, #tpu.memory_space<vmem>> -> memref<40x128xi32, #tpu.memory_space<vmem>>
      %dma_start3A_79 = arith.constant 0 : i32
      %dma_start3A_80 = tpu.memref_slice %arg5[%add3A_27, %dma_start3A_79] : memref<2560x128xi32, #tpu.memory_space<hbm>> -> memref<40x128xi32, #tpu.memory_space<hbm>>
      %dma_start3A_81 = arith.constant 0 : i32
      %dma_start3A_82 = arith.constant 0 : i32
      %dma_start3A_83 = tpu.memref_slice %arg13[%dma_start3A_81, %dma_start3A_82] : memref<40x128xi32, #tpu.memory_space<vmem>> -> memref<40x128xi32, #tpu.memory_space<vmem>>
      %dma_start3A_84 = arith.constant 0 : i32
      %dma_start3A_85 = tpu.memref_slice %arg5[%add3A_27, %dma_start3A_84] : memref<2560x128xi32, #tpu.memory_space<hbm>> -> memref<40x128xi32, #tpu.memory_space<hbm>>
      tpu.enqueue_dma source(%dma_start3A_85 : memref<40x128xi32, #tpu.memory_space<hbm>>) target(%dma_start3A_83 : memref<40x128xi32, #tpu.memory_space<vmem>>) target_semaphore(%run_scoped3A : memref<!tpu.dma_semaphore, #tpu.memory_space<semaphore_mem>>)
      %dma_wait3A = arith.constant 0 : i32
      %dma_wait3A_86 = arith.constant 0 : i32
      %dma_wait3A_87 = tpu.memref_slice %arg13[%dma_wait3A, %dma_wait3A_86] : memref<40x128xi32, #tpu.memory_space<vmem>> -> memref<40x128xi32, #tpu.memory_space<vmem>>
      %dma_wait3A_88 = arith.constant 0 : i32
      %dma_wait3A_89 = tpu.memref_slice %arg5[%add3A_27, %dma_wait3A_88] : memref<2560x128xi32, #tpu.memory_space<hbm>> -> memref<40x128xi32, #tpu.memory_space<hbm>>
      %dma_wait3A_90 = arith.constant 0 : i32
      %dma_wait3A_91 = arith.constant 0 : i32
      %dma_wait3A_92 = tpu.memref_slice %arg13[%dma_wait3A_90, %dma_wait3A_91] : memref<40x128xi32, #tpu.memory_space<vmem>> -> memref<40x128xi32, #tpu.memory_space<vmem>>
      %dma_wait3A_93 = arith.constant 0 : i32
      %dma_wait3A_94 = tpu.memref_slice %arg5[%add3A_27, %dma_wait3A_93] : memref<2560x128xi32, #tpu.memory_space<hbm>> -> memref<40x128xi32, #tpu.memory_space<hbm>>
      tpu.wait_dma2 semaphore(%run_scoped3A : memref<!tpu.dma_semaphore, #tpu.memory_space<semaphore_mem>>) src(%dma_wait3A_94 : memref<40x128xi32, #tpu.memory_space<hbm>>) dst(%dma_wait3A_92 : memref<40x128xi32, #tpu.memory_space<vmem>>)
      tpu.yield
    }) : () -> ()
    %dma_start3A_28 = arith.constant 0 : i32
    %dma_start3A_29 = tpu.memref_slice %arg12[%dma_start3A_28] : memref<5120xi32, #tpu.memory_space<vmem>> -> memref<128xi32, #tpu.memory_space<vmem>>
    %dma_start3A_30 = arith.constant 0 : i32
    %dma_start3A_31 = arith.constant 0 : i32
    %dma_start3A_32 = tpu.memref_slice %arg2[%dma_start3A_30, %dma_start3A_31] : memref<10000x128xf32, #tpu.memory_space<hbm>> -> memref<10000x128xf32, #tpu.memory_space<hbm>>
    tpu.enqueue_indirect_dma source(%dma_start3A_32 : memref<10000x128xf32, #tpu.memory_space<hbm>>) target(%arg14 : memref<128x128xf32, #tpu.memory_space<vmem>>) offsets(%dma_start3A_29 : memref<128xi32, #tpu.memory_space<vmem>>) semaphore(%arg16 : memref<!tpu.dma_semaphore, #tpu.memory_space<semaphore_mem>>)
    %dma_start3A_33 = arith.constant 128 : i32
    %dma_start3A_34 = tpu.memref_slice %arg12[%dma_start3A_33] : memref<5120xi32, #tpu.memory_space<vmem>> -> memref<128xi32, #tpu.memory_space<vmem>>
    %dma_start3A_35 = arith.constant 0 : i32
    %dma_start3A_36 = arith.constant 0 : i32
    %dma_start3A_37 = tpu.memref_slice %arg2[%dma_start3A_35, %dma_start3A_36] : memref<10000x128xf32, #tpu.memory_space<hbm>> -> memref<10000x128xf32, #tpu.memory_space<hbm>>
    tpu.enqueue_indirect_dma source(%dma_start3A_37 : memref<10000x128xf32, #tpu.memory_space<hbm>>) target(%arg15 : memref<128x128xf32, #tpu.memory_space<vmem>>) offsets(%dma_start3A_34 : memref<128xi32, #tpu.memory_space<vmem>>) semaphore(%arg17 : memref<!tpu.dma_semaphore, #tpu.memory_space<semaphore_mem>>)
    %scan3A_38 = arith.constant 0 : i32
    %scan3A_39 = arith.constant 20 : i32
    %scan3A_40 = arith.addi %scan3A_38, %scan3A_39 : i32
    %scan3A_41 = arith.constant 1 : i32
    scf.for %scan3A_76 = %scan3A_38 to %scan3A_40 step %scan3A_41  : i32 {
      %mul3A_77 = arith.constant 2 : i32
      %mul3A_78 = arith.muli %scan3A_76, %mul3A_77 : i32
      %add3A_79 = arith.constant 0 : i32
      %add3A_80 = arith.addi %mul3A_78, %add3A_79 : i32
      %mul3A_81 = arith.constant 128 : i32
      %mul3A_82 = arith.muli %add3A_80, %mul3A_81 : i32
      %dma_wait3A = tpu.memref_slice %arg12[%mul3A_82] : memref<5120xi32, #tpu.memory_space<vmem>> -> memref<128xi32, #tpu.memory_space<vmem>>
      %dma_wait3A_83 = arith.constant 0 : i32
      %dma_wait3A_84 = arith.constant 0 : i32
      %dma_wait3A_85 = tpu.memref_slice %arg2[%dma_wait3A_83, %dma_wait3A_84] : memref<10000x128xf32, #tpu.memory_space<hbm>> -> memref<10000x128xf32, #tpu.memory_space<hbm>>
      tpu.wait_indirect_dma semaphore(%arg16 : memref<!tpu.dma_semaphore, #tpu.memory_space<semaphore_mem>>) src(%dma_wait3A_85 : memref<10000x128xf32, #tpu.memory_space<hbm>>) dst(%arg14 : memref<128x128xf32, #tpu.memory_space<vmem>>)
      "tpu.region"() ({
        %run_scoped3A = tpu.sem_alloc : memref<!tpu.dma_semaphore, #tpu.memory_space<semaphore_mem>>
        %dma_start3A_107 = arith.constant 0 : i32
        %dma_start3A_108 = tpu.memref_slice %arg13[%add3A_80, %dma_start3A_107] : memref<40x128xi32, #tpu.memory_space<vmem>> -> memref<1x128xi32, #tpu.memory_space<vmem>>
        %dma_start3A_109 = tpu.memref_squeeze %dma_start3A_108 : memref<1x128xi32, #tpu.memory_space<vmem>> -> memref<128xi32, #tpu.memory_space<vmem>>
        %dma_start3A_110 = arith.constant 0 : i32
        %dma_start3A_111 = arith.constant 0 : i32
        %dma_start3A_112 = tpu.memref_slice %arg11[%dma_start3A_110, %dma_start3A_111] : memref<10112x128xf32, #tpu.memory_space<vmem_shared>> -> memref<10112x128xf32, #tpu.memory_space<vmem_shared>>
        tpu.enqueue_indirect_dma source(%arg14 : memref<128x128xf32, #tpu.memory_space<vmem>>) target(%dma_start3A_112 : memref<10112x128xf32, #tpu.memory_space<vmem_shared>>) offsets(%dma_start3A_109 : memref<128xi32, #tpu.memory_space<vmem>>) semaphore(%run_scoped3A : memref<!tpu.dma_semaphore, #tpu.memory_space<semaphore_mem>>) {add = true}
        %dma_wait3A_113 = arith.constant 0 : i32
        %dma_wait3A_114 = tpu.memref_slice %arg13[%add3A_80, %dma_wait3A_113] : memref<40x128xi32, #tpu.memory_space<vmem>> -> memref<1x128xi32, #tpu.memory_space<vmem>>
        %dma_wait3A_115 = tpu.memref_squeeze %dma_wait3A_114 : memref<1x128xi32, #tpu.memory_space<vmem>> -> memref<128xi32, #tpu.memory_space<vmem>>
        %dma_wait3A_116 = arith.constant 0 : i32
        %dma_wait3A_117 = arith.constant 0 : i32
        %dma_wait3A_118 = tpu.memref_slice %arg11[%dma_wait3A_116, %dma_wait3A_117] : memref<10112x128xf32, #tpu.memory_space<vmem_shared>> -> memref<10112x128xf32, #tpu.memory_space<vmem_shared>>
        tpu.wait_indirect_dma semaphore(%run_scoped3A : memref<!tpu.dma_semaphore, #tpu.memory_space<semaphore_mem>>) src(%arg14 : memref<128x128xf32, #tpu.memory_space<vmem>>) dst(%dma_wait3A_118 : memref<10112x128xf32, #tpu.memory_space<vmem_shared>>)
        tpu.yield
      }) : () -> ()
      %add3A_86 = arith.constant 2 : i32
      %add3A_87 = arith.addi %add3A_80, %add3A_86 : i32
      %lt3A = arith.constant 40 : i32
      %lt3A_88 = arith.cmpi slt, %add3A_87, %lt3A : i32
      %convert_element_type3A = arith.extui %lt3A_88 : i1 to i32
      %cond3A = arith.constant 0 : i32
      %cond3A_89 = arith.cmpi ne, %convert_element_type3A, %cond3A : i32
      scf.if %cond3A_89 {
        %add3A_107 = arith.constant 2 : i32
        %add3A_108 = arith.addi %add3A_80, %add3A_107 : i32
        %mul3A_109 = arith.constant 128 : i32
        %mul3A_110 = arith.muli %add3A_108, %mul3A_109 : i32
        %dma_start3A_111 = tpu.memref_slice %arg12[%mul3A_110] : memref<5120xi32, #tpu.memory_space<vmem>> -> memref<128xi32, #tpu.memory_space<vmem>>
        %dma_start3A_112 = arith.constant 0 : i32
        %dma_start3A_113 = arith.constant 0 : i32
        %dma_start3A_114 = tpu.memref_slice %arg2[%dma_start3A_112, %dma_start3A_113] : memref<10000x128xf32, #tpu.memory_space<hbm>> -> memref<10000x128xf32, #tpu.memory_space<hbm>>
        tpu.enqueue_indirect_dma source(%dma_start3A_114 : memref<10000x128xf32, #tpu.memory_space<hbm>>) target(%arg14 : memref<128x128xf32, #tpu.memory_space<vmem>>) offsets(%dma_start3A_111 : memref<128xi32, #tpu.memory_space<vmem>>) semaphore(%arg16 : memref<!tpu.dma_semaphore, #tpu.memory_space<semaphore_mem>>)
      } else {
      }
      %mul3A_90 = arith.constant 2 : i32
      %mul3A_91 = arith.muli %scan3A_76, %mul3A_90 : i32
      %add3A_92 = arith.constant 1 : i32
      %add3A_93 = arith.addi %mul3A_91, %add3A_92 : i32
      %mul3A_94 = arith.constant 128 : i32
      %mul3A_95 = arith.muli %add3A_93, %mul3A_94 : i32
      %dma_wait3A_96 = tpu.memref_slice %arg12[%mul3A_95] : memref<5120xi32, #tpu.memory_space<vmem>> -> memref<128xi32, #tpu.memory_space<vmem>>
      %dma_wait3A_97 = arith.constant 0 : i32
      %dma_wait3A_98 = arith.constant 0 : i32
      %dma_wait3A_99 = tpu.memref_slice %arg2[%dma_wait3A_97, %dma_wait3A_98] : memref<10000x128xf32, #tpu.memory_space<hbm>> -> memref<10000x128xf32, #tpu.memory_space<hbm>>
      tpu.wait_indirect_dma semaphore(%arg17 : memref<!tpu.dma_semaphore, #tpu.memory_space<semaphore_mem>>) src(%dma_wait3A_99 : memref<10000x128xf32, #tpu.memory_space<hbm>>) dst(%arg15 : memref<128x128xf32, #tpu.memory_space<vmem>>)
      "tpu.region"() ({
        %run_scoped3A = tpu.sem_alloc : memref<!tpu.dma_semaphore, #tpu.memory_space<semaphore_mem>>
        %dma_start3A_107 = arith.constant 0 : i32
        %dma_start3A_108 = tpu.memref_slice %arg13[%add3A_93, %dma_start3A_107] : memref<40x128xi32, #tpu.memory_space<vmem>> -> memref<1x128xi32, #tpu.memory_space<vmem>>
        %dma_start3A_109 = tpu.memref_squeeze %dma_start3A_108 : memref<1x128xi32, #tpu.memory_space<vmem>> -> memref<128xi32, #tpu.memory_space<vmem>>
        %dma_start3A_110 = arith.constant 0 : i32
        %dma_start3A_111 = arith.constant 0 : i32
        %dma_start3A_112 = tpu.memref_slice %arg11[%dma_start3A_110, %dma_start3A_111] : memref<10112x128xf32, #tpu.memory_space<vmem_shared>> -> memref<10112x128xf32, #tpu.memory_space<vmem_shared>>
        tpu.enqueue_indirect_dma source(%arg15 : memref<128x128xf32, #tpu.memory_space<vmem>>) target(%dma_start3A_112 : memref<10112x128xf32, #tpu.memory_space<vmem_shared>>) offsets(%dma_start3A_109 : memref<128xi32, #tpu.memory_space<vmem>>) semaphore(%run_scoped3A : memref<!tpu.dma_semaphore, #tpu.memory_space<semaphore_mem>>) {add = true}
        %dma_wait3A_113 = arith.constant 0 : i32
        %dma_wait3A_114 = tpu.memref_slice %arg13[%add3A_93, %dma_wait3A_113] : memref<40x128xi32, #tpu.memory_space<vmem>> -> memref<1x128xi32, #tpu.memory_space<vmem>>
        %dma_wait3A_115 = tpu.memref_squeeze %dma_wait3A_114 : memref<1x128xi32, #tpu.memory_space<vmem>> -> memref<128xi32, #tpu.memory_space<vmem>>
        %dma_wait3A_116 = arith.constant 0 : i32
        %dma_wait3A_117 = arith.constant 0 : i32
        %dma_wait3A_118 = tpu.memref_slice %arg11[%dma_wait3A_116, %dma_wait3A_117] : memref<10112x128xf32, #tpu.memory_space<vmem_shared>> -> memref<10112x128xf32, #tpu.memory_space<vmem_shared>>
        tpu.wait_indirect_dma semaphore(%run_scoped3A : memref<!tpu.dma_semaphore, #tpu.memory_space<semaphore_mem>>) src(%arg15 : memref<128x128xf32, #tpu.memory_space<vmem>>) dst(%dma_wait3A_118 : memref<10112x128xf32, #tpu.memory_space<vmem_shared>>)
        tpu.yield
      }) : () -> ()
      %add3A_100 = arith.constant 2 : i32
      %add3A_101 = arith.addi %add3A_93, %add3A_100 : i32
      %lt3A_102 = arith.constant 40 : i32
      %lt3A_103 = arith.cmpi slt, %add3A_101, %lt3A_102 : i32
      %convert_element_type3A_104 = arith.extui %lt3A_103 : i1 to i32
      %cond3A_105 = arith.constant 0 : i32
      %cond3A_106 = arith.cmpi ne, %convert_element_type3A_104, %cond3A_105 : i32
      scf.if %cond3A_106 {
        %add3A_107 = arith.constant 2 : i32
        %add3A_108 = arith.addi %add3A_93, %add3A_107 : i32
        %mul3A_109 = arith.constant 128 : i32
        %mul3A_110 = arith.muli %add3A_108, %mul3A_109 : i32
        %dma_start3A_111 = tpu.memref_slice %arg12[%mul3A_110] : memref<5120xi32, #tpu.memory_space<vmem>> -> memref<128xi32, #tpu.memory_space<vmem>>
        %dma_start3A_112 = arith.constant 0 : i32
        %dma_start3A_113 = arith.constant 0 : i32
        %dma_start3A_114 = tpu.memref_slice %arg2[%dma_start3A_112, %dma_start3A_113] : memref<10000x128xf32, #tpu.memory_space<hbm>> -> memref<10000x128xf32, #tpu.memory_space<hbm>>
        tpu.enqueue_indirect_dma source(%dma_start3A_114 : memref<10000x128xf32, #tpu.memory_space<hbm>>) target(%arg15 : memref<128x128xf32, #tpu.memory_space<vmem>>) offsets(%dma_start3A_111 : memref<128xi32, #tpu.memory_space<vmem>>) semaphore(%arg17 : memref<!tpu.dma_semaphore, #tpu.memory_space<semaphore_mem>>)
      } else {
      }
    }
    %scan3A_42 = arith.constant 20 : i32
    %barrier3A_43 = arith.constant 0 : index
    tpu.barrier barrier_id(%barrier3A_43)
    %mul3A_44 = arith.constant 632 : i32
    %mul3A_45 = arith.muli %arg1, %mul3A_44 : i32
    %mul3A_46 = arith.constant 632 : i32
    %mul3A_47 = arith.muli %arg1, %mul3A_46 : i32
    "tpu.region"() ({
      %run_scoped3A = tpu.sem_alloc : memref<!tpu.dma_semaphore, #tpu.memory_space<semaphore_mem>>
      %dma_start3A_76 = arith.constant 0 : i32
      %dma_start3A_77 = tpu.memref_slice %arg9[%arg0, %mul3A_47, %dma_start3A_76] : memref<2x10112x128xf32, #tpu.memory_space<hbm>> -> memref<1x632x128xf32, #tpu.memory_space<hbm>>
      %dma_start3A_78 = tpu.memref_squeeze %dma_start3A_77 : memref<1x632x128xf32, #tpu.memory_space<hbm>> -> memref<632x128xf32, #tpu.memory_space<hbm>>
      %dma_start3A_79 = arith.constant 0 : i32
      %dma_start3A_80 = tpu.memref_slice %arg11[%mul3A_45, %dma_start3A_79] : memref<10112x128xf32, #tpu.memory_space<vmem_shared>> -> memref<632x128xf32, #tpu.memory_space<vmem_shared>>
      tpu.enqueue_dma source(%dma_start3A_80 : memref<632x128xf32, #tpu.memory_space<vmem_shared>>) target(%dma_start3A_78 : memref<632x128xf32, #tpu.memory_space<hbm>>) target_semaphore(%run_scoped3A : memref<!tpu.dma_semaphore, #tpu.memory_space<semaphore_mem>>)
      %dma_wait3A = arith.constant 0 : i32
      %dma_wait3A_81 = tpu.memref_slice %arg9[%arg0, %mul3A_47, %dma_wait3A] : memref<2x10112x128xf32, #tpu.memory_space<hbm>> -> memref<1x632x128xf32, #tpu.memory_space<hbm>>
      %dma_wait3A_82 = tpu.memref_squeeze %dma_wait3A_81 : memref<1x632x128xf32, #tpu.memory_space<hbm>> -> memref<632x128xf32, #tpu.memory_space<hbm>>
      %dma_wait3A_83 = arith.constant 0 : i32
      %dma_wait3A_84 = tpu.memref_slice %arg11[%mul3A_45, %dma_wait3A_83] : memref<10112x128xf32, #tpu.memory_space<vmem_shared>> -> memref<632x128xf32, #tpu.memory_space<vmem_shared>>
      tpu.wait_dma2 semaphore(%run_scoped3A : memref<!tpu.dma_semaphore, #tpu.memory_space<semaphore_mem>>) src(%dma_wait3A_84 : memref<632x128xf32, #tpu.memory_space<vmem_shared>>) dst(%dma_wait3A_82 : memref<632x128xf32, #tpu.memory_space<hbm>>)
      tpu.yield
    }) : () -> ()
    %barrier3A_48 = arith.constant 0 : index
    tpu.barrier barrier_id(%barrier3A_48)
    %mul3A_49 = arith.constant 264 : i32
    %mul3A_50 = arith.muli %arg1, %mul3A_49 : i32
    "tpu.region"() ({
      %run_scoped3A = tpu.sem_alloc : memref<!tpu.dma_semaphore, #tpu.memory_space<semaphore_mem>>
      %dma_start3A_76 = arith.constant 0 : i32
      %dma_start3A_77 = tpu.memref_slice %arg11[%mul3A_50, %dma_start3A_76] : memref<10112x128xf32, #tpu.memory_space<vmem_shared>> -> memref<264x128xf32, #tpu.memory_space<vmem_shared>>
      %dma_start3A_78 = arith.constant 0 : i32
      %dma_start3A_79 = arith.constant 0 : i32
      %dma_start3A_80 = tpu.memref_slice %arg8[%dma_start3A_78, %dma_start3A_79] : memref<632x128xf32, #tpu.memory_space<hbm>> -> memref<264x128xf32, #tpu.memory_space<hbm>>
      tpu.enqueue_dma source(%dma_start3A_80 : memref<264x128xf32, #tpu.memory_space<hbm>>) target(%dma_start3A_77 : memref<264x128xf32, #tpu.memory_space<vmem_shared>>) target_semaphore(%run_scoped3A : memref<!tpu.dma_semaphore, #tpu.memory_space<semaphore_mem>>)
      %dma_wait3A = arith.constant 0 : i32
      %dma_wait3A_81 = tpu.memref_slice %arg11[%mul3A_50, %dma_wait3A] : memref<10112x128xf32, #tpu.memory_space<vmem_shared>> -> memref<264x128xf32, #tpu.memory_space<vmem_shared>>
      %dma_wait3A_82 = arith.constant 0 : i32
      %dma_wait3A_83 = arith.constant 0 : i32
      %dma_wait3A_84 = tpu.memref_slice %arg8[%dma_wait3A_82, %dma_wait3A_83] : memref<632x128xf32, #tpu.memory_space<hbm>> -> memref<264x128xf32, #tpu.memory_space<hbm>>
      tpu.wait_dma2 semaphore(%run_scoped3A : memref<!tpu.dma_semaphore, #tpu.memory_space<semaphore_mem>>) src(%dma_wait3A_84 : memref<264x128xf32, #tpu.memory_space<hbm>>) dst(%dma_wait3A_81 : memref<264x128xf32, #tpu.memory_space<vmem_shared>>)
      tpu.yield
    }) : () -> ()
    %mul3A_51 = arith.constant 3072 : i32
    %mul3A_52 = arith.muli %add3A, %mul3A_51 : i32
    %mul3A_53 = arith.constant 24 : i32
    %mul3A_54 = arith.muli %add3A, %mul3A_53 : i32
    "tpu.region"() ({
      %run_scoped3A = tpu.sem_alloc : memref<!tpu.dma_semaphore, #tpu.memory_space<semaphore_mem>>
      %dma_start3A_76 = arith.constant 0 : i32
      %dma_start3A_77 = tpu.memref_slice %arg12[%dma_start3A_76] : memref<5120xi32, #tpu.memory_space<vmem>> -> memref<3072xi32, #tpu.memory_space<vmem>>
      %dma_start3A_78 = tpu.memref_slice %arg6[%mul3A_52] : memref<98304xi32, #tpu.memory_space<hbm>> -> memref<3072xi32, #tpu.memory_space<hbm>>
      %dma_start3A_79 = arith.constant 0 : i32
      %dma_start3A_80 = tpu.memref_slice %arg12[%dma_start3A_79] : memref<5120xi32, #tpu.memory_space<vmem>> -> memref<3072xi32, #tpu.memory_space<vmem>>
      %dma_start3A_81 = tpu.memref_slice %arg6[%mul3A_52] : memref<98304xi32, #tpu.memory_space<hbm>> -> memref<3072xi32, #tpu.memory_space<hbm>>
      tpu.enqueue_dma source(%dma_start3A_81 : memref<3072xi32, #tpu.memory_space<hbm>>) target(%dma_start3A_80 : memref<3072xi32, #tpu.memory_space<vmem>>) target_semaphore(%run_scoped3A : memref<!tpu.dma_semaphore, #tpu.memory_space<semaphore_mem>>)
      %dma_wait3A = arith.constant 0 : i32
      %dma_wait3A_82 = tpu.memref_slice %arg12[%dma_wait3A] : memref<5120xi32, #tpu.memory_space<vmem>> -> memref<3072xi32, #tpu.memory_space<vmem>>
      %dma_wait3A_83 = tpu.memref_slice %arg6[%mul3A_52] : memref<98304xi32, #tpu.memory_space<hbm>> -> memref<3072xi32, #tpu.memory_space<hbm>>
      %dma_wait3A_84 = arith.constant 0 : i32
      %dma_wait3A_85 = tpu.memref_slice %arg12[%dma_wait3A_84] : memref<5120xi32, #tpu.memory_space<vmem>> -> memref<3072xi32, #tpu.memory_space<vmem>>
      %dma_wait3A_86 = tpu.memref_slice %arg6[%mul3A_52] : memref<98304xi32, #tpu.memory_space<hbm>> -> memref<3072xi32, #tpu.memory_space<hbm>>
      tpu.wait_dma2 semaphore(%run_scoped3A : memref<!tpu.dma_semaphore, #tpu.memory_space<semaphore_mem>>) src(%dma_wait3A_86 : memref<3072xi32, #tpu.memory_space<hbm>>) dst(%dma_wait3A_85 : memref<3072xi32, #tpu.memory_space<vmem>>)
      tpu.yield
    }) : () -> ()
    "tpu.region"() ({
      %run_scoped3A = tpu.sem_alloc : memref<!tpu.dma_semaphore, #tpu.memory_space<semaphore_mem>>
      %dma_start3A_76 = arith.constant 0 : i32
      %dma_start3A_77 = arith.constant 0 : i32
      %dma_start3A_78 = tpu.memref_slice %arg13[%dma_start3A_76, %dma_start3A_77] : memref<40x128xi32, #tpu.memory_space<vmem>> -> memref<24x128xi32, #tpu.memory_space<vmem>>
      %dma_start3A_79 = arith.constant 0 : i32
      %dma_start3A_80 = tpu.memref_slice %arg7[%mul3A_54, %dma_start3A_79] : memref<768x128xi32, #tpu.memory_space<hbm>> -> memref<24x128xi32, #tpu.memory_space<hbm>>
      %dma_start3A_81 = arith.constant 0 : i32
      %dma_start3A_82 = arith.constant 0 : i32
      %dma_start3A_83 = tpu.memref_slice %arg13[%dma_start3A_81, %dma_start3A_82] : memref<40x128xi32, #tpu.memory_space<vmem>> -> memref<24x128xi32, #tpu.memory_space<vmem>>
      %dma_start3A_84 = arith.constant 0 : i32
      %dma_start3A_85 = tpu.memref_slice %arg7[%mul3A_54, %dma_start3A_84] : memref<768x128xi32, #tpu.memory_space<hbm>> -> memref<24x128xi32, #tpu.memory_space<hbm>>
      tpu.enqueue_dma source(%dma_start3A_85 : memref<24x128xi32, #tpu.memory_space<hbm>>) target(%dma_start3A_83 : memref<24x128xi32, #tpu.memory_space<vmem>>) target_semaphore(%run_scoped3A : memref<!tpu.dma_semaphore, #tpu.memory_space<semaphore_mem>>)
      %dma_wait3A = arith.constant 0 : i32
      %dma_wait3A_86 = arith.constant 0 : i32
      %dma_wait3A_87 = tpu.memref_slice %arg13[%dma_wait3A, %dma_wait3A_86] : memref<40x128xi32, #tpu.memory_space<vmem>> -> memref<24x128xi32, #tpu.memory_space<vmem>>
      %dma_wait3A_88 = arith.constant 0 : i32
      %dma_wait3A_89 = tpu.memref_slice %arg7[%mul3A_54, %dma_wait3A_88] : memref<768x128xi32, #tpu.memory_space<hbm>> -> memref<24x128xi32, #tpu.memory_space<hbm>>
      %dma_wait3A_90 = arith.constant 0 : i32
      %dma_wait3A_91 = arith.constant 0 : i32
      %dma_wait3A_92 = tpu.memref_slice %arg13[%dma_wait3A_90, %dma_wait3A_91] : memref<40x128xi32, #tpu.memory_space<vmem>> -> memref<24x128xi32, #tpu.memory_space<vmem>>
      %dma_wait3A_93 = arith.constant 0 : i32
      %dma_wait3A_94 = tpu.memref_slice %arg7[%mul3A_54, %dma_wait3A_93] : memref<768x128xi32, #tpu.memory_space<hbm>> -> memref<24x128xi32, #tpu.memory_space<hbm>>
      tpu.wait_dma2 semaphore(%run_scoped3A : memref<!tpu.dma_semaphore, #tpu.memory_space<semaphore_mem>>) src(%dma_wait3A_94 : memref<24x128xi32, #tpu.memory_space<hbm>>) dst(%dma_wait3A_92 : memref<24x128xi32, #tpu.memory_space<vmem>>)
      tpu.yield
    }) : () -> ()
    %barrier3A_55 = arith.constant 0 : index
    tpu.barrier barrier_id(%barrier3A_55)
    %dma_start3A_56 = arith.constant 0 : i32
    %dma_start3A_57 = tpu.memref_slice %arg12[%dma_start3A_56] : memref<5120xi32, #tpu.memory_space<vmem>> -> memref<128xi32, #tpu.memory_space<vmem>>
    %dma_start3A_58 = arith.constant 0 : i32
    %dma_start3A_59 = arith.constant 0 : i32
    %dma_start3A_60 = tpu.memref_slice %arg3[%dma_start3A_58, %dma_start3A_59] : memref<10000x128xf32, #tpu.memory_space<hbm>> -> memref<10000x128xf32, #tpu.memory_space<hbm>>
    tpu.enqueue_indirect_dma source(%dma_start3A_60 : memref<10000x128xf32, #tpu.memory_space<hbm>>) target(%arg14 : memref<128x128xf32, #tpu.memory_space<vmem>>) offsets(%dma_start3A_57 : memref<128xi32, #tpu.memory_space<vmem>>) semaphore(%arg16 : memref<!tpu.dma_semaphore, #tpu.memory_space<semaphore_mem>>)
    %dma_start3A_61 = arith.constant 128 : i32
    %dma_start3A_62 = tpu.memref_slice %arg12[%dma_start3A_61] : memref<5120xi32, #tpu.memory_space<vmem>> -> memref<128xi32, #tpu.memory_space<vmem>>
    %dma_start3A_63 = arith.constant 0 : i32
    %dma_start3A_64 = arith.constant 0 : i32
    %dma_start3A_65 = tpu.memref_slice %arg3[%dma_start3A_63, %dma_start3A_64] : memref<10000x128xf32, #tpu.memory_space<hbm>> -> memref<10000x128xf32, #tpu.memory_space<hbm>>
    tpu.enqueue_indirect_dma source(%dma_start3A_65 : memref<10000x128xf32, #tpu.memory_space<hbm>>) target(%arg15 : memref<128x128xf32, #tpu.memory_space<vmem>>) offsets(%dma_start3A_62 : memref<128xi32, #tpu.memory_space<vmem>>) semaphore(%arg17 : memref<!tpu.dma_semaphore, #tpu.memory_space<semaphore_mem>>)
    %scan3A_66 = arith.constant 0 : i32
    %scan3A_67 = arith.constant 12 : i32
    %scan3A_68 = arith.addi %scan3A_66, %scan3A_67 : i32
    %scan3A_69 = arith.constant 1 : i32
    scf.for %scan3A_76 = %scan3A_66 to %scan3A_68 step %scan3A_69  : i32 {
      %mul3A_77 = arith.constant 2 : i32
      %mul3A_78 = arith.muli %scan3A_76, %mul3A_77 : i32
      %add3A_79 = arith.constant 0 : i32
      %add3A_80 = arith.addi %mul3A_78, %add3A_79 : i32
      %mul3A_81 = arith.constant 128 : i32
      %mul3A_82 = arith.muli %add3A_80, %mul3A_81 : i32
      %dma_wait3A = tpu.memref_slice %arg12[%mul3A_82] : memref<5120xi32, #tpu.memory_space<vmem>> -> memref<128xi32, #tpu.memory_space<vmem>>
      %dma_wait3A_83 = arith.constant 0 : i32
      %dma_wait3A_84 = arith.constant 0 : i32
      %dma_wait3A_85 = tpu.memref_slice %arg3[%dma_wait3A_83, %dma_wait3A_84] : memref<10000x128xf32, #tpu.memory_space<hbm>> -> memref<10000x128xf32, #tpu.memory_space<hbm>>
      tpu.wait_indirect_dma semaphore(%arg16 : memref<!tpu.dma_semaphore, #tpu.memory_space<semaphore_mem>>) src(%dma_wait3A_85 : memref<10000x128xf32, #tpu.memory_space<hbm>>) dst(%arg14 : memref<128x128xf32, #tpu.memory_space<vmem>>)
      "tpu.region"() ({
        %run_scoped3A = tpu.sem_alloc : memref<!tpu.dma_semaphore, #tpu.memory_space<semaphore_mem>>
        %dma_start3A_107 = arith.constant 0 : i32
        %dma_start3A_108 = tpu.memref_slice %arg13[%add3A_80, %dma_start3A_107] : memref<40x128xi32, #tpu.memory_space<vmem>> -> memref<1x128xi32, #tpu.memory_space<vmem>>
        %dma_start3A_109 = tpu.memref_squeeze %dma_start3A_108 : memref<1x128xi32, #tpu.memory_space<vmem>> -> memref<128xi32, #tpu.memory_space<vmem>>
        %dma_start3A_110 = arith.constant 0 : i32
        %dma_start3A_111 = arith.constant 0 : i32
        %dma_start3A_112 = tpu.memref_slice %arg11[%dma_start3A_110, %dma_start3A_111] : memref<10112x128xf32, #tpu.memory_space<vmem_shared>> -> memref<10112x128xf32, #tpu.memory_space<vmem_shared>>
        tpu.enqueue_indirect_dma source(%arg14 : memref<128x128xf32, #tpu.memory_space<vmem>>) target(%dma_start3A_112 : memref<10112x128xf32, #tpu.memory_space<vmem_shared>>) offsets(%dma_start3A_109 : memref<128xi32, #tpu.memory_space<vmem>>) semaphore(%run_scoped3A : memref<!tpu.dma_semaphore, #tpu.memory_space<semaphore_mem>>) {add = true}
        %dma_wait3A_113 = arith.constant 0 : i32
        %dma_wait3A_114 = tpu.memref_slice %arg13[%add3A_80, %dma_wait3A_113] : memref<40x128xi32, #tpu.memory_space<vmem>> -> memref<1x128xi32, #tpu.memory_space<vmem>>
        %dma_wait3A_115 = tpu.memref_squeeze %dma_wait3A_114 : memref<1x128xi32, #tpu.memory_space<vmem>> -> memref<128xi32, #tpu.memory_space<vmem>>
        %dma_wait3A_116 = arith.constant 0 : i32
        %dma_wait3A_117 = arith.constant 0 : i32
        %dma_wait3A_118 = tpu.memref_slice %arg11[%dma_wait3A_116, %dma_wait3A_117] : memref<10112x128xf32, #tpu.memory_space<vmem_shared>> -> memref<10112x128xf32, #tpu.memory_space<vmem_shared>>
        tpu.wait_indirect_dma semaphore(%run_scoped3A : memref<!tpu.dma_semaphore, #tpu.memory_space<semaphore_mem>>) src(%arg14 : memref<128x128xf32, #tpu.memory_space<vmem>>) dst(%dma_wait3A_118 : memref<10112x128xf32, #tpu.memory_space<vmem_shared>>)
        tpu.yield
      }) : () -> ()
      %add3A_86 = arith.constant 2 : i32
      %add3A_87 = arith.addi %add3A_80, %add3A_86 : i32
      %lt3A = arith.constant 24 : i32
      %lt3A_88 = arith.cmpi slt, %add3A_87, %lt3A : i32
      %convert_element_type3A = arith.extui %lt3A_88 : i1 to i32
      %cond3A = arith.constant 0 : i32
      %cond3A_89 = arith.cmpi ne, %convert_element_type3A, %cond3A : i32
      scf.if %cond3A_89 {
        %add3A_107 = arith.constant 2 : i32
        %add3A_108 = arith.addi %add3A_80, %add3A_107 : i32
        %mul3A_109 = arith.constant 128 : i32
        %mul3A_110 = arith.muli %add3A_108, %mul3A_109 : i32
        %dma_start3A_111 = tpu.memref_slice %arg12[%mul3A_110] : memref<5120xi32, #tpu.memory_space<vmem>> -> memref<128xi32, #tpu.memory_space<vmem>>
        %dma_start3A_112 = arith.constant 0 : i32
        %dma_start3A_113 = arith.constant 0 : i32
        %dma_start3A_114 = tpu.memref_slice %arg3[%dma_start3A_112, %dma_start3A_113] : memref<10000x128xf32, #tpu.memory_space<hbm>> -> memref<10000x128xf32, #tpu.memory_space<hbm>>
        tpu.enqueue_indirect_dma source(%dma_start3A_114 : memref<10000x128xf32, #tpu.memory_space<hbm>>) target(%arg14 : memref<128x128xf32, #tpu.memory_space<vmem>>) offsets(%dma_start3A_111 : memref<128xi32, #tpu.memory_space<vmem>>) semaphore(%arg16 : memref<!tpu.dma_semaphore, #tpu.memory_space<semaphore_mem>>)
      } else {
      }
      %mul3A_90 = arith.constant 2 : i32
      %mul3A_91 = arith.muli %scan3A_76, %mul3A_90 : i32
      %add3A_92 = arith.constant 1 : i32
      %add3A_93 = arith.addi %mul3A_91, %add3A_92 : i32
      %mul3A_94 = arith.constant 128 : i32
      %mul3A_95 = arith.muli %add3A_93, %mul3A_94 : i32
      %dma_wait3A_96 = tpu.memref_slice %arg12[%mul3A_95] : memref<5120xi32, #tpu.memory_space<vmem>> -> memref<128xi32, #tpu.memory_space<vmem>>
      %dma_wait3A_97 = arith.constant 0 : i32
      %dma_wait3A_98 = arith.constant 0 : i32
      %dma_wait3A_99 = tpu.memref_slice %arg3[%dma_wait3A_97, %dma_wait3A_98] : memref<10000x128xf32, #tpu.memory_space<hbm>> -> memref<10000x128xf32, #tpu.memory_space<hbm>>
      tpu.wait_indirect_dma semaphore(%arg17 : memref<!tpu.dma_semaphore, #tpu.memory_space<semaphore_mem>>) src(%dma_wait3A_99 : memref<10000x128xf32, #tpu.memory_space<hbm>>) dst(%arg15 : memref<128x128xf32, #tpu.memory_space<vmem>>)
      "tpu.region"() ({
        %run_scoped3A = tpu.sem_alloc : memref<!tpu.dma_semaphore, #tpu.memory_space<semaphore_mem>>
        %dma_start3A_107 = arith.constant 0 : i32
        %dma_start3A_108 = tpu.memref_slice %arg13[%add3A_93, %dma_start3A_107] : memref<40x128xi32, #tpu.memory_space<vmem>> -> memref<1x128xi32, #tpu.memory_space<vmem>>
        %dma_start3A_109 = tpu.memref_squeeze %dma_start3A_108 : memref<1x128xi32, #tpu.memory_space<vmem>> -> memref<128xi32, #tpu.memory_space<vmem>>
        %dma_start3A_110 = arith.constant 0 : i32
        %dma_start3A_111 = arith.constant 0 : i32
        %dma_start3A_112 = tpu.memref_slice %arg11[%dma_start3A_110, %dma_start3A_111] : memref<10112x128xf32, #tpu.memory_space<vmem_shared>> -> memref<10112x128xf32, #tpu.memory_space<vmem_shared>>
        tpu.enqueue_indirect_dma source(%arg15 : memref<128x128xf32, #tpu.memory_space<vmem>>) target(%dma_start3A_112 : memref<10112x128xf32, #tpu.memory_space<vmem_shared>>) offsets(%dma_start3A_109 : memref<128xi32, #tpu.memory_space<vmem>>) semaphore(%run_scoped3A : memref<!tpu.dma_semaphore, #tpu.memory_space<semaphore_mem>>) {add = true}
        %dma_wait3A_113 = arith.constant 0 : i32
        %dma_wait3A_114 = tpu.memref_slice %arg13[%add3A_93, %dma_wait3A_113] : memref<40x128xi32, #tpu.memory_space<vmem>> -> memref<1x128xi32, #tpu.memory_space<vmem>>
        %dma_wait3A_115 = tpu.memref_squeeze %dma_wait3A_114 : memref<1x128xi32, #tpu.memory_space<vmem>> -> memref<128xi32, #tpu.memory_space<vmem>>
        %dma_wait3A_116 = arith.constant 0 : i32
        %dma_wait3A_117 = arith.constant 0 : i32
        %dma_wait3A_118 = tpu.memref_slice %arg11[%dma_wait3A_116, %dma_wait3A_117] : memref<10112x128xf32, #tpu.memory_space<vmem_shared>> -> memref<10112x128xf32, #tpu.memory_space<vmem_shared>>
        tpu.wait_indirect_dma semaphore(%run_scoped3A : memref<!tpu.dma_semaphore, #tpu.memory_space<semaphore_mem>>) src(%arg15 : memref<128x128xf32, #tpu.memory_space<vmem>>) dst(%dma_wait3A_118 : memref<10112x128xf32, #tpu.memory_space<vmem_shared>>)
        tpu.yield
      }) : () -> ()
      %add3A_100 = arith.constant 2 : i32
      %add3A_101 = arith.addi %add3A_93, %add3A_100 : i32
      %lt3A_102 = arith.constant 24 : i32
      %lt3A_103 = arith.cmpi slt, %add3A_101, %lt3A_102 : i32
      %convert_element_type3A_104 = arith.extui %lt3A_103 : i1 to i32
      %cond3A_105 = arith.constant 0 : i32
      %cond3A_106 = arith.cmpi ne, %convert_element_type3A_104, %cond3A_105 : i32
      scf.if %cond3A_106 {
        %add3A_107 = arith.constant 2 : i32
        %add3A_108 = arith.addi %add3A_93, %add3A_107 : i32
        %mul3A_109 = arith.constant 128 : i32
        %mul3A_110 = arith.muli %add3A_108, %mul3A_109 : i32
        %dma_start3A_111 = tpu.memref_slice %arg12[%mul3A_110] : memref<5120xi32, #tpu.memory_space<vmem>> -> memref<128xi32, #tpu.memory_space<vmem>>
        %dma_start3A_112 = arith.constant 0 : i32
        %dma_start3A_113 = arith.constant 0 : i32
        %dma_start3A_114 = tpu.memref_slice %arg3[%dma_start3A_112, %dma_start3A_113] : memref<10000x128xf32, #tpu.memory_space<hbm>> -> memref<10000x128xf32, #tpu.memory_space<hbm>>
        tpu.enqueue_indirect_dma source(%dma_start3A_114 : memref<10000x128xf32, #tpu.memory_space<hbm>>) target(%arg15 : memref<128x128xf32, #tpu.memory_space<vmem>>) offsets(%dma_start3A_111 : memref<128xi32, #tpu.memory_space<vmem>>) semaphore(%arg17 : memref<!tpu.dma_semaphore, #tpu.memory_space<semaphore_mem>>)
      } else {
      }
    }
    %scan3A_70 = arith.constant 12 : i32
    %barrier3A_71 = arith.constant 0 : index
    tpu.barrier barrier_id(%barrier3A_71)
    %mul3A_72 = arith.constant 256 : i32
    %mul3A_73 = arith.muli %arg1, %mul3A_72 : i32
    %mul3A_74 = arith.constant 256 : i32
    %mul3A_75 = arith.muli %arg1, %mul3A_74 : i32
    "tpu.region"() ({
      %run_scoped3A = tpu.sem_alloc : memref<!tpu.dma_semaphore, #tpu.memory_space<semaphore_mem>>
      %dma_start3A_76 = arith.constant 0 : i32
      %dma_start3A_77 = tpu.memref_slice %arg10[%arg0, %mul3A_75, %dma_start3A_76] : memref<2x4096x128xf32, #tpu.memory_space<hbm>> -> memref<1x256x128xf32, #tpu.memory_space<hbm>>
      %dma_start3A_78 = tpu.memref_squeeze %dma_start3A_77 : memref<1x256x128xf32, #tpu.memory_space<hbm>> -> memref<256x128xf32, #tpu.memory_space<hbm>>
      %dma_start3A_79 = arith.constant 0 : i32
      %dma_start3A_80 = tpu.memref_slice %arg11[%mul3A_73, %dma_start3A_79] : memref<10112x128xf32, #tpu.memory_space<vmem_shared>> -> memref<256x128xf32, #tpu.memory_space<vmem_shared>>
      tpu.enqueue_dma source(%dma_start3A_80 : memref<256x128xf32, #tpu.memory_space<vmem_shared>>) target(%dma_start3A_78 : memref<256x128xf32, #tpu.memory_space<hbm>>) target_semaphore(%run_scoped3A : memref<!tpu.dma_semaphore, #tpu.memory_space<semaphore_mem>>)
      %dma_wait3A = arith.constant 0 : i32
      %dma_wait3A_81 = tpu.memref_slice %arg10[%arg0, %mul3A_75, %dma_wait3A] : memref<2x4096x128xf32, #tpu.memory_space<hbm>> -> memref<1x256x128xf32, #tpu.memory_space<hbm>>
      %dma_wait3A_82 = tpu.memref_squeeze %dma_wait3A_81 : memref<1x256x128xf32, #tpu.memory_space<hbm>> -> memref<256x128xf32, #tpu.memory_space<hbm>>
      %dma_wait3A_83 = arith.constant 0 : i32
      %dma_wait3A_84 = tpu.memref_slice %arg11[%mul3A_73, %dma_wait3A_83] : memref<10112x128xf32, #tpu.memory_space<vmem_shared>> -> memref<256x128xf32, #tpu.memory_space<vmem_shared>>
      tpu.wait_dma2 semaphore(%run_scoped3A : memref<!tpu.dma_semaphore, #tpu.memory_space<semaphore_mem>>) src(%dma_wait3A_84 : memref<256x128xf32, #tpu.memory_space<vmem_shared>>) dst(%dma_wait3A_82 : memref<256x128xf32, #tpu.memory_space<hbm>>)
      tpu.yield
    }) : () -> ()
    return
  }
}

#map = affine_map<(d0, d1) -> (0, 0)>
#map1 = affine_map<(d0, d1) -> (0)>
#map2 = affine_map<(d0, d1) -> (0, 0, 0)>
module attributes {stable_mosaic.version = 14 : i64} {
  func.func @k(%arg0: i32, %arg1: i32, %arg2: memref<10000x128xf32, #tpu.memory_space<hbm>>, %arg3: memref<10240xi32, #tpu.memory_space<hbm>>, %arg4: memref<2560x128xi32, #tpu.memory_space<hbm>>, %arg5: memref<768x128xi32, #tpu.memory_space<hbm>>, %arg6: memref<128x128xf32, #tpu.memory_space<hbm>>, %arg7: memref<632x128xf32, #tpu.memory_space<hbm>>, %arg8: memref<10240x128xf32, #tpu.memory_space<hbm>>, %arg9: memref<2x10112x128xf32, #tpu.memory_space<hbm>>, %arg10: memref<2x4096x128xf32, #tpu.memory_space<hbm>>, %arg11: memref<10112x128xf32, #tpu.memory_space<vmem_shared>>, %arg12: memref<320xi32, #tpu.memory_space<vmem>>, %arg13: memref<80x128xi32, #tpu.memory_space<vmem>>, %arg14: memref<24x128xi32, #tpu.memory_space<vmem>>, %arg15: memref<80x128xf32, #tpu.memory_space<vmem>>, %arg16: memref<128x128xf32, #tpu.memory_space<vmem>>, %arg17: memref<!tpu.dma_semaphore, #tpu.memory_space<semaphore_mem>>) attributes {dimension_semantics = [#tpu.dimension_semantics<core_parallel>, #tpu.dimension_semantics<subcore_parallel>], iteration_bounds = array<i64: 2, 16>, scalar_prefetch = 0 : i64, scratch_operands = 7 : i64, tpu.core_type = #tpu.core_type<sc_vector_subcore>, window_params = [{transform_indices = #map}, {transform_indices = #map1}, {transform_indices = #map}, {transform_indices = #map}, {transform_indices = #map}, {transform_indices = #map}, {transform_indices = #map}, {transform_indices = #map2}, {transform_indices = #map2}]} {
    %mul3A = arith.constant 2 : i32
    %mul3A_0 = arith.muli %arg1, %mul3A : i32
    %add3A = arith.addi %mul3A_0, %arg0 : i32
    %mul3A_1 = arith.constant 632 : i32
    %mul3A_2 = arith.muli %arg1, %mul3A_1 : i32
    "tpu.region"() ({
      %run_scoped3A = tpu.sem_alloc : memref<!tpu.dma_semaphore, #tpu.memory_space<semaphore_mem>>
      %dma_start3A_86 = arith.constant 0 : i32
      %dma_start3A_87 = tpu.memref_slice %arg11[%mul3A_2, %dma_start3A_86] : memref<10112x128xf32, #tpu.memory_space<vmem_shared>> -> memref<632x128xf32, #tpu.memory_space<vmem_shared>>
      tpu.enqueue_dma source(%arg7 : memref<632x128xf32, #tpu.memory_space<hbm>>) target(%dma_start3A_87 : memref<632x128xf32, #tpu.memory_space<vmem_shared>>) target_semaphore(%run_scoped3A : memref<!tpu.dma_semaphore, #tpu.memory_space<semaphore_mem>>)
      %dma_wait3A_88 = arith.constant 0 : i32
      %dma_wait3A_89 = tpu.memref_slice %arg11[%mul3A_2, %dma_wait3A_88] : memref<10112x128xf32, #tpu.memory_space<vmem_shared>> -> memref<632x128xf32, #tpu.memory_space<vmem_shared>>
      tpu.wait_dma2 semaphore(%run_scoped3A : memref<!tpu.dma_semaphore, #tpu.memory_space<semaphore_mem>>) src(%arg7 : memref<632x128xf32, #tpu.memory_space<hbm>>) dst(%dma_wait3A_89 : memref<632x128xf32, #tpu.memory_space<vmem_shared>>)
      tpu.yield
    }) : () -> ()
    %mul3A_3 = arith.constant 320 : i32
    %mul3A_4 = arith.muli %add3A, %mul3A_3 : i32
    "tpu.region"() ({
      %run_scoped3A = tpu.sem_alloc : memref<!tpu.dma_semaphore, #tpu.memory_space<semaphore_mem>>
      %dma_start3A_86 = tpu.memref_slice %arg3[%mul3A_4] : memref<10240xi32, #tpu.memory_space<hbm>> -> memref<320xi32, #tpu.memory_space<hbm>>
      %dma_start3A_87 = tpu.memref_slice %arg3[%mul3A_4] : memref<10240xi32, #tpu.memory_space<hbm>> -> memref<320xi32, #tpu.memory_space<hbm>>
      tpu.enqueue_dma source(%dma_start3A_87 : memref<320xi32, #tpu.memory_space<hbm>>) target(%arg12 : memref<320xi32, #tpu.memory_space<vmem>>) target_semaphore(%run_scoped3A : memref<!tpu.dma_semaphore, #tpu.memory_space<semaphore_mem>>)
      %dma_wait3A_88 = tpu.memref_slice %arg3[%mul3A_4] : memref<10240xi32, #tpu.memory_space<hbm>> -> memref<320xi32, #tpu.memory_space<hbm>>
      %dma_wait3A_89 = tpu.memref_slice %arg3[%mul3A_4] : memref<10240xi32, #tpu.memory_space<hbm>> -> memref<320xi32, #tpu.memory_space<hbm>>
      tpu.wait_dma2 semaphore(%run_scoped3A : memref<!tpu.dma_semaphore, #tpu.memory_space<semaphore_mem>>) src(%dma_wait3A_89 : memref<320xi32, #tpu.memory_space<hbm>>) dst(%arg12 : memref<320xi32, #tpu.memory_space<vmem>>)
      tpu.yield
    }) : () -> ()
    %mul3A_5 = arith.constant 80 : i32
    %mul3A_6 = arith.muli %add3A, %mul3A_5 : i32
    "tpu.region"() ({
      %run_scoped3A = tpu.sem_alloc : memref<!tpu.dma_semaphore, #tpu.memory_space<semaphore_mem>>
      %dma_start3A_86 = arith.constant 0 : i32
      %dma_start3A_87 = tpu.memref_slice %arg4[%mul3A_6, %dma_start3A_86] : memref<2560x128xi32, #tpu.memory_space<hbm>> -> memref<80x128xi32, #tpu.memory_space<hbm>>
      %dma_start3A_88 = arith.constant 0 : i32
      %dma_start3A_89 = tpu.memref_slice %arg4[%mul3A_6, %dma_start3A_88] : memref<2560x128xi32, #tpu.memory_space<hbm>> -> memref<80x128xi32, #tpu.memory_space<hbm>>
      tpu.enqueue_dma source(%dma_start3A_89 : memref<80x128xi32, #tpu.memory_space<hbm>>) target(%arg13 : memref<80x128xi32, #tpu.memory_space<vmem>>) target_semaphore(%run_scoped3A : memref<!tpu.dma_semaphore, #tpu.memory_space<semaphore_mem>>)
      %dma_wait3A_90 = arith.constant 0 : i32
      %dma_wait3A_91 = tpu.memref_slice %arg4[%mul3A_6, %dma_wait3A_90] : memref<2560x128xi32, #tpu.memory_space<hbm>> -> memref<80x128xi32, #tpu.memory_space<hbm>>
      %dma_wait3A_92 = arith.constant 0 : i32
      %dma_wait3A_93 = tpu.memref_slice %arg4[%mul3A_6, %dma_wait3A_92] : memref<2560x128xi32, #tpu.memory_space<hbm>> -> memref<80x128xi32, #tpu.memory_space<hbm>>
      tpu.wait_dma2 semaphore(%run_scoped3A : memref<!tpu.dma_semaphore, #tpu.memory_space<semaphore_mem>>) src(%dma_wait3A_93 : memref<80x128xi32, #tpu.memory_space<hbm>>) dst(%arg13 : memref<80x128xi32, #tpu.memory_space<vmem>>)
      tpu.yield
    }) : () -> ()
    %mul3A_7 = arith.constant 24 : i32
    %mul3A_8 = arith.muli %add3A, %mul3A_7 : i32
    "tpu.region"() ({
      %run_scoped3A = tpu.sem_alloc : memref<!tpu.dma_semaphore, #tpu.memory_space<semaphore_mem>>
      %dma_start3A_86 = arith.constant 0 : i32
      %dma_start3A_87 = tpu.memref_slice %arg5[%mul3A_8, %dma_start3A_86] : memref<768x128xi32, #tpu.memory_space<hbm>> -> memref<24x128xi32, #tpu.memory_space<hbm>>
      %dma_start3A_88 = arith.constant 0 : i32
      %dma_start3A_89 = tpu.memref_slice %arg5[%mul3A_8, %dma_start3A_88] : memref<768x128xi32, #tpu.memory_space<hbm>> -> memref<24x128xi32, #tpu.memory_space<hbm>>
      tpu.enqueue_dma source(%dma_start3A_89 : memref<24x128xi32, #tpu.memory_space<hbm>>) target(%arg14 : memref<24x128xi32, #tpu.memory_space<vmem>>) target_semaphore(%run_scoped3A : memref<!tpu.dma_semaphore, #tpu.memory_space<semaphore_mem>>)
      %dma_wait3A_90 = arith.constant 0 : i32
      %dma_wait3A_91 = tpu.memref_slice %arg5[%mul3A_8, %dma_wait3A_90] : memref<768x128xi32, #tpu.memory_space<hbm>> -> memref<24x128xi32, #tpu.memory_space<hbm>>
      %dma_wait3A_92 = arith.constant 0 : i32
      %dma_wait3A_93 = tpu.memref_slice %arg5[%mul3A_8, %dma_wait3A_92] : memref<768x128xi32, #tpu.memory_space<hbm>> -> memref<24x128xi32, #tpu.memory_space<hbm>>
      tpu.wait_dma2 semaphore(%run_scoped3A : memref<!tpu.dma_semaphore, #tpu.memory_space<semaphore_mem>>) src(%dma_wait3A_93 : memref<24x128xi32, #tpu.memory_space<hbm>>) dst(%arg14 : memref<24x128xi32, #tpu.memory_space<vmem>>)
      tpu.yield
    }) : () -> ()
    "tpu.region"() ({
      %run_scoped3A = tpu.sem_alloc : memref<!tpu.dma_semaphore, #tpu.memory_space<semaphore_mem>>
      tpu.enqueue_dma source(%arg6 : memref<128x128xf32, #tpu.memory_space<hbm>>) target(%arg16 : memref<128x128xf32, #tpu.memory_space<vmem>>) target_semaphore(%run_scoped3A : memref<!tpu.dma_semaphore, #tpu.memory_space<semaphore_mem>>)
      tpu.wait_dma2 semaphore(%run_scoped3A : memref<!tpu.dma_semaphore, #tpu.memory_space<semaphore_mem>>) src(%arg6 : memref<128x128xf32, #tpu.memory_space<hbm>>) dst(%arg16 : memref<128x128xf32, #tpu.memory_space<vmem>>)
      tpu.yield
    }) : () -> ()
    %dma_start3A = arith.constant 0 : i32
    %dma_start3A_9 = tpu.memref_slice %arg12[%dma_start3A] : memref<320xi32, #tpu.memory_space<vmem>> -> memref<80xi32, #tpu.memory_space<vmem>>
    %dma_start3A_10 = arith.constant 0 : i32
    %dma_start3A_11 = arith.constant 0 : i32
    %dma_start3A_12 = tpu.memref_slice %arg2[%dma_start3A_10, %dma_start3A_11] : memref<10000x128xf32, #tpu.memory_space<hbm>> -> memref<10000x128xf32, #tpu.memory_space<hbm>>
    tpu.enqueue_indirect_dma source(%dma_start3A_12 : memref<10000x128xf32, #tpu.memory_space<hbm>>) target(%arg15 : memref<80x128xf32, #tpu.memory_space<vmem>>) offsets(%dma_start3A_9 : memref<80xi32, #tpu.memory_space<vmem>>) semaphore(%arg17 : memref<!tpu.dma_semaphore, #tpu.memory_space<semaphore_mem>>)
    %dma_wait3A = arith.constant 0 : i32
    %dma_wait3A_13 = tpu.memref_slice %arg12[%dma_wait3A] : memref<320xi32, #tpu.memory_space<vmem>> -> memref<80xi32, #tpu.memory_space<vmem>>
    %dma_wait3A_14 = arith.constant 0 : i32
    %dma_wait3A_15 = arith.constant 0 : i32
    %dma_wait3A_16 = tpu.memref_slice %arg2[%dma_wait3A_14, %dma_wait3A_15] : memref<10000x128xf32, #tpu.memory_space<hbm>> -> memref<10000x128xf32, #tpu.memory_space<hbm>>
    tpu.wait_indirect_dma semaphore(%arg17 : memref<!tpu.dma_semaphore, #tpu.memory_space<semaphore_mem>>) src(%dma_wait3A_16 : memref<10000x128xf32, #tpu.memory_space<hbm>>) dst(%arg15 : memref<80x128xf32, #tpu.memory_space<vmem>>)
    %mul3A_17 = arith.constant 320 : i32
    %mul3A_18 = arith.muli %add3A, %mul3A_17 : i32
    %add3A_19 = arith.constant 0 : i32
    %add3A_20 = arith.addi %mul3A_18, %add3A_19 : i32
    "tpu.region"() ({
      %run_scoped3A = tpu.sem_alloc : memref<!tpu.dma_semaphore, #tpu.memory_space<semaphore_mem>>
      %dma_start3A_86 = arith.constant 0 : i32
      %dma_start3A_87 = tpu.memref_slice %arg8[%add3A_20, %dma_start3A_86] : memref<10240x128xf32, #tpu.memory_space<hbm>> -> memref<80x128xf32, #tpu.memory_space<hbm>>
      %dma_start3A_88 = arith.constant 0 : i32
      %dma_start3A_89 = tpu.memref_slice %arg8[%add3A_20, %dma_start3A_88] : memref<10240x128xf32, #tpu.memory_space<hbm>> -> memref<80x128xf32, #tpu.memory_space<hbm>>
      tpu.enqueue_dma source(%arg15 : memref<80x128xf32, #tpu.memory_space<vmem>>) target(%dma_start3A_89 : memref<80x128xf32, #tpu.memory_space<hbm>>) target_semaphore(%run_scoped3A : memref<!tpu.dma_semaphore, #tpu.memory_space<semaphore_mem>>)
      %dma_wait3A_90 = arith.constant 0 : i32
      %dma_wait3A_91 = tpu.memref_slice %arg8[%add3A_20, %dma_wait3A_90] : memref<10240x128xf32, #tpu.memory_space<hbm>> -> memref<80x128xf32, #tpu.memory_space<hbm>>
      %dma_wait3A_92 = arith.constant 0 : i32
      %dma_wait3A_93 = tpu.memref_slice %arg8[%add3A_20, %dma_wait3A_92] : memref<10240x128xf32, #tpu.memory_space<hbm>> -> memref<80x128xf32, #tpu.memory_space<hbm>>
      tpu.wait_dma2 semaphore(%run_scoped3A : memref<!tpu.dma_semaphore, #tpu.memory_space<semaphore_mem>>) src(%arg15 : memref<80x128xf32, #tpu.memory_space<vmem>>) dst(%dma_wait3A_93 : memref<80x128xf32, #tpu.memory_space<hbm>>)
      tpu.yield
    }) : () -> ()
    %dma_start3A_21 = arith.constant 80 : i32
    %dma_start3A_22 = tpu.memref_slice %arg12[%dma_start3A_21] : memref<320xi32, #tpu.memory_space<vmem>> -> memref<80xi32, #tpu.memory_space<vmem>>
    %dma_start3A_23 = arith.constant 0 : i32
    %dma_start3A_24 = arith.constant 0 : i32
    %dma_start3A_25 = tpu.memref_slice %arg2[%dma_start3A_23, %dma_start3A_24] : memref<10000x128xf32, #tpu.memory_space<hbm>> -> memref<10000x128xf32, #tpu.memory_space<hbm>>
    tpu.enqueue_indirect_dma source(%dma_start3A_25 : memref<10000x128xf32, #tpu.memory_space<hbm>>) target(%arg15 : memref<80x128xf32, #tpu.memory_space<vmem>>) offsets(%dma_start3A_22 : memref<80xi32, #tpu.memory_space<vmem>>) semaphore(%arg17 : memref<!tpu.dma_semaphore, #tpu.memory_space<semaphore_mem>>)
    %dma_wait3A_26 = arith.constant 80 : i32
    %dma_wait3A_27 = tpu.memref_slice %arg12[%dma_wait3A_26] : memref<320xi32, #tpu.memory_space<vmem>> -> memref<80xi32, #tpu.memory_space<vmem>>
    %dma_wait3A_28 = arith.constant 0 : i32
    %dma_wait3A_29 = arith.constant 0 : i32
    %dma_wait3A_30 = tpu.memref_slice %arg2[%dma_wait3A_28, %dma_wait3A_29] : memref<10000x128xf32, #tpu.memory_space<hbm>> -> memref<10000x128xf32, #tpu.memory_space<hbm>>
    tpu.wait_indirect_dma semaphore(%arg17 : memref<!tpu.dma_semaphore, #tpu.memory_space<semaphore_mem>>) src(%dma_wait3A_30 : memref<10000x128xf32, #tpu.memory_space<hbm>>) dst(%arg15 : memref<80x128xf32, #tpu.memory_space<vmem>>)
    %mul3A_31 = arith.constant 320 : i32
    %mul3A_32 = arith.muli %add3A, %mul3A_31 : i32
    %add3A_33 = arith.constant 80 : i32
    %add3A_34 = arith.addi %mul3A_32, %add3A_33 : i32
    "tpu.region"() ({
      %run_scoped3A = tpu.sem_alloc : memref<!tpu.dma_semaphore, #tpu.memory_space<semaphore_mem>>
      %dma_start3A_86 = arith.constant 0 : i32
      %dma_start3A_87 = tpu.memref_slice %arg8[%add3A_34, %dma_start3A_86] : memref<10240x128xf32, #tpu.memory_space<hbm>> -> memref<80x128xf32, #tpu.memory_space<hbm>>
      %dma_start3A_88 = arith.constant 0 : i32
      %dma_start3A_89 = tpu.memref_slice %arg8[%add3A_34, %dma_start3A_88] : memref<10240x128xf32, #tpu.memory_space<hbm>> -> memref<80x128xf32, #tpu.memory_space<hbm>>
      tpu.enqueue_dma source(%arg15 : memref<80x128xf32, #tpu.memory_space<vmem>>) target(%dma_start3A_89 : memref<80x128xf32, #tpu.memory_space<hbm>>) target_semaphore(%run_scoped3A : memref<!tpu.dma_semaphore, #tpu.memory_space<semaphore_mem>>)
      %dma_wait3A_90 = arith.constant 0 : i32
      %dma_wait3A_91 = tpu.memref_slice %arg8[%add3A_34, %dma_wait3A_90] : memref<10240x128xf32, #tpu.memory_space<hbm>> -> memref<80x128xf32, #tpu.memory_space<hbm>>
      %dma_wait3A_92 = arith.constant 0 : i32
      %dma_wait3A_93 = tpu.memref_slice %arg8[%add3A_34, %dma_wait3A_92] : memref<10240x128xf32, #tpu.memory_space<hbm>> -> memref<80x128xf32, #tpu.memory_space<hbm>>
      tpu.wait_dma2 semaphore(%run_scoped3A : memref<!tpu.dma_semaphore, #tpu.memory_space<semaphore_mem>>) src(%arg15 : memref<80x128xf32, #tpu.memory_space<vmem>>) dst(%dma_wait3A_93 : memref<80x128xf32, #tpu.memory_space<hbm>>)
      tpu.yield
    }) : () -> ()
    %dma_start3A_35 = arith.constant 160 : i32
    %dma_start3A_36 = tpu.memref_slice %arg12[%dma_start3A_35] : memref<320xi32, #tpu.memory_space<vmem>> -> memref<80xi32, #tpu.memory_space<vmem>>
    %dma_start3A_37 = arith.constant 0 : i32
    %dma_start3A_38 = arith.constant 0 : i32
    %dma_start3A_39 = tpu.memref_slice %arg2[%dma_start3A_37, %dma_start3A_38] : memref<10000x128xf32, #tpu.memory_space<hbm>> -> memref<10000x128xf32, #tpu.memory_space<hbm>>
    tpu.enqueue_indirect_dma source(%dma_start3A_39 : memref<10000x128xf32, #tpu.memory_space<hbm>>) target(%arg15 : memref<80x128xf32, #tpu.memory_space<vmem>>) offsets(%dma_start3A_36 : memref<80xi32, #tpu.memory_space<vmem>>) semaphore(%arg17 : memref<!tpu.dma_semaphore, #tpu.memory_space<semaphore_mem>>)
    %dma_wait3A_40 = arith.constant 160 : i32
    %dma_wait3A_41 = tpu.memref_slice %arg12[%dma_wait3A_40] : memref<320xi32, #tpu.memory_space<vmem>> -> memref<80xi32, #tpu.memory_space<vmem>>
    %dma_wait3A_42 = arith.constant 0 : i32
    %dma_wait3A_43 = arith.constant 0 : i32
    %dma_wait3A_44 = tpu.memref_slice %arg2[%dma_wait3A_42, %dma_wait3A_43] : memref<10000x128xf32, #tpu.memory_space<hbm>> -> memref<10000x128xf32, #tpu.memory_space<hbm>>
    tpu.wait_indirect_dma semaphore(%arg17 : memref<!tpu.dma_semaphore, #tpu.memory_space<semaphore_mem>>) src(%dma_wait3A_44 : memref<10000x128xf32, #tpu.memory_space<hbm>>) dst(%arg15 : memref<80x128xf32, #tpu.memory_space<vmem>>)
    %mul3A_45 = arith.constant 320 : i32
    %mul3A_46 = arith.muli %add3A, %mul3A_45 : i32
    %add3A_47 = arith.constant 160 : i32
    %add3A_48 = arith.addi %mul3A_46, %add3A_47 : i32
    "tpu.region"() ({
      %run_scoped3A = tpu.sem_alloc : memref<!tpu.dma_semaphore, #tpu.memory_space<semaphore_mem>>
      %dma_start3A_86 = arith.constant 0 : i32
      %dma_start3A_87 = tpu.memref_slice %arg8[%add3A_48, %dma_start3A_86] : memref<10240x128xf32, #tpu.memory_space<hbm>> -> memref<80x128xf32, #tpu.memory_space<hbm>>
      %dma_start3A_88 = arith.constant 0 : i32
      %dma_start3A_89 = tpu.memref_slice %arg8[%add3A_48, %dma_start3A_88] : memref<10240x128xf32, #tpu.memory_space<hbm>> -> memref<80x128xf32, #tpu.memory_space<hbm>>
      tpu.enqueue_dma source(%arg15 : memref<80x128xf32, #tpu.memory_space<vmem>>) target(%dma_start3A_89 : memref<80x128xf32, #tpu.memory_space<hbm>>) target_semaphore(%run_scoped3A : memref<!tpu.dma_semaphore, #tpu.memory_space<semaphore_mem>>)
      %dma_wait3A_90 = arith.constant 0 : i32
      %dma_wait3A_91 = tpu.memref_slice %arg8[%add3A_48, %dma_wait3A_90] : memref<10240x128xf32, #tpu.memory_space<hbm>> -> memref<80x128xf32, #tpu.memory_space<hbm>>
      %dma_wait3A_92 = arith.constant 0 : i32
      %dma_wait3A_93 = tpu.memref_slice %arg8[%add3A_48, %dma_wait3A_92] : memref<10240x128xf32, #tpu.memory_space<hbm>> -> memref<80x128xf32, #tpu.memory_space<hbm>>
      tpu.wait_dma2 semaphore(%run_scoped3A : memref<!tpu.dma_semaphore, #tpu.memory_space<semaphore_mem>>) src(%arg15 : memref<80x128xf32, #tpu.memory_space<vmem>>) dst(%dma_wait3A_93 : memref<80x128xf32, #tpu.memory_space<hbm>>)
      tpu.yield
    }) : () -> ()
    %dma_start3A_49 = arith.constant 240 : i32
    %dma_start3A_50 = tpu.memref_slice %arg12[%dma_start3A_49] : memref<320xi32, #tpu.memory_space<vmem>> -> memref<80xi32, #tpu.memory_space<vmem>>
    %dma_start3A_51 = arith.constant 0 : i32
    %dma_start3A_52 = arith.constant 0 : i32
    %dma_start3A_53 = tpu.memref_slice %arg2[%dma_start3A_51, %dma_start3A_52] : memref<10000x128xf32, #tpu.memory_space<hbm>> -> memref<10000x128xf32, #tpu.memory_space<hbm>>
    tpu.enqueue_indirect_dma source(%dma_start3A_53 : memref<10000x128xf32, #tpu.memory_space<hbm>>) target(%arg15 : memref<80x128xf32, #tpu.memory_space<vmem>>) offsets(%dma_start3A_50 : memref<80xi32, #tpu.memory_space<vmem>>) semaphore(%arg17 : memref<!tpu.dma_semaphore, #tpu.memory_space<semaphore_mem>>)
    %dma_wait3A_54 = arith.constant 240 : i32
    %dma_wait3A_55 = tpu.memref_slice %arg12[%dma_wait3A_54] : memref<320xi32, #tpu.memory_space<vmem>> -> memref<80xi32, #tpu.memory_space<vmem>>
    %dma_wait3A_56 = arith.constant 0 : i32
    %dma_wait3A_57 = arith.constant 0 : i32
    %dma_wait3A_58 = tpu.memref_slice %arg2[%dma_wait3A_56, %dma_wait3A_57] : memref<10000x128xf32, #tpu.memory_space<hbm>> -> memref<10000x128xf32, #tpu.memory_space<hbm>>
    tpu.wait_indirect_dma semaphore(%arg17 : memref<!tpu.dma_semaphore, #tpu.memory_space<semaphore_mem>>) src(%dma_wait3A_58 : memref<10000x128xf32, #tpu.memory_space<hbm>>) dst(%arg15 : memref<80x128xf32, #tpu.memory_space<vmem>>)
    %mul3A_59 = arith.constant 320 : i32
    %mul3A_60 = arith.muli %add3A, %mul3A_59 : i32
    %add3A_61 = arith.constant 240 : i32
    %add3A_62 = arith.addi %mul3A_60, %add3A_61 : i32
    "tpu.region"() ({
      %run_scoped3A = tpu.sem_alloc : memref<!tpu.dma_semaphore, #tpu.memory_space<semaphore_mem>>
      %dma_start3A_86 = arith.constant 0 : i32
      %dma_start3A_87 = tpu.memref_slice %arg8[%add3A_62, %dma_start3A_86] : memref<10240x128xf32, #tpu.memory_space<hbm>> -> memref<80x128xf32, #tpu.memory_space<hbm>>
      %dma_start3A_88 = arith.constant 0 : i32
      %dma_start3A_89 = tpu.memref_slice %arg8[%add3A_62, %dma_start3A_88] : memref<10240x128xf32, #tpu.memory_space<hbm>> -> memref<80x128xf32, #tpu.memory_space<hbm>>
      tpu.enqueue_dma source(%arg15 : memref<80x128xf32, #tpu.memory_space<vmem>>) target(%dma_start3A_89 : memref<80x128xf32, #tpu.memory_space<hbm>>) target_semaphore(%run_scoped3A : memref<!tpu.dma_semaphore, #tpu.memory_space<semaphore_mem>>)
      %dma_wait3A_90 = arith.constant 0 : i32
      %dma_wait3A_91 = tpu.memref_slice %arg8[%add3A_62, %dma_wait3A_90] : memref<10240x128xf32, #tpu.memory_space<hbm>> -> memref<80x128xf32, #tpu.memory_space<hbm>>
      %dma_wait3A_92 = arith.constant 0 : i32
      %dma_wait3A_93 = tpu.memref_slice %arg8[%add3A_62, %dma_wait3A_92] : memref<10240x128xf32, #tpu.memory_space<hbm>> -> memref<80x128xf32, #tpu.memory_space<hbm>>
      tpu.wait_dma2 semaphore(%run_scoped3A : memref<!tpu.dma_semaphore, #tpu.memory_space<semaphore_mem>>) src(%arg15 : memref<80x128xf32, #tpu.memory_space<vmem>>) dst(%dma_wait3A_93 : memref<80x128xf32, #tpu.memory_space<hbm>>)
      tpu.yield
    }) : () -> ()
    %barrier3A = arith.constant 0 : index
    tpu.barrier barrier_id(%barrier3A)
    %scan3A = arith.constant 0 : i32
    %scan3A_63 = arith.constant 10 : i32
    %scan3A_64 = arith.addi %scan3A, %scan3A_63 : i32
    %scan3A_65 = arith.constant 1 : i32
    scf.for %scan3A_86 = %scan3A to %scan3A_64 step %scan3A_65  : i32 {
      %mul3A_87 = arith.constant 8 : i32
      %mul3A_88 = arith.muli %scan3A_86, %mul3A_87 : i32
      %add3A_89 = arith.constant 0 : i32
      %add3A_90 = arith.addi %mul3A_88, %add3A_89 : i32
      %dma_start3A_91 = arith.constant 0 : i32
      %dma_start3A_92 = tpu.memref_slice %arg13[%add3A_90, %dma_start3A_91] : memref<80x128xi32, #tpu.memory_space<vmem>> -> memref<1x128xi32, #tpu.memory_space<vmem>>
      %dma_start3A_93 = tpu.memref_squeeze %dma_start3A_92 : memref<1x128xi32, #tpu.memory_space<vmem>> -> memref<128xi32, #tpu.memory_space<vmem>>
      %dma_start3A_94 = arith.constant 0 : i32
      %dma_start3A_95 = arith.constant 0 : i32
      %dma_start3A_96 = tpu.memref_slice %arg11[%dma_start3A_94, %dma_start3A_95] : memref<10112x128xf32, #tpu.memory_space<vmem_shared>> -> memref<10112x128xf32, #tpu.memory_space<vmem_shared>>
      tpu.enqueue_indirect_dma source(%arg16 : memref<128x128xf32, #tpu.memory_space<vmem>>) target(%dma_start3A_96 : memref<10112x128xf32, #tpu.memory_space<vmem_shared>>) offsets(%dma_start3A_93 : memref<128xi32, #tpu.memory_space<vmem>>) semaphore(%arg17 : memref<!tpu.dma_semaphore, #tpu.memory_space<semaphore_mem>>) {add = true}
      %mul3A_97 = arith.constant 8 : i32
      %mul3A_98 = arith.muli %scan3A_86, %mul3A_97 : i32
      %add3A_99 = arith.constant 1 : i32
      %add3A_100 = arith.addi %mul3A_98, %add3A_99 : i32
      %dma_start3A_101 = arith.constant 0 : i32
      %dma_start3A_102 = tpu.memref_slice %arg13[%add3A_100, %dma_start3A_101] : memref<80x128xi32, #tpu.memory_space<vmem>> -> memref<1x128xi32, #tpu.memory_space<vmem>>
      %dma_start3A_103 = tpu.memref_squeeze %dma_start3A_102 : memref<1x128xi32, #tpu.memory_space<vmem>> -> memref<128xi32, #tpu.memory_space<vmem>>
      %dma_start3A_104 = arith.constant 0 : i32
      %dma_start3A_105 = arith.constant 0 : i32
      %dma_start3A_106 = tpu.memref_slice %arg11[%dma_start3A_104, %dma_start3A_105] : memref<10112x128xf32, #tpu.memory_space<vmem_shared>> -> memref<10112x128xf32, #tpu.memory_space<vmem_shared>>
      tpu.enqueue_indirect_dma source(%arg16 : memref<128x128xf32, #tpu.memory_space<vmem>>) target(%dma_start3A_106 : memref<10112x128xf32, #tpu.memory_space<vmem_shared>>) offsets(%dma_start3A_103 : memref<128xi32, #tpu.memory_space<vmem>>) semaphore(%arg17 : memref<!tpu.dma_semaphore, #tpu.memory_space<semaphore_mem>>) {add = true}
      %mul3A_107 = arith.constant 8 : i32
      %mul3A_108 = arith.muli %scan3A_86, %mul3A_107 : i32
      %add3A_109 = arith.constant 2 : i32
      %add3A_110 = arith.addi %mul3A_108, %add3A_109 : i32
      %dma_start3A_111 = arith.constant 0 : i32
      %dma_start3A_112 = tpu.memref_slice %arg13[%add3A_110, %dma_start3A_111] : memref<80x128xi32, #tpu.memory_space<vmem>> -> memref<1x128xi32, #tpu.memory_space<vmem>>
      %dma_start3A_113 = tpu.memref_squeeze %dma_start3A_112 : memref<1x128xi32, #tpu.memory_space<vmem>> -> memref<128xi32, #tpu.memory_space<vmem>>
      %dma_start3A_114 = arith.constant 0 : i32
      %dma_start3A_115 = arith.constant 0 : i32
      %dma_start3A_116 = tpu.memref_slice %arg11[%dma_start3A_114, %dma_start3A_115] : memref<10112x128xf32, #tpu.memory_space<vmem_shared>> -> memref<10112x128xf32, #tpu.memory_space<vmem_shared>>
      tpu.enqueue_indirect_dma source(%arg16 : memref<128x128xf32, #tpu.memory_space<vmem>>) target(%dma_start3A_116 : memref<10112x128xf32, #tpu.memory_space<vmem_shared>>) offsets(%dma_start3A_113 : memref<128xi32, #tpu.memory_space<vmem>>) semaphore(%arg17 : memref<!tpu.dma_semaphore, #tpu.memory_space<semaphore_mem>>) {add = true}
      %mul3A_117 = arith.constant 8 : i32
      %mul3A_118 = arith.muli %scan3A_86, %mul3A_117 : i32
      %add3A_119 = arith.constant 3 : i32
      %add3A_120 = arith.addi %mul3A_118, %add3A_119 : i32
      %dma_start3A_121 = arith.constant 0 : i32
      %dma_start3A_122 = tpu.memref_slice %arg13[%add3A_120, %dma_start3A_121] : memref<80x128xi32, #tpu.memory_space<vmem>> -> memref<1x128xi32, #tpu.memory_space<vmem>>
      %dma_start3A_123 = tpu.memref_squeeze %dma_start3A_122 : memref<1x128xi32, #tpu.memory_space<vmem>> -> memref<128xi32, #tpu.memory_space<vmem>>
      %dma_start3A_124 = arith.constant 0 : i32
      %dma_start3A_125 = arith.constant 0 : i32
      %dma_start3A_126 = tpu.memref_slice %arg11[%dma_start3A_124, %dma_start3A_125] : memref<10112x128xf32, #tpu.memory_space<vmem_shared>> -> memref<10112x128xf32, #tpu.memory_space<vmem_shared>>
      tpu.enqueue_indirect_dma source(%arg16 : memref<128x128xf32, #tpu.memory_space<vmem>>) target(%dma_start3A_126 : memref<10112x128xf32, #tpu.memory_space<vmem_shared>>) offsets(%dma_start3A_123 : memref<128xi32, #tpu.memory_space<vmem>>) semaphore(%arg17 : memref<!tpu.dma_semaphore, #tpu.memory_space<semaphore_mem>>) {add = true}
      %mul3A_127 = arith.constant 8 : i32
      %mul3A_128 = arith.muli %scan3A_86, %mul3A_127 : i32
      %add3A_129 = arith.constant 4 : i32
      %add3A_130 = arith.addi %mul3A_128, %add3A_129 : i32
      %dma_start3A_131 = arith.constant 0 : i32
      %dma_start3A_132 = tpu.memref_slice %arg13[%add3A_130, %dma_start3A_131] : memref<80x128xi32, #tpu.memory_space<vmem>> -> memref<1x128xi32, #tpu.memory_space<vmem>>
      %dma_start3A_133 = tpu.memref_squeeze %dma_start3A_132 : memref<1x128xi32, #tpu.memory_space<vmem>> -> memref<128xi32, #tpu.memory_space<vmem>>
      %dma_start3A_134 = arith.constant 0 : i32
      %dma_start3A_135 = arith.constant 0 : i32
      %dma_start3A_136 = tpu.memref_slice %arg11[%dma_start3A_134, %dma_start3A_135] : memref<10112x128xf32, #tpu.memory_space<vmem_shared>> -> memref<10112x128xf32, #tpu.memory_space<vmem_shared>>
      tpu.enqueue_indirect_dma source(%arg16 : memref<128x128xf32, #tpu.memory_space<vmem>>) target(%dma_start3A_136 : memref<10112x128xf32, #tpu.memory_space<vmem_shared>>) offsets(%dma_start3A_133 : memref<128xi32, #tpu.memory_space<vmem>>) semaphore(%arg17 : memref<!tpu.dma_semaphore, #tpu.memory_space<semaphore_mem>>) {add = true}
      %mul3A_137 = arith.constant 8 : i32
      %mul3A_138 = arith.muli %scan3A_86, %mul3A_137 : i32
      %add3A_139 = arith.constant 5 : i32
      %add3A_140 = arith.addi %mul3A_138, %add3A_139 : i32
      %dma_start3A_141 = arith.constant 0 : i32
      %dma_start3A_142 = tpu.memref_slice %arg13[%add3A_140, %dma_start3A_141] : memref<80x128xi32, #tpu.memory_space<vmem>> -> memref<1x128xi32, #tpu.memory_space<vmem>>
      %dma_start3A_143 = tpu.memref_squeeze %dma_start3A_142 : memref<1x128xi32, #tpu.memory_space<vmem>> -> memref<128xi32, #tpu.memory_space<vmem>>
      %dma_start3A_144 = arith.constant 0 : i32
      %dma_start3A_145 = arith.constant 0 : i32
      %dma_start3A_146 = tpu.memref_slice %arg11[%dma_start3A_144, %dma_start3A_145] : memref<10112x128xf32, #tpu.memory_space<vmem_shared>> -> memref<10112x128xf32, #tpu.memory_space<vmem_shared>>
      tpu.enqueue_indirect_dma source(%arg16 : memref<128x128xf32, #tpu.memory_space<vmem>>) target(%dma_start3A_146 : memref<10112x128xf32, #tpu.memory_space<vmem_shared>>) offsets(%dma_start3A_143 : memref<128xi32, #tpu.memory_space<vmem>>) semaphore(%arg17 : memref<!tpu.dma_semaphore, #tpu.memory_space<semaphore_mem>>) {add = true}
      %mul3A_147 = arith.constant 8 : i32
      %mul3A_148 = arith.muli %scan3A_86, %mul3A_147 : i32
      %add3A_149 = arith.constant 6 : i32
      %add3A_150 = arith.addi %mul3A_148, %add3A_149 : i32
      %dma_start3A_151 = arith.constant 0 : i32
      %dma_start3A_152 = tpu.memref_slice %arg13[%add3A_150, %dma_start3A_151] : memref<80x128xi32, #tpu.memory_space<vmem>> -> memref<1x128xi32, #tpu.memory_space<vmem>>
      %dma_start3A_153 = tpu.memref_squeeze %dma_start3A_152 : memref<1x128xi32, #tpu.memory_space<vmem>> -> memref<128xi32, #tpu.memory_space<vmem>>
      %dma_start3A_154 = arith.constant 0 : i32
      %dma_start3A_155 = arith.constant 0 : i32
      %dma_start3A_156 = tpu.memref_slice %arg11[%dma_start3A_154, %dma_start3A_155] : memref<10112x128xf32, #tpu.memory_space<vmem_shared>> -> memref<10112x128xf32, #tpu.memory_space<vmem_shared>>
      tpu.enqueue_indirect_dma source(%arg16 : memref<128x128xf32, #tpu.memory_space<vmem>>) target(%dma_start3A_156 : memref<10112x128xf32, #tpu.memory_space<vmem_shared>>) offsets(%dma_start3A_153 : memref<128xi32, #tpu.memory_space<vmem>>) semaphore(%arg17 : memref<!tpu.dma_semaphore, #tpu.memory_space<semaphore_mem>>) {add = true}
      %mul3A_157 = arith.constant 8 : i32
      %mul3A_158 = arith.muli %scan3A_86, %mul3A_157 : i32
      %add3A_159 = arith.constant 7 : i32
      %add3A_160 = arith.addi %mul3A_158, %add3A_159 : i32
      %dma_start3A_161 = arith.constant 0 : i32
      %dma_start3A_162 = tpu.memref_slice %arg13[%add3A_160, %dma_start3A_161] : memref<80x128xi32, #tpu.memory_space<vmem>> -> memref<1x128xi32, #tpu.memory_space<vmem>>
      %dma_start3A_163 = tpu.memref_squeeze %dma_start3A_162 : memref<1x128xi32, #tpu.memory_space<vmem>> -> memref<128xi32, #tpu.memory_space<vmem>>
      %dma_start3A_164 = arith.constant 0 : i32
      %dma_start3A_165 = arith.constant 0 : i32
      %dma_start3A_166 = tpu.memref_slice %arg11[%dma_start3A_164, %dma_start3A_165] : memref<10112x128xf32, #tpu.memory_space<vmem_shared>> -> memref<10112x128xf32, #tpu.memory_space<vmem_shared>>
      tpu.enqueue_indirect_dma source(%arg16 : memref<128x128xf32, #tpu.memory_space<vmem>>) target(%dma_start3A_166 : memref<10112x128xf32, #tpu.memory_space<vmem_shared>>) offsets(%dma_start3A_163 : memref<128xi32, #tpu.memory_space<vmem>>) semaphore(%arg17 : memref<!tpu.dma_semaphore, #tpu.memory_space<semaphore_mem>>) {add = true}
      %mul3A_167 = arith.constant 8 : i32
      %mul3A_168 = arith.muli %scan3A_86, %mul3A_167 : i32
      %add3A_169 = arith.constant 0 : i32
      %add3A_170 = arith.addi %mul3A_168, %add3A_169 : i32
      %dma_wait3A_171 = arith.constant 0 : i32
      %dma_wait3A_172 = tpu.memref_slice %arg13[%add3A_170, %dma_wait3A_171] : memref<80x128xi32, #tpu.memory_space<vmem>> -> memref<1x128xi32, #tpu.memory_space<vmem>>
      %dma_wait3A_173 = tpu.memref_squeeze %dma_wait3A_172 : memref<1x128xi32, #tpu.memory_space<vmem>> -> memref<128xi32, #tpu.memory_space<vmem>>
      %dma_wait3A_174 = arith.constant 0 : i32
      %dma_wait3A_175 = arith.constant 0 : i32
      %dma_wait3A_176 = tpu.memref_slice %arg11[%dma_wait3A_174, %dma_wait3A_175] : memref<10112x128xf32, #tpu.memory_space<vmem_shared>> -> memref<10112x128xf32, #tpu.memory_space<vmem_shared>>
      tpu.wait_indirect_dma semaphore(%arg17 : memref<!tpu.dma_semaphore, #tpu.memory_space<semaphore_mem>>) src(%arg16 : memref<128x128xf32, #tpu.memory_space<vmem>>) dst(%dma_wait3A_176 : memref<10112x128xf32, #tpu.memory_space<vmem_shared>>)
      %mul3A_177 = arith.constant 8 : i32
      %mul3A_178 = arith.muli %scan3A_86, %mul3A_177 : i32
      %add3A_179 = arith.constant 1 : i32
      %add3A_180 = arith.addi %mul3A_178, %add3A_179 : i32
      %dma_wait3A_181 = arith.constant 0 : i32
      %dma_wait3A_182 = tpu.memref_slice %arg13[%add3A_180, %dma_wait3A_181] : memref<80x128xi32, #tpu.memory_space<vmem>> -> memref<1x128xi32, #tpu.memory_space<vmem>>
      %dma_wait3A_183 = tpu.memref_squeeze %dma_wait3A_182 : memref<1x128xi32, #tpu.memory_space<vmem>> -> memref<128xi32, #tpu.memory_space<vmem>>
      %dma_wait3A_184 = arith.constant 0 : i32
      %dma_wait3A_185 = arith.constant 0 : i32
      %dma_wait3A_186 = tpu.memref_slice %arg11[%dma_wait3A_184, %dma_wait3A_185] : memref<10112x128xf32, #tpu.memory_space<vmem_shared>> -> memref<10112x128xf32, #tpu.memory_space<vmem_shared>>
      tpu.wait_indirect_dma semaphore(%arg17 : memref<!tpu.dma_semaphore, #tpu.memory_space<semaphore_mem>>) src(%arg16 : memref<128x128xf32, #tpu.memory_space<vmem>>) dst(%dma_wait3A_186 : memref<10112x128xf32, #tpu.memory_space<vmem_shared>>)
      %mul3A_187 = arith.constant 8 : i32
      %mul3A_188 = arith.muli %scan3A_86, %mul3A_187 : i32
      %add3A_189 = arith.constant 2 : i32
      %add3A_190 = arith.addi %mul3A_188, %add3A_189 : i32
      %dma_wait3A_191 = arith.constant 0 : i32
      %dma_wait3A_192 = tpu.memref_slice %arg13[%add3A_190, %dma_wait3A_191] : memref<80x128xi32, #tpu.memory_space<vmem>> -> memref<1x128xi32, #tpu.memory_space<vmem>>
      %dma_wait3A_193 = tpu.memref_squeeze %dma_wait3A_192 : memref<1x128xi32, #tpu.memory_space<vmem>> -> memref<128xi32, #tpu.memory_space<vmem>>
      %dma_wait3A_194 = arith.constant 0 : i32
      %dma_wait3A_195 = arith.constant 0 : i32
      %dma_wait3A_196 = tpu.memref_slice %arg11[%dma_wait3A_194, %dma_wait3A_195] : memref<10112x128xf32, #tpu.memory_space<vmem_shared>> -> memref<10112x128xf32, #tpu.memory_space<vmem_shared>>
      tpu.wait_indirect_dma semaphore(%arg17 : memref<!tpu.dma_semaphore, #tpu.memory_space<semaphore_mem>>) src(%arg16 : memref<128x128xf32, #tpu.memory_space<vmem>>) dst(%dma_wait3A_196 : memref<10112x128xf32, #tpu.memory_space<vmem_shared>>)
      %mul3A_197 = arith.constant 8 : i32
      %mul3A_198 = arith.muli %scan3A_86, %mul3A_197 : i32
      %add3A_199 = arith.constant 3 : i32
      %add3A_200 = arith.addi %mul3A_198, %add3A_199 : i32
      %dma_wait3A_201 = arith.constant 0 : i32
      %dma_wait3A_202 = tpu.memref_slice %arg13[%add3A_200, %dma_wait3A_201] : memref<80x128xi32, #tpu.memory_space<vmem>> -> memref<1x128xi32, #tpu.memory_space<vmem>>
      %dma_wait3A_203 = tpu.memref_squeeze %dma_wait3A_202 : memref<1x128xi32, #tpu.memory_space<vmem>> -> memref<128xi32, #tpu.memory_space<vmem>>
      %dma_wait3A_204 = arith.constant 0 : i32
      %dma_wait3A_205 = arith.constant 0 : i32
      %dma_wait3A_206 = tpu.memref_slice %arg11[%dma_wait3A_204, %dma_wait3A_205] : memref<10112x128xf32, #tpu.memory_space<vmem_shared>> -> memref<10112x128xf32, #tpu.memory_space<vmem_shared>>
      tpu.wait_indirect_dma semaphore(%arg17 : memref<!tpu.dma_semaphore, #tpu.memory_space<semaphore_mem>>) src(%arg16 : memref<128x128xf32, #tpu.memory_space<vmem>>) dst(%dma_wait3A_206 : memref<10112x128xf32, #tpu.memory_space<vmem_shared>>)
      %mul3A_207 = arith.constant 8 : i32
      %mul3A_208 = arith.muli %scan3A_86, %mul3A_207 : i32
      %add3A_209 = arith.constant 4 : i32
      %add3A_210 = arith.addi %mul3A_208, %add3A_209 : i32
      %dma_wait3A_211 = arith.constant 0 : i32
      %dma_wait3A_212 = tpu.memref_slice %arg13[%add3A_210, %dma_wait3A_211] : memref<80x128xi32, #tpu.memory_space<vmem>> -> memref<1x128xi32, #tpu.memory_space<vmem>>
      %dma_wait3A_213 = tpu.memref_squeeze %dma_wait3A_212 : memref<1x128xi32, #tpu.memory_space<vmem>> -> memref<128xi32, #tpu.memory_space<vmem>>
      %dma_wait3A_214 = arith.constant 0 : i32
      %dma_wait3A_215 = arith.constant 0 : i32
      %dma_wait3A_216 = tpu.memref_slice %arg11[%dma_wait3A_214, %dma_wait3A_215] : memref<10112x128xf32, #tpu.memory_space<vmem_shared>> -> memref<10112x128xf32, #tpu.memory_space<vmem_shared>>
      tpu.wait_indirect_dma semaphore(%arg17 : memref<!tpu.dma_semaphore, #tpu.memory_space<semaphore_mem>>) src(%arg16 : memref<128x128xf32, #tpu.memory_space<vmem>>) dst(%dma_wait3A_216 : memref<10112x128xf32, #tpu.memory_space<vmem_shared>>)
      %mul3A_217 = arith.constant 8 : i32
      %mul3A_218 = arith.muli %scan3A_86, %mul3A_217 : i32
      %add3A_219 = arith.constant 5 : i32
      %add3A_220 = arith.addi %mul3A_218, %add3A_219 : i32
      %dma_wait3A_221 = arith.constant 0 : i32
      %dma_wait3A_222 = tpu.memref_slice %arg13[%add3A_220, %dma_wait3A_221] : memref<80x128xi32, #tpu.memory_space<vmem>> -> memref<1x128xi32, #tpu.memory_space<vmem>>
      %dma_wait3A_223 = tpu.memref_squeeze %dma_wait3A_222 : memref<1x128xi32, #tpu.memory_space<vmem>> -> memref<128xi32, #tpu.memory_space<vmem>>
      %dma_wait3A_224 = arith.constant 0 : i32
      %dma_wait3A_225 = arith.constant 0 : i32
      %dma_wait3A_226 = tpu.memref_slice %arg11[%dma_wait3A_224, %dma_wait3A_225] : memref<10112x128xf32, #tpu.memory_space<vmem_shared>> -> memref<10112x128xf32, #tpu.memory_space<vmem_shared>>
      tpu.wait_indirect_dma semaphore(%arg17 : memref<!tpu.dma_semaphore, #tpu.memory_space<semaphore_mem>>) src(%arg16 : memref<128x128xf32, #tpu.memory_space<vmem>>) dst(%dma_wait3A_226 : memref<10112x128xf32, #tpu.memory_space<vmem_shared>>)
      %mul3A_227 = arith.constant 8 : i32
      %mul3A_228 = arith.muli %scan3A_86, %mul3A_227 : i32
      %add3A_229 = arith.constant 6 : i32
      %add3A_230 = arith.addi %mul3A_228, %add3A_229 : i32
      %dma_wait3A_231 = arith.constant 0 : i32
      %dma_wait3A_232 = tpu.memref_slice %arg13[%add3A_230, %dma_wait3A_231] : memref<80x128xi32, #tpu.memory_space<vmem>> -> memref<1x128xi32, #tpu.memory_space<vmem>>
      %dma_wait3A_233 = tpu.memref_squeeze %dma_wait3A_232 : memref<1x128xi32, #tpu.memory_space<vmem>> -> memref<128xi32, #tpu.memory_space<vmem>>
      %dma_wait3A_234 = arith.constant 0 : i32
      %dma_wait3A_235 = arith.constant 0 : i32
      %dma_wait3A_236 = tpu.memref_slice %arg11[%dma_wait3A_234, %dma_wait3A_235] : memref<10112x128xf32, #tpu.memory_space<vmem_shared>> -> memref<10112x128xf32, #tpu.memory_space<vmem_shared>>
      tpu.wait_indirect_dma semaphore(%arg17 : memref<!tpu.dma_semaphore, #tpu.memory_space<semaphore_mem>>) src(%arg16 : memref<128x128xf32, #tpu.memory_space<vmem>>) dst(%dma_wait3A_236 : memref<10112x128xf32, #tpu.memory_space<vmem_shared>>)
      %mul3A_237 = arith.constant 8 : i32
      %mul3A_238 = arith.muli %scan3A_86, %mul3A_237 : i32
      %add3A_239 = arith.constant 7 : i32
      %add3A_240 = arith.addi %mul3A_238, %add3A_239 : i32
      %dma_wait3A_241 = arith.constant 0 : i32
      %dma_wait3A_242 = tpu.memref_slice %arg13[%add3A_240, %dma_wait3A_241] : memref<80x128xi32, #tpu.memory_space<vmem>> -> memref<1x128xi32, #tpu.memory_space<vmem>>
      %dma_wait3A_243 = tpu.memref_squeeze %dma_wait3A_242 : memref<1x128xi32, #tpu.memory_space<vmem>> -> memref<128xi32, #tpu.memory_space<vmem>>
      %dma_wait3A_244 = arith.constant 0 : i32
      %dma_wait3A_245 = arith.constant 0 : i32
      %dma_wait3A_246 = tpu.memref_slice %arg11[%dma_wait3A_244, %dma_wait3A_245] : memref<10112x128xf32, #tpu.memory_space<vmem_shared>> -> memref<10112x128xf32, #tpu.memory_space<vmem_shared>>
      tpu.wait_indirect_dma semaphore(%arg17 : memref<!tpu.dma_semaphore, #tpu.memory_space<semaphore_mem>>) src(%arg16 : memref<128x128xf32, #tpu.memory_space<vmem>>) dst(%dma_wait3A_246 : memref<10112x128xf32, #tpu.memory_space<vmem_shared>>)
    }
    %scan3A_66 = arith.constant 10 : i32
    %barrier3A_67 = arith.constant 0 : index
    tpu.barrier barrier_id(%barrier3A_67)
    %mul3A_68 = arith.constant 632 : i32
    %mul3A_69 = arith.muli %arg1, %mul3A_68 : i32
    %mul3A_70 = arith.constant 632 : i32
    %mul3A_71 = arith.muli %arg1, %mul3A_70 : i32
    "tpu.region"() ({
      %run_scoped3A = tpu.sem_alloc : memref<!tpu.dma_semaphore, #tpu.memory_space<semaphore_mem>>
      %dma_start3A_86 = arith.constant 0 : i32
      %dma_start3A_87 = tpu.memref_slice %arg9[%arg0, %mul3A_71, %dma_start3A_86] : memref<2x10112x128xf32, #tpu.memory_space<hbm>> -> memref<1x632x128xf32, #tpu.memory_space<hbm>>
      %dma_start3A_88 = tpu.memref_squeeze %dma_start3A_87 : memref<1x632x128xf32, #tpu.memory_space<hbm>> -> memref<632x128xf32, #tpu.memory_space<hbm>>
      %dma_start3A_89 = arith.constant 0 : i32
      %dma_start3A_90 = tpu.memref_slice %arg11[%mul3A_69, %dma_start3A_89] : memref<10112x128xf32, #tpu.memory_space<vmem_shared>> -> memref<632x128xf32, #tpu.memory_space<vmem_shared>>
      tpu.enqueue_dma source(%dma_start3A_90 : memref<632x128xf32, #tpu.memory_space<vmem_shared>>) target(%dma_start3A_88 : memref<632x128xf32, #tpu.memory_space<hbm>>) target_semaphore(%run_scoped3A : memref<!tpu.dma_semaphore, #tpu.memory_space<semaphore_mem>>)
      %dma_wait3A_91 = arith.constant 0 : i32
      %dma_wait3A_92 = tpu.memref_slice %arg9[%arg0, %mul3A_71, %dma_wait3A_91] : memref<2x10112x128xf32, #tpu.memory_space<hbm>> -> memref<1x632x128xf32, #tpu.memory_space<hbm>>
      %dma_wait3A_93 = tpu.memref_squeeze %dma_wait3A_92 : memref<1x632x128xf32, #tpu.memory_space<hbm>> -> memref<632x128xf32, #tpu.memory_space<hbm>>
      %dma_wait3A_94 = arith.constant 0 : i32
      %dma_wait3A_95 = tpu.memref_slice %arg11[%mul3A_69, %dma_wait3A_94] : memref<10112x128xf32, #tpu.memory_space<vmem_shared>> -> memref<632x128xf32, #tpu.memory_space<vmem_shared>>
      tpu.wait_dma2 semaphore(%run_scoped3A : memref<!tpu.dma_semaphore, #tpu.memory_space<semaphore_mem>>) src(%dma_wait3A_95 : memref<632x128xf32, #tpu.memory_space<vmem_shared>>) dst(%dma_wait3A_93 : memref<632x128xf32, #tpu.memory_space<hbm>>)
      tpu.yield
    }) : () -> ()
    %barrier3A_72 = arith.constant 0 : index
    tpu.barrier barrier_id(%barrier3A_72)
    %mul3A_73 = arith.constant 264 : i32
    %mul3A_74 = arith.muli %arg1, %mul3A_73 : i32
    "tpu.region"() ({
      %run_scoped3A = tpu.sem_alloc : memref<!tpu.dma_semaphore, #tpu.memory_space<semaphore_mem>>
      %dma_start3A_86 = arith.constant 0 : i32
      %dma_start3A_87 = tpu.memref_slice %arg11[%mul3A_74, %dma_start3A_86] : memref<10112x128xf32, #tpu.memory_space<vmem_shared>> -> memref<264x128xf32, #tpu.memory_space<vmem_shared>>
      %dma_start3A_88 = arith.constant 0 : i32
      %dma_start3A_89 = arith.constant 0 : i32
      %dma_start3A_90 = tpu.memref_slice %arg7[%dma_start3A_88, %dma_start3A_89] : memref<632x128xf32, #tpu.memory_space<hbm>> -> memref<264x128xf32, #tpu.memory_space<hbm>>
      tpu.enqueue_dma source(%dma_start3A_90 : memref<264x128xf32, #tpu.memory_space<hbm>>) target(%dma_start3A_87 : memref<264x128xf32, #tpu.memory_space<vmem_shared>>) target_semaphore(%run_scoped3A : memref<!tpu.dma_semaphore, #tpu.memory_space<semaphore_mem>>)
      %dma_wait3A_91 = arith.constant 0 : i32
      %dma_wait3A_92 = tpu.memref_slice %arg11[%mul3A_74, %dma_wait3A_91] : memref<10112x128xf32, #tpu.memory_space<vmem_shared>> -> memref<264x128xf32, #tpu.memory_space<vmem_shared>>
      %dma_wait3A_93 = arith.constant 0 : i32
      %dma_wait3A_94 = arith.constant 0 : i32
      %dma_wait3A_95 = tpu.memref_slice %arg7[%dma_wait3A_93, %dma_wait3A_94] : memref<632x128xf32, #tpu.memory_space<hbm>> -> memref<264x128xf32, #tpu.memory_space<hbm>>
      tpu.wait_dma2 semaphore(%run_scoped3A : memref<!tpu.dma_semaphore, #tpu.memory_space<semaphore_mem>>) src(%dma_wait3A_95 : memref<264x128xf32, #tpu.memory_space<hbm>>) dst(%dma_wait3A_92 : memref<264x128xf32, #tpu.memory_space<vmem_shared>>)
      tpu.yield
    }) : () -> ()
    %barrier3A_75 = arith.constant 0 : index
    tpu.barrier barrier_id(%barrier3A_75)
    %scan3A_76 = arith.constant 0 : i32
    %scan3A_77 = arith.constant 3 : i32
    %scan3A_78 = arith.addi %scan3A_76, %scan3A_77 : i32
    %scan3A_79 = arith.constant 1 : i32
    scf.for %scan3A_86 = %scan3A_76 to %scan3A_78 step %scan3A_79  : i32 {
      %mul3A_87 = arith.constant 8 : i32
      %mul3A_88 = arith.muli %scan3A_86, %mul3A_87 : i32
      %add3A_89 = arith.constant 0 : i32
      %add3A_90 = arith.addi %mul3A_88, %add3A_89 : i32
      %dma_start3A_91 = arith.constant 0 : i32
      %dma_start3A_92 = tpu.memref_slice %arg14[%add3A_90, %dma_start3A_91] : memref<24x128xi32, #tpu.memory_space<vmem>> -> memref<1x128xi32, #tpu.memory_space<vmem>>
      %dma_start3A_93 = tpu.memref_squeeze %dma_start3A_92 : memref<1x128xi32, #tpu.memory_space<vmem>> -> memref<128xi32, #tpu.memory_space<vmem>>
      %dma_start3A_94 = arith.constant 0 : i32
      %dma_start3A_95 = arith.constant 0 : i32
      %dma_start3A_96 = tpu.memref_slice %arg11[%dma_start3A_94, %dma_start3A_95] : memref<10112x128xf32, #tpu.memory_space<vmem_shared>> -> memref<10112x128xf32, #tpu.memory_space<vmem_shared>>
      tpu.enqueue_indirect_dma source(%arg16 : memref<128x128xf32, #tpu.memory_space<vmem>>) target(%dma_start3A_96 : memref<10112x128xf32, #tpu.memory_space<vmem_shared>>) offsets(%dma_start3A_93 : memref<128xi32, #tpu.memory_space<vmem>>) semaphore(%arg17 : memref<!tpu.dma_semaphore, #tpu.memory_space<semaphore_mem>>) {add = true}
      %mul3A_97 = arith.constant 8 : i32
      %mul3A_98 = arith.muli %scan3A_86, %mul3A_97 : i32
      %add3A_99 = arith.constant 1 : i32
      %add3A_100 = arith.addi %mul3A_98, %add3A_99 : i32
      %dma_start3A_101 = arith.constant 0 : i32
      %dma_start3A_102 = tpu.memref_slice %arg14[%add3A_100, %dma_start3A_101] : memref<24x128xi32, #tpu.memory_space<vmem>> -> memref<1x128xi32, #tpu.memory_space<vmem>>
      %dma_start3A_103 = tpu.memref_squeeze %dma_start3A_102 : memref<1x128xi32, #tpu.memory_space<vmem>> -> memref<128xi32, #tpu.memory_space<vmem>>
      %dma_start3A_104 = arith.constant 0 : i32
      %dma_start3A_105 = arith.constant 0 : i32
      %dma_start3A_106 = tpu.memref_slice %arg11[%dma_start3A_104, %dma_start3A_105] : memref<10112x128xf32, #tpu.memory_space<vmem_shared>> -> memref<10112x128xf32, #tpu.memory_space<vmem_shared>>
      tpu.enqueue_indirect_dma source(%arg16 : memref<128x128xf32, #tpu.memory_space<vmem>>) target(%dma_start3A_106 : memref<10112x128xf32, #tpu.memory_space<vmem_shared>>) offsets(%dma_start3A_103 : memref<128xi32, #tpu.memory_space<vmem>>) semaphore(%arg17 : memref<!tpu.dma_semaphore, #tpu.memory_space<semaphore_mem>>) {add = true}
      %mul3A_107 = arith.constant 8 : i32
      %mul3A_108 = arith.muli %scan3A_86, %mul3A_107 : i32
      %add3A_109 = arith.constant 2 : i32
      %add3A_110 = arith.addi %mul3A_108, %add3A_109 : i32
      %dma_start3A_111 = arith.constant 0 : i32
      %dma_start3A_112 = tpu.memref_slice %arg14[%add3A_110, %dma_start3A_111] : memref<24x128xi32, #tpu.memory_space<vmem>> -> memref<1x128xi32, #tpu.memory_space<vmem>>
      %dma_start3A_113 = tpu.memref_squeeze %dma_start3A_112 : memref<1x128xi32, #tpu.memory_space<vmem>> -> memref<128xi32, #tpu.memory_space<vmem>>
      %dma_start3A_114 = arith.constant 0 : i32
      %dma_start3A_115 = arith.constant 0 : i32
      %dma_start3A_116 = tpu.memref_slice %arg11[%dma_start3A_114, %dma_start3A_115] : memref<10112x128xf32, #tpu.memory_space<vmem_shared>> -> memref<10112x128xf32, #tpu.memory_space<vmem_shared>>
      tpu.enqueue_indirect_dma source(%arg16 : memref<128x128xf32, #tpu.memory_space<vmem>>) target(%dma_start3A_116 : memref<10112x128xf32, #tpu.memory_space<vmem_shared>>) offsets(%dma_start3A_113 : memref<128xi32, #tpu.memory_space<vmem>>) semaphore(%arg17 : memref<!tpu.dma_semaphore, #tpu.memory_space<semaphore_mem>>) {add = true}
      %mul3A_117 = arith.constant 8 : i32
      %mul3A_118 = arith.muli %scan3A_86, %mul3A_117 : i32
      %add3A_119 = arith.constant 3 : i32
      %add3A_120 = arith.addi %mul3A_118, %add3A_119 : i32
      %dma_start3A_121 = arith.constant 0 : i32
      %dma_start3A_122 = tpu.memref_slice %arg14[%add3A_120, %dma_start3A_121] : memref<24x128xi32, #tpu.memory_space<vmem>> -> memref<1x128xi32, #tpu.memory_space<vmem>>
      %dma_start3A_123 = tpu.memref_squeeze %dma_start3A_122 : memref<1x128xi32, #tpu.memory_space<vmem>> -> memref<128xi32, #tpu.memory_space<vmem>>
      %dma_start3A_124 = arith.constant 0 : i32
      %dma_start3A_125 = arith.constant 0 : i32
      %dma_start3A_126 = tpu.memref_slice %arg11[%dma_start3A_124, %dma_start3A_125] : memref<10112x128xf32, #tpu.memory_space<vmem_shared>> -> memref<10112x128xf32, #tpu.memory_space<vmem_shared>>
      tpu.enqueue_indirect_dma source(%arg16 : memref<128x128xf32, #tpu.memory_space<vmem>>) target(%dma_start3A_126 : memref<10112x128xf32, #tpu.memory_space<vmem_shared>>) offsets(%dma_start3A_123 : memref<128xi32, #tpu.memory_space<vmem>>) semaphore(%arg17 : memref<!tpu.dma_semaphore, #tpu.memory_space<semaphore_mem>>) {add = true}
      %mul3A_127 = arith.constant 8 : i32
      %mul3A_128 = arith.muli %scan3A_86, %mul3A_127 : i32
      %add3A_129 = arith.constant 4 : i32
      %add3A_130 = arith.addi %mul3A_128, %add3A_129 : i32
      %dma_start3A_131 = arith.constant 0 : i32
      %dma_start3A_132 = tpu.memref_slice %arg14[%add3A_130, %dma_start3A_131] : memref<24x128xi32, #tpu.memory_space<vmem>> -> memref<1x128xi32, #tpu.memory_space<vmem>>
      %dma_start3A_133 = tpu.memref_squeeze %dma_start3A_132 : memref<1x128xi32, #tpu.memory_space<vmem>> -> memref<128xi32, #tpu.memory_space<vmem>>
      %dma_start3A_134 = arith.constant 0 : i32
      %dma_start3A_135 = arith.constant 0 : i32
      %dma_start3A_136 = tpu.memref_slice %arg11[%dma_start3A_134, %dma_start3A_135] : memref<10112x128xf32, #tpu.memory_space<vmem_shared>> -> memref<10112x128xf32, #tpu.memory_space<vmem_shared>>
      tpu.enqueue_indirect_dma source(%arg16 : memref<128x128xf32, #tpu.memory_space<vmem>>) target(%dma_start3A_136 : memref<10112x128xf32, #tpu.memory_space<vmem_shared>>) offsets(%dma_start3A_133 : memref<128xi32, #tpu.memory_space<vmem>>) semaphore(%arg17 : memref<!tpu.dma_semaphore, #tpu.memory_space<semaphore_mem>>) {add = true}
      %mul3A_137 = arith.constant 8 : i32
      %mul3A_138 = arith.muli %scan3A_86, %mul3A_137 : i32
      %add3A_139 = arith.constant 5 : i32
      %add3A_140 = arith.addi %mul3A_138, %add3A_139 : i32
      %dma_start3A_141 = arith.constant 0 : i32
      %dma_start3A_142 = tpu.memref_slice %arg14[%add3A_140, %dma_start3A_141] : memref<24x128xi32, #tpu.memory_space<vmem>> -> memref<1x128xi32, #tpu.memory_space<vmem>>
      %dma_start3A_143 = tpu.memref_squeeze %dma_start3A_142 : memref<1x128xi32, #tpu.memory_space<vmem>> -> memref<128xi32, #tpu.memory_space<vmem>>
      %dma_start3A_144 = arith.constant 0 : i32
      %dma_start3A_145 = arith.constant 0 : i32
      %dma_start3A_146 = tpu.memref_slice %arg11[%dma_start3A_144, %dma_start3A_145] : memref<10112x128xf32, #tpu.memory_space<vmem_shared>> -> memref<10112x128xf32, #tpu.memory_space<vmem_shared>>
      tpu.enqueue_indirect_dma source(%arg16 : memref<128x128xf32, #tpu.memory_space<vmem>>) target(%dma_start3A_146 : memref<10112x128xf32, #tpu.memory_space<vmem_shared>>) offsets(%dma_start3A_143 : memref<128xi32, #tpu.memory_space<vmem>>) semaphore(%arg17 : memref<!tpu.dma_semaphore, #tpu.memory_space<semaphore_mem>>) {add = true}
      %mul3A_147 = arith.constant 8 : i32
      %mul3A_148 = arith.muli %scan3A_86, %mul3A_147 : i32
      %add3A_149 = arith.constant 6 : i32
      %add3A_150 = arith.addi %mul3A_148, %add3A_149 : i32
      %dma_start3A_151 = arith.constant 0 : i32
      %dma_start3A_152 = tpu.memref_slice %arg14[%add3A_150, %dma_start3A_151] : memref<24x128xi32, #tpu.memory_space<vmem>> -> memref<1x128xi32, #tpu.memory_space<vmem>>
      %dma_start3A_153 = tpu.memref_squeeze %dma_start3A_152 : memref<1x128xi32, #tpu.memory_space<vmem>> -> memref<128xi32, #tpu.memory_space<vmem>>
      %dma_start3A_154 = arith.constant 0 : i32
      %dma_start3A_155 = arith.constant 0 : i32
      %dma_start3A_156 = tpu.memref_slice %arg11[%dma_start3A_154, %dma_start3A_155] : memref<10112x128xf32, #tpu.memory_space<vmem_shared>> -> memref<10112x128xf32, #tpu.memory_space<vmem_shared>>
      tpu.enqueue_indirect_dma source(%arg16 : memref<128x128xf32, #tpu.memory_space<vmem>>) target(%dma_start3A_156 : memref<10112x128xf32, #tpu.memory_space<vmem_shared>>) offsets(%dma_start3A_153 : memref<128xi32, #tpu.memory_space<vmem>>) semaphore(%arg17 : memref<!tpu.dma_semaphore, #tpu.memory_space<semaphore_mem>>) {add = true}
      %mul3A_157 = arith.constant 8 : i32
      %mul3A_158 = arith.muli %scan3A_86, %mul3A_157 : i32
      %add3A_159 = arith.constant 7 : i32
      %add3A_160 = arith.addi %mul3A_158, %add3A_159 : i32
      %dma_start3A_161 = arith.constant 0 : i32
      %dma_start3A_162 = tpu.memref_slice %arg14[%add3A_160, %dma_start3A_161] : memref<24x128xi32, #tpu.memory_space<vmem>> -> memref<1x128xi32, #tpu.memory_space<vmem>>
      %dma_start3A_163 = tpu.memref_squeeze %dma_start3A_162 : memref<1x128xi32, #tpu.memory_space<vmem>> -> memref<128xi32, #tpu.memory_space<vmem>>
      %dma_start3A_164 = arith.constant 0 : i32
      %dma_start3A_165 = arith.constant 0 : i32
      %dma_start3A_166 = tpu.memref_slice %arg11[%dma_start3A_164, %dma_start3A_165] : memref<10112x128xf32, #tpu.memory_space<vmem_shared>> -> memref<10112x128xf32, #tpu.memory_space<vmem_shared>>
      tpu.enqueue_indirect_dma source(%arg16 : memref<128x128xf32, #tpu.memory_space<vmem>>) target(%dma_start3A_166 : memref<10112x128xf32, #tpu.memory_space<vmem_shared>>) offsets(%dma_start3A_163 : memref<128xi32, #tpu.memory_space<vmem>>) semaphore(%arg17 : memref<!tpu.dma_semaphore, #tpu.memory_space<semaphore_mem>>) {add = true}
      %mul3A_167 = arith.constant 8 : i32
      %mul3A_168 = arith.muli %scan3A_86, %mul3A_167 : i32
      %add3A_169 = arith.constant 0 : i32
      %add3A_170 = arith.addi %mul3A_168, %add3A_169 : i32
      %dma_wait3A_171 = arith.constant 0 : i32
      %dma_wait3A_172 = tpu.memref_slice %arg14[%add3A_170, %dma_wait3A_171] : memref<24x128xi32, #tpu.memory_space<vmem>> -> memref<1x128xi32, #tpu.memory_space<vmem>>
      %dma_wait3A_173 = tpu.memref_squeeze %dma_wait3A_172 : memref<1x128xi32, #tpu.memory_space<vmem>> -> memref<128xi32, #tpu.memory_space<vmem>>
      %dma_wait3A_174 = arith.constant 0 : i32
      %dma_wait3A_175 = arith.constant 0 : i32
      %dma_wait3A_176 = tpu.memref_slice %arg11[%dma_wait3A_174, %dma_wait3A_175] : memref<10112x128xf32, #tpu.memory_space<vmem_shared>> -> memref<10112x128xf32, #tpu.memory_space<vmem_shared>>
      tpu.wait_indirect_dma semaphore(%arg17 : memref<!tpu.dma_semaphore, #tpu.memory_space<semaphore_mem>>) src(%arg16 : memref<128x128xf32, #tpu.memory_space<vmem>>) dst(%dma_wait3A_176 : memref<10112x128xf32, #tpu.memory_space<vmem_shared>>)
      %mul3A_177 = arith.constant 8 : i32
      %mul3A_178 = arith.muli %scan3A_86, %mul3A_177 : i32
      %add3A_179 = arith.constant 1 : i32
      %add3A_180 = arith.addi %mul3A_178, %add3A_179 : i32
      %dma_wait3A_181 = arith.constant 0 : i32
      %dma_wait3A_182 = tpu.memref_slice %arg14[%add3A_180, %dma_wait3A_181] : memref<24x128xi32, #tpu.memory_space<vmem>> -> memref<1x128xi32, #tpu.memory_space<vmem>>
      %dma_wait3A_183 = tpu.memref_squeeze %dma_wait3A_182 : memref<1x128xi32, #tpu.memory_space<vmem>> -> memref<128xi32, #tpu.memory_space<vmem>>
      %dma_wait3A_184 = arith.constant 0 : i32
      %dma_wait3A_185 = arith.constant 0 : i32
      %dma_wait3A_186 = tpu.memref_slice %arg11[%dma_wait3A_184, %dma_wait3A_185] : memref<10112x128xf32, #tpu.memory_space<vmem_shared>> -> memref<10112x128xf32, #tpu.memory_space<vmem_shared>>
      tpu.wait_indirect_dma semaphore(%arg17 : memref<!tpu.dma_semaphore, #tpu.memory_space<semaphore_mem>>) src(%arg16 : memref<128x128xf32, #tpu.memory_space<vmem>>) dst(%dma_wait3A_186 : memref<10112x128xf32, #tpu.memory_space<vmem_shared>>)
      %mul3A_187 = arith.constant 8 : i32
      %mul3A_188 = arith.muli %scan3A_86, %mul3A_187 : i32
      %add3A_189 = arith.constant 2 : i32
      %add3A_190 = arith.addi %mul3A_188, %add3A_189 : i32
      %dma_wait3A_191 = arith.constant 0 : i32
      %dma_wait3A_192 = tpu.memref_slice %arg14[%add3A_190, %dma_wait3A_191] : memref<24x128xi32, #tpu.memory_space<vmem>> -> memref<1x128xi32, #tpu.memory_space<vmem>>
      %dma_wait3A_193 = tpu.memref_squeeze %dma_wait3A_192 : memref<1x128xi32, #tpu.memory_space<vmem>> -> memref<128xi32, #tpu.memory_space<vmem>>
      %dma_wait3A_194 = arith.constant 0 : i32
      %dma_wait3A_195 = arith.constant 0 : i32
      %dma_wait3A_196 = tpu.memref_slice %arg11[%dma_wait3A_194, %dma_wait3A_195] : memref<10112x128xf32, #tpu.memory_space<vmem_shared>> -> memref<10112x128xf32, #tpu.memory_space<vmem_shared>>
      tpu.wait_indirect_dma semaphore(%arg17 : memref<!tpu.dma_semaphore, #tpu.memory_space<semaphore_mem>>) src(%arg16 : memref<128x128xf32, #tpu.memory_space<vmem>>) dst(%dma_wait3A_196 : memref<10112x128xf32, #tpu.memory_space<vmem_shared>>)
      %mul3A_197 = arith.constant 8 : i32
      %mul3A_198 = arith.muli %scan3A_86, %mul3A_197 : i32
      %add3A_199 = arith.constant 3 : i32
      %add3A_200 = arith.addi %mul3A_198, %add3A_199 : i32
      %dma_wait3A_201 = arith.constant 0 : i32
      %dma_wait3A_202 = tpu.memref_slice %arg14[%add3A_200, %dma_wait3A_201] : memref<24x128xi32, #tpu.memory_space<vmem>> -> memref<1x128xi32, #tpu.memory_space<vmem>>
      %dma_wait3A_203 = tpu.memref_squeeze %dma_wait3A_202 : memref<1x128xi32, #tpu.memory_space<vmem>> -> memref<128xi32, #tpu.memory_space<vmem>>
      %dma_wait3A_204 = arith.constant 0 : i32
      %dma_wait3A_205 = arith.constant 0 : i32
      %dma_wait3A_206 = tpu.memref_slice %arg11[%dma_wait3A_204, %dma_wait3A_205] : memref<10112x128xf32, #tpu.memory_space<vmem_shared>> -> memref<10112x128xf32, #tpu.memory_space<vmem_shared>>
      tpu.wait_indirect_dma semaphore(%arg17 : memref<!tpu.dma_semaphore, #tpu.memory_space<semaphore_mem>>) src(%arg16 : memref<128x128xf32, #tpu.memory_space<vmem>>) dst(%dma_wait3A_206 : memref<10112x128xf32, #tpu.memory_space<vmem_shared>>)
      %mul3A_207 = arith.constant 8 : i32
      %mul3A_208 = arith.muli %scan3A_86, %mul3A_207 : i32
      %add3A_209 = arith.constant 4 : i32
      %add3A_210 = arith.addi %mul3A_208, %add3A_209 : i32
      %dma_wait3A_211 = arith.constant 0 : i32
      %dma_wait3A_212 = tpu.memref_slice %arg14[%add3A_210, %dma_wait3A_211] : memref<24x128xi32, #tpu.memory_space<vmem>> -> memref<1x128xi32, #tpu.memory_space<vmem>>
      %dma_wait3A_213 = tpu.memref_squeeze %dma_wait3A_212 : memref<1x128xi32, #tpu.memory_space<vmem>> -> memref<128xi32, #tpu.memory_space<vmem>>
      %dma_wait3A_214 = arith.constant 0 : i32
      %dma_wait3A_215 = arith.constant 0 : i32
      %dma_wait3A_216 = tpu.memref_slice %arg11[%dma_wait3A_214, %dma_wait3A_215] : memref<10112x128xf32, #tpu.memory_space<vmem_shared>> -> memref<10112x128xf32, #tpu.memory_space<vmem_shared>>
      tpu.wait_indirect_dma semaphore(%arg17 : memref<!tpu.dma_semaphore, #tpu.memory_space<semaphore_mem>>) src(%arg16 : memref<128x128xf32, #tpu.memory_space<vmem>>) dst(%dma_wait3A_216 : memref<10112x128xf32, #tpu.memory_space<vmem_shared>>)
      %mul3A_217 = arith.constant 8 : i32
      %mul3A_218 = arith.muli %scan3A_86, %mul3A_217 : i32
      %add3A_219 = arith.constant 5 : i32
      %add3A_220 = arith.addi %mul3A_218, %add3A_219 : i32
      %dma_wait3A_221 = arith.constant 0 : i32
      %dma_wait3A_222 = tpu.memref_slice %arg14[%add3A_220, %dma_wait3A_221] : memref<24x128xi32, #tpu.memory_space<vmem>> -> memref<1x128xi32, #tpu.memory_space<vmem>>
      %dma_wait3A_223 = tpu.memref_squeeze %dma_wait3A_222 : memref<1x128xi32, #tpu.memory_space<vmem>> -> memref<128xi32, #tpu.memory_space<vmem>>
      %dma_wait3A_224 = arith.constant 0 : i32
      %dma_wait3A_225 = arith.constant 0 : i32
      %dma_wait3A_226 = tpu.memref_slice %arg11[%dma_wait3A_224, %dma_wait3A_225] : memref<10112x128xf32, #tpu.memory_space<vmem_shared>> -> memref<10112x128xf32, #tpu.memory_space<vmem_shared>>
      tpu.wait_indirect_dma semaphore(%arg17 : memref<!tpu.dma_semaphore, #tpu.memory_space<semaphore_mem>>) src(%arg16 : memref<128x128xf32, #tpu.memory_space<vmem>>) dst(%dma_wait3A_226 : memref<10112x128xf32, #tpu.memory_space<vmem_shared>>)
      %mul3A_227 = arith.constant 8 : i32
      %mul3A_228 = arith.muli %scan3A_86, %mul3A_227 : i32
      %add3A_229 = arith.constant 6 : i32
      %add3A_230 = arith.addi %mul3A_228, %add3A_229 : i32
      %dma_wait3A_231 = arith.constant 0 : i32
      %dma_wait3A_232 = tpu.memref_slice %arg14[%add3A_230, %dma_wait3A_231] : memref<24x128xi32, #tpu.memory_space<vmem>> -> memref<1x128xi32, #tpu.memory_space<vmem>>
      %dma_wait3A_233 = tpu.memref_squeeze %dma_wait3A_232 : memref<1x128xi32, #tpu.memory_space<vmem>> -> memref<128xi32, #tpu.memory_space<vmem>>
      %dma_wait3A_234 = arith.constant 0 : i32
      %dma_wait3A_235 = arith.constant 0 : i32
      %dma_wait3A_236 = tpu.memref_slice %arg11[%dma_wait3A_234, %dma_wait3A_235] : memref<10112x128xf32, #tpu.memory_space<vmem_shared>> -> memref<10112x128xf32, #tpu.memory_space<vmem_shared>>
      tpu.wait_indirect_dma semaphore(%arg17 : memref<!tpu.dma_semaphore, #tpu.memory_space<semaphore_mem>>) src(%arg16 : memref<128x128xf32, #tpu.memory_space<vmem>>) dst(%dma_wait3A_236 : memref<10112x128xf32, #tpu.memory_space<vmem_shared>>)
      %mul3A_237 = arith.constant 8 : i32
      %mul3A_238 = arith.muli %scan3A_86, %mul3A_237 : i32
      %add3A_239 = arith.constant 7 : i32
      %add3A_240 = arith.addi %mul3A_238, %add3A_239 : i32
      %dma_wait3A_241 = arith.constant 0 : i32
      %dma_wait3A_242 = tpu.memref_slice %arg14[%add3A_240, %dma_wait3A_241] : memref<24x128xi32, #tpu.memory_space<vmem>> -> memref<1x128xi32, #tpu.memory_space<vmem>>
      %dma_wait3A_243 = tpu.memref_squeeze %dma_wait3A_242 : memref<1x128xi32, #tpu.memory_space<vmem>> -> memref<128xi32, #tpu.memory_space<vmem>>
      %dma_wait3A_244 = arith.constant 0 : i32
      %dma_wait3A_245 = arith.constant 0 : i32
      %dma_wait3A_246 = tpu.memref_slice %arg11[%dma_wait3A_244, %dma_wait3A_245] : memref<10112x128xf32, #tpu.memory_space<vmem_shared>> -> memref<10112x128xf32, #tpu.memory_space<vmem_shared>>
      tpu.wait_indirect_dma semaphore(%arg17 : memref<!tpu.dma_semaphore, #tpu.memory_space<semaphore_mem>>) src(%arg16 : memref<128x128xf32, #tpu.memory_space<vmem>>) dst(%dma_wait3A_246 : memref<10112x128xf32, #tpu.memory_space<vmem_shared>>)
    }
    %scan3A_80 = arith.constant 3 : i32
    %barrier3A_81 = arith.constant 0 : index
    tpu.barrier barrier_id(%barrier3A_81)
    %mul3A_82 = arith.constant 256 : i32
    %mul3A_83 = arith.muli %arg1, %mul3A_82 : i32
    %mul3A_84 = arith.constant 256 : i32
    %mul3A_85 = arith.muli %arg1, %mul3A_84 : i32
    "tpu.region"() ({
      %run_scoped3A = tpu.sem_alloc : memref<!tpu.dma_semaphore, #tpu.memory_space<semaphore_mem>>
      %dma_start3A_86 = arith.constant 0 : i32
      %dma_start3A_87 = tpu.memref_slice %arg10[%arg0, %mul3A_85, %dma_start3A_86] : memref<2x4096x128xf32, #tpu.memory_space<hbm>> -> memref<1x256x128xf32, #tpu.memory_space<hbm>>
      %dma_start3A_88 = tpu.memref_squeeze %dma_start3A_87 : memref<1x256x128xf32, #tpu.memory_space<hbm>> -> memref<256x128xf32, #tpu.memory_space<hbm>>
      %dma_start3A_89 = arith.constant 0 : i32
      %dma_start3A_90 = tpu.memref_slice %arg11[%mul3A_83, %dma_start3A_89] : memref<10112x128xf32, #tpu.memory_space<vmem_shared>> -> memref<256x128xf32, #tpu.memory_space<vmem_shared>>
      tpu.enqueue_dma source(%dma_start3A_90 : memref<256x128xf32, #tpu.memory_space<vmem_shared>>) target(%dma_start3A_88 : memref<256x128xf32, #tpu.memory_space<hbm>>) target_semaphore(%run_scoped3A : memref<!tpu.dma_semaphore, #tpu.memory_space<semaphore_mem>>)
      %dma_wait3A_91 = arith.constant 0 : i32
      %dma_wait3A_92 = tpu.memref_slice %arg10[%arg0, %mul3A_85, %dma_wait3A_91] : memref<2x4096x128xf32, #tpu.memory_space<hbm>> -> memref<1x256x128xf32, #tpu.memory_space<hbm>>
      %dma_wait3A_93 = tpu.memref_squeeze %dma_wait3A_92 : memref<1x256x128xf32, #tpu.memory_space<hbm>> -> memref<256x128xf32, #tpu.memory_space<hbm>>
      %dma_wait3A_94 = arith.constant 0 : i32
      %dma_wait3A_95 = tpu.memref_slice %arg11[%mul3A_83, %dma_wait3A_94] : memref<10112x128xf32, #tpu.memory_space<vmem_shared>> -> memref<256x128xf32, #tpu.memory_space<vmem_shared>>
      tpu.wait_dma2 semaphore(%run_scoped3A : memref<!tpu.dma_semaphore, #tpu.memory_space<semaphore_mem>>) src(%dma_wait3A_95 : memref<256x128xf32, #tpu.memory_space<vmem_shared>>) dst(%dma_wait3A_93 : memref<256x128xf32, #tpu.memory_space<hbm>>)
      tpu.yield
    }) : () -> ()
    return
  }
}

#map = affine_map<(d0, d1) -> (0, 0)>
#map1 = affine_map<(d0, d1) -> (0)>
#map2 = affine_map<(d0, d1) -> (0, 0, 0)>
module attributes {stable_mosaic.version = 14 : i64} {
  func.func @k(%arg0: i32, %arg1: i32, %arg2: memref<10000x128xf32, #tpu.memory_space<hbm>>, %arg3: memref<10000x128xf32, #tpu.memory_space<hbm>>, %arg4: memref<327680xi32, #tpu.memory_space<hbm>>, %arg5: memref<2560x128xi32, #tpu.memory_space<hbm>>, %arg6: memref<98304xi32, #tpu.memory_space<hbm>>, %arg7: memref<768x128xi32, #tpu.memory_space<hbm>>, %arg8: memref<632x128xf32, #tpu.memory_space<hbm>>, %arg9: memref<2x10112x128xf32, #tpu.memory_space<hbm>>, %arg10: memref<2x4096x128xf32, #tpu.memory_space<hbm>>, %arg11: memref<10112x128xf32, #tpu.memory_space<vmem_shared>>, %arg12: memref<5120xi32, #tpu.memory_space<vmem>>, %arg13: memref<40x128xi32, #tpu.memory_space<vmem>>, %arg14: memref<128x128xf32, #tpu.memory_space<vmem>>, %arg15: memref<128x128xf32, #tpu.memory_space<vmem>>, %arg16: memref<!tpu.dma_semaphore, #tpu.memory_space<semaphore_mem>>, %arg17: memref<!tpu.dma_semaphore, #tpu.memory_space<semaphore_mem>>, %arg18: memref<!tpu.dma_semaphore, #tpu.memory_space<semaphore_mem>>, %arg19: memref<!tpu.dma_semaphore, #tpu.memory_space<semaphore_mem>>) attributes {dimension_semantics = [#tpu.dimension_semantics<core_parallel>, #tpu.dimension_semantics<subcore_parallel>], iteration_bounds = array<i64: 2, 16>, scalar_prefetch = 0 : i64, scratch_operands = 9 : i64, tpu.core_type = #tpu.core_type<sc_vector_subcore>, window_params = [{transform_indices = #map}, {transform_indices = #map}, {transform_indices = #map1}, {transform_indices = #map}, {transform_indices = #map1}, {transform_indices = #map}, {transform_indices = #map}, {transform_indices = #map2}, {transform_indices = #map2}]} {
    %mul3A = arith.constant 2 : i32
    %mul3A_0 = arith.muli %arg1, %mul3A : i32
    %add3A = arith.addi %mul3A_0, %arg0 : i32
    %mul3A_1 = arith.constant 632 : i32
    %mul3A_2 = arith.muli %arg1, %mul3A_1 : i32
    "tpu.region"() ({
      %run_scoped3A = tpu.sem_alloc : memref<!tpu.dma_semaphore, #tpu.memory_space<semaphore_mem>>
      %dma_start3A_76 = arith.constant 0 : i32
      %dma_start3A_77 = tpu.memref_slice %arg11[%mul3A_2, %dma_start3A_76] : memref<10112x128xf32, #tpu.memory_space<vmem_shared>> -> memref<632x128xf32, #tpu.memory_space<vmem_shared>>
      tpu.enqueue_dma source(%arg8 : memref<632x128xf32, #tpu.memory_space<hbm>>) target(%dma_start3A_77 : memref<632x128xf32, #tpu.memory_space<vmem_shared>>) target_semaphore(%run_scoped3A : memref<!tpu.dma_semaphore, #tpu.memory_space<semaphore_mem>>)
      %dma_wait3A = arith.constant 0 : i32
      %dma_wait3A_78 = tpu.memref_slice %arg11[%mul3A_2, %dma_wait3A] : memref<10112x128xf32, #tpu.memory_space<vmem_shared>> -> memref<632x128xf32, #tpu.memory_space<vmem_shared>>
      tpu.wait_dma2 semaphore(%run_scoped3A : memref<!tpu.dma_semaphore, #tpu.memory_space<semaphore_mem>>) src(%arg8 : memref<632x128xf32, #tpu.memory_space<hbm>>) dst(%dma_wait3A_78 : memref<632x128xf32, #tpu.memory_space<vmem_shared>>)
      tpu.yield
    }) : () -> ()
    %mul3A_3 = arith.constant 10240 : i32
    %mul3A_4 = arith.muli %add3A, %mul3A_3 : i32
    %mul3A_5 = arith.constant 80 : i32
    %mul3A_6 = arith.muli %add3A, %mul3A_5 : i32
    "tpu.region"() ({
      %run_scoped3A = tpu.sem_alloc : memref<!tpu.dma_semaphore, #tpu.memory_space<semaphore_mem>>
      %dma_start3A_76 = arith.constant 0 : i32
      %dma_start3A_77 = tpu.memref_slice %arg12[%dma_start3A_76] : memref<5120xi32, #tpu.memory_space<vmem>> -> memref<5120xi32, #tpu.memory_space<vmem>>
      %dma_start3A_78 = tpu.memref_slice %arg4[%mul3A_4] : memref<327680xi32, #tpu.memory_space<hbm>> -> memref<5120xi32, #tpu.memory_space<hbm>>
      %dma_start3A_79 = arith.constant 0 : i32
      %dma_start3A_80 = tpu.memref_slice %arg12[%dma_start3A_79] : memref<5120xi32, #tpu.memory_space<vmem>> -> memref<5120xi32, #tpu.memory_space<vmem>>
      %dma_start3A_81 = tpu.memref_slice %arg4[%mul3A_4] : memref<327680xi32, #tpu.memory_space<hbm>> -> memref<5120xi32, #tpu.memory_space<hbm>>
      tpu.enqueue_dma source(%dma_start3A_81 : memref<5120xi32, #tpu.memory_space<hbm>>) target(%dma_start3A_80 : memref<5120xi32, #tpu.memory_space<vmem>>) target_semaphore(%run_scoped3A : memref<!tpu.dma_semaphore, #tpu.memory_space<semaphore_mem>>)
      %dma_wait3A = arith.constant 0 : i32
      %dma_wait3A_82 = tpu.memref_slice %arg12[%dma_wait3A] : memref<5120xi32, #tpu.memory_space<vmem>> -> memref<5120xi32, #tpu.memory_space<vmem>>
      %dma_wait3A_83 = tpu.memref_slice %arg4[%mul3A_4] : memref<327680xi32, #tpu.memory_space<hbm>> -> memref<5120xi32, #tpu.memory_space<hbm>>
      %dma_wait3A_84 = arith.constant 0 : i32
      %dma_wait3A_85 = tpu.memref_slice %arg12[%dma_wait3A_84] : memref<5120xi32, #tpu.memory_space<vmem>> -> memref<5120xi32, #tpu.memory_space<vmem>>
      %dma_wait3A_86 = tpu.memref_slice %arg4[%mul3A_4] : memref<327680xi32, #tpu.memory_space<hbm>> -> memref<5120xi32, #tpu.memory_space<hbm>>
      tpu.wait_dma2 semaphore(%run_scoped3A : memref<!tpu.dma_semaphore, #tpu.memory_space<semaphore_mem>>) src(%dma_wait3A_86 : memref<5120xi32, #tpu.memory_space<hbm>>) dst(%dma_wait3A_85 : memref<5120xi32, #tpu.memory_space<vmem>>)
      tpu.yield
    }) : () -> ()
    "tpu.region"() ({
      %run_scoped3A = tpu.sem_alloc : memref<!tpu.dma_semaphore, #tpu.memory_space<semaphore_mem>>
      %dma_start3A_76 = arith.constant 0 : i32
      %dma_start3A_77 = arith.constant 0 : i32
      %dma_start3A_78 = tpu.memref_slice %arg13[%dma_start3A_76, %dma_start3A_77] : memref<40x128xi32, #tpu.memory_space<vmem>> -> memref<40x128xi32, #tpu.memory_space<vmem>>
      %dma_start3A_79 = arith.constant 0 : i32
      %dma_start3A_80 = tpu.memref_slice %arg5[%mul3A_6, %dma_start3A_79] : memref<2560x128xi32, #tpu.memory_space<hbm>> -> memref<40x128xi32, #tpu.memory_space<hbm>>
      %dma_start3A_81 = arith.constant 0 : i32
      %dma_start3A_82 = arith.constant 0 : i32
      %dma_start3A_83 = tpu.memref_slice %arg13[%dma_start3A_81, %dma_start3A_82] : memref<40x128xi32, #tpu.memory_space<vmem>> -> memref<40x128xi32, #tpu.memory_space<vmem>>
      %dma_start3A_84 = arith.constant 0 : i32
      %dma_start3A_85 = tpu.memref_slice %arg5[%mul3A_6, %dma_start3A_84] : memref<2560x128xi32, #tpu.memory_space<hbm>> -> memref<40x128xi32, #tpu.memory_space<hbm>>
      tpu.enqueue_dma source(%dma_start3A_85 : memref<40x128xi32, #tpu.memory_space<hbm>>) target(%dma_start3A_83 : memref<40x128xi32, #tpu.memory_space<vmem>>) target_semaphore(%run_scoped3A : memref<!tpu.dma_semaphore, #tpu.memory_space<semaphore_mem>>)
      %dma_wait3A = arith.constant 0 : i32
      %dma_wait3A_86 = arith.constant 0 : i32
      %dma_wait3A_87 = tpu.memref_slice %arg13[%dma_wait3A, %dma_wait3A_86] : memref<40x128xi32, #tpu.memory_space<vmem>> -> memref<40x128xi32, #tpu.memory_space<vmem>>
      %dma_wait3A_88 = arith.constant 0 : i32
      %dma_wait3A_89 = tpu.memref_slice %arg5[%mul3A_6, %dma_wait3A_88] : memref<2560x128xi32, #tpu.memory_space<hbm>> -> memref<40x128xi32, #tpu.memory_space<hbm>>
      %dma_wait3A_90 = arith.constant 0 : i32
      %dma_wait3A_91 = arith.constant 0 : i32
      %dma_wait3A_92 = tpu.memref_slice %arg13[%dma_wait3A_90, %dma_wait3A_91] : memref<40x128xi32, #tpu.memory_space<vmem>> -> memref<40x128xi32, #tpu.memory_space<vmem>>
      %dma_wait3A_93 = arith.constant 0 : i32
      %dma_wait3A_94 = tpu.memref_slice %arg5[%mul3A_6, %dma_wait3A_93] : memref<2560x128xi32, #tpu.memory_space<hbm>> -> memref<40x128xi32, #tpu.memory_space<hbm>>
      tpu.wait_dma2 semaphore(%run_scoped3A : memref<!tpu.dma_semaphore, #tpu.memory_space<semaphore_mem>>) src(%dma_wait3A_94 : memref<40x128xi32, #tpu.memory_space<hbm>>) dst(%dma_wait3A_92 : memref<40x128xi32, #tpu.memory_space<vmem>>)
      tpu.yield
    }) : () -> ()
    %barrier3A = arith.constant 0 : index
    tpu.barrier barrier_id(%barrier3A)
    %dma_start3A = arith.constant 0 : i32
    %dma_start3A_7 = tpu.memref_slice %arg12[%dma_start3A] : memref<5120xi32, #tpu.memory_space<vmem>> -> memref<128xi32, #tpu.memory_space<vmem>>
    %dma_start3A_8 = arith.constant 0 : i32
    %dma_start3A_9 = arith.constant 0 : i32
    %dma_start3A_10 = tpu.memref_slice %arg2[%dma_start3A_8, %dma_start3A_9] : memref<10000x128xf32, #tpu.memory_space<hbm>> -> memref<10000x128xf32, #tpu.memory_space<hbm>>
    tpu.enqueue_indirect_dma source(%dma_start3A_10 : memref<10000x128xf32, #tpu.memory_space<hbm>>) target(%arg14 : memref<128x128xf32, #tpu.memory_space<vmem>>) offsets(%dma_start3A_7 : memref<128xi32, #tpu.memory_space<vmem>>) semaphore(%arg16 : memref<!tpu.dma_semaphore, #tpu.memory_space<semaphore_mem>>)
    %dma_start3A_11 = arith.constant 128 : i32
    %dma_start3A_12 = tpu.memref_slice %arg12[%dma_start3A_11] : memref<5120xi32, #tpu.memory_space<vmem>> -> memref<128xi32, #tpu.memory_space<vmem>>
    %dma_start3A_13 = arith.constant 0 : i32
    %dma_start3A_14 = arith.constant 0 : i32
    %dma_start3A_15 = tpu.memref_slice %arg2[%dma_start3A_13, %dma_start3A_14] : memref<10000x128xf32, #tpu.memory_space<hbm>> -> memref<10000x128xf32, #tpu.memory_space<hbm>>
    tpu.enqueue_indirect_dma source(%dma_start3A_15 : memref<10000x128xf32, #tpu.memory_space<hbm>>) target(%arg15 : memref<128x128xf32, #tpu.memory_space<vmem>>) offsets(%dma_start3A_12 : memref<128xi32, #tpu.memory_space<vmem>>) semaphore(%arg17 : memref<!tpu.dma_semaphore, #tpu.memory_space<semaphore_mem>>)
    %scan3A = arith.constant 0 : i32
    %scan3A_16 = arith.constant 20 : i32
    %scan3A_17 = arith.addi %scan3A, %scan3A_16 : i32
    %scan3A_18 = arith.constant 1 : i32
    scf.for %scan3A_76 = %scan3A to %scan3A_17 step %scan3A_18  : i32 {
      %mul3A_77 = arith.constant 2 : i32
      %mul3A_78 = arith.muli %scan3A_76, %mul3A_77 : i32
      %add3A_79 = arith.constant 0 : i32
      %add3A_80 = arith.addi %mul3A_78, %add3A_79 : i32
      %mul3A_81 = arith.constant 128 : i32
      %mul3A_82 = arith.muli %add3A_80, %mul3A_81 : i32
      %dma_wait3A = tpu.memref_slice %arg12[%mul3A_82] : memref<5120xi32, #tpu.memory_space<vmem>> -> memref<128xi32, #tpu.memory_space<vmem>>
      %dma_wait3A_83 = arith.constant 0 : i32
      %dma_wait3A_84 = arith.constant 0 : i32
      %dma_wait3A_85 = tpu.memref_slice %arg2[%dma_wait3A_83, %dma_wait3A_84] : memref<10000x128xf32, #tpu.memory_space<hbm>> -> memref<10000x128xf32, #tpu.memory_space<hbm>>
      tpu.wait_indirect_dma semaphore(%arg16 : memref<!tpu.dma_semaphore, #tpu.memory_space<semaphore_mem>>) src(%dma_wait3A_85 : memref<10000x128xf32, #tpu.memory_space<hbm>>) dst(%arg14 : memref<128x128xf32, #tpu.memory_space<vmem>>)
      "tpu.region"() ({
        %run_scoped3A = tpu.sem_alloc : memref<!tpu.dma_semaphore, #tpu.memory_space<semaphore_mem>>
        %dma_start3A_107 = arith.constant 0 : i32
        %dma_start3A_108 = tpu.memref_slice %arg13[%add3A_80, %dma_start3A_107] : memref<40x128xi32, #tpu.memory_space<vmem>> -> memref<1x128xi32, #tpu.memory_space<vmem>>
        %dma_start3A_109 = tpu.memref_squeeze %dma_start3A_108 : memref<1x128xi32, #tpu.memory_space<vmem>> -> memref<128xi32, #tpu.memory_space<vmem>>
        %dma_start3A_110 = arith.constant 0 : i32
        %dma_start3A_111 = arith.constant 0 : i32
        %dma_start3A_112 = tpu.memref_slice %arg11[%dma_start3A_110, %dma_start3A_111] : memref<10112x128xf32, #tpu.memory_space<vmem_shared>> -> memref<10112x128xf32, #tpu.memory_space<vmem_shared>>
        tpu.enqueue_indirect_dma source(%arg14 : memref<128x128xf32, #tpu.memory_space<vmem>>) target(%dma_start3A_112 : memref<10112x128xf32, #tpu.memory_space<vmem_shared>>) offsets(%dma_start3A_109 : memref<128xi32, #tpu.memory_space<vmem>>) semaphore(%run_scoped3A : memref<!tpu.dma_semaphore, #tpu.memory_space<semaphore_mem>>) {add = true}
        %dma_wait3A_113 = arith.constant 0 : i32
        %dma_wait3A_114 = tpu.memref_slice %arg13[%add3A_80, %dma_wait3A_113] : memref<40x128xi32, #tpu.memory_space<vmem>> -> memref<1x128xi32, #tpu.memory_space<vmem>>
        %dma_wait3A_115 = tpu.memref_squeeze %dma_wait3A_114 : memref<1x128xi32, #tpu.memory_space<vmem>> -> memref<128xi32, #tpu.memory_space<vmem>>
        %dma_wait3A_116 = arith.constant 0 : i32
        %dma_wait3A_117 = arith.constant 0 : i32
        %dma_wait3A_118 = tpu.memref_slice %arg11[%dma_wait3A_116, %dma_wait3A_117] : memref<10112x128xf32, #tpu.memory_space<vmem_shared>> -> memref<10112x128xf32, #tpu.memory_space<vmem_shared>>
        tpu.wait_indirect_dma semaphore(%run_scoped3A : memref<!tpu.dma_semaphore, #tpu.memory_space<semaphore_mem>>) src(%arg14 : memref<128x128xf32, #tpu.memory_space<vmem>>) dst(%dma_wait3A_118 : memref<10112x128xf32, #tpu.memory_space<vmem_shared>>)
        tpu.yield
      }) : () -> ()
      %add3A_86 = arith.constant 2 : i32
      %add3A_87 = arith.addi %add3A_80, %add3A_86 : i32
      %lt3A = arith.constant 40 : i32
      %lt3A_88 = arith.cmpi slt, %add3A_87, %lt3A : i32
      %convert_element_type3A = arith.extui %lt3A_88 : i1 to i32
      %cond3A = arith.constant 0 : i32
      %cond3A_89 = arith.cmpi ne, %convert_element_type3A, %cond3A : i32
      scf.if %cond3A_89 {
        %add3A_107 = arith.constant 2 : i32
        %add3A_108 = arith.addi %add3A_80, %add3A_107 : i32
        %mul3A_109 = arith.constant 128 : i32
        %mul3A_110 = arith.muli %add3A_108, %mul3A_109 : i32
        %dma_start3A_111 = tpu.memref_slice %arg12[%mul3A_110] : memref<5120xi32, #tpu.memory_space<vmem>> -> memref<128xi32, #tpu.memory_space<vmem>>
        %dma_start3A_112 = arith.constant 0 : i32
        %dma_start3A_113 = arith.constant 0 : i32
        %dma_start3A_114 = tpu.memref_slice %arg2[%dma_start3A_112, %dma_start3A_113] : memref<10000x128xf32, #tpu.memory_space<hbm>> -> memref<10000x128xf32, #tpu.memory_space<hbm>>
        tpu.enqueue_indirect_dma source(%dma_start3A_114 : memref<10000x128xf32, #tpu.memory_space<hbm>>) target(%arg14 : memref<128x128xf32, #tpu.memory_space<vmem>>) offsets(%dma_start3A_111 : memref<128xi32, #tpu.memory_space<vmem>>) semaphore(%arg16 : memref<!tpu.dma_semaphore, #tpu.memory_space<semaphore_mem>>)
      } else {
      }
      %mul3A_90 = arith.constant 2 : i32
      %mul3A_91 = arith.muli %scan3A_76, %mul3A_90 : i32
      %add3A_92 = arith.constant 1 : i32
      %add3A_93 = arith.addi %mul3A_91, %add3A_92 : i32
      %mul3A_94 = arith.constant 128 : i32
      %mul3A_95 = arith.muli %add3A_93, %mul3A_94 : i32
      %dma_wait3A_96 = tpu.memref_slice %arg12[%mul3A_95] : memref<5120xi32, #tpu.memory_space<vmem>> -> memref<128xi32, #tpu.memory_space<vmem>>
      %dma_wait3A_97 = arith.constant 0 : i32
      %dma_wait3A_98 = arith.constant 0 : i32
      %dma_wait3A_99 = tpu.memref_slice %arg2[%dma_wait3A_97, %dma_wait3A_98] : memref<10000x128xf32, #tpu.memory_space<hbm>> -> memref<10000x128xf32, #tpu.memory_space<hbm>>
      tpu.wait_indirect_dma semaphore(%arg17 : memref<!tpu.dma_semaphore, #tpu.memory_space<semaphore_mem>>) src(%dma_wait3A_99 : memref<10000x128xf32, #tpu.memory_space<hbm>>) dst(%arg15 : memref<128x128xf32, #tpu.memory_space<vmem>>)
      "tpu.region"() ({
        %run_scoped3A = tpu.sem_alloc : memref<!tpu.dma_semaphore, #tpu.memory_space<semaphore_mem>>
        %dma_start3A_107 = arith.constant 0 : i32
        %dma_start3A_108 = tpu.memref_slice %arg13[%add3A_93, %dma_start3A_107] : memref<40x128xi32, #tpu.memory_space<vmem>> -> memref<1x128xi32, #tpu.memory_space<vmem>>
        %dma_start3A_109 = tpu.memref_squeeze %dma_start3A_108 : memref<1x128xi32, #tpu.memory_space<vmem>> -> memref<128xi32, #tpu.memory_space<vmem>>
        %dma_start3A_110 = arith.constant 0 : i32
        %dma_start3A_111 = arith.constant 0 : i32
        %dma_start3A_112 = tpu.memref_slice %arg11[%dma_start3A_110, %dma_start3A_111] : memref<10112x128xf32, #tpu.memory_space<vmem_shared>> -> memref<10112x128xf32, #tpu.memory_space<vmem_shared>>
        tpu.enqueue_indirect_dma source(%arg15 : memref<128x128xf32, #tpu.memory_space<vmem>>) target(%dma_start3A_112 : memref<10112x128xf32, #tpu.memory_space<vmem_shared>>) offsets(%dma_start3A_109 : memref<128xi32, #tpu.memory_space<vmem>>) semaphore(%run_scoped3A : memref<!tpu.dma_semaphore, #tpu.memory_space<semaphore_mem>>) {add = true}
        %dma_wait3A_113 = arith.constant 0 : i32
        %dma_wait3A_114 = tpu.memref_slice %arg13[%add3A_93, %dma_wait3A_113] : memref<40x128xi32, #tpu.memory_space<vmem>> -> memref<1x128xi32, #tpu.memory_space<vmem>>
        %dma_wait3A_115 = tpu.memref_squeeze %dma_wait3A_114 : memref<1x128xi32, #tpu.memory_space<vmem>> -> memref<128xi32, #tpu.memory_space<vmem>>
        %dma_wait3A_116 = arith.constant 0 : i32
        %dma_wait3A_117 = arith.constant 0 : i32
        %dma_wait3A_118 = tpu.memref_slice %arg11[%dma_wait3A_116, %dma_wait3A_117] : memref<10112x128xf32, #tpu.memory_space<vmem_shared>> -> memref<10112x128xf32, #tpu.memory_space<vmem_shared>>
        tpu.wait_indirect_dma semaphore(%run_scoped3A : memref<!tpu.dma_semaphore, #tpu.memory_space<semaphore_mem>>) src(%arg15 : memref<128x128xf32, #tpu.memory_space<vmem>>) dst(%dma_wait3A_118 : memref<10112x128xf32, #tpu.memory_space<vmem_shared>>)
        tpu.yield
      }) : () -> ()
      %add3A_100 = arith.constant 2 : i32
      %add3A_101 = arith.addi %add3A_93, %add3A_100 : i32
      %lt3A_102 = arith.constant 40 : i32
      %lt3A_103 = arith.cmpi slt, %add3A_101, %lt3A_102 : i32
      %convert_element_type3A_104 = arith.extui %lt3A_103 : i1 to i32
      %cond3A_105 = arith.constant 0 : i32
      %cond3A_106 = arith.cmpi ne, %convert_element_type3A_104, %cond3A_105 : i32
      scf.if %cond3A_106 {
        %add3A_107 = arith.constant 2 : i32
        %add3A_108 = arith.addi %add3A_93, %add3A_107 : i32
        %mul3A_109 = arith.constant 128 : i32
        %mul3A_110 = arith.muli %add3A_108, %mul3A_109 : i32
        %dma_start3A_111 = tpu.memref_slice %arg12[%mul3A_110] : memref<5120xi32, #tpu.memory_space<vmem>> -> memref<128xi32, #tpu.memory_space<vmem>>
        %dma_start3A_112 = arith.constant 0 : i32
        %dma_start3A_113 = arith.constant 0 : i32
        %dma_start3A_114 = tpu.memref_slice %arg2[%dma_start3A_112, %dma_start3A_113] : memref<10000x128xf32, #tpu.memory_space<hbm>> -> memref<10000x128xf32, #tpu.memory_space<hbm>>
        tpu.enqueue_indirect_dma source(%dma_start3A_114 : memref<10000x128xf32, #tpu.memory_space<hbm>>) target(%arg15 : memref<128x128xf32, #tpu.memory_space<vmem>>) offsets(%dma_start3A_111 : memref<128xi32, #tpu.memory_space<vmem>>) semaphore(%arg17 : memref<!tpu.dma_semaphore, #tpu.memory_space<semaphore_mem>>)
      } else {
      }
    }
    %scan3A_19 = arith.constant 20 : i32
    %mul3A_20 = arith.constant 10240 : i32
    %mul3A_21 = arith.muli %add3A, %mul3A_20 : i32
    %add3A_22 = arith.constant 5120 : i32
    %add3A_23 = arith.addi %mul3A_21, %add3A_22 : i32
    %mul3A_24 = arith.constant 80 : i32
    %mul3A_25 = arith.muli %add3A, %mul3A_24 : i32
    %add3A_26 = arith.constant 40 : i32
    %add3A_27 = arith.addi %mul3A_25, %add3A_26 : i32
    "tpu.region"() ({
      %run_scoped3A = tpu.sem_alloc : memref<!tpu.dma_semaphore, #tpu.memory_space<semaphore_mem>>
      %dma_start3A_76 = arith.constant 0 : i32
      %dma_start3A_77 = tpu.memref_slice %arg12[%dma_start3A_76] : memref<5120xi32, #tpu.memory_space<vmem>> -> memref<5120xi32, #tpu.memory_space<vmem>>
      %dma_start3A_78 = tpu.memref_slice %arg4[%add3A_23] : memref<327680xi32, #tpu.memory_space<hbm>> -> memref<5120xi32, #tpu.memory_space<hbm>>
      %dma_start3A_79 = arith.constant 0 : i32
      %dma_start3A_80 = tpu.memref_slice %arg12[%dma_start3A_79] : memref<5120xi32, #tpu.memory_space<vmem>> -> memref<5120xi32, #tpu.memory_space<vmem>>
      %dma_start3A_81 = tpu.memref_slice %arg4[%add3A_23] : memref<327680xi32, #tpu.memory_space<hbm>> -> memref<5120xi32, #tpu.memory_space<hbm>>
      tpu.enqueue_dma source(%dma_start3A_81 : memref<5120xi32, #tpu.memory_space<hbm>>) target(%dma_start3A_80 : memref<5120xi32, #tpu.memory_space<vmem>>) target_semaphore(%run_scoped3A : memref<!tpu.dma_semaphore, #tpu.memory_space<semaphore_mem>>)
      %dma_wait3A = arith.constant 0 : i32
      %dma_wait3A_82 = tpu.memref_slice %arg12[%dma_wait3A] : memref<5120xi32, #tpu.memory_space<vmem>> -> memref<5120xi32, #tpu.memory_space<vmem>>
      %dma_wait3A_83 = tpu.memref_slice %arg4[%add3A_23] : memref<327680xi32, #tpu.memory_space<hbm>> -> memref<5120xi32, #tpu.memory_space<hbm>>
      %dma_wait3A_84 = arith.constant 0 : i32
      %dma_wait3A_85 = tpu.memref_slice %arg12[%dma_wait3A_84] : memref<5120xi32, #tpu.memory_space<vmem>> -> memref<5120xi32, #tpu.memory_space<vmem>>
      %dma_wait3A_86 = tpu.memref_slice %arg4[%add3A_23] : memref<327680xi32, #tpu.memory_space<hbm>> -> memref<5120xi32, #tpu.memory_space<hbm>>
      tpu.wait_dma2 semaphore(%run_scoped3A : memref<!tpu.dma_semaphore, #tpu.memory_space<semaphore_mem>>) src(%dma_wait3A_86 : memref<5120xi32, #tpu.memory_space<hbm>>) dst(%dma_wait3A_85 : memref<5120xi32, #tpu.memory_space<vmem>>)
      tpu.yield
    }) : () -> ()
    "tpu.region"() ({
      %run_scoped3A = tpu.sem_alloc : memref<!tpu.dma_semaphore, #tpu.memory_space<semaphore_mem>>
      %dma_start3A_76 = arith.constant 0 : i32
      %dma_start3A_77 = arith.constant 0 : i32
      %dma_start3A_78 = tpu.memref_slice %arg13[%dma_start3A_76, %dma_start3A_77] : memref<40x128xi32, #tpu.memory_space<vmem>> -> memref<40x128xi32, #tpu.memory_space<vmem>>
      %dma_start3A_79 = arith.constant 0 : i32
      %dma_start3A_80 = tpu.memref_slice %arg5[%add3A_27, %dma_start3A_79] : memref<2560x128xi32, #tpu.memory_space<hbm>> -> memref<40x128xi32, #tpu.memory_space<hbm>>
      %dma_start3A_81 = arith.constant 0 : i32
      %dma_start3A_82 = arith.constant 0 : i32
      %dma_start3A_83 = tpu.memref_slice %arg13[%dma_start3A_81, %dma_start3A_82] : memref<40x128xi32, #tpu.memory_space<vmem>> -> memref<40x128xi32, #tpu.memory_space<vmem>>
      %dma_start3A_84 = arith.constant 0 : i32
      %dma_start3A_85 = tpu.memref_slice %arg5[%add3A_27, %dma_start3A_84] : memref<2560x128xi32, #tpu.memory_space<hbm>> -> memref<40x128xi32, #tpu.memory_space<hbm>>
      tpu.enqueue_dma source(%dma_start3A_85 : memref<40x128xi32, #tpu.memory_space<hbm>>) target(%dma_start3A_83 : memref<40x128xi32, #tpu.memory_space<vmem>>) target_semaphore(%run_scoped3A : memref<!tpu.dma_semaphore, #tpu.memory_space<semaphore_mem>>)
      %dma_wait3A = arith.constant 0 : i32
      %dma_wait3A_86 = arith.constant 0 : i32
      %dma_wait3A_87 = tpu.memref_slice %arg13[%dma_wait3A, %dma_wait3A_86] : memref<40x128xi32, #tpu.memory_space<vmem>> -> memref<40x128xi32, #tpu.memory_space<vmem>>
      %dma_wait3A_88 = arith.constant 0 : i32
      %dma_wait3A_89 = tpu.memref_slice %arg5[%add3A_27, %dma_wait3A_88] : memref<2560x128xi32, #tpu.memory_space<hbm>> -> memref<40x128xi32, #tpu.memory_space<hbm>>
      %dma_wait3A_90 = arith.constant 0 : i32
      %dma_wait3A_91 = arith.constant 0 : i32
      %dma_wait3A_92 = tpu.memref_slice %arg13[%dma_wait3A_90, %dma_wait3A_91] : memref<40x128xi32, #tpu.memory_space<vmem>> -> memref<40x128xi32, #tpu.memory_space<vmem>>
      %dma_wait3A_93 = arith.constant 0 : i32
      %dma_wait3A_94 = tpu.memref_slice %arg5[%add3A_27, %dma_wait3A_93] : memref<2560x128xi32, #tpu.memory_space<hbm>> -> memref<40x128xi32, #tpu.memory_space<hbm>>
      tpu.wait_dma2 semaphore(%run_scoped3A : memref<!tpu.dma_semaphore, #tpu.memory_space<semaphore_mem>>) src(%dma_wait3A_94 : memref<40x128xi32, #tpu.memory_space<hbm>>) dst(%dma_wait3A_92 : memref<40x128xi32, #tpu.memory_space<vmem>>)
      tpu.yield
    }) : () -> ()
    %dma_start3A_28 = arith.constant 0 : i32
    %dma_start3A_29 = tpu.memref_slice %arg12[%dma_start3A_28] : memref<5120xi32, #tpu.memory_space<vmem>> -> memref<128xi32, #tpu.memory_space<vmem>>
    %dma_start3A_30 = arith.constant 0 : i32
    %dma_start3A_31 = arith.constant 0 : i32
    %dma_start3A_32 = tpu.memref_slice %arg2[%dma_start3A_30, %dma_start3A_31] : memref<10000x128xf32, #tpu.memory_space<hbm>> -> memref<10000x128xf32, #tpu.memory_space<hbm>>
    tpu.enqueue_indirect_dma source(%dma_start3A_32 : memref<10000x128xf32, #tpu.memory_space<hbm>>) target(%arg14 : memref<128x128xf32, #tpu.memory_space<vmem>>) offsets(%dma_start3A_29 : memref<128xi32, #tpu.memory_space<vmem>>) semaphore(%arg16 : memref<!tpu.dma_semaphore, #tpu.memory_space<semaphore_mem>>)
    %dma_start3A_33 = arith.constant 128 : i32
    %dma_start3A_34 = tpu.memref_slice %arg12[%dma_start3A_33] : memref<5120xi32, #tpu.memory_space<vmem>> -> memref<128xi32, #tpu.memory_space<vmem>>
    %dma_start3A_35 = arith.constant 0 : i32
    %dma_start3A_36 = arith.constant 0 : i32
    %dma_start3A_37 = tpu.memref_slice %arg2[%dma_start3A_35, %dma_start3A_36] : memref<10000x128xf32, #tpu.memory_space<hbm>> -> memref<10000x128xf32, #tpu.memory_space<hbm>>
    tpu.enqueue_indirect_dma source(%dma_start3A_37 : memref<10000x128xf32, #tpu.memory_space<hbm>>) target(%arg15 : memref<128x128xf32, #tpu.memory_space<vmem>>) offsets(%dma_start3A_34 : memref<128xi32, #tpu.memory_space<vmem>>) semaphore(%arg17 : memref<!tpu.dma_semaphore, #tpu.memory_space<semaphore_mem>>)
    %scan3A_38 = arith.constant 0 : i32
    %scan3A_39 = arith.constant 20 : i32
    %scan3A_40 = arith.addi %scan3A_38, %scan3A_39 : i32
    %scan3A_41 = arith.constant 1 : i32
    scf.for %scan3A_76 = %scan3A_38 to %scan3A_40 step %scan3A_41  : i32 {
      %mul3A_77 = arith.constant 2 : i32
      %mul3A_78 = arith.muli %scan3A_76, %mul3A_77 : i32
      %add3A_79 = arith.constant 0 : i32
      %add3A_80 = arith.addi %mul3A_78, %add3A_79 : i32
      %mul3A_81 = arith.constant 128 : i32
      %mul3A_82 = arith.muli %add3A_80, %mul3A_81 : i32
      %dma_wait3A = tpu.memref_slice %arg12[%mul3A_82] : memref<5120xi32, #tpu.memory_space<vmem>> -> memref<128xi32, #tpu.memory_space<vmem>>
      %dma_wait3A_83 = arith.constant 0 : i32
      %dma_wait3A_84 = arith.constant 0 : i32
      %dma_wait3A_85 = tpu.memref_slice %arg2[%dma_wait3A_83, %dma_wait3A_84] : memref<10000x128xf32, #tpu.memory_space<hbm>> -> memref<10000x128xf32, #tpu.memory_space<hbm>>
      tpu.wait_indirect_dma semaphore(%arg16 : memref<!tpu.dma_semaphore, #tpu.memory_space<semaphore_mem>>) src(%dma_wait3A_85 : memref<10000x128xf32, #tpu.memory_space<hbm>>) dst(%arg14 : memref<128x128xf32, #tpu.memory_space<vmem>>)
      "tpu.region"() ({
        %run_scoped3A = tpu.sem_alloc : memref<!tpu.dma_semaphore, #tpu.memory_space<semaphore_mem>>
        %dma_start3A_107 = arith.constant 0 : i32
        %dma_start3A_108 = tpu.memref_slice %arg13[%add3A_80, %dma_start3A_107] : memref<40x128xi32, #tpu.memory_space<vmem>> -> memref<1x128xi32, #tpu.memory_space<vmem>>
        %dma_start3A_109 = tpu.memref_squeeze %dma_start3A_108 : memref<1x128xi32, #tpu.memory_space<vmem>> -> memref<128xi32, #tpu.memory_space<vmem>>
        %dma_start3A_110 = arith.constant 0 : i32
        %dma_start3A_111 = arith.constant 0 : i32
        %dma_start3A_112 = tpu.memref_slice %arg11[%dma_start3A_110, %dma_start3A_111] : memref<10112x128xf32, #tpu.memory_space<vmem_shared>> -> memref<10112x128xf32, #tpu.memory_space<vmem_shared>>
        tpu.enqueue_indirect_dma source(%arg14 : memref<128x128xf32, #tpu.memory_space<vmem>>) target(%dma_start3A_112 : memref<10112x128xf32, #tpu.memory_space<vmem_shared>>) offsets(%dma_start3A_109 : memref<128xi32, #tpu.memory_space<vmem>>) semaphore(%run_scoped3A : memref<!tpu.dma_semaphore, #tpu.memory_space<semaphore_mem>>) {add = true}
        %dma_wait3A_113 = arith.constant 0 : i32
        %dma_wait3A_114 = tpu.memref_slice %arg13[%add3A_80, %dma_wait3A_113] : memref<40x128xi32, #tpu.memory_space<vmem>> -> memref<1x128xi32, #tpu.memory_space<vmem>>
        %dma_wait3A_115 = tpu.memref_squeeze %dma_wait3A_114 : memref<1x128xi32, #tpu.memory_space<vmem>> -> memref<128xi32, #tpu.memory_space<vmem>>
        %dma_wait3A_116 = arith.constant 0 : i32
        %dma_wait3A_117 = arith.constant 0 : i32
        %dma_wait3A_118 = tpu.memref_slice %arg11[%dma_wait3A_116, %dma_wait3A_117] : memref<10112x128xf32, #tpu.memory_space<vmem_shared>> -> memref<10112x128xf32, #tpu.memory_space<vmem_shared>>
        tpu.wait_indirect_dma semaphore(%run_scoped3A : memref<!tpu.dma_semaphore, #tpu.memory_space<semaphore_mem>>) src(%arg14 : memref<128x128xf32, #tpu.memory_space<vmem>>) dst(%dma_wait3A_118 : memref<10112x128xf32, #tpu.memory_space<vmem_shared>>)
        tpu.yield
      }) : () -> ()
      %add3A_86 = arith.constant 2 : i32
      %add3A_87 = arith.addi %add3A_80, %add3A_86 : i32
      %lt3A = arith.constant 40 : i32
      %lt3A_88 = arith.cmpi slt, %add3A_87, %lt3A : i32
      %convert_element_type3A = arith.extui %lt3A_88 : i1 to i32
      %cond3A = arith.constant 0 : i32
      %cond3A_89 = arith.cmpi ne, %convert_element_type3A, %cond3A : i32
      scf.if %cond3A_89 {
        %add3A_107 = arith.constant 2 : i32
        %add3A_108 = arith.addi %add3A_80, %add3A_107 : i32
        %mul3A_109 = arith.constant 128 : i32
        %mul3A_110 = arith.muli %add3A_108, %mul3A_109 : i32
        %dma_start3A_111 = tpu.memref_slice %arg12[%mul3A_110] : memref<5120xi32, #tpu.memory_space<vmem>> -> memref<128xi32, #tpu.memory_space<vmem>>
        %dma_start3A_112 = arith.constant 0 : i32
        %dma_start3A_113 = arith.constant 0 : i32
        %dma_start3A_114 = tpu.memref_slice %arg2[%dma_start3A_112, %dma_start3A_113] : memref<10000x128xf32, #tpu.memory_space<hbm>> -> memref<10000x128xf32, #tpu.memory_space<hbm>>
        tpu.enqueue_indirect_dma source(%dma_start3A_114 : memref<10000x128xf32, #tpu.memory_space<hbm>>) target(%arg14 : memref<128x128xf32, #tpu.memory_space<vmem>>) offsets(%dma_start3A_111 : memref<128xi32, #tpu.memory_space<vmem>>) semaphore(%arg16 : memref<!tpu.dma_semaphore, #tpu.memory_space<semaphore_mem>>)
      } else {
      }
      %mul3A_90 = arith.constant 2 : i32
      %mul3A_91 = arith.muli %scan3A_76, %mul3A_90 : i32
      %add3A_92 = arith.constant 1 : i32
      %add3A_93 = arith.addi %mul3A_91, %add3A_92 : i32
      %mul3A_94 = arith.constant 128 : i32
      %mul3A_95 = arith.muli %add3A_93, %mul3A_94 : i32
      %dma_wait3A_96 = tpu.memref_slice %arg12[%mul3A_95] : memref<5120xi32, #tpu.memory_space<vmem>> -> memref<128xi32, #tpu.memory_space<vmem>>
      %dma_wait3A_97 = arith.constant 0 : i32
      %dma_wait3A_98 = arith.constant 0 : i32
      %dma_wait3A_99 = tpu.memref_slice %arg2[%dma_wait3A_97, %dma_wait3A_98] : memref<10000x128xf32, #tpu.memory_space<hbm>> -> memref<10000x128xf32, #tpu.memory_space<hbm>>
      tpu.wait_indirect_dma semaphore(%arg17 : memref<!tpu.dma_semaphore, #tpu.memory_space<semaphore_mem>>) src(%dma_wait3A_99 : memref<10000x128xf32, #tpu.memory_space<hbm>>) dst(%arg15 : memref<128x128xf32, #tpu.memory_space<vmem>>)
      "tpu.region"() ({
        %run_scoped3A = tpu.sem_alloc : memref<!tpu.dma_semaphore, #tpu.memory_space<semaphore_mem>>
        %dma_start3A_107 = arith.constant 0 : i32
        %dma_start3A_108 = tpu.memref_slice %arg13[%add3A_93, %dma_start3A_107] : memref<40x128xi32, #tpu.memory_space<vmem>> -> memref<1x128xi32, #tpu.memory_space<vmem>>
        %dma_start3A_109 = tpu.memref_squeeze %dma_start3A_108 : memref<1x128xi32, #tpu.memory_space<vmem>> -> memref<128xi32, #tpu.memory_space<vmem>>
        %dma_start3A_110 = arith.constant 0 : i32
        %dma_start3A_111 = arith.constant 0 : i32
        %dma_start3A_112 = tpu.memref_slice %arg11[%dma_start3A_110, %dma_start3A_111] : memref<10112x128xf32, #tpu.memory_space<vmem_shared>> -> memref<10112x128xf32, #tpu.memory_space<vmem_shared>>
        tpu.enqueue_indirect_dma source(%arg15 : memref<128x128xf32, #tpu.memory_space<vmem>>) target(%dma_start3A_112 : memref<10112x128xf32, #tpu.memory_space<vmem_shared>>) offsets(%dma_start3A_109 : memref<128xi32, #tpu.memory_space<vmem>>) semaphore(%run_scoped3A : memref<!tpu.dma_semaphore, #tpu.memory_space<semaphore_mem>>) {add = true}
        %dma_wait3A_113 = arith.constant 0 : i32
        %dma_wait3A_114 = tpu.memref_slice %arg13[%add3A_93, %dma_wait3A_113] : memref<40x128xi32, #tpu.memory_space<vmem>> -> memref<1x128xi32, #tpu.memory_space<vmem>>
        %dma_wait3A_115 = tpu.memref_squeeze %dma_wait3A_114 : memref<1x128xi32, #tpu.memory_space<vmem>> -> memref<128xi32, #tpu.memory_space<vmem>>
        %dma_wait3A_116 = arith.constant 0 : i32
        %dma_wait3A_117 = arith.constant 0 : i32
        %dma_wait3A_118 = tpu.memref_slice %arg11[%dma_wait3A_116, %dma_wait3A_117] : memref<10112x128xf32, #tpu.memory_space<vmem_shared>> -> memref<10112x128xf32, #tpu.memory_space<vmem_shared>>
        tpu.wait_indirect_dma semaphore(%run_scoped3A : memref<!tpu.dma_semaphore, #tpu.memory_space<semaphore_mem>>) src(%arg15 : memref<128x128xf32, #tpu.memory_space<vmem>>) dst(%dma_wait3A_118 : memref<10112x128xf32, #tpu.memory_space<vmem_shared>>)
        tpu.yield
      }) : () -> ()
      %add3A_100 = arith.constant 2 : i32
      %add3A_101 = arith.addi %add3A_93, %add3A_100 : i32
      %lt3A_102 = arith.constant 40 : i32
      %lt3A_103 = arith.cmpi slt, %add3A_101, %lt3A_102 : i32
      %convert_element_type3A_104 = arith.extui %lt3A_103 : i1 to i32
      %cond3A_105 = arith.constant 0 : i32
      %cond3A_106 = arith.cmpi ne, %convert_element_type3A_104, %cond3A_105 : i32
      scf.if %cond3A_106 {
        %add3A_107 = arith.constant 2 : i32
        %add3A_108 = arith.addi %add3A_93, %add3A_107 : i32
        %mul3A_109 = arith.constant 128 : i32
        %mul3A_110 = arith.muli %add3A_108, %mul3A_109 : i32
        %dma_start3A_111 = tpu.memref_slice %arg12[%mul3A_110] : memref<5120xi32, #tpu.memory_space<vmem>> -> memref<128xi32, #tpu.memory_space<vmem>>
        %dma_start3A_112 = arith.constant 0 : i32
        %dma_start3A_113 = arith.constant 0 : i32
        %dma_start3A_114 = tpu.memref_slice %arg2[%dma_start3A_112, %dma_start3A_113] : memref<10000x128xf32, #tpu.memory_space<hbm>> -> memref<10000x128xf32, #tpu.memory_space<hbm>>
        tpu.enqueue_indirect_dma source(%dma_start3A_114 : memref<10000x128xf32, #tpu.memory_space<hbm>>) target(%arg15 : memref<128x128xf32, #tpu.memory_space<vmem>>) offsets(%dma_start3A_111 : memref<128xi32, #tpu.memory_space<vmem>>) semaphore(%arg17 : memref<!tpu.dma_semaphore, #tpu.memory_space<semaphore_mem>>)
      } else {
      }
    }
    %scan3A_42 = arith.constant 20 : i32
    %barrier3A_43 = arith.constant 0 : index
    tpu.barrier barrier_id(%barrier3A_43)
    %mul3A_44 = arith.constant 632 : i32
    %mul3A_45 = arith.muli %arg1, %mul3A_44 : i32
    %mul3A_46 = arith.constant 632 : i32
    %mul3A_47 = arith.muli %arg1, %mul3A_46 : i32
    "tpu.region"() ({
      %run_scoped3A = tpu.sem_alloc : memref<!tpu.dma_semaphore, #tpu.memory_space<semaphore_mem>>
      %dma_start3A_76 = arith.constant 0 : i32
      %dma_start3A_77 = tpu.memref_slice %arg9[%arg0, %mul3A_47, %dma_start3A_76] : memref<2x10112x128xf32, #tpu.memory_space<hbm>> -> memref<1x632x128xf32, #tpu.memory_space<hbm>>
      %dma_start3A_78 = tpu.memref_squeeze %dma_start3A_77 : memref<1x632x128xf32, #tpu.memory_space<hbm>> -> memref<632x128xf32, #tpu.memory_space<hbm>>
      %dma_start3A_79 = arith.constant 0 : i32
      %dma_start3A_80 = tpu.memref_slice %arg11[%mul3A_45, %dma_start3A_79] : memref<10112x128xf32, #tpu.memory_space<vmem_shared>> -> memref<632x128xf32, #tpu.memory_space<vmem_shared>>
      tpu.enqueue_dma source(%dma_start3A_80 : memref<632x128xf32, #tpu.memory_space<vmem_shared>>) target(%dma_start3A_78 : memref<632x128xf32, #tpu.memory_space<hbm>>) target_semaphore(%run_scoped3A : memref<!tpu.dma_semaphore, #tpu.memory_space<semaphore_mem>>)
      %dma_wait3A = arith.constant 0 : i32
      %dma_wait3A_81 = tpu.memref_slice %arg9[%arg0, %mul3A_47, %dma_wait3A] : memref<2x10112x128xf32, #tpu.memory_space<hbm>> -> memref<1x632x128xf32, #tpu.memory_space<hbm>>
      %dma_wait3A_82 = tpu.memref_squeeze %dma_wait3A_81 : memref<1x632x128xf32, #tpu.memory_space<hbm>> -> memref<632x128xf32, #tpu.memory_space<hbm>>
      %dma_wait3A_83 = arith.constant 0 : i32
      %dma_wait3A_84 = tpu.memref_slice %arg11[%mul3A_45, %dma_wait3A_83] : memref<10112x128xf32, #tpu.memory_space<vmem_shared>> -> memref<632x128xf32, #tpu.memory_space<vmem_shared>>
      tpu.wait_dma2 semaphore(%run_scoped3A : memref<!tpu.dma_semaphore, #tpu.memory_space<semaphore_mem>>) src(%dma_wait3A_84 : memref<632x128xf32, #tpu.memory_space<vmem_shared>>) dst(%dma_wait3A_82 : memref<632x128xf32, #tpu.memory_space<hbm>>)
      tpu.yield
    }) : () -> ()
    %barrier3A_48 = arith.constant 0 : index
    tpu.barrier barrier_id(%barrier3A_48)
    %mul3A_49 = arith.constant 264 : i32
    %mul3A_50 = arith.muli %arg1, %mul3A_49 : i32
    "tpu.region"() ({
      %run_scoped3A = tpu.sem_alloc : memref<!tpu.dma_semaphore, #tpu.memory_space<semaphore_mem>>
      %dma_start3A_76 = arith.constant 0 : i32
      %dma_start3A_77 = tpu.memref_slice %arg11[%mul3A_50, %dma_start3A_76] : memref<10112x128xf32, #tpu.memory_space<vmem_shared>> -> memref<264x128xf32, #tpu.memory_space<vmem_shared>>
      %dma_start3A_78 = arith.constant 0 : i32
      %dma_start3A_79 = arith.constant 0 : i32
      %dma_start3A_80 = tpu.memref_slice %arg8[%dma_start3A_78, %dma_start3A_79] : memref<632x128xf32, #tpu.memory_space<hbm>> -> memref<264x128xf32, #tpu.memory_space<hbm>>
      tpu.enqueue_dma source(%dma_start3A_80 : memref<264x128xf32, #tpu.memory_space<hbm>>) target(%dma_start3A_77 : memref<264x128xf32, #tpu.memory_space<vmem_shared>>) target_semaphore(%run_scoped3A : memref<!tpu.dma_semaphore, #tpu.memory_space<semaphore_mem>>)
      %dma_wait3A = arith.constant 0 : i32
      %dma_wait3A_81 = tpu.memref_slice %arg11[%mul3A_50, %dma_wait3A] : memref<10112x128xf32, #tpu.memory_space<vmem_shared>> -> memref<264x128xf32, #tpu.memory_space<vmem_shared>>
      %dma_wait3A_82 = arith.constant 0 : i32
      %dma_wait3A_83 = arith.constant 0 : i32
      %dma_wait3A_84 = tpu.memref_slice %arg8[%dma_wait3A_82, %dma_wait3A_83] : memref<632x128xf32, #tpu.memory_space<hbm>> -> memref<264x128xf32, #tpu.memory_space<hbm>>
      tpu.wait_dma2 semaphore(%run_scoped3A : memref<!tpu.dma_semaphore, #tpu.memory_space<semaphore_mem>>) src(%dma_wait3A_84 : memref<264x128xf32, #tpu.memory_space<hbm>>) dst(%dma_wait3A_81 : memref<264x128xf32, #tpu.memory_space<vmem_shared>>)
      tpu.yield
    }) : () -> ()
    %mul3A_51 = arith.constant 3072 : i32
    %mul3A_52 = arith.muli %add3A, %mul3A_51 : i32
    %mul3A_53 = arith.constant 24 : i32
    %mul3A_54 = arith.muli %add3A, %mul3A_53 : i32
    "tpu.region"() ({
      %run_scoped3A = tpu.sem_alloc : memref<!tpu.dma_semaphore, #tpu.memory_space<semaphore_mem>>
      %dma_start3A_76 = arith.constant 0 : i32
      %dma_start3A_77 = tpu.memref_slice %arg12[%dma_start3A_76] : memref<5120xi32, #tpu.memory_space<vmem>> -> memref<3072xi32, #tpu.memory_space<vmem>>
      %dma_start3A_78 = tpu.memref_slice %arg6[%mul3A_52] : memref<98304xi32, #tpu.memory_space<hbm>> -> memref<3072xi32, #tpu.memory_space<hbm>>
      %dma_start3A_79 = arith.constant 0 : i32
      %dma_start3A_80 = tpu.memref_slice %arg12[%dma_start3A_79] : memref<5120xi32, #tpu.memory_space<vmem>> -> memref<3072xi32, #tpu.memory_space<vmem>>
      %dma_start3A_81 = tpu.memref_slice %arg6[%mul3A_52] : memref<98304xi32, #tpu.memory_space<hbm>> -> memref<3072xi32, #tpu.memory_space<hbm>>
      tpu.enqueue_dma source(%dma_start3A_81 : memref<3072xi32, #tpu.memory_space<hbm>>) target(%dma_start3A_80 : memref<3072xi32, #tpu.memory_space<vmem>>) target_semaphore(%run_scoped3A : memref<!tpu.dma_semaphore, #tpu.memory_space<semaphore_mem>>)
      %dma_wait3A = arith.constant 0 : i32
      %dma_wait3A_82 = tpu.memref_slice %arg12[%dma_wait3A] : memref<5120xi32, #tpu.memory_space<vmem>> -> memref<3072xi32, #tpu.memory_space<vmem>>
      %dma_wait3A_83 = tpu.memref_slice %arg6[%mul3A_52] : memref<98304xi32, #tpu.memory_space<hbm>> -> memref<3072xi32, #tpu.memory_space<hbm>>
      %dma_wait3A_84 = arith.constant 0 : i32
      %dma_wait3A_85 = tpu.memref_slice %arg12[%dma_wait3A_84] : memref<5120xi32, #tpu.memory_space<vmem>> -> memref<3072xi32, #tpu.memory_space<vmem>>
      %dma_wait3A_86 = tpu.memref_slice %arg6[%mul3A_52] : memref<98304xi32, #tpu.memory_space<hbm>> -> memref<3072xi32, #tpu.memory_space<hbm>>
      tpu.wait_dma2 semaphore(%run_scoped3A : memref<!tpu.dma_semaphore, #tpu.memory_space<semaphore_mem>>) src(%dma_wait3A_86 : memref<3072xi32, #tpu.memory_space<hbm>>) dst(%dma_wait3A_85 : memref<3072xi32, #tpu.memory_space<vmem>>)
      tpu.yield
    }) : () -> ()
    "tpu.region"() ({
      %run_scoped3A = tpu.sem_alloc : memref<!tpu.dma_semaphore, #tpu.memory_space<semaphore_mem>>
      %dma_start3A_76 = arith.constant 0 : i32
      %dma_start3A_77 = arith.constant 0 : i32
      %dma_start3A_78 = tpu.memref_slice %arg13[%dma_start3A_76, %dma_start3A_77] : memref<40x128xi32, #tpu.memory_space<vmem>> -> memref<24x128xi32, #tpu.memory_space<vmem>>
      %dma_start3A_79 = arith.constant 0 : i32
      %dma_start3A_80 = tpu.memref_slice %arg7[%mul3A_54, %dma_start3A_79] : memref<768x128xi32, #tpu.memory_space<hbm>> -> memref<24x128xi32, #tpu.memory_space<hbm>>
      %dma_start3A_81 = arith.constant 0 : i32
      %dma_start3A_82 = arith.constant 0 : i32
      %dma_start3A_83 = tpu.memref_slice %arg13[%dma_start3A_81, %dma_start3A_82] : memref<40x128xi32, #tpu.memory_space<vmem>> -> memref<24x128xi32, #tpu.memory_space<vmem>>
      %dma_start3A_84 = arith.constant 0 : i32
      %dma_start3A_85 = tpu.memref_slice %arg7[%mul3A_54, %dma_start3A_84] : memref<768x128xi32, #tpu.memory_space<hbm>> -> memref<24x128xi32, #tpu.memory_space<hbm>>
      tpu.enqueue_dma source(%dma_start3A_85 : memref<24x128xi32, #tpu.memory_space<hbm>>) target(%dma_start3A_83 : memref<24x128xi32, #tpu.memory_space<vmem>>) target_semaphore(%run_scoped3A : memref<!tpu.dma_semaphore, #tpu.memory_space<semaphore_mem>>)
      %dma_wait3A = arith.constant 0 : i32
      %dma_wait3A_86 = arith.constant 0 : i32
      %dma_wait3A_87 = tpu.memref_slice %arg13[%dma_wait3A, %dma_wait3A_86] : memref<40x128xi32, #tpu.memory_space<vmem>> -> memref<24x128xi32, #tpu.memory_space<vmem>>
      %dma_wait3A_88 = arith.constant 0 : i32
      %dma_wait3A_89 = tpu.memref_slice %arg7[%mul3A_54, %dma_wait3A_88] : memref<768x128xi32, #tpu.memory_space<hbm>> -> memref<24x128xi32, #tpu.memory_space<hbm>>
      %dma_wait3A_90 = arith.constant 0 : i32
      %dma_wait3A_91 = arith.constant 0 : i32
      %dma_wait3A_92 = tpu.memref_slice %arg13[%dma_wait3A_90, %dma_wait3A_91] : memref<40x128xi32, #tpu.memory_space<vmem>> -> memref<24x128xi32, #tpu.memory_space<vmem>>
      %dma_wait3A_93 = arith.constant 0 : i32
      %dma_wait3A_94 = tpu.memref_slice %arg7[%mul3A_54, %dma_wait3A_93] : memref<768x128xi32, #tpu.memory_space<hbm>> -> memref<24x128xi32, #tpu.memory_space<hbm>>
      tpu.wait_dma2 semaphore(%run_scoped3A : memref<!tpu.dma_semaphore, #tpu.memory_space<semaphore_mem>>) src(%dma_wait3A_94 : memref<24x128xi32, #tpu.memory_space<hbm>>) dst(%dma_wait3A_92 : memref<24x128xi32, #tpu.memory_space<vmem>>)
      tpu.yield
    }) : () -> ()
    %barrier3A_55 = arith.constant 0 : index
    tpu.barrier barrier_id(%barrier3A_55)
    %dma_start3A_56 = arith.constant 0 : i32
    %dma_start3A_57 = tpu.memref_slice %arg12[%dma_start3A_56] : memref<5120xi32, #tpu.memory_space<vmem>> -> memref<128xi32, #tpu.memory_space<vmem>>
    %dma_start3A_58 = arith.constant 0 : i32
    %dma_start3A_59 = arith.constant 0 : i32
    %dma_start3A_60 = tpu.memref_slice %arg3[%dma_start3A_58, %dma_start3A_59] : memref<10000x128xf32, #tpu.memory_space<hbm>> -> memref<10000x128xf32, #tpu.memory_space<hbm>>
    tpu.enqueue_indirect_dma source(%dma_start3A_60 : memref<10000x128xf32, #tpu.memory_space<hbm>>) target(%arg14 : memref<128x128xf32, #tpu.memory_space<vmem>>) offsets(%dma_start3A_57 : memref<128xi32, #tpu.memory_space<vmem>>) semaphore(%arg16 : memref<!tpu.dma_semaphore, #tpu.memory_space<semaphore_mem>>)
    %dma_start3A_61 = arith.constant 128 : i32
    %dma_start3A_62 = tpu.memref_slice %arg12[%dma_start3A_61] : memref<5120xi32, #tpu.memory_space<vmem>> -> memref<128xi32, #tpu.memory_space<vmem>>
    %dma_start3A_63 = arith.constant 0 : i32
    %dma_start3A_64 = arith.constant 0 : i32
    %dma_start3A_65 = tpu.memref_slice %arg3[%dma_start3A_63, %dma_start3A_64] : memref<10000x128xf32, #tpu.memory_space<hbm>> -> memref<10000x128xf32, #tpu.memory_space<hbm>>
    tpu.enqueue_indirect_dma source(%dma_start3A_65 : memref<10000x128xf32, #tpu.memory_space<hbm>>) target(%arg15 : memref<128x128xf32, #tpu.memory_space<vmem>>) offsets(%dma_start3A_62 : memref<128xi32, #tpu.memory_space<vmem>>) semaphore(%arg17 : memref<!tpu.dma_semaphore, #tpu.memory_space<semaphore_mem>>)
    %scan3A_66 = arith.constant 0 : i32
    %scan3A_67 = arith.constant 12 : i32
    %scan3A_68 = arith.addi %scan3A_66, %scan3A_67 : i32
    %scan3A_69 = arith.constant 1 : i32
    scf.for %scan3A_76 = %scan3A_66 to %scan3A_68 step %scan3A_69  : i32 {
      %mul3A_77 = arith.constant 2 : i32
      %mul3A_78 = arith.muli %scan3A_76, %mul3A_77 : i32
      %add3A_79 = arith.constant 0 : i32
      %add3A_80 = arith.addi %mul3A_78, %add3A_79 : i32
      %mul3A_81 = arith.constant 128 : i32
      %mul3A_82 = arith.muli %add3A_80, %mul3A_81 : i32
      %dma_wait3A = tpu.memref_slice %arg12[%mul3A_82] : memref<5120xi32, #tpu.memory_space<vmem>> -> memref<128xi32, #tpu.memory_space<vmem>>
      %dma_wait3A_83 = arith.constant 0 : i32
      %dma_wait3A_84 = arith.constant 0 : i32
      %dma_wait3A_85 = tpu.memref_slice %arg3[%dma_wait3A_83, %dma_wait3A_84] : memref<10000x128xf32, #tpu.memory_space<hbm>> -> memref<10000x128xf32, #tpu.memory_space<hbm>>
      tpu.wait_indirect_dma semaphore(%arg16 : memref<!tpu.dma_semaphore, #tpu.memory_space<semaphore_mem>>) src(%dma_wait3A_85 : memref<10000x128xf32, #tpu.memory_space<hbm>>) dst(%arg14 : memref<128x128xf32, #tpu.memory_space<vmem>>)
      "tpu.region"() ({
        %run_scoped3A = tpu.sem_alloc : memref<!tpu.dma_semaphore, #tpu.memory_space<semaphore_mem>>
        %dma_start3A_107 = arith.constant 0 : i32
        %dma_start3A_108 = tpu.memref_slice %arg13[%add3A_80, %dma_start3A_107] : memref<40x128xi32, #tpu.memory_space<vmem>> -> memref<1x128xi32, #tpu.memory_space<vmem>>
        %dma_start3A_109 = tpu.memref_squeeze %dma_start3A_108 : memref<1x128xi32, #tpu.memory_space<vmem>> -> memref<128xi32, #tpu.memory_space<vmem>>
        %dma_start3A_110 = arith.constant 0 : i32
        %dma_start3A_111 = arith.constant 0 : i32
        %dma_start3A_112 = tpu.memref_slice %arg11[%dma_start3A_110, %dma_start3A_111] : memref<10112x128xf32, #tpu.memory_space<vmem_shared>> -> memref<10112x128xf32, #tpu.memory_space<vmem_shared>>
        tpu.enqueue_indirect_dma source(%arg14 : memref<128x128xf32, #tpu.memory_space<vmem>>) target(%dma_start3A_112 : memref<10112x128xf32, #tpu.memory_space<vmem_shared>>) offsets(%dma_start3A_109 : memref<128xi32, #tpu.memory_space<vmem>>) semaphore(%run_scoped3A : memref<!tpu.dma_semaphore, #tpu.memory_space<semaphore_mem>>) {add = true}
        %dma_wait3A_113 = arith.constant 0 : i32
        %dma_wait3A_114 = tpu.memref_slice %arg13[%add3A_80, %dma_wait3A_113] : memref<40x128xi32, #tpu.memory_space<vmem>> -> memref<1x128xi32, #tpu.memory_space<vmem>>
        %dma_wait3A_115 = tpu.memref_squeeze %dma_wait3A_114 : memref<1x128xi32, #tpu.memory_space<vmem>> -> memref<128xi32, #tpu.memory_space<vmem>>
        %dma_wait3A_116 = arith.constant 0 : i32
        %dma_wait3A_117 = arith.constant 0 : i32
        %dma_wait3A_118 = tpu.memref_slice %arg11[%dma_wait3A_116, %dma_wait3A_117] : memref<10112x128xf32, #tpu.memory_space<vmem_shared>> -> memref<10112x128xf32, #tpu.memory_space<vmem_shared>>
        tpu.wait_indirect_dma semaphore(%run_scoped3A : memref<!tpu.dma_semaphore, #tpu.memory_space<semaphore_mem>>) src(%arg14 : memref<128x128xf32, #tpu.memory_space<vmem>>) dst(%dma_wait3A_118 : memref<10112x128xf32, #tpu.memory_space<vmem_shared>>)
        tpu.yield
      }) : () -> ()
      %add3A_86 = arith.constant 2 : i32
      %add3A_87 = arith.addi %add3A_80, %add3A_86 : i32
      %lt3A = arith.constant 24 : i32
      %lt3A_88 = arith.cmpi slt, %add3A_87, %lt3A : i32
      %convert_element_type3A = arith.extui %lt3A_88 : i1 to i32
      %cond3A = arith.constant 0 : i32
      %cond3A_89 = arith.cmpi ne, %convert_element_type3A, %cond3A : i32
      scf.if %cond3A_89 {
        %add3A_107 = arith.constant 2 : i32
        %add3A_108 = arith.addi %add3A_80, %add3A_107 : i32
        %mul3A_109 = arith.constant 128 : i32
        %mul3A_110 = arith.muli %add3A_108, %mul3A_109 : i32
        %dma_start3A_111 = tpu.memref_slice %arg12[%mul3A_110] : memref<5120xi32, #tpu.memory_space<vmem>> -> memref<128xi32, #tpu.memory_space<vmem>>
        %dma_start3A_112 = arith.constant 0 : i32
        %dma_start3A_113 = arith.constant 0 : i32
        %dma_start3A_114 = tpu.memref_slice %arg3[%dma_start3A_112, %dma_start3A_113] : memref<10000x128xf32, #tpu.memory_space<hbm>> -> memref<10000x128xf32, #tpu.memory_space<hbm>>
        tpu.enqueue_indirect_dma source(%dma_start3A_114 : memref<10000x128xf32, #tpu.memory_space<hbm>>) target(%arg14 : memref<128x128xf32, #tpu.memory_space<vmem>>) offsets(%dma_start3A_111 : memref<128xi32, #tpu.memory_space<vmem>>) semaphore(%arg16 : memref<!tpu.dma_semaphore, #tpu.memory_space<semaphore_mem>>)
      } else {
      }
      %mul3A_90 = arith.constant 2 : i32
      %mul3A_91 = arith.muli %scan3A_76, %mul3A_90 : i32
      %add3A_92 = arith.constant 1 : i32
      %add3A_93 = arith.addi %mul3A_91, %add3A_92 : i32
      %mul3A_94 = arith.constant 128 : i32
      %mul3A_95 = arith.muli %add3A_93, %mul3A_94 : i32
      %dma_wait3A_96 = tpu.memref_slice %arg12[%mul3A_95] : memref<5120xi32, #tpu.memory_space<vmem>> -> memref<128xi32, #tpu.memory_space<vmem>>
      %dma_wait3A_97 = arith.constant 0 : i32
      %dma_wait3A_98 = arith.constant 0 : i32
      %dma_wait3A_99 = tpu.memref_slice %arg3[%dma_wait3A_97, %dma_wait3A_98] : memref<10000x128xf32, #tpu.memory_space<hbm>> -> memref<10000x128xf32, #tpu.memory_space<hbm>>
      tpu.wait_indirect_dma semaphore(%arg17 : memref<!tpu.dma_semaphore, #tpu.memory_space<semaphore_mem>>) src(%dma_wait3A_99 : memref<10000x128xf32, #tpu.memory_space<hbm>>) dst(%arg15 : memref<128x128xf32, #tpu.memory_space<vmem>>)
      "tpu.region"() ({
        %run_scoped3A = tpu.sem_alloc : memref<!tpu.dma_semaphore, #tpu.memory_space<semaphore_mem>>
        %dma_start3A_107 = arith.constant 0 : i32
        %dma_start3A_108 = tpu.memref_slice %arg13[%add3A_93, %dma_start3A_107] : memref<40x128xi32, #tpu.memory_space<vmem>> -> memref<1x128xi32, #tpu.memory_space<vmem>>
        %dma_start3A_109 = tpu.memref_squeeze %dma_start3A_108 : memref<1x128xi32, #tpu.memory_space<vmem>> -> memref<128xi32, #tpu.memory_space<vmem>>
        %dma_start3A_110 = arith.constant 0 : i32
        %dma_start3A_111 = arith.constant 0 : i32
        %dma_start3A_112 = tpu.memref_slice %arg11[%dma_start3A_110, %dma_start3A_111] : memref<10112x128xf32, #tpu.memory_space<vmem_shared>> -> memref<10112x128xf32, #tpu.memory_space<vmem_shared>>
        tpu.enqueue_indirect_dma source(%arg15 : memref<128x128xf32, #tpu.memory_space<vmem>>) target(%dma_start3A_112 : memref<10112x128xf32, #tpu.memory_space<vmem_shared>>) offsets(%dma_start3A_109 : memref<128xi32, #tpu.memory_space<vmem>>) semaphore(%run_scoped3A : memref<!tpu.dma_semaphore, #tpu.memory_space<semaphore_mem>>) {add = true}
        %dma_wait3A_113 = arith.constant 0 : i32
        %dma_wait3A_114 = tpu.memref_slice %arg13[%add3A_93, %dma_wait3A_113] : memref<40x128xi32, #tpu.memory_space<vmem>> -> memref<1x128xi32, #tpu.memory_space<vmem>>
        %dma_wait3A_115 = tpu.memref_squeeze %dma_wait3A_114 : memref<1x128xi32, #tpu.memory_space<vmem>> -> memref<128xi32, #tpu.memory_space<vmem>>
        %dma_wait3A_116 = arith.constant 0 : i32
        %dma_wait3A_117 = arith.constant 0 : i32
        %dma_wait3A_118 = tpu.memref_slice %arg11[%dma_wait3A_116, %dma_wait3A_117] : memref<10112x128xf32, #tpu.memory_space<vmem_shared>> -> memref<10112x128xf32, #tpu.memory_space<vmem_shared>>
        tpu.wait_indirect_dma semaphore(%run_scoped3A : memref<!tpu.dma_semaphore, #tpu.memory_space<semaphore_mem>>) src(%arg15 : memref<128x128xf32, #tpu.memory_space<vmem>>) dst(%dma_wait3A_118 : memref<10112x128xf32, #tpu.memory_space<vmem_shared>>)
        tpu.yield
      }) : () -> ()
      %add3A_100 = arith.constant 2 : i32
      %add3A_101 = arith.addi %add3A_93, %add3A_100 : i32
      %lt3A_102 = arith.constant 24 : i32
      %lt3A_103 = arith.cmpi slt, %add3A_101, %lt3A_102 : i32
      %convert_element_type3A_104 = arith.extui %lt3A_103 : i1 to i32
      %cond3A_105 = arith.constant 0 : i32
      %cond3A_106 = arith.cmpi ne, %convert_element_type3A_104, %cond3A_105 : i32
      scf.if %cond3A_106 {
        %add3A_107 = arith.constant 2 : i32
        %add3A_108 = arith.addi %add3A_93, %add3A_107 : i32
        %mul3A_109 = arith.constant 128 : i32
        %mul3A_110 = arith.muli %add3A_108, %mul3A_109 : i32
        %dma_start3A_111 = tpu.memref_slice %arg12[%mul3A_110] : memref<5120xi32, #tpu.memory_space<vmem>> -> memref<128xi32, #tpu.memory_space<vmem>>
        %dma_start3A_112 = arith.constant 0 : i32
        %dma_start3A_113 = arith.constant 0 : i32
        %dma_start3A_114 = tpu.memref_slice %arg3[%dma_start3A_112, %dma_start3A_113] : memref<10000x128xf32, #tpu.memory_space<hbm>> -> memref<10000x128xf32, #tpu.memory_space<hbm>>
        tpu.enqueue_indirect_dma source(%dma_start3A_114 : memref<10000x128xf32, #tpu.memory_space<hbm>>) target(%arg15 : memref<128x128xf32, #tpu.memory_space<vmem>>) offsets(%dma_start3A_111 : memref<128xi32, #tpu.memory_space<vmem>>) semaphore(%arg17 : memref<!tpu.dma_semaphore, #tpu.memory_space<semaphore_mem>>)
      } else {
      }
    }
    %scan3A_70 = arith.constant 12 : i32
    %barrier3A_71 = arith.constant 0 : index
    tpu.barrier barrier_id(%barrier3A_71)
    %mul3A_72 = arith.constant 256 : i32
    %mul3A_73 = arith.muli %arg1, %mul3A_72 : i32
    %mul3A_74 = arith.constant 256 : i32
    %mul3A_75 = arith.muli %arg1, %mul3A_74 : i32
    "tpu.region"() ({
      %run_scoped3A = tpu.sem_alloc : memref<!tpu.dma_semaphore, #tpu.memory_space<semaphore_mem>>
      %dma_start3A_76 = arith.constant 0 : i32
      %dma_start3A_77 = tpu.memref_slice %arg10[%arg0, %mul3A_75, %dma_start3A_76] : memref<2x4096x128xf32, #tpu.memory_space<hbm>> -> memref<1x256x128xf32, #tpu.memory_space<hbm>>
      %dma_start3A_78 = tpu.memref_squeeze %dma_start3A_77 : memref<1x256x128xf32, #tpu.memory_space<hbm>> -> memref<256x128xf32, #tpu.memory_space<hbm>>
      %dma_start3A_79 = arith.constant 0 : i32
      %dma_start3A_80 = tpu.memref_slice %arg11[%mul3A_73, %dma_start3A_79] : memref<10112x128xf32, #tpu.memory_space<vmem_shared>> -> memref<256x128xf32, #tpu.memory_space<vmem_shared>>
      tpu.enqueue_dma source(%dma_start3A_80 : memref<256x128xf32, #tpu.memory_space<vmem_shared>>) target(%dma_start3A_78 : memref<256x128xf32, #tpu.memory_space<hbm>>) target_semaphore(%run_scoped3A : memref<!tpu.dma_semaphore, #tpu.memory_space<semaphore_mem>>)
      %dma_wait3A = arith.constant 0 : i32
      %dma_wait3A_81 = tpu.memref_slice %arg10[%arg0, %mul3A_75, %dma_wait3A] : memref<2x4096x128xf32, #tpu.memory_space<hbm>> -> memref<1x256x128xf32, #tpu.memory_space<hbm>>
      %dma_wait3A_82 = tpu.memref_squeeze %dma_wait3A_81 : memref<1x256x128xf32, #tpu.memory_space<hbm>> -> memref<256x128xf32, #tpu.memory_space<hbm>>
      %dma_wait3A_83 = arith.constant 0 : i32
      %dma_wait3A_84 = tpu.memref_slice %arg11[%mul3A_73, %dma_wait3A_83] : memref<10112x128xf32, #tpu.memory_space<vmem_shared>> -> memref<256x128xf32, #tpu.memory_space<vmem_shared>>
      tpu.wait_dma2 semaphore(%run_scoped3A : memref<!tpu.dma_semaphore, #tpu.memory_space<semaphore_mem>>) src(%dma_wait3A_84 : memref<256x128xf32, #tpu.memory_space<vmem_shared>>) dst(%dma_wait3A_82 : memref<256x128xf32, #tpu.memory_space<hbm>>)
      tpu.yield
    }) : () -> ()
    return
  }
}

#map = affine_map<(d0, d1) -> (0, 0)>
#map1 = affine_map<(d0, d1) -> (0)>
#map2 = affine_map<(d0, d1) -> (0, 0, 0)>
module attributes {stable_mosaic.version = 14 : i64} {
  func.func @k(%arg0: i32, %arg1: i32, %arg2: memref<10000x128xf32, #tpu.memory_space<hbm>>, %arg3: memref<10000x128xf32, #tpu.memory_space<hbm>>, %arg4: memref<327680xi32, #tpu.memory_space<hbm>>, %arg5: memref<2560x128xi32, #tpu.memory_space<hbm>>, %arg6: memref<98304xi32, #tpu.memory_space<hbm>>, %arg7: memref<768x128xi32, #tpu.memory_space<hbm>>, %arg8: memref<632x128xf32, #tpu.memory_space<hbm>>, %arg9: memref<2x10112x128xf32, #tpu.memory_space<hbm>>, %arg10: memref<2x4096x128xf32, #tpu.memory_space<hbm>>, %arg11: memref<10112x128xf32, #tpu.memory_space<vmem_shared>>, %arg12: memref<5120xi32, #tpu.memory_space<vmem>>, %arg13: memref<40x128xi32, #tpu.memory_space<vmem>>, %arg14: memref<128x128xf32, #tpu.memory_space<vmem>>, %arg15: memref<128x128xf32, #tpu.memory_space<vmem>>, %arg16: memref<!tpu.dma_semaphore, #tpu.memory_space<semaphore_mem>>, %arg17: memref<!tpu.dma_semaphore, #tpu.memory_space<semaphore_mem>>, %arg18: memref<!tpu.dma_semaphore, #tpu.memory_space<semaphore_mem>>, %arg19: memref<!tpu.dma_semaphore, #tpu.memory_space<semaphore_mem>>) attributes {dimension_semantics = [#tpu.dimension_semantics<core_parallel>, #tpu.dimension_semantics<subcore_parallel>], iteration_bounds = array<i64: 2, 16>, scalar_prefetch = 0 : i64, scratch_operands = 9 : i64, tpu.core_type = #tpu.core_type<sc_vector_subcore>, window_params = [{transform_indices = #map}, {transform_indices = #map}, {transform_indices = #map1}, {transform_indices = #map}, {transform_indices = #map1}, {transform_indices = #map}, {transform_indices = #map}, {transform_indices = #map2}, {transform_indices = #map2}]} {
    %mul3A = arith.constant 2 : i32
    %mul3A_0 = arith.muli %arg1, %mul3A : i32
    %add3A = arith.addi %mul3A_0, %arg0 : i32
    %mul3A_1 = arith.constant 632 : i32
    %mul3A_2 = arith.muli %arg1, %mul3A_1 : i32
    "tpu.region"() ({
      %run_scoped3A = tpu.sem_alloc : memref<!tpu.dma_semaphore, #tpu.memory_space<semaphore_mem>>
      %dma_start3A_76 = arith.constant 0 : i32
      %dma_start3A_77 = tpu.memref_slice %arg11[%mul3A_2, %dma_start3A_76] : memref<10112x128xf32, #tpu.memory_space<vmem_shared>> -> memref<632x128xf32, #tpu.memory_space<vmem_shared>>
      tpu.enqueue_dma source(%arg8 : memref<632x128xf32, #tpu.memory_space<hbm>>) target(%dma_start3A_77 : memref<632x128xf32, #tpu.memory_space<vmem_shared>>) target_semaphore(%run_scoped3A : memref<!tpu.dma_semaphore, #tpu.memory_space<semaphore_mem>>)
      %dma_wait3A = arith.constant 0 : i32
      %dma_wait3A_78 = tpu.memref_slice %arg11[%mul3A_2, %dma_wait3A] : memref<10112x128xf32, #tpu.memory_space<vmem_shared>> -> memref<632x128xf32, #tpu.memory_space<vmem_shared>>
      tpu.wait_dma2 semaphore(%run_scoped3A : memref<!tpu.dma_semaphore, #tpu.memory_space<semaphore_mem>>) src(%arg8 : memref<632x128xf32, #tpu.memory_space<hbm>>) dst(%dma_wait3A_78 : memref<632x128xf32, #tpu.memory_space<vmem_shared>>)
      tpu.yield
    }) : () -> ()
    %mul3A_3 = arith.constant 10240 : i32
    %mul3A_4 = arith.muli %add3A, %mul3A_3 : i32
    %mul3A_5 = arith.constant 80 : i32
    %mul3A_6 = arith.muli %add3A, %mul3A_5 : i32
    "tpu.region"() ({
      %run_scoped3A = tpu.sem_alloc : memref<!tpu.dma_semaphore, #tpu.memory_space<semaphore_mem>>
      %dma_start3A_76 = arith.constant 0 : i32
      %dma_start3A_77 = tpu.memref_slice %arg12[%dma_start3A_76] : memref<5120xi32, #tpu.memory_space<vmem>> -> memref<5120xi32, #tpu.memory_space<vmem>>
      %dma_start3A_78 = tpu.memref_slice %arg4[%mul3A_4] : memref<327680xi32, #tpu.memory_space<hbm>> -> memref<5120xi32, #tpu.memory_space<hbm>>
      %dma_start3A_79 = arith.constant 0 : i32
      %dma_start3A_80 = tpu.memref_slice %arg12[%dma_start3A_79] : memref<5120xi32, #tpu.memory_space<vmem>> -> memref<5120xi32, #tpu.memory_space<vmem>>
      %dma_start3A_81 = tpu.memref_slice %arg4[%mul3A_4] : memref<327680xi32, #tpu.memory_space<hbm>> -> memref<5120xi32, #tpu.memory_space<hbm>>
      tpu.enqueue_dma source(%dma_start3A_81 : memref<5120xi32, #tpu.memory_space<hbm>>) target(%dma_start3A_80 : memref<5120xi32, #tpu.memory_space<vmem>>) target_semaphore(%run_scoped3A : memref<!tpu.dma_semaphore, #tpu.memory_space<semaphore_mem>>)
      %dma_wait3A = arith.constant 0 : i32
      %dma_wait3A_82 = tpu.memref_slice %arg12[%dma_wait3A] : memref<5120xi32, #tpu.memory_space<vmem>> -> memref<5120xi32, #tpu.memory_space<vmem>>
      %dma_wait3A_83 = tpu.memref_slice %arg4[%mul3A_4] : memref<327680xi32, #tpu.memory_space<hbm>> -> memref<5120xi32, #tpu.memory_space<hbm>>
      %dma_wait3A_84 = arith.constant 0 : i32
      %dma_wait3A_85 = tpu.memref_slice %arg12[%dma_wait3A_84] : memref<5120xi32, #tpu.memory_space<vmem>> -> memref<5120xi32, #tpu.memory_space<vmem>>
      %dma_wait3A_86 = tpu.memref_slice %arg4[%mul3A_4] : memref<327680xi32, #tpu.memory_space<hbm>> -> memref<5120xi32, #tpu.memory_space<hbm>>
      tpu.wait_dma2 semaphore(%run_scoped3A : memref<!tpu.dma_semaphore, #tpu.memory_space<semaphore_mem>>) src(%dma_wait3A_86 : memref<5120xi32, #tpu.memory_space<hbm>>) dst(%dma_wait3A_85 : memref<5120xi32, #tpu.memory_space<vmem>>)
      tpu.yield
    }) : () -> ()
    "tpu.region"() ({
      %run_scoped3A = tpu.sem_alloc : memref<!tpu.dma_semaphore, #tpu.memory_space<semaphore_mem>>
      %dma_start3A_76 = arith.constant 0 : i32
      %dma_start3A_77 = arith.constant 0 : i32
      %dma_start3A_78 = tpu.memref_slice %arg13[%dma_start3A_76, %dma_start3A_77] : memref<40x128xi32, #tpu.memory_space<vmem>> -> memref<40x128xi32, #tpu.memory_space<vmem>>
      %dma_start3A_79 = arith.constant 0 : i32
      %dma_start3A_80 = tpu.memref_slice %arg5[%mul3A_6, %dma_start3A_79] : memref<2560x128xi32, #tpu.memory_space<hbm>> -> memref<40x128xi32, #tpu.memory_space<hbm>>
      %dma_start3A_81 = arith.constant 0 : i32
      %dma_start3A_82 = arith.constant 0 : i32
      %dma_start3A_83 = tpu.memref_slice %arg13[%dma_start3A_81, %dma_start3A_82] : memref<40x128xi32, #tpu.memory_space<vmem>> -> memref<40x128xi32, #tpu.memory_space<vmem>>
      %dma_start3A_84 = arith.constant 0 : i32
      %dma_start3A_85 = tpu.memref_slice %arg5[%mul3A_6, %dma_start3A_84] : memref<2560x128xi32, #tpu.memory_space<hbm>> -> memref<40x128xi32, #tpu.memory_space<hbm>>
      tpu.enqueue_dma source(%dma_start3A_85 : memref<40x128xi32, #tpu.memory_space<hbm>>) target(%dma_start3A_83 : memref<40x128xi32, #tpu.memory_space<vmem>>) target_semaphore(%run_scoped3A : memref<!tpu.dma_semaphore, #tpu.memory_space<semaphore_mem>>)
      %dma_wait3A = arith.constant 0 : i32
      %dma_wait3A_86 = arith.constant 0 : i32
      %dma_wait3A_87 = tpu.memref_slice %arg13[%dma_wait3A, %dma_wait3A_86] : memref<40x128xi32, #tpu.memory_space<vmem>> -> memref<40x128xi32, #tpu.memory_space<vmem>>
      %dma_wait3A_88 = arith.constant 0 : i32
      %dma_wait3A_89 = tpu.memref_slice %arg5[%mul3A_6, %dma_wait3A_88] : memref<2560x128xi32, #tpu.memory_space<hbm>> -> memref<40x128xi32, #tpu.memory_space<hbm>>
      %dma_wait3A_90 = arith.constant 0 : i32
      %dma_wait3A_91 = arith.constant 0 : i32
      %dma_wait3A_92 = tpu.memref_slice %arg13[%dma_wait3A_90, %dma_wait3A_91] : memref<40x128xi32, #tpu.memory_space<vmem>> -> memref<40x128xi32, #tpu.memory_space<vmem>>
      %dma_wait3A_93 = arith.constant 0 : i32
      %dma_wait3A_94 = tpu.memref_slice %arg5[%mul3A_6, %dma_wait3A_93] : memref<2560x128xi32, #tpu.memory_space<hbm>> -> memref<40x128xi32, #tpu.memory_space<hbm>>
      tpu.wait_dma2 semaphore(%run_scoped3A : memref<!tpu.dma_semaphore, #tpu.memory_space<semaphore_mem>>) src(%dma_wait3A_94 : memref<40x128xi32, #tpu.memory_space<hbm>>) dst(%dma_wait3A_92 : memref<40x128xi32, #tpu.memory_space<vmem>>)
      tpu.yield
    }) : () -> ()
    %barrier3A = arith.constant 0 : index
    tpu.barrier barrier_id(%barrier3A)
    %dma_start3A = arith.constant 0 : i32
    %dma_start3A_7 = tpu.memref_slice %arg12[%dma_start3A] : memref<5120xi32, #tpu.memory_space<vmem>> -> memref<128xi32, #tpu.memory_space<vmem>>
    %dma_start3A_8 = arith.constant 0 : i32
    %dma_start3A_9 = arith.constant 0 : i32
    %dma_start3A_10 = tpu.memref_slice %arg2[%dma_start3A_8, %dma_start3A_9] : memref<10000x128xf32, #tpu.memory_space<hbm>> -> memref<10000x128xf32, #tpu.memory_space<hbm>>
    tpu.enqueue_indirect_dma source(%dma_start3A_10 : memref<10000x128xf32, #tpu.memory_space<hbm>>) target(%arg14 : memref<128x128xf32, #tpu.memory_space<vmem>>) offsets(%dma_start3A_7 : memref<128xi32, #tpu.memory_space<vmem>>) semaphore(%arg16 : memref<!tpu.dma_semaphore, #tpu.memory_space<semaphore_mem>>)
    %dma_start3A_11 = arith.constant 128 : i32
    %dma_start3A_12 = tpu.memref_slice %arg12[%dma_start3A_11] : memref<5120xi32, #tpu.memory_space<vmem>> -> memref<128xi32, #tpu.memory_space<vmem>>
    %dma_start3A_13 = arith.constant 0 : i32
    %dma_start3A_14 = arith.constant 0 : i32
    %dma_start3A_15 = tpu.memref_slice %arg2[%dma_start3A_13, %dma_start3A_14] : memref<10000x128xf32, #tpu.memory_space<hbm>> -> memref<10000x128xf32, #tpu.memory_space<hbm>>
    tpu.enqueue_indirect_dma source(%dma_start3A_15 : memref<10000x128xf32, #tpu.memory_space<hbm>>) target(%arg15 : memref<128x128xf32, #tpu.memory_space<vmem>>) offsets(%dma_start3A_12 : memref<128xi32, #tpu.memory_space<vmem>>) semaphore(%arg17 : memref<!tpu.dma_semaphore, #tpu.memory_space<semaphore_mem>>)
    %scan3A = arith.constant 0 : i32
    %scan3A_16 = arith.constant 20 : i32
    %scan3A_17 = arith.addi %scan3A, %scan3A_16 : i32
    %scan3A_18 = arith.constant 1 : i32
    scf.for %scan3A_76 = %scan3A to %scan3A_17 step %scan3A_18  : i32 {
      %mul3A_77 = arith.constant 2 : i32
      %mul3A_78 = arith.muli %scan3A_76, %mul3A_77 : i32
      %add3A_79 = arith.constant 0 : i32
      %add3A_80 = arith.addi %mul3A_78, %add3A_79 : i32
      %mul3A_81 = arith.constant 128 : i32
      %mul3A_82 = arith.muli %add3A_80, %mul3A_81 : i32
      %dma_wait3A = tpu.memref_slice %arg12[%mul3A_82] : memref<5120xi32, #tpu.memory_space<vmem>> -> memref<128xi32, #tpu.memory_space<vmem>>
      %dma_wait3A_83 = arith.constant 0 : i32
      %dma_wait3A_84 = arith.constant 0 : i32
      %dma_wait3A_85 = tpu.memref_slice %arg2[%dma_wait3A_83, %dma_wait3A_84] : memref<10000x128xf32, #tpu.memory_space<hbm>> -> memref<10000x128xf32, #tpu.memory_space<hbm>>
      tpu.wait_indirect_dma semaphore(%arg16 : memref<!tpu.dma_semaphore, #tpu.memory_space<semaphore_mem>>) src(%dma_wait3A_85 : memref<10000x128xf32, #tpu.memory_space<hbm>>) dst(%arg14 : memref<128x128xf32, #tpu.memory_space<vmem>>)
      "tpu.region"() ({
        %run_scoped3A = tpu.sem_alloc : memref<!tpu.dma_semaphore, #tpu.memory_space<semaphore_mem>>
        %dma_start3A_107 = arith.constant 0 : i32
        %dma_start3A_108 = tpu.memref_slice %arg13[%add3A_80, %dma_start3A_107] : memref<40x128xi32, #tpu.memory_space<vmem>> -> memref<1x128xi32, #tpu.memory_space<vmem>>
        %dma_start3A_109 = tpu.memref_squeeze %dma_start3A_108 : memref<1x128xi32, #tpu.memory_space<vmem>> -> memref<128xi32, #tpu.memory_space<vmem>>
        %dma_start3A_110 = arith.constant 0 : i32
        %dma_start3A_111 = arith.constant 0 : i32
        %dma_start3A_112 = tpu.memref_slice %arg11[%dma_start3A_110, %dma_start3A_111] : memref<10112x128xf32, #tpu.memory_space<vmem_shared>> -> memref<10112x128xf32, #tpu.memory_space<vmem_shared>>
        tpu.enqueue_indirect_dma source(%arg14 : memref<128x128xf32, #tpu.memory_space<vmem>>) target(%dma_start3A_112 : memref<10112x128xf32, #tpu.memory_space<vmem_shared>>) offsets(%dma_start3A_109 : memref<128xi32, #tpu.memory_space<vmem>>) semaphore(%run_scoped3A : memref<!tpu.dma_semaphore, #tpu.memory_space<semaphore_mem>>) {add = true}
        %dma_wait3A_113 = arith.constant 0 : i32
        %dma_wait3A_114 = tpu.memref_slice %arg13[%add3A_80, %dma_wait3A_113] : memref<40x128xi32, #tpu.memory_space<vmem>> -> memref<1x128xi32, #tpu.memory_space<vmem>>
        %dma_wait3A_115 = tpu.memref_squeeze %dma_wait3A_114 : memref<1x128xi32, #tpu.memory_space<vmem>> -> memref<128xi32, #tpu.memory_space<vmem>>
        %dma_wait3A_116 = arith.constant 0 : i32
        %dma_wait3A_117 = arith.constant 0 : i32
        %dma_wait3A_118 = tpu.memref_slice %arg11[%dma_wait3A_116, %dma_wait3A_117] : memref<10112x128xf32, #tpu.memory_space<vmem_shared>> -> memref<10112x128xf32, #tpu.memory_space<vmem_shared>>
        tpu.wait_indirect_dma semaphore(%run_scoped3A : memref<!tpu.dma_semaphore, #tpu.memory_space<semaphore_mem>>) src(%arg14 : memref<128x128xf32, #tpu.memory_space<vmem>>) dst(%dma_wait3A_118 : memref<10112x128xf32, #tpu.memory_space<vmem_shared>>)
        tpu.yield
      }) : () -> ()
      %add3A_86 = arith.constant 2 : i32
      %add3A_87 = arith.addi %add3A_80, %add3A_86 : i32
      %lt3A = arith.constant 40 : i32
      %lt3A_88 = arith.cmpi slt, %add3A_87, %lt3A : i32
      %convert_element_type3A = arith.extui %lt3A_88 : i1 to i32
      %cond3A = arith.constant 0 : i32
      %cond3A_89 = arith.cmpi ne, %convert_element_type3A, %cond3A : i32
      scf.if %cond3A_89 {
        %add3A_107 = arith.constant 2 : i32
        %add3A_108 = arith.addi %add3A_80, %add3A_107 : i32
        %mul3A_109 = arith.constant 128 : i32
        %mul3A_110 = arith.muli %add3A_108, %mul3A_109 : i32
        %dma_start3A_111 = tpu.memref_slice %arg12[%mul3A_110] : memref<5120xi32, #tpu.memory_space<vmem>> -> memref<128xi32, #tpu.memory_space<vmem>>
        %dma_start3A_112 = arith.constant 0 : i32
        %dma_start3A_113 = arith.constant 0 : i32
        %dma_start3A_114 = tpu.memref_slice %arg2[%dma_start3A_112, %dma_start3A_113] : memref<10000x128xf32, #tpu.memory_space<hbm>> -> memref<10000x128xf32, #tpu.memory_space<hbm>>
        tpu.enqueue_indirect_dma source(%dma_start3A_114 : memref<10000x128xf32, #tpu.memory_space<hbm>>) target(%arg14 : memref<128x128xf32, #tpu.memory_space<vmem>>) offsets(%dma_start3A_111 : memref<128xi32, #tpu.memory_space<vmem>>) semaphore(%arg16 : memref<!tpu.dma_semaphore, #tpu.memory_space<semaphore_mem>>)
      } else {
      }
      %mul3A_90 = arith.constant 2 : i32
      %mul3A_91 = arith.muli %scan3A_76, %mul3A_90 : i32
      %add3A_92 = arith.constant 1 : i32
      %add3A_93 = arith.addi %mul3A_91, %add3A_92 : i32
      %mul3A_94 = arith.constant 128 : i32
      %mul3A_95 = arith.muli %add3A_93, %mul3A_94 : i32
      %dma_wait3A_96 = tpu.memref_slice %arg12[%mul3A_95] : memref<5120xi32, #tpu.memory_space<vmem>> -> memref<128xi32, #tpu.memory_space<vmem>>
      %dma_wait3A_97 = arith.constant 0 : i32
      %dma_wait3A_98 = arith.constant 0 : i32
      %dma_wait3A_99 = tpu.memref_slice %arg2[%dma_wait3A_97, %dma_wait3A_98] : memref<10000x128xf32, #tpu.memory_space<hbm>> -> memref<10000x128xf32, #tpu.memory_space<hbm>>
      tpu.wait_indirect_dma semaphore(%arg17 : memref<!tpu.dma_semaphore, #tpu.memory_space<semaphore_mem>>) src(%dma_wait3A_99 : memref<10000x128xf32, #tpu.memory_space<hbm>>) dst(%arg15 : memref<128x128xf32, #tpu.memory_space<vmem>>)
      "tpu.region"() ({
        %run_scoped3A = tpu.sem_alloc : memref<!tpu.dma_semaphore, #tpu.memory_space<semaphore_mem>>
        %dma_start3A_107 = arith.constant 0 : i32
        %dma_start3A_108 = tpu.memref_slice %arg13[%add3A_93, %dma_start3A_107] : memref<40x128xi32, #tpu.memory_space<vmem>> -> memref<1x128xi32, #tpu.memory_space<vmem>>
        %dma_start3A_109 = tpu.memref_squeeze %dma_start3A_108 : memref<1x128xi32, #tpu.memory_space<vmem>> -> memref<128xi32, #tpu.memory_space<vmem>>
        %dma_start3A_110 = arith.constant 0 : i32
        %dma_start3A_111 = arith.constant 0 : i32
        %dma_start3A_112 = tpu.memref_slice %arg11[%dma_start3A_110, %dma_start3A_111] : memref<10112x128xf32, #tpu.memory_space<vmem_shared>> -> memref<10112x128xf32, #tpu.memory_space<vmem_shared>>
        tpu.enqueue_indirect_dma source(%arg15 : memref<128x128xf32, #tpu.memory_space<vmem>>) target(%dma_start3A_112 : memref<10112x128xf32, #tpu.memory_space<vmem_shared>>) offsets(%dma_start3A_109 : memref<128xi32, #tpu.memory_space<vmem>>) semaphore(%run_scoped3A : memref<!tpu.dma_semaphore, #tpu.memory_space<semaphore_mem>>) {add = true}
        %dma_wait3A_113 = arith.constant 0 : i32
        %dma_wait3A_114 = tpu.memref_slice %arg13[%add3A_93, %dma_wait3A_113] : memref<40x128xi32, #tpu.memory_space<vmem>> -> memref<1x128xi32, #tpu.memory_space<vmem>>
        %dma_wait3A_115 = tpu.memref_squeeze %dma_wait3A_114 : memref<1x128xi32, #tpu.memory_space<vmem>> -> memref<128xi32, #tpu.memory_space<vmem>>
        %dma_wait3A_116 = arith.constant 0 : i32
        %dma_wait3A_117 = arith.constant 0 : i32
        %dma_wait3A_118 = tpu.memref_slice %arg11[%dma_wait3A_116, %dma_wait3A_117] : memref<10112x128xf32, #tpu.memory_space<vmem_shared>> -> memref<10112x128xf32, #tpu.memory_space<vmem_shared>>
        tpu.wait_indirect_dma semaphore(%run_scoped3A : memref<!tpu.dma_semaphore, #tpu.memory_space<semaphore_mem>>) src(%arg15 : memref<128x128xf32, #tpu.memory_space<vmem>>) dst(%dma_wait3A_118 : memref<10112x128xf32, #tpu.memory_space<vmem_shared>>)
        tpu.yield
      }) : () -> ()
      %add3A_100 = arith.constant 2 : i32
      %add3A_101 = arith.addi %add3A_93, %add3A_100 : i32
      %lt3A_102 = arith.constant 40 : i32
      %lt3A_103 = arith.cmpi slt, %add3A_101, %lt3A_102 : i32
      %convert_element_type3A_104 = arith.extui %lt3A_103 : i1 to i32
      %cond3A_105 = arith.constant 0 : i32
      %cond3A_106 = arith.cmpi ne, %convert_element_type3A_104, %cond3A_105 : i32
      scf.if %cond3A_106 {
        %add3A_107 = arith.constant 2 : i32
        %add3A_108 = arith.addi %add3A_93, %add3A_107 : i32
        %mul3A_109 = arith.constant 128 : i32
        %mul3A_110 = arith.muli %add3A_108, %mul3A_109 : i32
        %dma_start3A_111 = tpu.memref_slice %arg12[%mul3A_110] : memref<5120xi32, #tpu.memory_space<vmem>> -> memref<128xi32, #tpu.memory_space<vmem>>
        %dma_start3A_112 = arith.constant 0 : i32
        %dma_start3A_113 = arith.constant 0 : i32
        %dma_start3A_114 = tpu.memref_slice %arg2[%dma_start3A_112, %dma_start3A_113] : memref<10000x128xf32, #tpu.memory_space<hbm>> -> memref<10000x128xf32, #tpu.memory_space<hbm>>
        tpu.enqueue_indirect_dma source(%dma_start3A_114 : memref<10000x128xf32, #tpu.memory_space<hbm>>) target(%arg15 : memref<128x128xf32, #tpu.memory_space<vmem>>) offsets(%dma_start3A_111 : memref<128xi32, #tpu.memory_space<vmem>>) semaphore(%arg17 : memref<!tpu.dma_semaphore, #tpu.memory_space<semaphore_mem>>)
      } else {
      }
    }
    %scan3A_19 = arith.constant 20 : i32
    %mul3A_20 = arith.constant 10240 : i32
    %mul3A_21 = arith.muli %add3A, %mul3A_20 : i32
    %add3A_22 = arith.constant 5120 : i32
    %add3A_23 = arith.addi %mul3A_21, %add3A_22 : i32
    %mul3A_24 = arith.constant 80 : i32
    %mul3A_25 = arith.muli %add3A, %mul3A_24 : i32
    %add3A_26 = arith.constant 40 : i32
    %add3A_27 = arith.addi %mul3A_25, %add3A_26 : i32
    "tpu.region"() ({
      %run_scoped3A = tpu.sem_alloc : memref<!tpu.dma_semaphore, #tpu.memory_space<semaphore_mem>>
      %dma_start3A_76 = arith.constant 0 : i32
      %dma_start3A_77 = tpu.memref_slice %arg12[%dma_start3A_76] : memref<5120xi32, #tpu.memory_space<vmem>> -> memref<5120xi32, #tpu.memory_space<vmem>>
      %dma_start3A_78 = tpu.memref_slice %arg4[%add3A_23] : memref<327680xi32, #tpu.memory_space<hbm>> -> memref<5120xi32, #tpu.memory_space<hbm>>
      %dma_start3A_79 = arith.constant 0 : i32
      %dma_start3A_80 = tpu.memref_slice %arg12[%dma_start3A_79] : memref<5120xi32, #tpu.memory_space<vmem>> -> memref<5120xi32, #tpu.memory_space<vmem>>
      %dma_start3A_81 = tpu.memref_slice %arg4[%add3A_23] : memref<327680xi32, #tpu.memory_space<hbm>> -> memref<5120xi32, #tpu.memory_space<hbm>>
      tpu.enqueue_dma source(%dma_start3A_81 : memref<5120xi32, #tpu.memory_space<hbm>>) target(%dma_start3A_80 : memref<5120xi32, #tpu.memory_space<vmem>>) target_semaphore(%run_scoped3A : memref<!tpu.dma_semaphore, #tpu.memory_space<semaphore_mem>>)
      %dma_wait3A = arith.constant 0 : i32
      %dma_wait3A_82 = tpu.memref_slice %arg12[%dma_wait3A] : memref<5120xi32, #tpu.memory_space<vmem>> -> memref<5120xi32, #tpu.memory_space<vmem>>
      %dma_wait3A_83 = tpu.memref_slice %arg4[%add3A_23] : memref<327680xi32, #tpu.memory_space<hbm>> -> memref<5120xi32, #tpu.memory_space<hbm>>
      %dma_wait3A_84 = arith.constant 0 : i32
      %dma_wait3A_85 = tpu.memref_slice %arg12[%dma_wait3A_84] : memref<5120xi32, #tpu.memory_space<vmem>> -> memref<5120xi32, #tpu.memory_space<vmem>>
      %dma_wait3A_86 = tpu.memref_slice %arg4[%add3A_23] : memref<327680xi32, #tpu.memory_space<hbm>> -> memref<5120xi32, #tpu.memory_space<hbm>>
      tpu.wait_dma2 semaphore(%run_scoped3A : memref<!tpu.dma_semaphore, #tpu.memory_space<semaphore_mem>>) src(%dma_wait3A_86 : memref<5120xi32, #tpu.memory_space<hbm>>) dst(%dma_wait3A_85 : memref<5120xi32, #tpu.memory_space<vmem>>)
      tpu.yield
    }) : () -> ()
    "tpu.region"() ({
      %run_scoped3A = tpu.sem_alloc : memref<!tpu.dma_semaphore, #tpu.memory_space<semaphore_mem>>
      %dma_start3A_76 = arith.constant 0 : i32
      %dma_start3A_77 = arith.constant 0 : i32
      %dma_start3A_78 = tpu.memref_slice %arg13[%dma_start3A_76, %dma_start3A_77] : memref<40x128xi32, #tpu.memory_space<vmem>> -> memref<40x128xi32, #tpu.memory_space<vmem>>
      %dma_start3A_79 = arith.constant 0 : i32
      %dma_start3A_80 = tpu.memref_slice %arg5[%add3A_27, %dma_start3A_79] : memref<2560x128xi32, #tpu.memory_space<hbm>> -> memref<40x128xi32, #tpu.memory_space<hbm>>
      %dma_start3A_81 = arith.constant 0 : i32
      %dma_start3A_82 = arith.constant 0 : i32
      %dma_start3A_83 = tpu.memref_slice %arg13[%dma_start3A_81, %dma_start3A_82] : memref<40x128xi32, #tpu.memory_space<vmem>> -> memref<40x128xi32, #tpu.memory_space<vmem>>
      %dma_start3A_84 = arith.constant 0 : i32
      %dma_start3A_85 = tpu.memref_slice %arg5[%add3A_27, %dma_start3A_84] : memref<2560x128xi32, #tpu.memory_space<hbm>> -> memref<40x128xi32, #tpu.memory_space<hbm>>
      tpu.enqueue_dma source(%dma_start3A_85 : memref<40x128xi32, #tpu.memory_space<hbm>>) target(%dma_start3A_83 : memref<40x128xi32, #tpu.memory_space<vmem>>) target_semaphore(%run_scoped3A : memref<!tpu.dma_semaphore, #tpu.memory_space<semaphore_mem>>)
      %dma_wait3A = arith.constant 0 : i32
      %dma_wait3A_86 = arith.constant 0 : i32
      %dma_wait3A_87 = tpu.memref_slice %arg13[%dma_wait3A, %dma_wait3A_86] : memref<40x128xi32, #tpu.memory_space<vmem>> -> memref<40x128xi32, #tpu.memory_space<vmem>>
      %dma_wait3A_88 = arith.constant 0 : i32
      %dma_wait3A_89 = tpu.memref_slice %arg5[%add3A_27, %dma_wait3A_88] : memref<2560x128xi32, #tpu.memory_space<hbm>> -> memref<40x128xi32, #tpu.memory_space<hbm>>
      %dma_wait3A_90 = arith.constant 0 : i32
      %dma_wait3A_91 = arith.constant 0 : i32
      %dma_wait3A_92 = tpu.memref_slice %arg13[%dma_wait3A_90, %dma_wait3A_91] : memref<40x128xi32, #tpu.memory_space<vmem>> -> memref<40x128xi32, #tpu.memory_space<vmem>>
      %dma_wait3A_93 = arith.constant 0 : i32
      %dma_wait3A_94 = tpu.memref_slice %arg5[%add3A_27, %dma_wait3A_93] : memref<2560x128xi32, #tpu.memory_space<hbm>> -> memref<40x128xi32, #tpu.memory_space<hbm>>
      tpu.wait_dma2 semaphore(%run_scoped3A : memref<!tpu.dma_semaphore, #tpu.memory_space<semaphore_mem>>) src(%dma_wait3A_94 : memref<40x128xi32, #tpu.memory_space<hbm>>) dst(%dma_wait3A_92 : memref<40x128xi32, #tpu.memory_space<vmem>>)
      tpu.yield
    }) : () -> ()
    %dma_start3A_28 = arith.constant 0 : i32
    %dma_start3A_29 = tpu.memref_slice %arg12[%dma_start3A_28] : memref<5120xi32, #tpu.memory_space<vmem>> -> memref<128xi32, #tpu.memory_space<vmem>>
    %dma_start3A_30 = arith.constant 0 : i32
    %dma_start3A_31 = arith.constant 0 : i32
    %dma_start3A_32 = tpu.memref_slice %arg2[%dma_start3A_30, %dma_start3A_31] : memref<10000x128xf32, #tpu.memory_space<hbm>> -> memref<10000x128xf32, #tpu.memory_space<hbm>>
    tpu.enqueue_indirect_dma source(%dma_start3A_32 : memref<10000x128xf32, #tpu.memory_space<hbm>>) target(%arg14 : memref<128x128xf32, #tpu.memory_space<vmem>>) offsets(%dma_start3A_29 : memref<128xi32, #tpu.memory_space<vmem>>) semaphore(%arg16 : memref<!tpu.dma_semaphore, #tpu.memory_space<semaphore_mem>>)
    %dma_start3A_33 = arith.constant 128 : i32
    %dma_start3A_34 = tpu.memref_slice %arg12[%dma_start3A_33] : memref<5120xi32, #tpu.memory_space<vmem>> -> memref<128xi32, #tpu.memory_space<vmem>>
    %dma_start3A_35 = arith.constant 0 : i32
    %dma_start3A_36 = arith.constant 0 : i32
    %dma_start3A_37 = tpu.memref_slice %arg2[%dma_start3A_35, %dma_start3A_36] : memref<10000x128xf32, #tpu.memory_space<hbm>> -> memref<10000x128xf32, #tpu.memory_space<hbm>>
    tpu.enqueue_indirect_dma source(%dma_start3A_37 : memref<10000x128xf32, #tpu.memory_space<hbm>>) target(%arg15 : memref<128x128xf32, #tpu.memory_space<vmem>>) offsets(%dma_start3A_34 : memref<128xi32, #tpu.memory_space<vmem>>) semaphore(%arg17 : memref<!tpu.dma_semaphore, #tpu.memory_space<semaphore_mem>>)
    %scan3A_38 = arith.constant 0 : i32
    %scan3A_39 = arith.constant 20 : i32
    %scan3A_40 = arith.addi %scan3A_38, %scan3A_39 : i32
    %scan3A_41 = arith.constant 1 : i32
    scf.for %scan3A_76 = %scan3A_38 to %scan3A_40 step %scan3A_41  : i32 {
      %mul3A_77 = arith.constant 2 : i32
      %mul3A_78 = arith.muli %scan3A_76, %mul3A_77 : i32
      %add3A_79 = arith.constant 0 : i32
      %add3A_80 = arith.addi %mul3A_78, %add3A_79 : i32
      %mul3A_81 = arith.constant 128 : i32
      %mul3A_82 = arith.muli %add3A_80, %mul3A_81 : i32
      %dma_wait3A = tpu.memref_slice %arg12[%mul3A_82] : memref<5120xi32, #tpu.memory_space<vmem>> -> memref<128xi32, #tpu.memory_space<vmem>>
      %dma_wait3A_83 = arith.constant 0 : i32
      %dma_wait3A_84 = arith.constant 0 : i32
      %dma_wait3A_85 = tpu.memref_slice %arg2[%dma_wait3A_83, %dma_wait3A_84] : memref<10000x128xf32, #tpu.memory_space<hbm>> -> memref<10000x128xf32, #tpu.memory_space<hbm>>
      tpu.wait_indirect_dma semaphore(%arg16 : memref<!tpu.dma_semaphore, #tpu.memory_space<semaphore_mem>>) src(%dma_wait3A_85 : memref<10000x128xf32, #tpu.memory_space<hbm>>) dst(%arg14 : memref<128x128xf32, #tpu.memory_space<vmem>>)
      "tpu.region"() ({
        %run_scoped3A = tpu.sem_alloc : memref<!tpu.dma_semaphore, #tpu.memory_space<semaphore_mem>>
        %dma_start3A_107 = arith.constant 0 : i32
        %dma_start3A_108 = tpu.memref_slice %arg13[%add3A_80, %dma_start3A_107] : memref<40x128xi32, #tpu.memory_space<vmem>> -> memref<1x128xi32, #tpu.memory_space<vmem>>
        %dma_start3A_109 = tpu.memref_squeeze %dma_start3A_108 : memref<1x128xi32, #tpu.memory_space<vmem>> -> memref<128xi32, #tpu.memory_space<vmem>>
        %dma_start3A_110 = arith.constant 0 : i32
        %dma_start3A_111 = arith.constant 0 : i32
        %dma_start3A_112 = tpu.memref_slice %arg11[%dma_start3A_110, %dma_start3A_111] : memref<10112x128xf32, #tpu.memory_space<vmem_shared>> -> memref<10112x128xf32, #tpu.memory_space<vmem_shared>>
        tpu.enqueue_indirect_dma source(%arg14 : memref<128x128xf32, #tpu.memory_space<vmem>>) target(%dma_start3A_112 : memref<10112x128xf32, #tpu.memory_space<vmem_shared>>) offsets(%dma_start3A_109 : memref<128xi32, #tpu.memory_space<vmem>>) semaphore(%run_scoped3A : memref<!tpu.dma_semaphore, #tpu.memory_space<semaphore_mem>>) {add = true}
        %dma_wait3A_113 = arith.constant 0 : i32
        %dma_wait3A_114 = tpu.memref_slice %arg13[%add3A_80, %dma_wait3A_113] : memref<40x128xi32, #tpu.memory_space<vmem>> -> memref<1x128xi32, #tpu.memory_space<vmem>>
        %dma_wait3A_115 = tpu.memref_squeeze %dma_wait3A_114 : memref<1x128xi32, #tpu.memory_space<vmem>> -> memref<128xi32, #tpu.memory_space<vmem>>
        %dma_wait3A_116 = arith.constant 0 : i32
        %dma_wait3A_117 = arith.constant 0 : i32
        %dma_wait3A_118 = tpu.memref_slice %arg11[%dma_wait3A_116, %dma_wait3A_117] : memref<10112x128xf32, #tpu.memory_space<vmem_shared>> -> memref<10112x128xf32, #tpu.memory_space<vmem_shared>>
        tpu.wait_indirect_dma semaphore(%run_scoped3A : memref<!tpu.dma_semaphore, #tpu.memory_space<semaphore_mem>>) src(%arg14 : memref<128x128xf32, #tpu.memory_space<vmem>>) dst(%dma_wait3A_118 : memref<10112x128xf32, #tpu.memory_space<vmem_shared>>)
        tpu.yield
      }) : () -> ()
      %add3A_86 = arith.constant 2 : i32
      %add3A_87 = arith.addi %add3A_80, %add3A_86 : i32
      %lt3A = arith.constant 40 : i32
      %lt3A_88 = arith.cmpi slt, %add3A_87, %lt3A : i32
      %convert_element_type3A = arith.extui %lt3A_88 : i1 to i32
      %cond3A = arith.constant 0 : i32
      %cond3A_89 = arith.cmpi ne, %convert_element_type3A, %cond3A : i32
      scf.if %cond3A_89 {
        %add3A_107 = arith.constant 2 : i32
        %add3A_108 = arith.addi %add3A_80, %add3A_107 : i32
        %mul3A_109 = arith.constant 128 : i32
        %mul3A_110 = arith.muli %add3A_108, %mul3A_109 : i32
        %dma_start3A_111 = tpu.memref_slice %arg12[%mul3A_110] : memref<5120xi32, #tpu.memory_space<vmem>> -> memref<128xi32, #tpu.memory_space<vmem>>
        %dma_start3A_112 = arith.constant 0 : i32
        %dma_start3A_113 = arith.constant 0 : i32
        %dma_start3A_114 = tpu.memref_slice %arg2[%dma_start3A_112, %dma_start3A_113] : memref<10000x128xf32, #tpu.memory_space<hbm>> -> memref<10000x128xf32, #tpu.memory_space<hbm>>
        tpu.enqueue_indirect_dma source(%dma_start3A_114 : memref<10000x128xf32, #tpu.memory_space<hbm>>) target(%arg14 : memref<128x128xf32, #tpu.memory_space<vmem>>) offsets(%dma_start3A_111 : memref<128xi32, #tpu.memory_space<vmem>>) semaphore(%arg16 : memref<!tpu.dma_semaphore, #tpu.memory_space<semaphore_mem>>)
      } else {
      }
      %mul3A_90 = arith.constant 2 : i32
      %mul3A_91 = arith.muli %scan3A_76, %mul3A_90 : i32
      %add3A_92 = arith.constant 1 : i32
      %add3A_93 = arith.addi %mul3A_91, %add3A_92 : i32
      %mul3A_94 = arith.constant 128 : i32
      %mul3A_95 = arith.muli %add3A_93, %mul3A_94 : i32
      %dma_wait3A_96 = tpu.memref_slice %arg12[%mul3A_95] : memref<5120xi32, #tpu.memory_space<vmem>> -> memref<128xi32, #tpu.memory_space<vmem>>
      %dma_wait3A_97 = arith.constant 0 : i32
      %dma_wait3A_98 = arith.constant 0 : i32
      %dma_wait3A_99 = tpu.memref_slice %arg2[%dma_wait3A_97, %dma_wait3A_98] : memref<10000x128xf32, #tpu.memory_space<hbm>> -> memref<10000x128xf32, #tpu.memory_space<hbm>>
      tpu.wait_indirect_dma semaphore(%arg17 : memref<!tpu.dma_semaphore, #tpu.memory_space<semaphore_mem>>) src(%dma_wait3A_99 : memref<10000x128xf32, #tpu.memory_space<hbm>>) dst(%arg15 : memref<128x128xf32, #tpu.memory_space<vmem>>)
      "tpu.region"() ({
        %run_scoped3A = tpu.sem_alloc : memref<!tpu.dma_semaphore, #tpu.memory_space<semaphore_mem>>
        %dma_start3A_107 = arith.constant 0 : i32
        %dma_start3A_108 = tpu.memref_slice %arg13[%add3A_93, %dma_start3A_107] : memref<40x128xi32, #tpu.memory_space<vmem>> -> memref<1x128xi32, #tpu.memory_space<vmem>>
        %dma_start3A_109 = tpu.memref_squeeze %dma_start3A_108 : memref<1x128xi32, #tpu.memory_space<vmem>> -> memref<128xi32, #tpu.memory_space<vmem>>
        %dma_start3A_110 = arith.constant 0 : i32
        %dma_start3A_111 = arith.constant 0 : i32
        %dma_start3A_112 = tpu.memref_slice %arg11[%dma_start3A_110, %dma_start3A_111] : memref<10112x128xf32, #tpu.memory_space<vmem_shared>> -> memref<10112x128xf32, #tpu.memory_space<vmem_shared>>
        tpu.enqueue_indirect_dma source(%arg15 : memref<128x128xf32, #tpu.memory_space<vmem>>) target(%dma_start3A_112 : memref<10112x128xf32, #tpu.memory_space<vmem_shared>>) offsets(%dma_start3A_109 : memref<128xi32, #tpu.memory_space<vmem>>) semaphore(%run_scoped3A : memref<!tpu.dma_semaphore, #tpu.memory_space<semaphore_mem>>) {add = true}
        %dma_wait3A_113 = arith.constant 0 : i32
        %dma_wait3A_114 = tpu.memref_slice %arg13[%add3A_93, %dma_wait3A_113] : memref<40x128xi32, #tpu.memory_space<vmem>> -> memref<1x128xi32, #tpu.memory_space<vmem>>
        %dma_wait3A_115 = tpu.memref_squeeze %dma_wait3A_114 : memref<1x128xi32, #tpu.memory_space<vmem>> -> memref<128xi32, #tpu.memory_space<vmem>>
        %dma_wait3A_116 = arith.constant 0 : i32
        %dma_wait3A_117 = arith.constant 0 : i32
        %dma_wait3A_118 = tpu.memref_slice %arg11[%dma_wait3A_116, %dma_wait3A_117] : memref<10112x128xf32, #tpu.memory_space<vmem_shared>> -> memref<10112x128xf32, #tpu.memory_space<vmem_shared>>
        tpu.wait_indirect_dma semaphore(%run_scoped3A : memref<!tpu.dma_semaphore, #tpu.memory_space<semaphore_mem>>) src(%arg15 : memref<128x128xf32, #tpu.memory_space<vmem>>) dst(%dma_wait3A_118 : memref<10112x128xf32, #tpu.memory_space<vmem_shared>>)
        tpu.yield
      }) : () -> ()
      %add3A_100 = arith.constant 2 : i32
      %add3A_101 = arith.addi %add3A_93, %add3A_100 : i32
      %lt3A_102 = arith.constant 40 : i32
      %lt3A_103 = arith.cmpi slt, %add3A_101, %lt3A_102 : i32
      %convert_element_type3A_104 = arith.extui %lt3A_103 : i1 to i32
      %cond3A_105 = arith.constant 0 : i32
      %cond3A_106 = arith.cmpi ne, %convert_element_type3A_104, %cond3A_105 : i32
      scf.if %cond3A_106 {
        %add3A_107 = arith.constant 2 : i32
        %add3A_108 = arith.addi %add3A_93, %add3A_107 : i32
        %mul3A_109 = arith.constant 128 : i32
        %mul3A_110 = arith.muli %add3A_108, %mul3A_109 : i32
        %dma_start3A_111 = tpu.memref_slice %arg12[%mul3A_110] : memref<5120xi32, #tpu.memory_space<vmem>> -> memref<128xi32, #tpu.memory_space<vmem>>
        %dma_start3A_112 = arith.constant 0 : i32
        %dma_start3A_113 = arith.constant 0 : i32
        %dma_start3A_114 = tpu.memref_slice %arg2[%dma_start3A_112, %dma_start3A_113] : memref<10000x128xf32, #tpu.memory_space<hbm>> -> memref<10000x128xf32, #tpu.memory_space<hbm>>
        tpu.enqueue_indirect_dma source(%dma_start3A_114 : memref<10000x128xf32, #tpu.memory_space<hbm>>) target(%arg15 : memref<128x128xf32, #tpu.memory_space<vmem>>) offsets(%dma_start3A_111 : memref<128xi32, #tpu.memory_space<vmem>>) semaphore(%arg17 : memref<!tpu.dma_semaphore, #tpu.memory_space<semaphore_mem>>)
      } else {
      }
    }
    %scan3A_42 = arith.constant 20 : i32
    %barrier3A_43 = arith.constant 0 : index
    tpu.barrier barrier_id(%barrier3A_43)
    %mul3A_44 = arith.constant 632 : i32
    %mul3A_45 = arith.muli %arg1, %mul3A_44 : i32
    %mul3A_46 = arith.constant 632 : i32
    %mul3A_47 = arith.muli %arg1, %mul3A_46 : i32
    "tpu.region"() ({
      %run_scoped3A = tpu.sem_alloc : memref<!tpu.dma_semaphore, #tpu.memory_space<semaphore_mem>>
      %dma_start3A_76 = arith.constant 0 : i32
      %dma_start3A_77 = tpu.memref_slice %arg9[%arg0, %mul3A_47, %dma_start3A_76] : memref<2x10112x128xf32, #tpu.memory_space<hbm>> -> memref<1x632x128xf32, #tpu.memory_space<hbm>>
      %dma_start3A_78 = tpu.memref_squeeze %dma_start3A_77 : memref<1x632x128xf32, #tpu.memory_space<hbm>> -> memref<632x128xf32, #tpu.memory_space<hbm>>
      %dma_start3A_79 = arith.constant 0 : i32
      %dma_start3A_80 = tpu.memref_slice %arg11[%mul3A_45, %dma_start3A_79] : memref<10112x128xf32, #tpu.memory_space<vmem_shared>> -> memref<632x128xf32, #tpu.memory_space<vmem_shared>>
      tpu.enqueue_dma source(%dma_start3A_80 : memref<632x128xf32, #tpu.memory_space<vmem_shared>>) target(%dma_start3A_78 : memref<632x128xf32, #tpu.memory_space<hbm>>) target_semaphore(%run_scoped3A : memref<!tpu.dma_semaphore, #tpu.memory_space<semaphore_mem>>)
      %dma_wait3A = arith.constant 0 : i32
      %dma_wait3A_81 = tpu.memref_slice %arg9[%arg0, %mul3A_47, %dma_wait3A] : memref<2x10112x128xf32, #tpu.memory_space<hbm>> -> memref<1x632x128xf32, #tpu.memory_space<hbm>>
      %dma_wait3A_82 = tpu.memref_squeeze %dma_wait3A_81 : memref<1x632x128xf32, #tpu.memory_space<hbm>> -> memref<632x128xf32, #tpu.memory_space<hbm>>
      %dma_wait3A_83 = arith.constant 0 : i32
      %dma_wait3A_84 = tpu.memref_slice %arg11[%mul3A_45, %dma_wait3A_83] : memref<10112x128xf32, #tpu.memory_space<vmem_shared>> -> memref<632x128xf32, #tpu.memory_space<vmem_shared>>
      tpu.wait_dma2 semaphore(%run_scoped3A : memref<!tpu.dma_semaphore, #tpu.memory_space<semaphore_mem>>) src(%dma_wait3A_84 : memref<632x128xf32, #tpu.memory_space<vmem_shared>>) dst(%dma_wait3A_82 : memref<632x128xf32, #tpu.memory_space<hbm>>)
      tpu.yield
    }) : () -> ()
    %barrier3A_48 = arith.constant 0 : index
    tpu.barrier barrier_id(%barrier3A_48)
    %mul3A_49 = arith.constant 264 : i32
    %mul3A_50 = arith.muli %arg1, %mul3A_49 : i32
    "tpu.region"() ({
      %run_scoped3A = tpu.sem_alloc : memref<!tpu.dma_semaphore, #tpu.memory_space<semaphore_mem>>
      %dma_start3A_76 = arith.constant 0 : i32
      %dma_start3A_77 = tpu.memref_slice %arg11[%mul3A_50, %dma_start3A_76] : memref<10112x128xf32, #tpu.memory_space<vmem_shared>> -> memref<264x128xf32, #tpu.memory_space<vmem_shared>>
      %dma_start3A_78 = arith.constant 0 : i32
      %dma_start3A_79 = arith.constant 0 : i32
      %dma_start3A_80 = tpu.memref_slice %arg8[%dma_start3A_78, %dma_start3A_79] : memref<632x128xf32, #tpu.memory_space<hbm>> -> memref<264x128xf32, #tpu.memory_space<hbm>>
      tpu.enqueue_dma source(%dma_start3A_80 : memref<264x128xf32, #tpu.memory_space<hbm>>) target(%dma_start3A_77 : memref<264x128xf32, #tpu.memory_space<vmem_shared>>) target_semaphore(%run_scoped3A : memref<!tpu.dma_semaphore, #tpu.memory_space<semaphore_mem>>)
      %dma_wait3A = arith.constant 0 : i32
      %dma_wait3A_81 = tpu.memref_slice %arg11[%mul3A_50, %dma_wait3A] : memref<10112x128xf32, #tpu.memory_space<vmem_shared>> -> memref<264x128xf32, #tpu.memory_space<vmem_shared>>
      %dma_wait3A_82 = arith.constant 0 : i32
      %dma_wait3A_83 = arith.constant 0 : i32
      %dma_wait3A_84 = tpu.memref_slice %arg8[%dma_wait3A_82, %dma_wait3A_83] : memref<632x128xf32, #tpu.memory_space<hbm>> -> memref<264x128xf32, #tpu.memory_space<hbm>>
      tpu.wait_dma2 semaphore(%run_scoped3A : memref<!tpu.dma_semaphore, #tpu.memory_space<semaphore_mem>>) src(%dma_wait3A_84 : memref<264x128xf32, #tpu.memory_space<hbm>>) dst(%dma_wait3A_81 : memref<264x128xf32, #tpu.memory_space<vmem_shared>>)
      tpu.yield
    }) : () -> ()
    %mul3A_51 = arith.constant 3072 : i32
    %mul3A_52 = arith.muli %add3A, %mul3A_51 : i32
    %mul3A_53 = arith.constant 24 : i32
    %mul3A_54 = arith.muli %add3A, %mul3A_53 : i32
    "tpu.region"() ({
      %run_scoped3A = tpu.sem_alloc : memref<!tpu.dma_semaphore, #tpu.memory_space<semaphore_mem>>
      %dma_start3A_76 = arith.constant 0 : i32
      %dma_start3A_77 = tpu.memref_slice %arg12[%dma_start3A_76] : memref<5120xi32, #tpu.memory_space<vmem>> -> memref<3072xi32, #tpu.memory_space<vmem>>
      %dma_start3A_78 = tpu.memref_slice %arg6[%mul3A_52] : memref<98304xi32, #tpu.memory_space<hbm>> -> memref<3072xi32, #tpu.memory_space<hbm>>
      %dma_start3A_79 = arith.constant 0 : i32
      %dma_start3A_80 = tpu.memref_slice %arg12[%dma_start3A_79] : memref<5120xi32, #tpu.memory_space<vmem>> -> memref<3072xi32, #tpu.memory_space<vmem>>
      %dma_start3A_81 = tpu.memref_slice %arg6[%mul3A_52] : memref<98304xi32, #tpu.memory_space<hbm>> -> memref<3072xi32, #tpu.memory_space<hbm>>
      tpu.enqueue_dma source(%dma_start3A_81 : memref<3072xi32, #tpu.memory_space<hbm>>) target(%dma_start3A_80 : memref<3072xi32, #tpu.memory_space<vmem>>) target_semaphore(%run_scoped3A : memref<!tpu.dma_semaphore, #tpu.memory_space<semaphore_mem>>)
      %dma_wait3A = arith.constant 0 : i32
      %dma_wait3A_82 = tpu.memref_slice %arg12[%dma_wait3A] : memref<5120xi32, #tpu.memory_space<vmem>> -> memref<3072xi32, #tpu.memory_space<vmem>>
      %dma_wait3A_83 = tpu.memref_slice %arg6[%mul3A_52] : memref<98304xi32, #tpu.memory_space<hbm>> -> memref<3072xi32, #tpu.memory_space<hbm>>
      %dma_wait3A_84 = arith.constant 0 : i32
      %dma_wait3A_85 = tpu.memref_slice %arg12[%dma_wait3A_84] : memref<5120xi32, #tpu.memory_space<vmem>> -> memref<3072xi32, #tpu.memory_space<vmem>>
      %dma_wait3A_86 = tpu.memref_slice %arg6[%mul3A_52] : memref<98304xi32, #tpu.memory_space<hbm>> -> memref<3072xi32, #tpu.memory_space<hbm>>
      tpu.wait_dma2 semaphore(%run_scoped3A : memref<!tpu.dma_semaphore, #tpu.memory_space<semaphore_mem>>) src(%dma_wait3A_86 : memref<3072xi32, #tpu.memory_space<hbm>>) dst(%dma_wait3A_85 : memref<3072xi32, #tpu.memory_space<vmem>>)
      tpu.yield
    }) : () -> ()
    "tpu.region"() ({
      %run_scoped3A = tpu.sem_alloc : memref<!tpu.dma_semaphore, #tpu.memory_space<semaphore_mem>>
      %dma_start3A_76 = arith.constant 0 : i32
      %dma_start3A_77 = arith.constant 0 : i32
      %dma_start3A_78 = tpu.memref_slice %arg13[%dma_start3A_76, %dma_start3A_77] : memref<40x128xi32, #tpu.memory_space<vmem>> -> memref<24x128xi32, #tpu.memory_space<vmem>>
      %dma_start3A_79 = arith.constant 0 : i32
      %dma_start3A_80 = tpu.memref_slice %arg7[%mul3A_54, %dma_start3A_79] : memref<768x128xi32, #tpu.memory_space<hbm>> -> memref<24x128xi32, #tpu.memory_space<hbm>>
      %dma_start3A_81 = arith.constant 0 : i32
      %dma_start3A_82 = arith.constant 0 : i32
      %dma_start3A_83 = tpu.memref_slice %arg13[%dma_start3A_81, %dma_start3A_82] : memref<40x128xi32, #tpu.memory_space<vmem>> -> memref<24x128xi32, #tpu.memory_space<vmem>>
      %dma_start3A_84 = arith.constant 0 : i32
      %dma_start3A_85 = tpu.memref_slice %arg7[%mul3A_54, %dma_start3A_84] : memref<768x128xi32, #tpu.memory_space<hbm>> -> memref<24x128xi32, #tpu.memory_space<hbm>>
      tpu.enqueue_dma source(%dma_start3A_85 : memref<24x128xi32, #tpu.memory_space<hbm>>) target(%dma_start3A_83 : memref<24x128xi32, #tpu.memory_space<vmem>>) target_semaphore(%run_scoped3A : memref<!tpu.dma_semaphore, #tpu.memory_space<semaphore_mem>>)
      %dma_wait3A = arith.constant 0 : i32
      %dma_wait3A_86 = arith.constant 0 : i32
      %dma_wait3A_87 = tpu.memref_slice %arg13[%dma_wait3A, %dma_wait3A_86] : memref<40x128xi32, #tpu.memory_space<vmem>> -> memref<24x128xi32, #tpu.memory_space<vmem>>
      %dma_wait3A_88 = arith.constant 0 : i32
      %dma_wait3A_89 = tpu.memref_slice %arg7[%mul3A_54, %dma_wait3A_88] : memref<768x128xi32, #tpu.memory_space<hbm>> -> memref<24x128xi32, #tpu.memory_space<hbm>>
      %dma_wait3A_90 = arith.constant 0 : i32
      %dma_wait3A_91 = arith.constant 0 : i32
      %dma_wait3A_92 = tpu.memref_slice %arg13[%dma_wait3A_90, %dma_wait3A_91] : memref<40x128xi32, #tpu.memory_space<vmem>> -> memref<24x128xi32, #tpu.memory_space<vmem>>
      %dma_wait3A_93 = arith.constant 0 : i32
      %dma_wait3A_94 = tpu.memref_slice %arg7[%mul3A_54, %dma_wait3A_93] : memref<768x128xi32, #tpu.memory_space<hbm>> -> memref<24x128xi32, #tpu.memory_space<hbm>>
      tpu.wait_dma2 semaphore(%run_scoped3A : memref<!tpu.dma_semaphore, #tpu.memory_space<semaphore_mem>>) src(%dma_wait3A_94 : memref<24x128xi32, #tpu.memory_space<hbm>>) dst(%dma_wait3A_92 : memref<24x128xi32, #tpu.memory_space<vmem>>)
      tpu.yield
    }) : () -> ()
    %barrier3A_55 = arith.constant 0 : index
    tpu.barrier barrier_id(%barrier3A_55)
    %dma_start3A_56 = arith.constant 0 : i32
    %dma_start3A_57 = tpu.memref_slice %arg12[%dma_start3A_56] : memref<5120xi32, #tpu.memory_space<vmem>> -> memref<128xi32, #tpu.memory_space<vmem>>
    %dma_start3A_58 = arith.constant 0 : i32
    %dma_start3A_59 = arith.constant 0 : i32
    %dma_start3A_60 = tpu.memref_slice %arg3[%dma_start3A_58, %dma_start3A_59] : memref<10000x128xf32, #tpu.memory_space<hbm>> -> memref<10000x128xf32, #tpu.memory_space<hbm>>
    tpu.enqueue_indirect_dma source(%dma_start3A_60 : memref<10000x128xf32, #tpu.memory_space<hbm>>) target(%arg14 : memref<128x128xf32, #tpu.memory_space<vmem>>) offsets(%dma_start3A_57 : memref<128xi32, #tpu.memory_space<vmem>>) semaphore(%arg16 : memref<!tpu.dma_semaphore, #tpu.memory_space<semaphore_mem>>)
    %dma_start3A_61 = arith.constant 128 : i32
    %dma_start3A_62 = tpu.memref_slice %arg12[%dma_start3A_61] : memref<5120xi32, #tpu.memory_space<vmem>> -> memref<128xi32, #tpu.memory_space<vmem>>
    %dma_start3A_63 = arith.constant 0 : i32
    %dma_start3A_64 = arith.constant 0 : i32
    %dma_start3A_65 = tpu.memref_slice %arg3[%dma_start3A_63, %dma_start3A_64] : memref<10000x128xf32, #tpu.memory_space<hbm>> -> memref<10000x128xf32, #tpu.memory_space<hbm>>
    tpu.enqueue_indirect_dma source(%dma_start3A_65 : memref<10000x128xf32, #tpu.memory_space<hbm>>) target(%arg15 : memref<128x128xf32, #tpu.memory_space<vmem>>) offsets(%dma_start3A_62 : memref<128xi32, #tpu.memory_space<vmem>>) semaphore(%arg17 : memref<!tpu.dma_semaphore, #tpu.memory_space<semaphore_mem>>)
    %scan3A_66 = arith.constant 0 : i32
    %scan3A_67 = arith.constant 12 : i32
    %scan3A_68 = arith.addi %scan3A_66, %scan3A_67 : i32
    %scan3A_69 = arith.constant 1 : i32
    scf.for %scan3A_76 = %scan3A_66 to %scan3A_68 step %scan3A_69  : i32 {
      %mul3A_77 = arith.constant 2 : i32
      %mul3A_78 = arith.muli %scan3A_76, %mul3A_77 : i32
      %add3A_79 = arith.constant 0 : i32
      %add3A_80 = arith.addi %mul3A_78, %add3A_79 : i32
      %mul3A_81 = arith.constant 128 : i32
      %mul3A_82 = arith.muli %add3A_80, %mul3A_81 : i32
      %dma_wait3A = tpu.memref_slice %arg12[%mul3A_82] : memref<5120xi32, #tpu.memory_space<vmem>> -> memref<128xi32, #tpu.memory_space<vmem>>
      %dma_wait3A_83 = arith.constant 0 : i32
      %dma_wait3A_84 = arith.constant 0 : i32
      %dma_wait3A_85 = tpu.memref_slice %arg3[%dma_wait3A_83, %dma_wait3A_84] : memref<10000x128xf32, #tpu.memory_space<hbm>> -> memref<10000x128xf32, #tpu.memory_space<hbm>>
      tpu.wait_indirect_dma semaphore(%arg16 : memref<!tpu.dma_semaphore, #tpu.memory_space<semaphore_mem>>) src(%dma_wait3A_85 : memref<10000x128xf32, #tpu.memory_space<hbm>>) dst(%arg14 : memref<128x128xf32, #tpu.memory_space<vmem>>)
      "tpu.region"() ({
        %run_scoped3A = tpu.sem_alloc : memref<!tpu.dma_semaphore, #tpu.memory_space<semaphore_mem>>
        %dma_start3A_107 = arith.constant 0 : i32
        %dma_start3A_108 = tpu.memref_slice %arg13[%add3A_80, %dma_start3A_107] : memref<40x128xi32, #tpu.memory_space<vmem>> -> memref<1x128xi32, #tpu.memory_space<vmem>>
        %dma_start3A_109 = tpu.memref_squeeze %dma_start3A_108 : memref<1x128xi32, #tpu.memory_space<vmem>> -> memref<128xi32, #tpu.memory_space<vmem>>
        %dma_start3A_110 = arith.constant 0 : i32
        %dma_start3A_111 = arith.constant 0 : i32
        %dma_start3A_112 = tpu.memref_slice %arg11[%dma_start3A_110, %dma_start3A_111] : memref<10112x128xf32, #tpu.memory_space<vmem_shared>> -> memref<10112x128xf32, #tpu.memory_space<vmem_shared>>
        tpu.enqueue_indirect_dma source(%arg14 : memref<128x128xf32, #tpu.memory_space<vmem>>) target(%dma_start3A_112 : memref<10112x128xf32, #tpu.memory_space<vmem_shared>>) offsets(%dma_start3A_109 : memref<128xi32, #tpu.memory_space<vmem>>) semaphore(%run_scoped3A : memref<!tpu.dma_semaphore, #tpu.memory_space<semaphore_mem>>) {add = true}
        %dma_wait3A_113 = arith.constant 0 : i32
        %dma_wait3A_114 = tpu.memref_slice %arg13[%add3A_80, %dma_wait3A_113] : memref<40x128xi32, #tpu.memory_space<vmem>> -> memref<1x128xi32, #tpu.memory_space<vmem>>
        %dma_wait3A_115 = tpu.memref_squeeze %dma_wait3A_114 : memref<1x128xi32, #tpu.memory_space<vmem>> -> memref<128xi32, #tpu.memory_space<vmem>>
        %dma_wait3A_116 = arith.constant 0 : i32
        %dma_wait3A_117 = arith.constant 0 : i32
        %dma_wait3A_118 = tpu.memref_slice %arg11[%dma_wait3A_116, %dma_wait3A_117] : memref<10112x128xf32, #tpu.memory_space<vmem_shared>> -> memref<10112x128xf32, #tpu.memory_space<vmem_shared>>
        tpu.wait_indirect_dma semaphore(%run_scoped3A : memref<!tpu.dma_semaphore, #tpu.memory_space<semaphore_mem>>) src(%arg14 : memref<128x128xf32, #tpu.memory_space<vmem>>) dst(%dma_wait3A_118 : memref<10112x128xf32, #tpu.memory_space<vmem_shared>>)
        tpu.yield
      }) : () -> ()
      %add3A_86 = arith.constant 2 : i32
      %add3A_87 = arith.addi %add3A_80, %add3A_86 : i32
      %lt3A = arith.constant 24 : i32
      %lt3A_88 = arith.cmpi slt, %add3A_87, %lt3A : i32
      %convert_element_type3A = arith.extui %lt3A_88 : i1 to i32
      %cond3A = arith.constant 0 : i32
      %cond3A_89 = arith.cmpi ne, %convert_element_type3A, %cond3A : i32
      scf.if %cond3A_89 {
        %add3A_107 = arith.constant 2 : i32
        %add3A_108 = arith.addi %add3A_80, %add3A_107 : i32
        %mul3A_109 = arith.constant 128 : i32
        %mul3A_110 = arith.muli %add3A_108, %mul3A_109 : i32
        %dma_start3A_111 = tpu.memref_slice %arg12[%mul3A_110] : memref<5120xi32, #tpu.memory_space<vmem>> -> memref<128xi32, #tpu.memory_space<vmem>>
        %dma_start3A_112 = arith.constant 0 : i32
        %dma_start3A_113 = arith.constant 0 : i32
        %dma_start3A_114 = tpu.memref_slice %arg3[%dma_start3A_112, %dma_start3A_113] : memref<10000x128xf32, #tpu.memory_space<hbm>> -> memref<10000x128xf32, #tpu.memory_space<hbm>>
        tpu.enqueue_indirect_dma source(%dma_start3A_114 : memref<10000x128xf32, #tpu.memory_space<hbm>>) target(%arg14 : memref<128x128xf32, #tpu.memory_space<vmem>>) offsets(%dma_start3A_111 : memref<128xi32, #tpu.memory_space<vmem>>) semaphore(%arg16 : memref<!tpu.dma_semaphore, #tpu.memory_space<semaphore_mem>>)
      } else {
      }
      %mul3A_90 = arith.constant 2 : i32
      %mul3A_91 = arith.muli %scan3A_76, %mul3A_90 : i32
      %add3A_92 = arith.constant 1 : i32
      %add3A_93 = arith.addi %mul3A_91, %add3A_92 : i32
      %mul3A_94 = arith.constant 128 : i32
      %mul3A_95 = arith.muli %add3A_93, %mul3A_94 : i32
      %dma_wait3A_96 = tpu.memref_slice %arg12[%mul3A_95] : memref<5120xi32, #tpu.memory_space<vmem>> -> memref<128xi32, #tpu.memory_space<vmem>>
      %dma_wait3A_97 = arith.constant 0 : i32
      %dma_wait3A_98 = arith.constant 0 : i32
      %dma_wait3A_99 = tpu.memref_slice %arg3[%dma_wait3A_97, %dma_wait3A_98] : memref<10000x128xf32, #tpu.memory_space<hbm>> -> memref<10000x128xf32, #tpu.memory_space<hbm>>
      tpu.wait_indirect_dma semaphore(%arg17 : memref<!tpu.dma_semaphore, #tpu.memory_space<semaphore_mem>>) src(%dma_wait3A_99 : memref<10000x128xf32, #tpu.memory_space<hbm>>) dst(%arg15 : memref<128x128xf32, #tpu.memory_space<vmem>>)
      "tpu.region"() ({
        %run_scoped3A = tpu.sem_alloc : memref<!tpu.dma_semaphore, #tpu.memory_space<semaphore_mem>>
        %dma_start3A_107 = arith.constant 0 : i32
        %dma_start3A_108 = tpu.memref_slice %arg13[%add3A_93, %dma_start3A_107] : memref<40x128xi32, #tpu.memory_space<vmem>> -> memref<1x128xi32, #tpu.memory_space<vmem>>
        %dma_start3A_109 = tpu.memref_squeeze %dma_start3A_108 : memref<1x128xi32, #tpu.memory_space<vmem>> -> memref<128xi32, #tpu.memory_space<vmem>>
        %dma_start3A_110 = arith.constant 0 : i32
        %dma_start3A_111 = arith.constant 0 : i32
        %dma_start3A_112 = tpu.memref_slice %arg11[%dma_start3A_110, %dma_start3A_111] : memref<10112x128xf32, #tpu.memory_space<vmem_shared>> -> memref<10112x128xf32, #tpu.memory_space<vmem_shared>>
        tpu.enqueue_indirect_dma source(%arg15 : memref<128x128xf32, #tpu.memory_space<vmem>>) target(%dma_start3A_112 : memref<10112x128xf32, #tpu.memory_space<vmem_shared>>) offsets(%dma_start3A_109 : memref<128xi32, #tpu.memory_space<vmem>>) semaphore(%run_scoped3A : memref<!tpu.dma_semaphore, #tpu.memory_space<semaphore_mem>>) {add = true}
        %dma_wait3A_113 = arith.constant 0 : i32
        %dma_wait3A_114 = tpu.memref_slice %arg13[%add3A_93, %dma_wait3A_113] : memref<40x128xi32, #tpu.memory_space<vmem>> -> memref<1x128xi32, #tpu.memory_space<vmem>>
        %dma_wait3A_115 = tpu.memref_squeeze %dma_wait3A_114 : memref<1x128xi32, #tpu.memory_space<vmem>> -> memref<128xi32, #tpu.memory_space<vmem>>
        %dma_wait3A_116 = arith.constant 0 : i32
        %dma_wait3A_117 = arith.constant 0 : i32
        %dma_wait3A_118 = tpu.memref_slice %arg11[%dma_wait3A_116, %dma_wait3A_117] : memref<10112x128xf32, #tpu.memory_space<vmem_shared>> -> memref<10112x128xf32, #tpu.memory_space<vmem_shared>>
        tpu.wait_indirect_dma semaphore(%run_scoped3A : memref<!tpu.dma_semaphore, #tpu.memory_space<semaphore_mem>>) src(%arg15 : memref<128x128xf32, #tpu.memory_space<vmem>>) dst(%dma_wait3A_118 : memref<10112x128xf32, #tpu.memory_space<vmem_shared>>)
        tpu.yield
      }) : () -> ()
      %add3A_100 = arith.constant 2 : i32
      %add3A_101 = arith.addi %add3A_93, %add3A_100 : i32
      %lt3A_102 = arith.constant 24 : i32
      %lt3A_103 = arith.cmpi slt, %add3A_101, %lt3A_102 : i32
      %convert_element_type3A_104 = arith.extui %lt3A_103 : i1 to i32
      %cond3A_105 = arith.constant 0 : i32
      %cond3A_106 = arith.cmpi ne, %convert_element_type3A_104, %cond3A_105 : i32
      scf.if %cond3A_106 {
        %add3A_107 = arith.constant 2 : i32
        %add3A_108 = arith.addi %add3A_93, %add3A_107 : i32
        %mul3A_109 = arith.constant 128 : i32
        %mul3A_110 = arith.muli %add3A_108, %mul3A_109 : i32
        %dma_start3A_111 = tpu.memref_slice %arg12[%mul3A_110] : memref<5120xi32, #tpu.memory_space<vmem>> -> memref<128xi32, #tpu.memory_space<vmem>>
        %dma_start3A_112 = arith.constant 0 : i32
        %dma_start3A_113 = arith.constant 0 : i32
        %dma_start3A_114 = tpu.memref_slice %arg3[%dma_start3A_112, %dma_start3A_113] : memref<10000x128xf32, #tpu.memory_space<hbm>> -> memref<10000x128xf32, #tpu.memory_space<hbm>>
        tpu.enqueue_indirect_dma source(%dma_start3A_114 : memref<10000x128xf32, #tpu.memory_space<hbm>>) target(%arg15 : memref<128x128xf32, #tpu.memory_space<vmem>>) offsets(%dma_start3A_111 : memref<128xi32, #tpu.memory_space<vmem>>) semaphore(%arg17 : memref<!tpu.dma_semaphore, #tpu.memory_space<semaphore_mem>>)
      } else {
      }
    }
    %scan3A_70 = arith.constant 12 : i32
    %barrier3A_71 = arith.constant 0 : index
    tpu.barrier barrier_id(%barrier3A_71)
    %mul3A_72 = arith.constant 256 : i32
    %mul3A_73 = arith.muli %arg1, %mul3A_72 : i32
    %mul3A_74 = arith.constant 256 : i32
    %mul3A_75 = arith.muli %arg1, %mul3A_74 : i32
    "tpu.region"() ({
      %run_scoped3A = tpu.sem_alloc : memref<!tpu.dma_semaphore, #tpu.memory_space<semaphore_mem>>
      %dma_start3A_76 = arith.constant 0 : i32
      %dma_start3A_77 = tpu.memref_slice %arg10[%arg0, %mul3A_75, %dma_start3A_76] : memref<2x4096x128xf32, #tpu.memory_space<hbm>> -> memref<1x256x128xf32, #tpu.memory_space<hbm>>
      %dma_start3A_78 = tpu.memref_squeeze %dma_start3A_77 : memref<1x256x128xf32, #tpu.memory_space<hbm>> -> memref<256x128xf32, #tpu.memory_space<hbm>>
      %dma_start3A_79 = arith.constant 0 : i32
      %dma_start3A_80 = tpu.memref_slice %arg11[%mul3A_73, %dma_start3A_79] : memref<10112x128xf32, #tpu.memory_space<vmem_shared>> -> memref<256x128xf32, #tpu.memory_space<vmem_shared>>
      tpu.enqueue_dma source(%dma_start3A_80 : memref<256x128xf32, #tpu.memory_space<vmem_shared>>) target(%dma_start3A_78 : memref<256x128xf32, #tpu.memory_space<hbm>>) target_semaphore(%run_scoped3A : memref<!tpu.dma_semaphore, #tpu.memory_space<semaphore_mem>>)
      %dma_wait3A = arith.constant 0 : i32
      %dma_wait3A_81 = tpu.memref_slice %arg10[%arg0, %mul3A_75, %dma_wait3A] : memref<2x4096x128xf32, #tpu.memory_space<hbm>> -> memref<1x256x128xf32, #tpu.memory_space<hbm>>
      %dma_wait3A_82 = tpu.memref_squeeze %dma_wait3A_81 : memref<1x256x128xf32, #tpu.memory_space<hbm>> -> memref<256x128xf32, #tpu.memory_space<hbm>>
      %dma_wait3A_83 = arith.constant 0 : i32
      %dma_wait3A_84 = tpu.memref_slice %arg11[%mul3A_73, %dma_wait3A_83] : memref<10112x128xf32, #tpu.memory_space<vmem_shared>> -> memref<256x128xf32, #tpu.memory_space<vmem_shared>>
      tpu.wait_dma2 semaphore(%run_scoped3A : memref<!tpu.dma_semaphore, #tpu.memory_space<semaphore_mem>>) src(%dma_wait3A_84 : memref<256x128xf32, #tpu.memory_space<vmem_shared>>) dst(%dma_wait3A_82 : memref<256x128xf32, #tpu.memory_space<hbm>>)
      tpu.yield
    }) : () -> ()
    return
  }
}

module attributes {stable_mosaic.version = 14 : i64} {
  func.func @body(%arg0: i32, %arg1: memref<2000x128xf32, #tpu.memory_space<vmem>>, %arg2: memref<128x128xf32, #tpu.memory_space<vmem>>, %arg3: memref<1x128xf32, #tpu.memory_space<vmem>>, %arg4: memref<128x128xf32, #tpu.memory_space<vmem>>, %arg5: memref<128x128xf32, #tpu.memory_space<vmem>>, %arg6: memref<2000x128xf32, #tpu.memory_space<vmem>>, %arg7: memref<2000x128xf32, #tpu.memory_space<vmem>>, %arg8: memref<2000x128xf32, #tpu.memory_space<vmem>>) attributes {dimension_semantics = [#tpu.dimension_semantics<arbitrary>], iteration_bounds = array<i64: 5>, scalar_prefetch = 0 : i64, scratch_operands = 0 : i64, tpu.core_type = #tpu.core_type<tc>, window_params = [{transform_indices = @transform_0, window_bounds = array<i64: 2000, 128>}, {pipeline_mode = #tpu.pipeline_mode<synchronous>, transform_indices = @transform_1, window_bounds = array<i64: 128, 128>}, {pipeline_mode = #tpu.pipeline_mode<synchronous>, transform_indices = @transform_2, window_bounds = array<i64: 1, 128>}, {pipeline_mode = #tpu.pipeline_mode<synchronous>, transform_indices = @transform_3, window_bounds = array<i64: 128, 128>}, {pipeline_mode = #tpu.pipeline_mode<synchronous>, transform_indices = @transform_4, window_bounds = array<i64: 128, 128>}, {transform_indices = @transform_5, window_bounds = array<i64: 2000, 128>}, {transform_indices = @transform_6, window_bounds = array<i64: 2000, 128>}, {transform_indices = @transform_7, window_bounds = array<i64: 2000, 128>}]} {
    %get3A = arith.constant 0 : index
    %get3A_0 = arith.constant 0 : index
    %get3A_1 = vector.load %arg1[%get3A, %get3A_0] : memref<2000x128xf32, #tpu.memory_space<vmem>>, vector<2000x128xf32>
    %get3A_2 = arith.constant 0 : index
    %get3A_3 = arith.constant 0 : index
    %get3A_4 = vector.load %arg2[%get3A_2, %get3A_3] : memref<128x128xf32, #tpu.memory_space<vmem>>, vector<128x128xf32>
    %dot_general3A = arith.constant dense<0.000000e+00> : vector<2000x128xf32>
    %dot_general3A_5 = tpu.matmul %get3A_1, %get3A_4, %dot_general3A {dimension_numbers = #tpu.dot_dimension_numbers<[1], [0], [0], [1], [0, 0, 1, 1], [], []>, transpose_lhs_hint = false} : vector<2000x128xf32>, vector<128x128xf32>, vector<2000x128xf32> -> vector<2000x128xf32>
    %get3A_6 = arith.constant 0 : index
    %get3A_7 = arith.constant 0 : index
    %get3A_8 = vector.load %arg3[%get3A_6, %get3A_7] : memref<1x128xf32, #tpu.memory_space<vmem>>, vector<1x128xf32>
    %add3A = vector.broadcast %get3A_8 : vector<1x128xf32> to vector<2000x128xf32>
    %add3A_9 = arith.addf %dot_general3A_5, %add3A : vector<2000x128xf32>
    %max3A = arith.constant 0.000000e+00 : f32
    %max3A_10 = vector.broadcast %max3A : f32 to vector<2000x128xf32>
    %max3A_11 = arith.maximumf %add3A_9, %max3A_10 : vector<2000x128xf32>
    %swap3A = arith.constant 0 : index
    %swap3A_12 = arith.constant 0 : index
    %swap3A_13 = vector.load %arg6[%swap3A, %swap3A_12] : memref<2000x128xf32, #tpu.memory_space<vmem>>, vector<2000x128xf32>
    tpu.vector_store %arg6[%swap3A, %swap3A_12], %max3A_11 {strides = array<i32>} : memref<2000x128xf32, #tpu.memory_space<vmem>>, vector<2000x128xf32>,
    %get3A_14 = arith.constant 0 : index
    %get3A_15 = arith.constant 0 : index
    %get3A_16 = vector.load %arg4[%get3A_14, %get3A_15] : memref<128x128xf32, #tpu.memory_space<vmem>>, vector<128x128xf32>
    %dot_general3A_17 = arith.constant dense<0.000000e+00> : vector<2000x128xf32>
    %dot_general3A_18 = tpu.matmul %max3A_11, %get3A_16, %dot_general3A_17 {dimension_numbers = #tpu.dot_dimension_numbers<[1], [0], [0], [1], [0, 0, 1, 1], [], []>, transpose_lhs_hint = false} : vector<2000x128xf32>, vector<128x128xf32>, vector<2000x128xf32> -> vector<2000x128xf32>
    %swap3A_19 = arith.constant 0 : index
    %swap3A_20 = arith.constant 0 : index
    %swap3A_21 = vector.load %arg7[%swap3A_19, %swap3A_20] : memref<2000x128xf32, #tpu.memory_space<vmem>>, vector<2000x128xf32>
    tpu.vector_store %arg7[%swap3A_19, %swap3A_20], %dot_general3A_18 {strides = array<i32>} : memref<2000x128xf32, #tpu.memory_space<vmem>>, vector<2000x128xf32>,
    %get3A_22 = arith.constant 0 : index
    %get3A_23 = arith.constant 0 : index
    %get3A_24 = vector.load %arg5[%get3A_22, %get3A_23] : memref<128x128xf32, #tpu.memory_space<vmem>>, vector<128x128xf32>
    %dot_general3A_25 = arith.constant dense<0.000000e+00> : vector<2000x128xf32>
    %dot_general3A_26 = tpu.matmul %max3A_11, %get3A_24, %dot_general3A_25 {dimension_numbers = #tpu.dot_dimension_numbers<[1], [0], [0], [1], [0, 0, 1, 1], [], []>, transpose_lhs_hint = false} : vector<2000x128xf32>, vector<128x128xf32>, vector<2000x128xf32> -> vector<2000x128xf32>
    %swap3A_27 = arith.constant 0 : index
    %swap3A_28 = arith.constant 0 : index
    %swap3A_29 = vector.load %arg8[%swap3A_27, %swap3A_28] : memref<2000x128xf32, #tpu.memory_space<vmem>>, vector<2000x128xf32>
    tpu.vector_store %arg8[%swap3A_27, %swap3A_28], %dot_general3A_26 {strides = array<i32>} : memref<2000x128xf32, #tpu.memory_space<vmem>>, vector<2000x128xf32>,
    return
  }
  func.func @transform_0(%arg0: i32) -> (i32, i32) {
    %c0_i32 = arith.constant 0 : i32
    %c0_i32_0 = arith.constant 0 : i32
    return %arg0, %c0_i32 : i32, i32
  }
  func.func @transform_1(%arg0: i32) -> (i32, i32) {
    %c0_i32 = arith.constant 0 : i32
    %c0_i32_0 = arith.constant 0 : i32
    %c0_i32_1 = arith.constant 0 : i32
    return %c0_i32, %c0_i32_0 : i32, i32
  }
  func.func @transform_2(%arg0: i32) -> (i32, i32) {
    %c0_i32 = arith.constant 0 : i32
    %c0_i32_0 = arith.constant 0 : i32
    %c0_i32_1 = arith.constant 0 : i32
    return %c0_i32, %c0_i32_0 : i32, i32
  }
  func.func @transform_3(%arg0: i32) -> (i32, i32) {
    %c0_i32 = arith.constant 0 : i32
    %c0_i32_0 = arith.constant 0 : i32
    %c0_i32_1 = arith.constant 0 : i32
    return %c0_i32, %c0_i32_0 : i32, i32
  }
  func.func @transform_4(%arg0: i32) -> (i32, i32) {
    %c0_i32 = arith.constant 0 : i32
    %c0_i32_0 = arith.constant 0 : i32
    %c0_i32_1 = arith.constant 0 : i32
    return %c0_i32, %c0_i32_0 : i32, i32
  }
  func.func @transform_5(%arg0: i32) -> (i32, i32) {
    %c0_i32 = arith.constant 0 : i32
    %c0_i32_0 = arith.constant 0 : i32
    return %arg0, %c0_i32 : i32, i32
  }
  func.func @transform_6(%arg0: i32) -> (i32, i32) {
    %c0_i32 = arith.constant 0 : i32
    %c0_i32_0 = arith.constant 0 : i32
    return %arg0, %c0_i32 : i32, i32
  }
  func.func @transform_7(%arg0: i32) -> (i32, i32) {
    %c0_i32 = arith.constant 0 : i32
    %c0_i32_0 = arith.constant 0 : i32
    return %arg0, %c0_i32 : i32, i32
  }
}

module attributes {stable_mosaic.version = 14 : i64} {
  func.func @body(%arg0: memref<4096x16xf32, #tpu.memory_space<vmem>>, %arg1: memref<16x128xf32, #tpu.memory_space<vmem>>, %arg2: memref<1x128xf32, #tpu.memory_space<vmem>>, %arg3: memref<2x10112x128xf32, #tpu.memory_space<vmem>>, %arg4: memref<2x4096x128xf32, #tpu.memory_space<vmem>>, %arg5: memref<4096x128xf32, #tpu.memory_space<vmem>>, %arg6: memref<10112x16xf32, #tpu.memory_space<vmem>>, %arg7: memref<4096x16xf32, #tpu.memory_space<vmem>>) attributes {dimension_semantics = [], scalar_prefetch = 0 : i64, scratch_operands = 0 : i64, tpu.core_type = #tpu.core_type<tc>} {
    %get3A = arith.constant 0 : index
    %get3A_0 = arith.constant 0 : index
    %get3A_1 = vector.load %arg0[%get3A, %get3A_0] : memref<4096x16xf32, #tpu.memory_space<vmem>>, vector<4096x16xf32>
    %get3A_2 = arith.constant 0 : index
    %get3A_3 = arith.constant 0 : index
    %get3A_4 = vector.load %arg1[%get3A_2, %get3A_3] : memref<16x128xf32, #tpu.memory_space<vmem>>, vector<16x128xf32>
    %dot_general3A = arith.constant dense<0.000000e+00> : vector<4096x128xf32>
    %dot_general3A_5 = tpu.matmul %get3A_1, %get3A_4, %dot_general3A {dimension_numbers = #tpu.dot_dimension_numbers<[1], [0], [0], [1], [0, 0, 1, 1], [], []>, transpose_lhs_hint = false} : vector<4096x16xf32>, vector<16x128xf32>, vector<4096x128xf32> -> vector<4096x128xf32>
    %get3A_6 = arith.constant 0 : index
    %get3A_7 = arith.constant 0 : index
    %get3A_8 = vector.load %arg2[%get3A_6, %get3A_7] : memref<1x128xf32, #tpu.memory_space<vmem>>, vector<1x128xf32>
    %add3A = vector.broadcast %get3A_8 : vector<1x128xf32> to vector<4096x128xf32>
    %add3A_9 = arith.addf %dot_general3A_5, %add3A : vector<4096x128xf32>
    %max3A = arith.constant 0.000000e+00 : f32
    %max3A_10 = vector.broadcast %max3A : f32 to vector<4096x128xf32>
    %max3A_11 = arith.maximumf %add3A_9, %max3A_10 : vector<4096x128xf32>
    %swap3A = arith.constant 0 : index
    %swap3A_12 = arith.constant 0 : index
    %swap3A_13 = vector.load %arg5[%swap3A, %swap3A_12] : memref<4096x128xf32, #tpu.memory_space<vmem>>, vector<4096x128xf32>
    tpu.vector_store %arg5[%swap3A, %swap3A_12], %max3A_11 {strides = array<i32>} : memref<4096x128xf32, #tpu.memory_space<vmem>>, vector<4096x128xf32>,
    %get3A_14 = arith.constant 0 : index
    %get3A_15 = arith.constant 0 : index
    %get3A_16 = arith.constant 0 : index
    %get3A_17 = vector.load %arg3[%get3A_14, %get3A_15, %get3A_16] : memref<2x10112x128xf32, #tpu.memory_space<vmem>>, vector<1x10112x128xf32>
    %get3A_18 = vector.shape_cast %get3A_17 : vector<1x10112x128xf32> to vector<10112x128xf32>
    %slice3A = vector.extract_strided_slice %get3A_18 {offsets = [0, 0], sizes = [10112, 16], strides = [1, 1]} : vector<10112x128xf32> to vector<10112x16xf32>
    %get3A_19 = arith.constant 1 : index
    %get3A_20 = arith.constant 0 : index
    %get3A_21 = arith.constant 0 : index
    %get3A_22 = vector.load %arg3[%get3A_19, %get3A_20, %get3A_21] : memref<2x10112x128xf32, #tpu.memory_space<vmem>>, vector<1x10112x128xf32>
    %get3A_23 = vector.shape_cast %get3A_22 : vector<1x10112x128xf32> to vector<10112x128xf32>
    %slice3A_24 = vector.extract_strided_slice %get3A_23 {offsets = [0, 0], sizes = [10112, 16], strides = [1, 1]} : vector<10112x128xf32> to vector<10112x16xf32>
    %add3A_25 = arith.addf %slice3A, %slice3A_24 : vector<10112x16xf32>
    %max3A_26 = arith.constant 1.000000e+00 : f32
    %max3A_27 = vector.broadcast %max3A_26 : f32 to vector<10112x16xf32>
    %max3A_28 = arith.maximumf %add3A_25, %max3A_27 : vector<10112x16xf32>
    %div3A = arith.constant 1.000000e+00 : f32
    %div3A_29 = vector.broadcast %div3A : f32 to vector<10112x16xf32>
    %div3A_30 = arith.divf %div3A_29, %max3A_28 : vector<10112x16xf32>
    %swap3A_31 = arith.constant 0 : index
    %swap3A_32 = arith.constant 0 : index
    %swap3A_33 = vector.load %arg6[%swap3A_31, %swap3A_32] : memref<10112x16xf32, #tpu.memory_space<vmem>>, vector<10112x16xf32>
    tpu.vector_store %arg6[%swap3A_31, %swap3A_32], %div3A_30 {strides = array<i32>} : memref<10112x16xf32, #tpu.memory_space<vmem>>, vector<10112x16xf32>,
    %get3A_34 = arith.constant 0 : index
    %get3A_35 = arith.constant 0 : index
    %get3A_36 = arith.constant 0 : index
    %get3A_37 = vector.load %arg4[%get3A_34, %get3A_35, %get3A_36] : memref<2x4096x128xf32, #tpu.memory_space<vmem>>, vector<1x4096x128xf32>
    %get3A_38 = vector.shape_cast %get3A_37 : vector<1x4096x128xf32> to vector<4096x128xf32>
    %slice3A_39 = vector.extract_strided_slice %get3A_38 {offsets = [0, 0], sizes = [4096, 16], strides = [1, 1]} : vector<4096x128xf32> to vector<4096x16xf32>
    %get3A_40 = arith.constant 1 : index
    %get3A_41 = arith.constant 0 : index
    %get3A_42 = arith.constant 0 : index
    %get3A_43 = vector.load %arg4[%get3A_40, %get3A_41, %get3A_42] : memref<2x4096x128xf32, #tpu.memory_space<vmem>>, vector<1x4096x128xf32>
    %get3A_44 = vector.shape_cast %get3A_43 : vector<1x4096x128xf32> to vector<4096x128xf32>
    %slice3A_45 = vector.extract_strided_slice %get3A_44 {offsets = [0, 0], sizes = [4096, 16], strides = [1, 1]} : vector<4096x128xf32> to vector<4096x16xf32>
    %add3A_46 = arith.addf %slice3A_39, %slice3A_45 : vector<4096x16xf32>
    %max3A_47 = arith.constant 1.000000e+00 : f32
    %max3A_48 = vector.broadcast %max3A_47 : f32 to vector<4096x16xf32>
    %max3A_49 = arith.maximumf %add3A_46, %max3A_48 : vector<4096x16xf32>
    %div3A_50 = arith.constant 1.000000e+00 : f32
    %div3A_51 = vector.broadcast %div3A_50 : f32 to vector<4096x16xf32>
    %div3A_52 = arith.divf %div3A_51, %max3A_49 : vector<4096x16xf32>
    %swap3A_53 = arith.constant 0 : index
    %swap3A_54 = arith.constant 0 : index
    %swap3A_55 = vector.load %arg7[%swap3A_53, %swap3A_54] : memref<4096x16xf32, #tpu.memory_space<vmem>>, vector<4096x16xf32>
    tpu.vector_store %arg7[%swap3A_53, %swap3A_54], %div3A_52 {strides = array<i32>} : memref<4096x16xf32, #tpu.memory_space<vmem>>, vector<4096x16xf32>,
    return
  }
}

module attributes {stable_mosaic.version = 14 : i64} {
  func.func @body(%arg0: i32, %arg1: memref<2000x128xf32, #tpu.memory_space<vmem>>, %arg2: memref<2x2000x128xf32, #tpu.memory_space<vmem>>, %arg3: memref<2000x16xf32, #tpu.memory_space<vmem>>, %arg4: memref<128x128xf32, #tpu.memory_space<vmem>>, %arg5: memref<1x128xf32, #tpu.memory_space<vmem>>, %arg6: memref<128x128xf32, #tpu.memory_space<vmem>>, %arg7: memref<128x128xf32, #tpu.memory_space<vmem>>, %arg8: memref<2000x128xf32, #tpu.memory_space<vmem>>, %arg9: memref<2000x128xf32, #tpu.memory_space<vmem>>, %arg10: memref<2000x128xf32, #tpu.memory_space<vmem>>) attributes {dimension_semantics = [#tpu.dimension_semantics<arbitrary>], iteration_bounds = array<i64: 5>, scalar_prefetch = 0 : i64, scratch_operands = 0 : i64, tpu.core_type = #tpu.core_type<tc>, window_params = [{transform_indices = @transform_0, window_bounds = array<i64: 2000, 128>}, {transform_indices = @transform_1, window_bounds = array<i64: 2, 2000, 128>}, {transform_indices = @transform_2, window_bounds = array<i64: 2000, 16>}, {pipeline_mode = #tpu.pipeline_mode<synchronous>, transform_indices = @transform_3, window_bounds = array<i64: 128, 128>}, {pipeline_mode = #tpu.pipeline_mode<synchronous>, transform_indices = @transform_4, window_bounds = array<i64: 1, 128>}, {pipeline_mode = #tpu.pipeline_mode<synchronous>, transform_indices = @transform_5, window_bounds = array<i64: 128, 128>}, {pipeline_mode = #tpu.pipeline_mode<synchronous>, transform_indices = @transform_6, window_bounds = array<i64: 128, 128>}, {transform_indices = @transform_7, window_bounds = array<i64: 2000, 128>}, {transform_indices = @transform_8, window_bounds = array<i64: 2000, 128>}, {transform_indices = @transform_9, window_bounds = array<i64: 2000, 128>}]} {
    %get3A = arith.constant 0 : index
    %get3A_0 = arith.constant 0 : index
    %get3A_1 = vector.load %arg1[%get3A, %get3A_0] : memref<2000x128xf32, #tpu.memory_space<vmem>>, vector<2000x128xf32>
    %get3A_2 = arith.constant 0 : index
    %get3A_3 = arith.constant 0 : index
    %get3A_4 = arith.constant 0 : index
    %get3A_5 = vector.load %arg2[%get3A_2, %get3A_3, %get3A_4] : memref<2x2000x128xf32, #tpu.memory_space<vmem>>, vector<1x2000x128xf32>
    %get3A_6 = vector.shape_cast %get3A_5 : vector<1x2000x128xf32> to vector<2000x128xf32>
    %get3A_7 = arith.constant 1 : index
    %get3A_8 = arith.constant 0 : index
    %get3A_9 = arith.constant 0 : index
    %get3A_10 = vector.load %arg2[%get3A_7, %get3A_8, %get3A_9] : memref<2x2000x128xf32, #tpu.memory_space<vmem>>, vector<1x2000x128xf32>
    %get3A_11 = vector.shape_cast %get3A_10 : vector<1x2000x128xf32> to vector<2000x128xf32>
    %add3A = arith.addf %get3A_6, %get3A_11 : vector<2000x128xf32>
    %get3A_12 = arith.constant 0 : index
    %get3A_13 = arith.constant 0 : index
    %get3A_14 = vector.load %arg3[%get3A_12, %get3A_13] : memref<2000x16xf32, #tpu.memory_space<vmem>>, vector<2000x1xf32>
    %mul3A = vector.broadcast %get3A_14 : vector<2000x1xf32> to vector<2000x128xf32>
    %mul3A_15 = arith.mulf %add3A, %mul3A : vector<2000x128xf32>
    %get3A_16 = arith.constant 0 : index
    %get3A_17 = arith.constant 0 : index
    %get3A_18 = vector.load %arg4[%get3A_16, %get3A_17] : memref<128x128xf32, #tpu.memory_space<vmem>>, vector<128x128xf32>
    %dot_general3A = arith.constant dense<0.000000e+00> : vector<2000x128xf32>
    %dot_general3A_19 = tpu.matmul %get3A_1, %get3A_18, %dot_general3A {dimension_numbers = #tpu.dot_dimension_numbers<[1], [0], [0], [1], [0, 0, 1, 1], [], []>, transpose_lhs_hint = false} : vector<2000x128xf32>, vector<128x128xf32>, vector<2000x128xf32> -> vector<2000x128xf32>
    %add3A_20 = arith.addf %dot_general3A_19, %mul3A_15 : vector<2000x128xf32>
    %get3A_21 = arith.constant 0 : index
    %get3A_22 = arith.constant 0 : index
    %get3A_23 = vector.load %arg5[%get3A_21, %get3A_22] : memref<1x128xf32, #tpu.memory_space<vmem>>, vector<1x128xf32>
    %add3A_24 = vector.broadcast %get3A_23 : vector<1x128xf32> to vector<2000x128xf32>
    %add3A_25 = arith.addf %add3A_20, %add3A_24 : vector<2000x128xf32>
    %max3A = arith.constant 0.000000e+00 : f32
    %max3A_26 = vector.broadcast %max3A : f32 to vector<2000x128xf32>
    %max3A_27 = arith.maximumf %add3A_25, %max3A_26 : vector<2000x128xf32>
    %add3A_28 = arith.addf %get3A_1, %max3A_27 : vector<2000x128xf32>
    %swap3A = arith.constant 0 : index
    %swap3A_29 = arith.constant 0 : index
    %swap3A_30 = vector.load %arg8[%swap3A, %swap3A_29] : memref<2000x128xf32, #tpu.memory_space<vmem>>, vector<2000x128xf32>
    tpu.vector_store %arg8[%swap3A, %swap3A_29], %add3A_28 {strides = array<i32>} : memref<2000x128xf32, #tpu.memory_space<vmem>>, vector<2000x128xf32>,
    %get3A_31 = arith.constant 0 : index
    %get3A_32 = arith.constant 0 : index
    %get3A_33 = vector.load %arg6[%get3A_31, %get3A_32] : memref<128x128xf32, #tpu.memory_space<vmem>>, vector<128x128xf32>
    %dot_general3A_34 = arith.constant dense<0.000000e+00> : vector<2000x128xf32>
    %dot_general3A_35 = tpu.matmul %add3A_28, %get3A_33, %dot_general3A_34 {dimension_numbers = #tpu.dot_dimension_numbers<[1], [0], [0], [1], [0, 0, 1, 1], [], []>, transpose_lhs_hint = false} : vector<2000x128xf32>, vector<128x128xf32>, vector<2000x128xf32> -> vector<2000x128xf32>
    %swap3A_36 = arith.constant 0 : index
    %swap3A_37 = arith.constant 0 : index
    %swap3A_38 = vector.load %arg9[%swap3A_36, %swap3A_37] : memref<2000x128xf32, #tpu.memory_space<vmem>>, vector<2000x128xf32>
    tpu.vector_store %arg9[%swap3A_36, %swap3A_37], %dot_general3A_35 {strides = array<i32>} : memref<2000x128xf32, #tpu.memory_space<vmem>>, vector<2000x128xf32>,
    %get3A_39 = arith.constant 0 : index
    %get3A_40 = arith.constant 0 : index
    %get3A_41 = vector.load %arg7[%get3A_39, %get3A_40] : memref<128x128xf32, #tpu.memory_space<vmem>>, vector<128x128xf32>
    %dot_general3A_42 = arith.constant dense<0.000000e+00> : vector<2000x128xf32>
    %dot_general3A_43 = tpu.matmul %add3A_28, %get3A_41, %dot_general3A_42 {dimension_numbers = #tpu.dot_dimension_numbers<[1], [0], [0], [1], [0, 0, 1, 1], [], []>, transpose_lhs_hint = false} : vector<2000x128xf32>, vector<128x128xf32>, vector<2000x128xf32> -> vector<2000x128xf32>
    %swap3A_44 = arith.constant 0 : index
    %swap3A_45 = arith.constant 0 : index
    %swap3A_46 = vector.load %arg10[%swap3A_44, %swap3A_45] : memref<2000x128xf32, #tpu.memory_space<vmem>>, vector<2000x128xf32>
    tpu.vector_store %arg10[%swap3A_44, %swap3A_45], %dot_general3A_43 {strides = array<i32>} : memref<2000x128xf32, #tpu.memory_space<vmem>>, vector<2000x128xf32>,
    return
  }
  func.func @transform_0(%arg0: i32) -> (i32, i32) {
    %c0_i32 = arith.constant 0 : i32
    %c0_i32_0 = arith.constant 0 : i32
    return %arg0, %c0_i32 : i32, i32
  }
  func.func @transform_1(%arg0: i32) -> (i32, i32, i32) {
    %c0_i32 = arith.constant 0 : i32
    %c0_i32_0 = arith.constant 0 : i32
    %c0_i32_1 = arith.constant 0 : i32
    return %c0_i32, %arg0, %c0_i32_0 : i32, i32, i32
  }
  func.func @transform_2(%arg0: i32) -> (i32, i32) {
    %c0_i32 = arith.constant 0 : i32
    %c0_i32_0 = arith.constant 0 : i32
    return %arg0, %c0_i32 : i32, i32
  }
  func.func @transform_3(%arg0: i32) -> (i32, i32) {
    %c0_i32 = arith.constant 0 : i32
    %c0_i32_0 = arith.constant 0 : i32
    %c0_i32_1 = arith.constant 0 : i32
    return %c0_i32, %c0_i32_0 : i32, i32
  }
  func.func @transform_4(%arg0: i32) -> (i32, i32) {
    %c0_i32 = arith.constant 0 : i32
    %c0_i32_0 = arith.constant 0 : i32
    %c0_i32_1 = arith.constant 0 : i32
    return %c0_i32, %c0_i32_0 : i32, i32
  }
  func.func @transform_5(%arg0: i32) -> (i32, i32) {
    %c0_i32 = arith.constant 0 : i32
    %c0_i32_0 = arith.constant 0 : i32
    %c0_i32_1 = arith.constant 0 : i32
    return %c0_i32, %c0_i32_0 : i32, i32
  }
  func.func @transform_6(%arg0: i32) -> (i32, i32) {
    %c0_i32 = arith.constant 0 : i32
    %c0_i32_0 = arith.constant 0 : i32
    %c0_i32_1 = arith.constant 0 : i32
    return %c0_i32, %c0_i32_0 : i32, i32
  }
  func.func @transform_7(%arg0: i32) -> (i32, i32) {
    %c0_i32 = arith.constant 0 : i32
    %c0_i32_0 = arith.constant 0 : i32
    return %arg0, %c0_i32 : i32, i32
  }
  func.func @transform_8(%arg0: i32) -> (i32, i32) {
    %c0_i32 = arith.constant 0 : i32
    %c0_i32_0 = arith.constant 0 : i32
    return %arg0, %c0_i32 : i32, i32
  }
  func.func @transform_9(%arg0: i32) -> (i32, i32) {
    %c0_i32 = arith.constant 0 : i32
    %c0_i32_0 = arith.constant 0 : i32
    return %arg0, %c0_i32 : i32, i32
  }
}

module attributes {stable_mosaic.version = 14 : i64} {
  func.func @body(%arg0: i32, %arg1: memref<2000x128xf32, #tpu.memory_space<vmem>>, %arg2: memref<2x2000x128xf32, #tpu.memory_space<vmem>>, %arg3: memref<2000x16xf32, #tpu.memory_space<vmem>>, %arg4: memref<128x128xf32, #tpu.memory_space<vmem>>, %arg5: memref<1x128xf32, #tpu.memory_space<vmem>>, %arg6: memref<128x128xf32, #tpu.memory_space<vmem>>, %arg7: memref<128x128xf32, #tpu.memory_space<vmem>>, %arg8: memref<2000x128xf32, #tpu.memory_space<vmem>>, %arg9: memref<2000x128xf32, #tpu.memory_space<vmem>>, %arg10: memref<2000x128xf32, #tpu.memory_space<vmem>>) attributes {dimension_semantics = [#tpu.dimension_semantics<arbitrary>], iteration_bounds = array<i64: 5>, scalar_prefetch = 0 : i64, scratch_operands = 0 : i64, tpu.core_type = #tpu.core_type<tc>, window_params = [{transform_indices = @transform_0, window_bounds = array<i64: 2000, 128>}, {transform_indices = @transform_1, window_bounds = array<i64: 2, 2000, 128>}, {transform_indices = @transform_2, window_bounds = array<i64: 2000, 16>}, {pipeline_mode = #tpu.pipeline_mode<synchronous>, transform_indices = @transform_3, window_bounds = array<i64: 128, 128>}, {pipeline_mode = #tpu.pipeline_mode<synchronous>, transform_indices = @transform_4, window_bounds = array<i64: 1, 128>}, {pipeline_mode = #tpu.pipeline_mode<synchronous>, transform_indices = @transform_5, window_bounds = array<i64: 128, 128>}, {pipeline_mode = #tpu.pipeline_mode<synchronous>, transform_indices = @transform_6, window_bounds = array<i64: 128, 128>}, {transform_indices = @transform_7, window_bounds = array<i64: 2000, 128>}, {transform_indices = @transform_8, window_bounds = array<i64: 2000, 128>}, {transform_indices = @transform_9, window_bounds = array<i64: 2000, 128>}]} {
    %get3A = arith.constant 0 : index
    %get3A_0 = arith.constant 0 : index
    %get3A_1 = vector.load %arg1[%get3A, %get3A_0] : memref<2000x128xf32, #tpu.memory_space<vmem>>, vector<2000x128xf32>
    %get3A_2 = arith.constant 0 : index
    %get3A_3 = arith.constant 0 : index
    %get3A_4 = arith.constant 0 : index
    %get3A_5 = vector.load %arg2[%get3A_2, %get3A_3, %get3A_4] : memref<2x2000x128xf32, #tpu.memory_space<vmem>>, vector<1x2000x128xf32>
    %get3A_6 = vector.shape_cast %get3A_5 : vector<1x2000x128xf32> to vector<2000x128xf32>
    %get3A_7 = arith.constant 1 : index
    %get3A_8 = arith.constant 0 : index
    %get3A_9 = arith.constant 0 : index
    %get3A_10 = vector.load %arg2[%get3A_7, %get3A_8, %get3A_9] : memref<2x2000x128xf32, #tpu.memory_space<vmem>>, vector<1x2000x128xf32>
    %get3A_11 = vector.shape_cast %get3A_10 : vector<1x2000x128xf32> to vector<2000x128xf32>
    %add3A = arith.addf %get3A_6, %get3A_11 : vector<2000x128xf32>
    %get3A_12 = arith.constant 0 : index
    %get3A_13 = arith.constant 0 : index
    %get3A_14 = vector.load %arg3[%get3A_12, %get3A_13] : memref<2000x16xf32, #tpu.memory_space<vmem>>, vector<2000x1xf32>
    %mul3A = vector.broadcast %get3A_14 : vector<2000x1xf32> to vector<2000x128xf32>
    %mul3A_15 = arith.mulf %add3A, %mul3A : vector<2000x128xf32>
    %get3A_16 = arith.constant 0 : index
    %get3A_17 = arith.constant 0 : index
    %get3A_18 = vector.load %arg4[%get3A_16, %get3A_17] : memref<128x128xf32, #tpu.memory_space<vmem>>, vector<128x128xf32>
    %dot_general3A = arith.constant dense<0.000000e+00> : vector<2000x128xf32>
    %dot_general3A_19 = tpu.matmul %get3A_1, %get3A_18, %dot_general3A {dimension_numbers = #tpu.dot_dimension_numbers<[1], [0], [0], [1], [0, 0, 1, 1], [], []>, transpose_lhs_hint = false} : vector<2000x128xf32>, vector<128x128xf32>, vector<2000x128xf32> -> vector<2000x128xf32>
    %add3A_20 = arith.addf %dot_general3A_19, %mul3A_15 : vector<2000x128xf32>
    %get3A_21 = arith.constant 0 : index
    %get3A_22 = arith.constant 0 : index
    %get3A_23 = vector.load %arg5[%get3A_21, %get3A_22] : memref<1x128xf32, #tpu.memory_space<vmem>>, vector<1x128xf32>
    %add3A_24 = vector.broadcast %get3A_23 : vector<1x128xf32> to vector<2000x128xf32>
    %add3A_25 = arith.addf %add3A_20, %add3A_24 : vector<2000x128xf32>
    %max3A = arith.constant 0.000000e+00 : f32
    %max3A_26 = vector.broadcast %max3A : f32 to vector<2000x128xf32>
    %max3A_27 = arith.maximumf %add3A_25, %max3A_26 : vector<2000x128xf32>
    %add3A_28 = arith.addf %get3A_1, %max3A_27 : vector<2000x128xf32>
    %swap3A = arith.constant 0 : index
    %swap3A_29 = arith.constant 0 : index
    %swap3A_30 = vector.load %arg8[%swap3A, %swap3A_29] : memref<2000x128xf32, #tpu.memory_space<vmem>>, vector<2000x128xf32>
    tpu.vector_store %arg8[%swap3A, %swap3A_29], %add3A_28 {strides = array<i32>} : memref<2000x128xf32, #tpu.memory_space<vmem>>, vector<2000x128xf32>,
    %get3A_31 = arith.constant 0 : index
    %get3A_32 = arith.constant 0 : index
    %get3A_33 = vector.load %arg6[%get3A_31, %get3A_32] : memref<128x128xf32, #tpu.memory_space<vmem>>, vector<128x128xf32>
    %dot_general3A_34 = arith.constant dense<0.000000e+00> : vector<2000x128xf32>
    %dot_general3A_35 = tpu.matmul %add3A_28, %get3A_33, %dot_general3A_34 {dimension_numbers = #tpu.dot_dimension_numbers<[1], [0], [0], [1], [0, 0, 1, 1], [], []>, transpose_lhs_hint = false} : vector<2000x128xf32>, vector<128x128xf32>, vector<2000x128xf32> -> vector<2000x128xf32>
    %swap3A_36 = arith.constant 0 : index
    %swap3A_37 = arith.constant 0 : index
    %swap3A_38 = vector.load %arg9[%swap3A_36, %swap3A_37] : memref<2000x128xf32, #tpu.memory_space<vmem>>, vector<2000x128xf32>
    tpu.vector_store %arg9[%swap3A_36, %swap3A_37], %dot_general3A_35 {strides = array<i32>} : memref<2000x128xf32, #tpu.memory_space<vmem>>, vector<2000x128xf32>,
    %get3A_39 = arith.constant 0 : index
    %get3A_40 = arith.constant 0 : index
    %get3A_41 = vector.load %arg7[%get3A_39, %get3A_40] : memref<128x128xf32, #tpu.memory_space<vmem>>, vector<128x128xf32>
    %dot_general3A_42 = arith.constant dense<0.000000e+00> : vector<2000x128xf32>
    %dot_general3A_43 = tpu.matmul %add3A_28, %get3A_41, %dot_general3A_42 {dimension_numbers = #tpu.dot_dimension_numbers<[1], [0], [0], [1], [0, 0, 1, 1], [], []>, transpose_lhs_hint = false} : vector<2000x128xf32>, vector<128x128xf32>, vector<2000x128xf32> -> vector<2000x128xf32>
    %swap3A_44 = arith.constant 0 : index
    %swap3A_45 = arith.constant 0 : index
    %swap3A_46 = vector.load %arg10[%swap3A_44, %swap3A_45] : memref<2000x128xf32, #tpu.memory_space<vmem>>, vector<2000x128xf32>
    tpu.vector_store %arg10[%swap3A_44, %swap3A_45], %dot_general3A_43 {strides = array<i32>} : memref<2000x128xf32, #tpu.memory_space<vmem>>, vector<2000x128xf32>,
    return
  }
  func.func @transform_0(%arg0: i32) -> (i32, i32) {
    %c0_i32 = arith.constant 0 : i32
    %c0_i32_0 = arith.constant 0 : i32
    return %arg0, %c0_i32 : i32, i32
  }
  func.func @transform_1(%arg0: i32) -> (i32, i32, i32) {
    %c0_i32 = arith.constant 0 : i32
    %c0_i32_0 = arith.constant 0 : i32
    %c0_i32_1 = arith.constant 0 : i32
    return %c0_i32, %arg0, %c0_i32_0 : i32, i32, i32
  }
  func.func @transform_2(%arg0: i32) -> (i32, i32) {
    %c0_i32 = arith.constant 0 : i32
    %c0_i32_0 = arith.constant 0 : i32
    return %arg0, %c0_i32 : i32, i32
  }
  func.func @transform_3(%arg0: i32) -> (i32, i32) {
    %c0_i32 = arith.constant 0 : i32
    %c0_i32_0 = arith.constant 0 : i32
    %c0_i32_1 = arith.constant 0 : i32
    return %c0_i32, %c0_i32_0 : i32, i32
  }
  func.func @transform_4(%arg0: i32) -> (i32, i32) {
    %c0_i32 = arith.constant 0 : i32
    %c0_i32_0 = arith.constant 0 : i32
    %c0_i32_1 = arith.constant 0 : i32
    return %c0_i32, %c0_i32_0 : i32, i32
  }
  func.func @transform_5(%arg0: i32) -> (i32, i32) {
    %c0_i32 = arith.constant 0 : i32
    %c0_i32_0 = arith.constant 0 : i32
    %c0_i32_1 = arith.constant 0 : i32
    return %c0_i32, %c0_i32_0 : i32, i32
  }
  func.func @transform_6(%arg0: i32) -> (i32, i32) {
    %c0_i32 = arith.constant 0 : i32
    %c0_i32_0 = arith.constant 0 : i32
    %c0_i32_1 = arith.constant 0 : i32
    return %c0_i32, %c0_i32_0 : i32, i32
  }
  func.func @transform_7(%arg0: i32) -> (i32, i32) {
    %c0_i32 = arith.constant 0 : i32
    %c0_i32_0 = arith.constant 0 : i32
    return %arg0, %c0_i32 : i32, i32
  }
  func.func @transform_8(%arg0: i32) -> (i32, i32) {
    %c0_i32 = arith.constant 0 : i32
    %c0_i32_0 = arith.constant 0 : i32
    return %arg0, %c0_i32 : i32, i32
  }
  func.func @transform_9(%arg0: i32) -> (i32, i32) {
    %c0_i32 = arith.constant 0 : i32
    %c0_i32_0 = arith.constant 0 : i32
    return %arg0, %c0_i32 : i32, i32
  }
}

module attributes {stable_mosaic.version = 14 : i64} {
  func.func @body(%arg0: memref<4096x128xf32, #tpu.memory_space<vmem>>, %arg1: memref<2x4096x128xf32, #tpu.memory_space<vmem>>, %arg2: memref<4096x16xf32, #tpu.memory_space<vmem>>, %arg3: memref<128x128xf32, #tpu.memory_space<vmem>>, %arg4: memref<1x128xf32, #tpu.memory_space<vmem>>, %arg5: memref<4096x128xf32, #tpu.memory_space<vmem>>) attributes {dimension_semantics = [], scalar_prefetch = 0 : i64, scratch_operands = 0 : i64, tpu.core_type = #tpu.core_type<tc>} {
    %get3A = arith.constant 0 : index
    %get3A_0 = arith.constant 0 : index
    %get3A_1 = vector.load %arg0[%get3A, %get3A_0] : memref<4096x128xf32, #tpu.memory_space<vmem>>, vector<4096x128xf32>
    %get3A_2 = arith.constant 0 : index
    %get3A_3 = arith.constant 0 : index
    %get3A_4 = arith.constant 0 : index
    %get3A_5 = vector.load %arg1[%get3A_2, %get3A_3, %get3A_4] : memref<2x4096x128xf32, #tpu.memory_space<vmem>>, vector<1x4096x128xf32>
    %get3A_6 = vector.shape_cast %get3A_5 : vector<1x4096x128xf32> to vector<4096x128xf32>
    %get3A_7 = arith.constant 1 : index
    %get3A_8 = arith.constant 0 : index
    %get3A_9 = arith.constant 0 : index
    %get3A_10 = vector.load %arg1[%get3A_7, %get3A_8, %get3A_9] : memref<2x4096x128xf32, #tpu.memory_space<vmem>>, vector<1x4096x128xf32>
    %get3A_11 = vector.shape_cast %get3A_10 : vector<1x4096x128xf32> to vector<4096x128xf32>
    %add3A = arith.addf %get3A_6, %get3A_11 : vector<4096x128xf32>
    %get3A_12 = arith.constant 0 : index
    %get3A_13 = arith.constant 0 : index
    %get3A_14 = vector.load %arg2[%get3A_12, %get3A_13] : memref<4096x16xf32, #tpu.memory_space<vmem>>, vector<4096x1xf32>
    %mul3A = vector.broadcast %get3A_14 : vector<4096x1xf32> to vector<4096x128xf32>
    %mul3A_15 = arith.mulf %add3A, %mul3A : vector<4096x128xf32>
    %get3A_16 = arith.constant 0 : index
    %get3A_17 = arith.constant 0 : index
    %get3A_18 = vector.load %arg3[%get3A_16, %get3A_17] : memref<128x128xf32, #tpu.memory_space<vmem>>, vector<128x128xf32>
    %dot_general3A = arith.constant dense<0.000000e+00> : vector<4096x128xf32>
    %dot_general3A_19 = tpu.matmul %get3A_1, %get3A_18, %dot_general3A {dimension_numbers = #tpu.dot_dimension_numbers<[1], [0], [0], [1], [0, 0, 1, 1], [], []>, transpose_lhs_hint = false} : vector<4096x128xf32>, vector<128x128xf32>, vector<4096x128xf32> -> vector<4096x128xf32>
    %add3A_20 = arith.addf %dot_general3A_19, %mul3A_15 : vector<4096x128xf32>
    %get3A_21 = arith.constant 0 : index
    %get3A_22 = arith.constant 0 : index
    %get3A_23 = vector.load %arg4[%get3A_21, %get3A_22] : memref<1x128xf32, #tpu.memory_space<vmem>>, vector<1x128xf32>
    %add3A_24 = vector.broadcast %get3A_23 : vector<1x128xf32> to vector<4096x128xf32>
    %add3A_25 = arith.addf %add3A_20, %add3A_24 : vector<4096x128xf32>
    %max3A = arith.constant 0.000000e+00 : f32
    %max3A_26 = vector.broadcast %max3A : f32 to vector<4096x128xf32>
    %max3A_27 = arith.maximumf %add3A_25, %max3A_26 : vector<4096x128xf32>
    %add3A_28 = arith.addf %get3A_1, %max3A_27 : vector<4096x128xf32>
    %swap3A = arith.constant 0 : index
    %swap3A_29 = arith.constant 0 : index
    %swap3A_30 = vector.load %arg5[%swap3A, %swap3A_29] : memref<4096x128xf32, #tpu.memory_space<vmem>>, vector<4096x128xf32>
    tpu.vector_store %arg5[%swap3A, %swap3A_29], %add3A_28 {strides = array<i32>} : memref<4096x128xf32, #tpu.memory_space<vmem>>, vector<4096x128xf32>,
    return
  }
}

module attributes {stable_mosaic.version = 14 : i64} {
  func.func @body(%arg0: memref<4096x128xf32, #tpu.memory_space<vmem>>, %arg1: memref<2x4096x128xf32, #tpu.memory_space<vmem>>, %arg2: memref<4096x16xf32, #tpu.memory_space<vmem>>, %arg3: memref<128x128xf32, #tpu.memory_space<vmem>>, %arg4: memref<1x128xf32, #tpu.memory_space<vmem>>, %arg5: memref<128x64xf32, #tpu.memory_space<vmem>>, %arg6: memref<1x64xf32, #tpu.memory_space<vmem>>, %arg7: memref<64x8xf32, #tpu.memory_space<vmem>>, %arg8: memref<1x8xf32, #tpu.memory_space<vmem>>, %arg9: memref<128x64xf32, #tpu.memory_space<vmem>>, %arg10: memref<1x64xf32, #tpu.memory_space<vmem>>, %arg11: memref<64x8xf32, #tpu.memory_space<vmem>>, %arg12: memref<1x8xf32, #tpu.memory_space<vmem>>, %arg13: memref<4096x16xf32, #tpu.memory_space<vmem>>) attributes {dimension_semantics = [], scalar_prefetch = 0 : i64, scratch_operands = 0 : i64, tpu.core_type = #tpu.core_type<tc>} {
    %get3A = arith.constant 0 : index
    %get3A_0 = arith.constant 0 : index
    %get3A_1 = vector.load %arg0[%get3A, %get3A_0] : memref<4096x128xf32, #tpu.memory_space<vmem>>, vector<4096x128xf32>
    %get3A_2 = arith.constant 0 : index
    %get3A_3 = arith.constant 0 : index
    %get3A_4 = arith.constant 0 : index
    %get3A_5 = vector.load %arg1[%get3A_2, %get3A_3, %get3A_4] : memref<2x4096x128xf32, #tpu.memory_space<vmem>>, vector<1x4096x128xf32>
    %get3A_6 = vector.shape_cast %get3A_5 : vector<1x4096x128xf32> to vector<4096x128xf32>
    %get3A_7 = arith.constant 1 : index
    %get3A_8 = arith.constant 0 : index
    %get3A_9 = arith.constant 0 : index
    %get3A_10 = vector.load %arg1[%get3A_7, %get3A_8, %get3A_9] : memref<2x4096x128xf32, #tpu.memory_space<vmem>>, vector<1x4096x128xf32>
    %get3A_11 = vector.shape_cast %get3A_10 : vector<1x4096x128xf32> to vector<4096x128xf32>
    %add3A = arith.addf %get3A_6, %get3A_11 : vector<4096x128xf32>
    %get3A_12 = arith.constant 0 : index
    %get3A_13 = arith.constant 0 : index
    %get3A_14 = vector.load %arg2[%get3A_12, %get3A_13] : memref<4096x16xf32, #tpu.memory_space<vmem>>, vector<4096x1xf32>
    %mul3A = vector.broadcast %get3A_14 : vector<4096x1xf32> to vector<4096x128xf32>
    %mul3A_15 = arith.mulf %add3A, %mul3A : vector<4096x128xf32>
    %get3A_16 = arith.constant 0 : index
    %get3A_17 = arith.constant 0 : index
    %get3A_18 = vector.load %arg3[%get3A_16, %get3A_17] : memref<128x128xf32, #tpu.memory_space<vmem>>, vector<128x128xf32>
    %dot_general3A = arith.constant dense<0.000000e+00> : vector<4096x128xf32>
    %dot_general3A_19 = tpu.matmul %get3A_1, %get3A_18, %dot_general3A {dimension_numbers = #tpu.dot_dimension_numbers<[1], [0], [0], [1], [0, 0, 1, 1], [], []>, transpose_lhs_hint = false} : vector<4096x128xf32>, vector<128x128xf32>, vector<4096x128xf32> -> vector<4096x128xf32>
    %add3A_20 = arith.addf %dot_general3A_19, %mul3A_15 : vector<4096x128xf32>
    %get3A_21 = arith.constant 0 : index
    %get3A_22 = arith.constant 0 : index
    %get3A_23 = vector.load %arg4[%get3A_21, %get3A_22] : memref<1x128xf32, #tpu.memory_space<vmem>>, vector<1x128xf32>
    %add3A_24 = vector.broadcast %get3A_23 : vector<1x128xf32> to vector<4096x128xf32>
    %add3A_25 = arith.addf %add3A_20, %add3A_24 : vector<4096x128xf32>
    %max3A = arith.constant 0.000000e+00 : f32
    %max3A_26 = vector.broadcast %max3A : f32 to vector<4096x128xf32>
    %max3A_27 = arith.maximumf %add3A_25, %max3A_26 : vector<4096x128xf32>
    %add3A_28 = arith.addf %get3A_1, %max3A_27 : vector<4096x128xf32>
    %get3A_29 = arith.constant 0 : index
    %get3A_30 = arith.constant 0 : index
    %get3A_31 = vector.load %arg5[%get3A_29, %get3A_30] : memref<128x64xf32, #tpu.memory_space<vmem>>, vector<128x64xf32>
    %dot_general3A_32 = arith.constant dense<0.000000e+00> : vector<4096x64xf32>
    %dot_general3A_33 = tpu.matmul %add3A_28, %get3A_31, %dot_general3A_32 {dimension_numbers = #tpu.dot_dimension_numbers<[1], [0], [0], [1], [0, 0, 1, 1], [], []>, transpose_lhs_hint = false} : vector<4096x128xf32>, vector<128x64xf32>, vector<4096x64xf32> -> vector<4096x64xf32>
    %get3A_34 = arith.constant 0 : index
    %get3A_35 = arith.constant 0 : index
    %get3A_36 = vector.load %arg6[%get3A_34, %get3A_35] : memref<1x64xf32, #tpu.memory_space<vmem>>, vector<1x64xf32>
    %add3A_37 = vector.broadcast %get3A_36 : vector<1x64xf32> to vector<4096x64xf32>
    %add3A_38 = arith.addf %dot_general3A_33, %add3A_37 : vector<4096x64xf32>
    %max3A_39 = arith.constant 0.000000e+00 : f32
    %max3A_40 = vector.broadcast %max3A_39 : f32 to vector<4096x64xf32>
    %max3A_41 = arith.maximumf %add3A_38, %max3A_40 : vector<4096x64xf32>
    %get3A_42 = arith.constant 0 : index
    %get3A_43 = arith.constant 0 : index
    %get3A_44 = vector.load %arg9[%get3A_42, %get3A_43] : memref<128x64xf32, #tpu.memory_space<vmem>>, vector<128x64xf32>
    %dot_general3A_45 = arith.constant dense<0.000000e+00> : vector<4096x64xf32>
    %dot_general3A_46 = tpu.matmul %add3A_28, %get3A_44, %dot_general3A_45 {dimension_numbers = #tpu.dot_dimension_numbers<[1], [0], [0], [1], [0, 0, 1, 1], [], []>, transpose_lhs_hint = false} : vector<4096x128xf32>, vector<128x64xf32>, vector<4096x64xf32> -> vector<4096x64xf32>
    %get3A_47 = arith.constant 0 : index
    %get3A_48 = arith.constant 0 : index
    %get3A_49 = vector.load %arg10[%get3A_47, %get3A_48] : memref<1x64xf32, #tpu.memory_space<vmem>>, vector<1x64xf32>
    %add3A_50 = vector.broadcast %get3A_49 : vector<1x64xf32> to vector<4096x64xf32>
    %add3A_51 = arith.addf %dot_general3A_46, %add3A_50 : vector<4096x64xf32>
    %max3A_52 = arith.constant 0.000000e+00 : f32
    %max3A_53 = vector.broadcast %max3A_52 : f32 to vector<4096x64xf32>
    %max3A_54 = arith.maximumf %add3A_51, %max3A_53 : vector<4096x64xf32>
    %get3A_55 = arith.constant 0 : index
    %get3A_56 = arith.constant 0 : index
    %get3A_57 = vector.load %arg7[%get3A_55, %get3A_56] : memref<64x8xf32, #tpu.memory_space<vmem>>, vector<64x8xf32>
    %dot_general3A_58 = arith.constant dense<0.000000e+00> : vector<4096x8xf32>
    %dot_general3A_59 = tpu.matmul %max3A_41, %get3A_57, %dot_general3A_58 {dimension_numbers = #tpu.dot_dimension_numbers<[1], [0], [0], [1], [0, 0, 1, 1], [], []>, transpose_lhs_hint = false} : vector<4096x64xf32>, vector<64x8xf32>, vector<4096x8xf32> -> vector<4096x8xf32>
    %get3A_60 = arith.constant 0 : index
    %get3A_61 = arith.constant 0 : index
    %get3A_62 = vector.load %arg8[%get3A_60, %get3A_61] : memref<1x8xf32, #tpu.memory_space<vmem>>, vector<1x8xf32>
    %add3A_63 = vector.broadcast %get3A_62 : vector<1x8xf32> to vector<4096x8xf32>
    %add3A_64 = arith.addf %dot_general3A_59, %add3A_63 : vector<4096x8xf32>
    %get3A_65 = arith.constant 0 : index
    %get3A_66 = arith.constant 0 : index
    %get3A_67 = vector.load %arg11[%get3A_65, %get3A_66] : memref<64x8xf32, #tpu.memory_space<vmem>>, vector<64x8xf32>
    %dot_general3A_68 = arith.constant dense<0.000000e+00> : vector<4096x8xf32>
    %dot_general3A_69 = tpu.matmul %max3A_54, %get3A_67, %dot_general3A_68 {dimension_numbers = #tpu.dot_dimension_numbers<[1], [0], [0], [1], [0, 0, 1, 1], [], []>, transpose_lhs_hint = false} : vector<4096x64xf32>, vector<64x8xf32>, vector<4096x8xf32> -> vector<4096x8xf32>
    %get3A_70 = arith.constant 0 : index
    %get3A_71 = arith.constant 0 : index
    %get3A_72 = vector.load %arg12[%get3A_70, %get3A_71] : memref<1x8xf32, #tpu.memory_space<vmem>>, vector<1x8xf32>
    %add3A_73 = vector.broadcast %get3A_72 : vector<1x8xf32> to vector<4096x8xf32>
    %add3A_74 = arith.addf %dot_general3A_69, %add3A_73 : vector<4096x8xf32>
    %concatenate3A = tpu.concatenate %add3A_64, %add3A_74 in 1 : vector<4096x8xf32>, vector<4096x8xf32> -> vector<4096x16xf32>
    %swap3A = arith.constant 0 : index
    %swap3A_75 = arith.constant 0 : index
    %swap3A_76 = vector.load %arg13[%swap3A, %swap3A_75] : memref<4096x16xf32, #tpu.memory_space<vmem>>, vector<4096x16xf32>
    tpu.vector_store %arg13[%swap3A, %swap3A_75], %concatenate3A {strides = array<i32>} : memref<4096x16xf32, #tpu.memory_space<vmem>>, vector<4096x16xf32>,
    return
  }
}

</mosaic_0001>

<sc_bundles>
// kernel: kernel.13.cloned.1.call-start
scs
__scs_entry_jumppad:
0x0: {  	(pc) =	sbr.rel $0x88, $3  }
0x1: {  	(tag) =	ssettag $0x0;
	lr =	simm.s32 $0x1  }
0x2: {  	[smem:$0x3F89] =	sst lr;
	_ =	strace $0xD0000000  }
0x3: {  	_ = 	snop  }
0x4: {  	_ = 	snop  }
0x5: {  	_ = 	snop  }
0x6: {  	_ = 	snop  }
0x7: {  	_ = 	snop  }
__scs_overlays_trampoline_lowered:
0x8: {  	[smem:$0x3F98] =	sst s0  }
0x9: {  	[smem:$0x3F99] =	sst s1  }
0xa: {  	[smem:$0x3F9A] =	sst s2  }
0xb: {  	[smem:$0x3F9B] =	sst s3  }
0xc: {  	[smem:$0x3F9C] =	sst s4  }
0xd: {  	[smem:$0x3F9D] =	sst s5  }
0xe: {  	[smem:$0x3F9E] =	sst s6  }
0xf: {  	[smem:$0x3F9F] =	sst s7  }
0x10: {  	[smem:$0x3FA0] =	sst s8  }
0x11: {  	[smem:$0x3FA1] =	sst s9;
	s0 =	simm.s32 @!p0 $0x0  }
0x12: {  	s1 =	sld [smem:$0x3F87];
	s0 =	simm.s32 @p0 $0x1  }
0x13: {  	[smem:$0x3FA2] =	sst s0;
	s0 =	simm.s32 @!p1 $0x0  }
0x14: {  	s2 =	sld [smem:$0x3F86];
	s0 =	simm.s32 @p1 $0x1  }
0x15: {  	[smem:$0x3FA3] =	sst s0;
	s0 =	simm.s32 @!p2 $0x0  }
0x16: {  	s3 =	sld [smem:$0x3FDB];
	s0 =	simm.s32 @p2 $0x1  }
0x17: {  	s4 =	simm.s32 $0x1BF5;
	[smem:$0x3FA5] =	sst s0  }
0x18: {  	s0 =	sld [smem:$0x3F88];
	_ =	swait.ge [sflag:s4], $0x0  }
0x19: {  	s7 =	sld [smem:$0x3F89]  }
0x1a: {  	s8 =	sadd.s32 $0xFFFFE003, lr  }
0x1b: {  	s9 =	sadd.s32 $0xFFFFFEF7, lr;
	s5 =	simm.s32 $0xFFFFFFFF;
	p2 =	slt.u32 s8, $0xFFFFF086  }
0x1c: {  	p1 =	slt.u32 s9, $0xF7A;
	s5 =	simm.s32 @!p2 $0x0  }
0x1d: {  	s5 =	simm.s32 @p1 $0x1;
	p0 =	seq.s32 s7, s2  }
0x1e: {  	s7 =	smul.u32 @!p0 $0xF7A, s2;
	p2 =	seq.s32 @!p0 s5, $0x0  }
0x1f: {  	s9 =	smul.u32 $0xF7A, s1;
	s8 =	simm.s32 @!p0 $0x1BF5;
	p2 =	por !p2, p0  }
0x20: {  	[sflag:s8] =	ssyncset.s32 @!p0 $0xFFFFF086;
	s6 =	sadd.s32 @!p0 s3, s7;
	s7 =	simm.s32 @!p0 $0x108  }
0x21: {  	s3 =	sadd.s32 s3, s9;
	s6 =	sadd.s32 @!p0 $0x88, s6;
	s7 =	simm.s32 @p2 $0x1082  }
0x22: {  	[simem:s7], [sflag:s8] =	dma.local @!p0 [hbm:s6], $0xF7A  }
0x23: {  	s9 =	sor.u32 $0xD0000000, s2;
	s6 =	simm.s32 $0x108;
	_ =	swait.ge @!p0 [sflag:s8], $0x0  }
0x24: {  	s3 =	sadd.s32 $0x88, s3;
	s6 =	simm.s32 @!p1 $0x1082;
	[sflag:s4] =	ssyncset.s32 $0xFFFFF086  }
0x25: {  	[simem:s6], [sflag:s4] =	dma.local [hbm:s3], $0xF7A  }
0x26: {  	[smem:$0x3F89] =	sst s1;
	(tag) =	ssettag s2;
	_ =	strace s9  }
0x27: {  	s1 =	sld [smem:$0x3F99]  }
0x28: {  	s2 =	sld [smem:$0x3F9A]  }
0x29: {  	s4 =	sld [smem:$0x3F9C]  }
0x2a: {  	p0 =	seq.s32 s5, $0x0;
	s5 =	sld [smem:$0x3F9D]  }
0x2b: {  	s6 =	sld [smem:$0x3F9E]  }
0x2c: {  	s7 =	sld [smem:$0x3F9F]  }
0x2d: {  	s3 =	simm.s32 $0x108;
	s8 =	sld [smem:$0x3FA0]  }
0x2e: {  	s3 =	simm.s32 @!p0 $0x1082;
	s9 =	sld [smem:$0x3FA1]  }
0x2f: {  	lr =	sadd.s32 s0, s3;
	s0 =	sld [smem:$0x3F98]  }
0x30: {  	s3 =	sld [smem:$0x3F9B]  }
0x31: {  	[smem:$0x3FA4] =	sst s10  }
0x32: {  	s10 =	sld [smem:$0x3FA2];
	_ =	sdelay $0x3  }
0x33: {  	p0 =	seq.s32 s10, $0x1;
	s10 =	sld [smem:$0x3FA4];
	_ =	sdelay $0x3  }
0x34: {  	[smem:$0x3FA4] =	sst s10  }
0x35: {  	s10 =	sld [smem:$0x3FA3];
	_ =	sdelay $0x3  }
0x36: {  	p1 =	seq.s32 s10, $0x1;
	s10 =	sld [smem:$0x3FA4];
	_ =	sdelay $0x3  }
0x37: {  	[smem:$0x3FA4] =	sst s10  }
0x38: {  	s10 =	sld [smem:$0x3FA5]  }
0x39: {  	_ = 	snop;
	(pc) =	sbr.ind lr, $3  }
0x3a: {  	_ = 	snop  }
0x3b: {  	_ = 	snop  }
0x3c: {  	p2 =	seq.s32 s10, $0x1;
	s10 =	sld [smem:$0x3FA4]  }
0x3d: {  	_ =	shalt  }
0x3e: {  	_ =	shalt  }
0x3f: {  	_ =	shalt  }
0x40: {  	_ =	shalt  }
0x41: {  	_ =	shalt  }
0x42: {  	_ =	shalt  }
0x43: {  	_ =	shalt  }
0x44: {  	_ =	shalt  }
0x45: {  	_ =	shalt  }
0x46: {  	_ =	shalt  }
0x47: {  	_ =	shalt  }
0x48: {  	_ =	shalt  }
0x49: {  	_ =	shalt  }
0x4a: {  	_ =	shalt  }
0x4b: {  	_ =	shalt  }
0x4c: {  	_ =	shalt  }
0x4d: {  	_ =	shalt  }
0x4e: {  	_ =	shalt  }
0x4f: {  	_ =	shalt  }
0x50: {  	_ =	shalt  }
0x51: {  	_ =	shalt  }
0x52: {  	_ =	shalt  }
0x53: {  	_ =	shalt  }
0x54: {  	_ =	shalt  }
0x55: {  	_ =	shalt  }
0x56: {  	_ =	shalt  }
0x57: {  	_ =	shalt  }
0x58: {  	_ =	shalt  }
0x59: {  	_ =	shalt  }
0x5a: {  	_ =	shalt  }
0x5b: {  	_ =	shalt  }
0x5c: {  	_ =	shalt  }
0x5d: {  	_ =	shalt  }
0x5e: {  	_ =	shalt  }
0x5f: {  	_ =	shalt  }
0x60: {  	_ =	shalt  }
0x61: {  	_ =	shalt  }
0x62: {  	_ =	shalt  }
0x63: {  	_ =	shalt  }
0x64: {  	_ =	shalt  }
0x65: {  	_ =	shalt  }
0x66: {  	_ =	shalt  }
0x67: {  	_ =	shalt  }
0x68: {  	_ =	shalt  }
0x69: {  	_ =	shalt  }
0x6a: {  	_ =	shalt  }
0x6b: {  	_ =	shalt  }
0x6c: {  	_ =	shalt  }
0x6d: {  	_ =	shalt  }
0x6e: {  	_ =	shalt  }
0x6f: {  	_ =	shalt  }
0x70: {  	_ =	shalt  }
0x71: {  	_ =	shalt  }
0x72: {  	_ =	shalt  }
0x73: {  	_ =	shalt  }
0x74: {  	_ =	shalt  }
0x75: {  	_ =	shalt  }
0x76: {  	_ =	shalt  }
0x77: {  	_ =	shalt  }
0x78: {  	_ =	shalt  }
0x79: {  	_ =	shalt  }
0x7a: {  	_ =	shalt  }
0x7b: {  	_ =	shalt  }
0x7c: {  	_ =	shalt  }
0x7d: {  	_ =	shalt  }
0x7e: {  	_ =	shalt  }
0x7f: {  	_ =	shalt  }
0x80: {  	_ =	shalt  }
0x81: {  	_ =	shalt  }
0x82: {  	_ =	shalt  }
0x83: {  	_ =	shalt  }
0x84: {  	_ =	shalt  }
0x85: {  	_ =	shalt  }
0x86: {  	_ =	shalt  }
0x87: {  	_ =	shalt  }
.Lfunc_end0:
.L_simem_size_0:
called_computation_lowered:
.L_overlay_start_0:
0x88: {  	s2 =	sld [smem:$0x3FD9]  }
0x89: {  	s3 =	sld [smem:$0x3FFE];
	_ =	sdelay $0x1  }
0x8a: {  	s1 =	srdreg.scid  }
0x8b: {  	s0 =	sand.u32 $0x1, s1  }
0x8c: {  	s16 =	sshll.u32 s0, $0xA;
	s2 =	sadd.s32 s3, s2  }
0x8d: {  	s2 =	sadd.s32 s2, s16  }
0x8e: {  	[smem:$0x3FB0] =	sst s2  }
0x8f: {  	_ = 	snop  }
0x90: {  	(tm) =	ssettm $0x1  }
0x91: {  	s17 =	sld [smem:$0x3FFB];
	_ =	sdelay $0x3  }
0x92: {  	_ =	strace s17  }
0x93: {  	s2 =	sld [smem:$0x3FFC];
	_ =	sdelay $0x3  }
0x94: {  	_ =	strace s2  }
0x95: {  	s2 =	sld [smem:$0x3FFD];
	_ =	sdelay $0x3  }
0x96: {  	_ =	strace s2  }
0x97: {  	_ =	strace $0x8FFFFFFF  }
0x98: {  	s18 =	sld [smem:$0x3FDB];
	_ =	sdelay $0x1  }
0x99: {  	s19 =	simm.s32 $_scs_section_size  }
0x9a: {  	s4 =	simm.s32 $_size__tile_overlayer_lowered;
	s5 =	simm.s32 $_tile_overlayer_lowered  }
0x9b: {  	s22 =	simm.s32 $0x1BFF;
	s21 =	sshll.u32 s5, $0x1;
	s2 =	sadd.s32 s19, s18  }
0x9c: {  	s6 =	simm.s32 $0x0;
	s20 =	sshll.u32 s4, $0x1;
	s4 =	sadd.s32 s21, s2  }
0x9d: {  	[timem:s6], [sflag:s22] =	dma.local [hbm:s4], s20  }
0x9e: {  	_ =	swait.ge [sflag:s22], s20  }
0x9f: {  	s3 =	ssub.s32 $0x0, s20;
	[sflag:s22] =	ssyncset.done $0x0  }
0xa0: {  	[sflag:s22] =	ssyncadd.s32 s3;
	_ =	sdelay $0x1  }
0xa1: {  	s23 =	simm.s32 $0x1B8B  }
0xa2: {  	_ =	swait.ge [sflag:s23], $0x1  }
0xa3: {  	[sflag:s23] =	ssyncset.done $0x0  }
0xa4: {  	s25 =	simm.s32 $0x1B8E;
	s24 =	sld [smem:$0x3FFE];
	[sflag:s23] =	ssyncadd.s32 $0xFFFFFFFF  }
0xa5: {  	s26 =	simm.s32 $execute0_lowered;
	[smem:$0x3FD2] =	sst s25  }
0xa6: {  	s4 =	sshll.u32 s26, $0x1;
	_ =	strace $0x80000046;
	[dreg:$0x1] =	wrdreg $0xFFFFFFFF  }
0xa7: {  	s28 =	simm.s32 $_size_execute0_lowered;
	s2 =	sadd.s32 s2, s4;
	[dreg:$0x0] =	wrdreg $0x0  }
0xa8: {  	s4 =	sshll.u32 s28, $0x1;
	[dreg:$0x2] =	wrdreg s2  }
0xa9: {  	[dreg:$0x3] =	wrdreg s4  }
0xaa: {  	[dreg:$0x4] =	wrdreg $0xC0  }
0xab: {  	_ =	task [dreg:s6], $0x5FFFF  }
0xac: {  	[dreg:$0x1] =	wrdreg $0xFFFFFFFF  }
0xad: {  	[dreg:$0x0] =	wrdreg $0x60  }
0xae: {  	[dreg:$0x2] =	wrdreg s24  }
0xaf: {  	[dreg:$0x3] =	wrdreg $0x0  }
0xb0: {  	[dreg:$0x4] =	wrdreg $0x9  }
0xb1: {  	_ =	task.clear_ibuf [dreg:s6], $0x5FFFF;
	_ =	strace $0x90000046  }
0xb2: {  	s29 =	simm.s32 $0x9;
	_ =	strace $0x80000048  }
0xb3: {  	_ =	swait.ge [sflag:s29], $0x1  }
0xb4: {  	[sflag:s29] =	ssyncadd.s32 $0xFFFFFFFF  }
0xb5: {  	_ =	strace $0x90000048  }
0xb6: {  	_ =	sfence  }
0xb7: {  	s30 =	sld [smem:$0x0];
	_ =	sdelay $0x2  }
0xb8: {  	s31 =	sshll.u32 s1, $0xD;
	s1 =	sshrl.u32 s1, $0x2  }
0xb9: {  	s3 =	sand.u32 $0x4000, s31;
	s1 =	sadd.s32 s1, s30  }
0xba: {  	s0 =	sor.u32 s3, s0;
	s1 =	sshll.u32 s1, $0x11  }
0xbb: {  	s0 =	sor.u32 s1, s0  }
0xbc: {  	s0 =	sadd.s32 $0x8F2B, s0  }
0xbd: {  	[sflag:s0] =	ssyncadd.remote.s32 $0x1  }
0xbe: {  	_ =	sfence.sel $0xFFFF  }
0xbf: {  	[dreg:$0x0] =	wrdreg $0xFFFFFFFF;
	(pc) =	sbr.abs _section_cstart, $3  }
0xc0: {  	[dreg:$0x1] =	wrdreg $0xFFFFFFFF  }
0xc1: {  	_ =	task.clear_ibuf [dreg:s6], $0x2FFFF;
	_ =	strace $0x9FFFFFFF  }
0xc2: {  	(tm) =	ssettm $0x7FFFFFFF  }
0xc3: {  	_ =	shalt  }
tec
execute0_lowered:
.L_overlay_start_1:
0x0: {  	(tag) =	ssettag $0x1  }
0x1: {  	s0 =	srdreg.scid;
	s19 =	stileid.u32  }
0x2: {  	s5 =	rddreg [dreg:$0x0];
	s11 =	smul.u32 $0x13C00, s19  }
0x3: {  	s0 =	sand.u32 $0x1, s0;
	s1 =	sshll.u32 s19, $0x1;
	s16 =	smul.u32 $0x4F000, s19  }
0x4: {  	s2 =	rddreg [dreg:$0x1];
	s1 =	sor.u32 s0, s1;
	s9 =	smul.u32 $0x13C000, s0  }
0x5: {  	s3 =	simm.s32 $0x0;
	s28 =	simm.s32 $0x17180;
	s6 =	smul.u32 $0x28, s1  }
0x6: {  	s29 =	simm.s32 $0x1;
	[smem:$0x7FF] =	sst s3;
	s7 =	smul.u32 $0x500, s1  }
0x7: {  	s4 =	sadd.s32 $0x6E00, s5;
	s14 =	sadd.s32 $0x3E600, s5;
	s8 =	smul.u32 $0x180, s1  }
0x8: {  	s17 =	sshll.u32 s19, $0xC;
	s21 =	sshll.u32 s19, $0x6;
	s22 =	smul.u32 $0xA000, s1  }
0x9: {  	s30 =	sshll.u32 s19, $0xF;
	_ =	strace $0x80000047;
	s1 =	smul.u32 $0x1400, s1  }
0xa: {  	s31 =	sadd.s32 s30, s2;
	s20 =	sshrl.u32 s16, $0x2;
	s16 =	smul.u32 $0x21000, s19  }
0xb: {  	s19 =	simm.s32 $0x2;
	s9 =	sadd.s32 s11, s9;
	s11 =	ssub.s32 $0x2, s0  }
0xc: {  	s0 =	sshll.u32 s0, $0x10;
	s10 =	sadd.s32 s6, s5;
	s12 =	sadd.s32 s7, s5  }
0xd: {  	s13 =	sadd.s32 s8, s5;
	s8 =	sadd.s32 $0x3B600, s5;
	s6 =	sadd.s32 $0x3BE00, s5  }
0xe: {  	s7 =	sshrl.u32 s9, $0x3;
	s18 =	sshrl.u32 s11, $0x1;
	s24 =	sshrl.u32 s22, $0x3  }
0xf: {  	s26 =	sshrl.u32 s16, $0x2;
	s22 =	simm.s32 $0x16580;
	[dreg:$0x3] =	wrdreg s8  }
0x10: {  	s15 =	sadd.s32 s7, s5;
	s5 =	sadd.s32 s17, s5;
	s17 =	ssub.s32 s11, s18  }
0x11: {  	s18 =	sadd.s32 s20, s2;
	s7 =	sor.u32 $0x1C02, s21;
	s23 =	sadd.s32 $0x2E000, s10  }
0x12: {  	s9 =	sadd.s32 $0x2E600, s12;
	s10 =	sadd.s32 $0x38600, s13;
	s11 =	sadd.s32 s14, s1  }
0x13: {  	s25 =	sadd.s32 s14, s24;
	s1 =	sadd.s32 s26, s2;
	s20 =	simm.s32 $0x13C00  }
0x14: {  	s26 =	simm.s32 $0x50;
	[dreg:$0x4] =	wrdreg s23;
	s12 =	sadd.s32 $0x500, s25  }
0x15: {  	s13 =	sadd.s32 $0xA00, s25;
	s14 =	sadd.s32 $0xF00, s25;
	s15 =	sadd.s32 $0x86600, s15  }
0x16: {  	s0 =	sadd.s32 s0, s5;
	s17 =	smax.u32 s17, $0x1;
	s18 =	sshrl.u32 s18, $0x3  }
0x17: {  	s23 =	simm.s32 $0x19980;
	s24 =	sshrl.u32 s1, $0x3;
	s25 =	sshrl.u32 s31, $0x3  }
0x18: {  	s1 =	simm.s32 $0x0;
	s16 =	sadd.s32 $0x66600, s0;
	s0 =	simm.s32 $0x80  }
.LBB2_1:
0x19: {  	[spmem:s18], [sflag:s7] =	dma.local [hbm:s6], $0x2780  }
0x1a: {  	_ =	swait.ge [sflag:s19], $0x2780  }
0x1b: {  	[sflag:s19] =	ssyncset.done $0x0  }
0x1c: {  	s5 =	rddreg [dreg:$0x4];
	[sflag:s19] =	ssyncadd.s32 $0xFFFFD880  }
0x1d: {  	[tilespmem:s20], [sflag:$0x2] =	stream.linear.gather [hbm4b:s5+s3], $0x140, $0x38;
	[tilespmem:$0x1D980] =	vst v63  }
0x1e: {  	_ =	swait.ge [sflag:s19], $0x140  }
0x1f: {  	[sflag:s19] =	ssyncset.done $0x0  }
0x20: {  	s30 =	simm.s32 $0x13D80;
	[sflag:s19] =	ssyncadd.s32 $0xFFFFFEC0  }
0x21: {  	[tilespmem:s30], [sflag:$0x2] =	stream.linear.gather [hbm4b:s9+s3], $0x2800, $0x38;
	[tilespmem:$0x1D980] =	vst v63  }
0x22: {  	_ =	swait.ge [sflag:s19], $0x2800  }
0x23: {  	[sflag:s19] =	ssyncset.done $0x0  }
0x24: {  	[sflag:s19] =	ssyncadd.s32 $0xFFFFD800  }
0x25: {  	[tilespmem:s22], [sflag:$0x2] =	stream.linear.gather [hbm4b:s10+s3], $0xC00, $0x38;
	[tilespmem:$0x1D980] =	vst v63  }
0x26: {  	_ =	swait.ge [sflag:s19], $0xC00  }
0x27: {  	[sflag:s19] =	ssyncset.done $0x0  }
0x28: {  	s8 =	rddreg [dreg:$0x3];
	[sflag:s19] =	ssyncadd.s32 $0xFFFFF400  }
0x29: {  	[tilespmem:s23], [sflag:$0x2] =	stream.linear.gather [hbm4b:s8+s3], $0x4000, $0x38;
	[tilespmem:$0x1D980] =	vst v63  }
0x2a: {  	_ =	swait.ge [sflag:s19], $0x4000  }
0x2b: {  	[sflag:s19] =	ssyncset.done $0x0  }
0x2c: {  	[sflag:s19] =	ssyncadd.s32 $0xFFFFC000  }
0x2d: {  	[tilespmem:s28], [sflag:$0x1] =	stream.indirect.gather [hbm4b:s4+s26], $0x80, s20, s26, $0xb8;
	[tilespmem:$0x1D980] =	vst v63  }
0x2e: {  	_ =	swait.ge [sflag:s29], $0x2800  }
0x2f: {  	[sflag:s29] =	ssyncset.done $0x0  }
0x30: {  	[sflag:s29] =	ssyncadd.s32 $0xFFFFD800  }
0x31: {  	[hbm4b:s11+s3] =	stream.linear.scatter [tilespmem:s28], [sflag:$0x2], $0x2800, $0x38;
	[tilespmem:$0x1D980] =	vst v63  }
0x32: {  	_ =	swait.ge [sflag:s19], $0x2800  }
0x33: {  	[sflag:s19] =	ssyncset.done $0x0  }
0x34: {  	s21 =	simm.s32 $0x13C50;
	[sflag:s19] =	ssyncadd.s32 $0xFFFFD800  }
0x35: {  	[tilespmem:s28], [sflag:$0x1] =	stream.indirect.gather [hbm4b:s4+s26], $0x80, s21, s26, $0xb8;
	[tilespmem:$0x1D980] =	vst v63  }
0x36: {  	_ =	swait.ge [sflag:s29], $0x2800  }
0x37: {  	[sflag:s29] =	ssyncset.done $0x0  }
0x38: {  	[sflag:s29] =	ssyncadd.s32 $0xFFFFD800  }
0x39: {  	[hbm4b:s12+s3] =	stream.linear.scatter [tilespmem:s28], [sflag:$0x2], $0x2800, $0x38;
	[tilespmem:$0x1D980] =	vst v63  }
0x3a: {  	_ =	swait.ge [sflag:s19], $0x2800  }
0x3b: {  	[sflag:s19] =	ssyncset.done $0x0  }
0x3c: {  	s30 =	simm.s32 $0x13CA0;
	[sflag:s19] =	ssyncadd.s32 $0xFFFFD800  }
0x3d: {  	[tilespmem:s28], [sflag:$0x1] =	stream.indirect.gather [hbm4b:s4+s26], $0x80, s30, s26, $0xb8;
	[tilespmem:$0x1D980] =	vst v63  }
0x3e: {  	_ =	swait.ge [sflag:s29], $0x2800  }
0x3f: {  	[sflag:s29] =	ssyncset.done $0x0  }
0x40: {  	[sflag:s29] =	ssyncadd.s32 $0xFFFFD800  }
0x41: {  	[hbm4b:s13+s3] =	stream.linear.scatter [tilespmem:s28], [sflag:$0x2], $0x2800, $0x38;
	[tilespmem:$0x1D980] =	vst v63  }
0x42: {  	_ =	swait.ge [sflag:s19], $0x2800  }
0x43: {  	[sflag:s19] =	ssyncset.done $0x0  }
0x44: {  	s8 =	simm.s32 $0x13CF0;
	[sflag:s19] =	ssyncadd.s32 $0xFFFFD800  }
0x45: {  	[tilespmem:s28], [sflag:$0x1] =	stream.indirect.gather [hbm4b:s4+s26], $0x80, s8, s26, $0xb8;
	[tilespmem:$0x1D980] =	vst v63  }
0x46: {  	_ =	swait.ge [sflag:s29], $0x2800  }
0x47: {  	[sflag:s29] =	ssyncset.done $0x0  }
0x48: {  	[sflag:s29] =	ssyncadd.s32 $0xFFFFD800  }
0x49: {  	[hbm4b:s14+s3] =	stream.linear.scatter [tilespmem:s28], [sflag:$0x2], $0x2800, $0x38;
	[tilespmem:$0x1D980] =	vst v63  }
0x4a: {  	_ =	swait.ge [sflag:s19], $0x2800  }
0x4b: {  	[sflag:s19] =	ssyncset.done $0x0  }
0x4c: {  	[sflag:s19] =	ssyncadd.s32 $0xFFFFD800  }
0x4d: {  	s21 =	simm.s32 $0x13D80;
	[bflag:$0x0] =	sbarrier.arrive $0xFFFF  }
0x4e: {  	[spmem:s2] =	stream.indirect.scatter.add.f32 [tilespmem:s23], [sflag:$0x1], $0x80, s21, s0, $0xb8;
	[tilespmem:$0x1D980] =	vst v63  }
0x4f: {  	s30 =	simm.s32 $0x13E00  }
0x50: {  	[spmem:s2] =	stream.indirect.scatter.add.f32 [tilespmem:s23], [sflag:$0x1], $0x80, s30, s0, $0xb8;
	[tilespmem:$0x1D980] =	vst v63  }
0x51: {  	s8 =	simm.s32 $0x13E80  }
0x52: {  	[spmem:s2] =	stream.indirect.scatter.add.f32 [tilespmem:s23], [sflag:$0x1], $0x80, s8, s0, $0xb8;
	[tilespmem:$0x1D980] =	vst v63  }
0x53: {  	s21 =	simm.s32 $0x13F00  }
0x54: {  	[spmem:s2] =	stream.indirect.scatter.add.f32 [tilespmem:s23], [sflag:$0x1], $0x80, s21, s0, $0xb8;
	[tilespmem:$0x1D980] =	vst v63  }
0x55: {  	s30 =	simm.s32 $0x13F80  }
0x56: {  	[spmem:s2] =	stream.indirect.scatter.add.f32 [tilespmem:s23], [sflag:$0x1], $0x80, s30, s0, $0xb8;
	[tilespmem:$0x1D980] =	vst v63  }
0x57: {  	s8 =	simm.s32 $0x14000  }
0x58: {  	[spmem:s2] =	stream.indirect.scatter.add.f32 [tilespmem:s23], [sflag:$0x1], $0x80, s8, s0, $0xb8;
	[tilespmem:$0x1D980] =	vst v63  }
0x59: {  	s21 =	simm.s32 $0x14080  }
0x5a: {  	[spmem:s2] =	stream.indirect.scatter.add.f32 [tilespmem:s23], [sflag:$0x1], $0x80, s21, s0, $0xb8;
	[tilespmem:$0x1D980] =	vst v63  }
0x5b: {  	s30 =	simm.s32 $0x14100  }
0x5c: {  	[spmem:s2] =	stream.indirect.scatter.add.f32 [tilespmem:s23], [sflag:$0x1], $0x80, s30, s0, $0xb8;
	[tilespmem:$0x1D980] =	vst v63  }
0x5d: {  	_ =	swait.ge [sflag:s29], $0x4000  }
0x5e: {  	[sflag:s29] =	ssyncset.done $0x0  }
0x5f: {  	[sflag:s29] =	ssyncadd.s32 $0xFFFFC000  }
0x60: {  	_ =	swait.ge [sflag:s29], $0x4000  }
0x61: {  	[sflag:s29] =	ssyncset.done $0x0  }
0x62: {  	[sflag:s29] =	ssyncadd.s32 $0xFFFFC000  }
0x63: {  	_ =	swait.ge [sflag:s29], $0x4000  }
0x64: {  	[sflag:s29] =	ssyncset.done $0x0  }
0x65: {  	[sflag:s29] =	ssyncadd.s32 $0xFFFFC000  }
0x66: {  	_ =	swait.ge [sflag:s29], $0x4000  }
0x67: {  	[sflag:s29] =	ssyncset.done $0x0  }
0x68: {  	[sflag:s29] =	ssyncadd.s32 $0xFFFFC000  }
0x69: {  	_ =	swait.ge [sflag:s29], $0x4000  }
0x6a: {  	[sflag:s29] =	ssyncset.done $0x0  }
0x6b: {  	[sflag:s29] =	ssyncadd.s32 $0xFFFFC000  }
0x6c: {  	_ =	swait.ge [sflag:s29], $0x4000  }
0x6d: {  	[sflag:s29] =	ssyncset.done $0x0  }
0x6e: {  	[sflag:s29] =	ssyncadd.s32 $0xFFFFC000  }
0x6f: {  	_ =	swait.ge [sflag:s29], $0x4000  }
0x70: {  	[sflag:s29] =	ssyncset.done $0x0  }
0x71: {  	[sflag:s29] =	ssyncadd.s32 $0xFFFFC000  }
0x72: {  	_ =	swait.ge [sflag:s29], $0x4000  }
0x73: {  	s31 =	simm.s32 $0x400;
	s21 =	simm.s32 $0x2000;
	[sflag:s29] =	ssyncset.done $0x0  }
.LBB2_2:
0x74: {  	s8 =	sadd.s32 $0x13D80, s31  }
0x75: {  	[sflag:s29] =	ssyncadd.s32 $0xFFFFC000;
	s30 =	smov.u32 s21;
	s5 =	sadd.s32 $0x1000, s21  }
0x76: {  	[spmem:s2] =	stream.indirect.scatter.add.f32 [tilespmem:s23], [sflag:$0x1], $0x80, s8, s0, $0xb8;
	[tilespmem:$0x1D980] =	vst v63  }
0x77: {  	p0 =	sne.s32 s21, $0x9000;
	s8 =	sadd.s32 $0x13E00, s31  }
0x78: {  	[spmem:s2] =	stream.indirect.scatter.add.f32 [tilespmem:s23], [sflag:$0x1], $0x80, s8, s0, $0xb8;
	[tilespmem:$0x1D980] =	vst v63  }
0x79: {  	s8 =	sadd.s32 $0x13E80, s31  }
0x7a: {  	[spmem:s2] =	stream.indirect.scatter.add.f32 [tilespmem:s23], [sflag:$0x1], $0x80, s8, s0, $0xb8;
	[tilespmem:$0x1D980] =	vst v63  }
0x7b: {  	s8 =	sadd.s32 $0x13F00, s31  }
0x7c: {  	[spmem:s2] =	stream.indirect.scatter.add.f32 [tilespmem:s23], [sflag:$0x1], $0x80, s8, s0, $0xb8;
	[tilespmem:$0x1D980] =	vst v63  }
0x7d: {  	s8 =	sadd.s32 $0x13F80, s31  }
0x7e: {  	[spmem:s2] =	stream.indirect.scatter.add.f32 [tilespmem:s23], [sflag:$0x1], $0x80, s8, s0, $0xb8;
	[tilespmem:$0x1D980] =	vst v63  }
0x7f: {  	s8 =	sadd.s32 $0x14000, s31  }
0x80: {  	[spmem:s2] =	stream.indirect.scatter.add.f32 [tilespmem:s23], [sflag:$0x1], $0x80, s8, s0, $0xb8;
	[tilespmem:$0x1D980] =	vst v63  }
0x81: {  	s8 =	sadd.s32 $0x14080, s31  }
0x82: {  	[spmem:s2] =	stream.indirect.scatter.add.f32 [tilespmem:s23], [sflag:$0x1], $0x80, s8, s0, $0xb8;
	[tilespmem:$0x1D980] =	vst v63  }
0x83: {  	s8 =	sadd.s32 $0x14100, s31  }
0x84: {  	[spmem:s2] =	stream.indirect.scatter.add.f32 [tilespmem:s23], [sflag:$0x1], $0x80, s8, s0, $0xb8;
	[tilespmem:$0x1D980] =	vst v63  }
0x85: {  	_ =	swait.ge [sflag:s29], $0x4000  }
0x86: {  	[sflag:s29] =	ssyncset.done $0x0  }
0x87: {  	[sflag:s29] =	ssyncadd.s32 $0xFFFFC000  }
0x88: {  	_ =	swait.ge [sflag:s29], $0x4000  }
0x89: {  	[sflag:s29] =	ssyncset.done $0x0  }
0x8a: {  	[sflag:s29] =	ssyncadd.s32 $0xFFFFC000  }
0x8b: {  	_ =	swait.ge [sflag:s29], $0x4000  }
0x8c: {  	[sflag:s29] =	ssyncset.done $0x0  }
0x8d: {  	[sflag:s29] =	ssyncadd.s32 $0xFFFFC000  }
0x8e: {  	_ =	swait.ge [sflag:s29], $0x4000  }
0x8f: {  	[sflag:s29] =	ssyncset.done $0x0  }
0x90: {  	[sflag:s29] =	ssyncadd.s32 $0xFFFFC000  }
0x91: {  	_ =	swait.ge [sflag:s29], $0x4000  }
0x92: {  	[sflag:s29] =	ssyncset.done $0x0  }
0x93: {  	[sflag:s29] =	ssyncadd.s32 $0xFFFFC000  }
0x94: {  	_ =	swait.ge [sflag:s29], $0x4000  }
0x95: {  	[sflag:s29] =	ssyncset.done $0x0  }
0x96: {  	[sflag:s29] =	ssyncadd.s32 $0xFFFFC000  }
.Ltmp0:
0x97: {  	_ =	swait.ge [sflag:s29], $0x4000;
	(pc) =	sbr.rel @p0 .LBB2_2-.Ltmp0, $4  }
0x98: {  	[sflag:s29] =	ssyncset.done $0x0  }
0x99: {  	[sflag:s29] =	ssyncadd.s32 $0xFFFFC000  }
0x9a: {  	_ =	swait.ge [sflag:s29], $0x4000  }
0x9b: {  	s21 =	smov.u32 s5;
	s31 =	sshra.s32 s30, $0x2;
	[sflag:s29] =	ssyncset.done $0x0  }
0x9c: {  	s5 =	sadd.s32 $0x13D80, s31;
	[sflag:s29] =	ssyncadd.s32 $0xFFFFC000  }
0x9d: {  	[spmem:s2] =	stream.indirect.scatter.add.f32 [tilespmem:s23], [sflag:$0x1], $0x80, s5, s0, $0xb8;
	[tilespmem:$0x1D980] =	vst v63  }
0x9e: {  	s8 =	sadd.s32 $0x13E00, s31  }
0x9f: {  	[spmem:s2] =	stream.indirect.scatter.add.f32 [tilespmem:s23], [sflag:$0x1], $0x80, s8, s0, $0xb8;
	[tilespmem:$0x1D980] =	vst v63  }
0xa0: {  	s21 =	sadd.s32 $0x13E80, s31  }
0xa1: {  	[spmem:s2] =	stream.indirect.scatter.add.f32 [tilespmem:s23], [sflag:$0x1], $0x80, s21, s0, $0xb8;
	[tilespmem:$0x1D980] =	vst v63  }
0xa2: {  	s30 =	sadd.s32 $0x13F00, s31  }
0xa3: {  	[spmem:s2] =	stream.indirect.scatter.add.f32 [tilespmem:s23], [sflag:$0x1], $0x80, s30, s0, $0xb8;
	[tilespmem:$0x1D980] =	vst v63  }
0xa4: {  	s8 =	sadd.s32 $0x13F80, s31  }
0xa5: {  	[spmem:s2] =	stream.indirect.scatter.add.f32 [tilespmem:s23], [sflag:$0x1], $0x80, s8, s0, $0xb8;
	[tilespmem:$0x1D980] =	vst v63  }
0xa6: {  	s21 =	sadd.s32 $0x14000, s31  }
0xa7: {  	[spmem:s2] =	stream.indirect.scatter.add.f32 [tilespmem:s23], [sflag:$0x1], $0x80, s21, s0, $0xb8;
	[tilespmem:$0x1D980] =	vst v63  }
0xa8: {  	s30 =	sadd.s32 $0x14080, s31  }
0xa9: {  	[spmem:s2] =	stream.indirect.scatter.add.f32 [tilespmem:s23], [sflag:$0x1], $0x80, s30, s0, $0xb8;
	[tilespmem:$0x1D980] =	vst v63  }
0xaa: {  	s8 =	sadd.s32 $0x14100, s31  }
0xab: {  	[spmem:s2] =	stream.indirect.scatter.add.f32 [tilespmem:s23], [sflag:$0x1], $0x80, s8, s0, $0xb8;
	[tilespmem:$0x1D980] =	vst v63  }
0xac: {  	_ =	swait.ge [sflag:s29], $0x4000  }
0xad: {  	[sflag:s29] =	ssyncset.done $0x0  }
0xae: {  	[sflag:s29] =	ssyncadd.s32 $0xFFFFC000  }
0xaf: {  	_ =	swait.ge [sflag:s29], $0x4000  }
0xb0: {  	[sflag:s29] =	ssyncset.done $0x0  }
0xb1: {  	[sflag:s29] =	ssyncadd.s32 $0xFFFFC000  }
0xb2: {  	_ =	swait.ge [sflag:s29], $0x4000  }
0xb3: {  	[sflag:s29] =	ssyncset.done $0x0  }
0xb4: {  	[sflag:s29] =	ssyncadd.s32 $0xFFFFC000  }
0xb5: {  	_ =	swait.ge [sflag:s29], $0x4000  }
0xb6: {  	[sflag:s29] =	ssyncset.done $0x0  }
0xb7: {  	[sflag:s29] =	ssyncadd.s32 $0xFFFFC000  }
0xb8: {  	_ =	swait.ge [sflag:s29], $0x4000  }
0xb9: {  	[sflag:s29] =	ssyncset.done $0x0  }
0xba: {  	[sflag:s29] =	ssyncadd.s32 $0xFFFFC000  }
0xbb: {  	_ =	swait.ge [sflag:s29], $0x4000  }
0xbc: {  	[sflag:s29] =	ssyncset.done $0x0  }
0xbd: {  	[sflag:s29] =	ssyncadd.s32 $0xFFFFC000  }
0xbe: {  	_ =	swait.ge [sflag:s29], $0x4000  }
0xbf: {  	[sflag:s29] =	ssyncset.done $0x0  }
0xc0: {  	[sflag:s29] =	ssyncadd.s32 $0xFFFFC000  }
0xc1: {  	_ =	swait.ge [sflag:s29], $0x4000  }
0xc2: {  	[sflag:s29] =	ssyncset.done $0x0  }
0xc3: {  	[sflag:s29] =	ssyncadd.s32 $0xFFFFC000  }
0xc4: {  	[bflag:$0x0] =	sbarrier.arrive $0xFFFF  }
0xc5: {  	[hbm:s15], [sflag:s7] =	dma.local [spmem:s18], $0x2780  }
0xc6: {  	_ =	swait.ge [sflag:s19], $0x2780  }
0xc7: {  	[sflag:s19] =	ssyncset.done $0x0  }
0xc8: {  	[sflag:s19] =	ssyncadd.s32 $0xFFFFD880  }
0xc9: {  	[bflag:$0x0] =	sbarrier.arrive $0xFFFF  }
0xca: {  	[spmem:s24], [sflag:s7] =	dma.local [hbm:s6], $0x1080  }
0xcb: {  	_ =	swait.ge [sflag:s19], $0x1080  }
0xcc: {  	[sflag:s19] =	ssyncset.done $0x0  }
0xcd: {  	[sflag:s19] =	ssyncadd.s32 $0xFFFFEF80  }
0xce: {  	[bflag:$0x0] =	sbarrier.arrive $0xFFFF  }
0xcf: {  	[spmem:s2] =	stream.indirect.scatter.add.f32 [tilespmem:s23], [sflag:$0x1], $0x80, s22, s0, $0xb8;
	[tilespmem:$0x1D980] =	vst v63  }
0xd0: {  	s21 =	simm.s32 $0x16600  }
0xd1: {  	[spmem:s2] =	stream.indirect.scatter.add.f32 [tilespmem:s23], [sflag:$0x1], $0x80, s21, s0, $0xb8;
	[tilespmem:$0x1D980] =	vst v63  }
0xd2: {  	s30 =	simm.s32 $0x16680  }
0xd3: {  	[spmem:s2] =	stream.indirect.scatter.add.f32 [tilespmem:s23], [sflag:$0x1], $0x80, s30, s0, $0xb8;
	[tilespmem:$0x1D980] =	vst v63  }
0xd4: {  	s31 =	simm.s32 $0x16700  }
0xd5: {  	[spmem:s2] =	stream.indirect.scatter.add.f32 [tilespmem:s23], [sflag:$0x1], $0x80, s31, s0, $0xb8;
	[tilespmem:$0x1D980] =	vst v63  }
0xd6: {  	s8 =	simm.s32 $0x16780  }
0xd7: {  	[spmem:s2] =	stream.indirect.scatter.add.f32 [tilespmem:s23], [sflag:$0x1], $0x80, s8, s0, $0xb8;
	[tilespmem:$0x1D980] =	vst v63  }
0xd8: {  	s21 =	simm.s32 $0x16800  }
0xd9: {  	[spmem:s2] =	stream.indirect.scatter.add.f32 [tilespmem:s23], [sflag:$0x1], $0x80, s21, s0, $0xb8;
	[tilespmem:$0x1D980] =	vst v63  }
0xda: {  	s30 =	simm.s32 $0x16880  }
0xdb: {  	[spmem:s2] =	stream.indirect.scatter.add.f32 [tilespmem:s23], [sflag:$0x1], $0x80, s30, s0, $0xb8;
	[tilespmem:$0x1D980] =	vst v63  }
0xdc: {  	s31 =	simm.s32 $0x16900  }
0xdd: {  	[spmem:s2] =	stream.indirect.scatter.add.f32 [tilespmem:s23], [sflag:$0x1], $0x80, s31, s0, $0xb8;
	[tilespmem:$0x1D980] =	vst v63  }
0xde: {  	_ =	swait.ge [sflag:s29], $0x4000  }
0xdf: {  	[sflag:s29] =	ssyncset.done $0x0  }
0xe0: {  	[sflag:s29] =	ssyncadd.s32 $0xFFFFC000  }
0xe1: {  	_ =	swait.ge [sflag:s29], $0x4000  }
0xe2: {  	[sflag:s29] =	ssyncset.done $0x0  }
0xe3: {  	[sflag:s29] =	ssyncadd.s32 $0xFFFFC000  }
0xe4: {  	_ =	swait.ge [sflag:s29], $0x4000  }
0xe5: {  	[sflag:s29] =	ssyncset.done $0x0  }
0xe6: {  	[sflag:s29] =	ssyncadd.s32 $0xFFFFC000  }
0xe7: {  	_ =	swait.ge [sflag:s29], $0x4000  }
0xe8: {  	[sflag:s29] =	ssyncset.done $0x0  }
0xe9: {  	[sflag:s29] =	ssyncadd.s32 $0xFFFFC000  }
0xea: {  	_ =	swait.ge [sflag:s29], $0x4000  }
0xeb: {  	[sflag:s29] =	ssyncset.done $0x0  }
0xec: {  	[sflag:s29] =	ssyncadd.s32 $0xFFFFC000  }
0xed: {  	_ =	swait.ge [sflag:s29], $0x4000  }
0xee: {  	[sflag:s29] =	ssyncset.done $0x0  }
0xef: {  	[sflag:s29] =	ssyncadd.s32 $0xFFFFC000  }
0xf0: {  	_ =	swait.ge [sflag:s29], $0x4000  }
0xf1: {  	[sflag:s29] =	ssyncset.done $0x0  }
0xf2: {  	[sflag:s29] =	ssyncadd.s32 $0xFFFFC000  }
0xf3: {  	_ =	swait.ge [sflag:s29], $0x4000  }
0xf4: {  	[sflag:s29] =	ssyncset.done $0x0  }
0xf5: {  	s8 =	simm.s32 $0x16980;
	[sflag:s29] =	ssyncadd.s32 $0xFFFFC000  }
0xf6: {  	[spmem:s2] =	stream.indirect.scatter.add.f32 [tilespmem:s23], [sflag:$0x1], $0x80, s8, s0, $0xb8;
	[tilespmem:$0x1D980] =	vst v63  }
0xf7: {  	s21 =	simm.s32 $0x16A00  }
0xf8: {  	[spmem:s2] =	stream.indirect.scatter.add.f32 [tilespmem:s23], [sflag:$0x1], $0x80, s21, s0, $0xb8;
	[tilespmem:$0x1D980] =	vst v63  }
0xf9: {  	s30 =	simm.s32 $0x16A80  }
0xfa: {  	[spmem:s2] =	stream.indirect.scatter.add.f32 [tilespmem:s23], [sflag:$0x1], $0x80, s30, s0, $0xb8;
	[tilespmem:$0x1D980] =	vst v63  }
0xfb: {  	s31 =	simm.s32 $0x16B00  }
0xfc: {  	[spmem:s2] =	stream.indirect.scatter.add.f32 [tilespmem:s23], [sflag:$0x1], $0x80, s31, s0, $0xb8;
	[tilespmem:$0x1D980] =	vst v63  }
0xfd: {  	s8 =	simm.s32 $0x16B80  }
0xfe: {  	[spmem:s2] =	stream.indirect.scatter.add.f32 [tilespmem:s23], [sflag:$0x1], $0x80, s8, s0, $0xb8;
	[tilespmem:$0x1D980] =	vst v63  }
0xff: {  	s21 =	simm.s32 $0x16C00  }
0x100: {  	[spmem:s2] =	stream.indirect.scatter.add.f32 [tilespmem:s23], [sflag:$0x1], $0x80, s21, s0, $0xb8;
	[tilespmem:$0x1D980] =	vst v63  }
0x101: {  	s30 =	simm.s32 $0x16C80  }
0x102: {  	[spmem:s2] =	stream.indirect.scatter.add.f32 [tilespmem:s23], [sflag:$0x1], $0x80, s30, s0, $0xb8;
	[tilespmem:$0x1D980] =	vst v63  }
0x103: {  	s31 =	simm.s32 $0x16D00  }
0x104: {  	[spmem:s2] =	stream.indirect.scatter.add.f32 [tilespmem:s23], [sflag:$0x1], $0x80, s31, s0, $0xb8;
	[tilespmem:$0x1D980] =	vst v63  }
0x105: {  	_ =	swait.ge [sflag:s29], $0x4000  }
0x106: {  	[sflag:s29] =	ssyncset.done $0x0  }
0x107: {  	[sflag:s29] =	ssyncadd.s32 $0xFFFFC000  }
0x108: {  	_ =	swait.ge [sflag:s29], $0x4000  }
0x109: {  	[sflag:s29] =	ssyncset.done $0x0  }
0x10a: {  	[sflag:s29] =	ssyncadd.s32 $0xFFFFC000  }
0x10b: {  	_ =	swait.ge [sflag:s29], $0x4000  }
0x10c: {  	[sflag:s29] =	ssyncset.done $0x0  }
0x10d: {  	[sflag:s29] =	ssyncadd.s32 $0xFFFFC000  }
0x10e: {  	_ =	swait.ge [sflag:s29], $0x4000  }
0x10f: {  	[sflag:s29] =	ssyncset.done $0x0  }
0x110: {  	[sflag:s29] =	ssyncadd.s32 $0xFFFFC000  }
0x111: {  	_ =	swait.ge [sflag:s29], $0x4000  }
0x112: {  	[sflag:s29] =	ssyncset.done $0x0  }
0x113: {  	[sflag:s29] =	ssyncadd.s32 $0xFFFFC000  }
0x114: {  	_ =	swait.ge [sflag:s29], $0x4000  }
0x115: {  	[sflag:s29] =	ssyncset.done $0x0  }
0x116: {  	[sflag:s29] =	ssyncadd.s32 $0xFFFFC000  }
0x117: {  	_ =	swait.ge [sflag:s29], $0x4000  }
0x118: {  	[sflag:s29] =	ssyncset.done $0x0  }
0x119: {  	[sflag:s29] =	ssyncadd.s32 $0xFFFFC000  }
0x11a: {  	_ =	swait.ge [sflag:s29], $0x4000  }
0x11b: {  	[sflag:s29] =	ssyncset.done $0x0  }
0x11c: {  	s8 =	simm.s32 $0x16D80;
	[sflag:s29] =	ssyncadd.s32 $0xFFFFC000  }
0x11d: {  	[spmem:s2] =	stream.indirect.scatter.add.f32 [tilespmem:s23], [sflag:$0x1], $0x80, s8, s0, $0xb8;
	[tilespmem:$0x1D980] =	vst v63  }
0x11e: {  	s21 =	simm.s32 $0x16E00  }
0x11f: {  	[spmem:s2] =	stream.indirect.scatter.add.f32 [tilespmem:s23], [sflag:$0x1], $0x80, s21, s0, $0xb8;
	[tilespmem:$0x1D980] =	vst v63  }
0x120: {  	s30 =	simm.s32 $0x16E80  }
0x121: {  	[spmem:s2] =	stream.indirect.scatter.add.f32 [tilespmem:s23], [sflag:$0x1], $0x80, s30, s0, $0xb8;
	[tilespmem:$0x1D980] =	vst v63  }
0x122: {  	s31 =	simm.s32 $0x16F00  }
0x123: {  	[spmem:s2] =	stream.indirect.scatter.add.f32 [tilespmem:s23], [sflag:$0x1], $0x80, s31, s0, $0xb8;
	[tilespmem:$0x1D980] =	vst v63  }
0x124: {  	s8 =	simm.s32 $0x16F80  }
0x125: {  	[spmem:s2] =	stream.indirect.scatter.add.f32 [tilespmem:s23], [sflag:$0x1], $0x80, s8, s0, $0xb8;
	[tilespmem:$0x1D980] =	vst v63  }
0x126: {  	s21 =	simm.s32 $0x17000  }
0x127: {  	[spmem:s2] =	stream.indirect.scatter.add.f32 [tilespmem:s23], [sflag:$0x1], $0x80, s21, s0, $0xb8;
	[tilespmem:$0x1D980] =	vst v63  }
0x128: {  	s30 =	simm.s32 $0x17080  }
0x129: {  	[spmem:s2] =	stream.indirect.scatter.add.f32 [tilespmem:s23], [sflag:$0x1], $0x80, s30, s0, $0xb8;
	[tilespmem:$0x1D980] =	vst v63  }
0x12a: {  	s31 =	simm.s32 $0x17100  }
0x12b: {  	[spmem:s2] =	stream.indirect.scatter.add.f32 [tilespmem:s23], [sflag:$0x1], $0x80, s31, s0, $0xb8;
	[tilespmem:$0x1D980] =	vst v63  }
0x12c: {  	_ =	swait.ge [sflag:s29], $0x4000  }
0x12d: {  	[sflag:s29] =	ssyncset.done $0x0  }
0x12e: {  	[sflag:s29] =	ssyncadd.s32 $0xFFFFC000  }
0x12f: {  	_ =	swait.ge [sflag:s29], $0x4000  }
0x130: {  	[sflag:s29] =	ssyncset.done $0x0  }
0x131: {  	[sflag:s29] =	ssyncadd.s32 $0xFFFFC000  }
0x132: {  	_ =	swait.ge [sflag:s29], $0x4000  }
0x133: {  	[sflag:s29] =	ssyncset.done $0x0  }
0x134: {  	[sflag:s29] =	ssyncadd.s32 $0xFFFFC000  }
0x135: {  	_ =	swait.ge [sflag:s29], $0x4000  }
0x136: {  	[sflag:s29] =	ssyncset.done $0x0  }
0x137: {  	[sflag:s29] =	ssyncadd.s32 $0xFFFFC000  }
0x138: {  	_ =	swait.ge [sflag:s29], $0x4000  }
0x139: {  	[sflag:s29] =	ssyncset.done $0x0  }
0x13a: {  	[sflag:s29] =	ssyncadd.s32 $0xFFFFC000  }
0x13b: {  	_ =	swait.ge [sflag:s29], $0x4000  }
0x13c: {  	[sflag:s29] =	ssyncset.done $0x0  }
0x13d: {  	[sflag:s29] =	ssyncadd.s32 $0xFFFFC000  }
0x13e: {  	_ =	swait.ge [sflag:s29], $0x4000  }
0x13f: {  	[sflag:s29] =	ssyncset.done $0x0  }
0x140: {  	[sflag:s29] =	ssyncadd.s32 $0xFFFFC000  }
0x141: {  	_ =	swait.ge [sflag:s29], $0x4000  }
0x142: {  	s1 =	sadd.s32 $0x1, s1;
	[sflag:s29] =	ssyncset.done $0x0  }
0x143: {  	p0 =	sne.s32 s1, s17;
	[sflag:s29] =	ssyncadd.s32 $0xFFFFC000  }
.Ltmp1:
0x144: {  	[bflag:$0x0] =	sbarrier.arrive $0xFFFF;
	(pc) =	sbr.rel @p0 .LBB2_1-.Ltmp1, $4  }
0x145: {  	[hbm:s16], [sflag:s7] =	dma.local [spmem:s25], $0x1000  }
0x146: {  	_ =	swait.ge [sflag:s19], $0x1000  }
0x147: {  	[sflag:s19] =	ssyncset.done $0x0  }
0x148: {  	[sflag:s19] =	ssyncadd.s32 $0xFFFFF000  }
0x149: {  	_ =	sfence.sel $0x180000  }
0x14a: {  	[bflag:$0x0] =	sbarrier.arrive $0xFFFF  }
0x14b: {  	_ =	strace $0x90000047  }
0x14c: {  	s0 =	stileid.u32;
	[bflag:$0x2] =	sbarrier.arrive $0xFFFF  }
0x14d: {  	p0 =	sne.s32 s0, $0x0;
	s0 =	rddreg [dreg:$0x2]  }
0x14e: {  	s0 =	sadd.s32 @!p0 $0x100000, s0  }
0x14f: {  	[sflag:s0] =	ssyncadd.tile.s32 @!p0 $0x1;
	_ =	shalt  }
.Lfunc_end2:
_tile_overlayer_lowered:
.L_overlay_start_2:
0x150: {  	(tag) =	ssettag $0x2  }
0x151: {  	s0 =	rddreg [dreg:$0x0];
	s2 =	stileid.u32  }
0x152: {  	s1 =	rddreg [dreg:$0x1];
	p0 =	sne.s32 s2, $0x0  }
0x153: {  	s3 =	rddreg [dreg:$0x2];
	[bflag:$0x3] =	sbarrier.arrive $0xFFFF;
	s2 =	simm.s32 @!p0 $0x1C02  }
0x154: {  	[timem:s3], [sflag:s2] =	dma.local @!p0 [hbm:s0], s1  }
0x155: {  	s0 =	simm.s32 @!p0 $0x2  }
0x156: {  	_ =	swait.ge @!p0 [sflag:s0], s1  }
0x157: {  	s1 =	ssub.s32 @!p0 $0x0, s1;
	[sflag:s0] =	ssyncset.done @!p0 $0x0  }
0x158: {  	[sflag:s0] =	ssyncadd.s32 @!p0 s1  }
0x159: {  	[bflag:$0x3] =	sbarrier.arrive $0xFFFF  }
0x15a: {  	_ =	shalt  }

// kernel: kernel.16.cloned.1.call-start
scs
__scs_entry_jumppad:
0x0: {  	(pc) =	sbr.rel $0x88, $3  }
0x1: {  	(tag) =	ssettag $0x0;
	lr =	simm.s32 $0x1  }
0x2: {  	[smem:$0x3F89] =	sst lr;
	_ =	strace $0xD0000000  }
0x3: {  	_ = 	snop  }
0x4: {  	_ = 	snop  }
0x5: {  	_ = 	snop  }
0x6: {  	_ = 	snop  }
0x7: {  	_ = 	snop  }
__scs_overlays_trampoline_lowered:
0x8: {  	[smem:$0x3F98] =	sst s0  }
0x9: {  	[smem:$0x3F99] =	sst s1  }
0xa: {  	[smem:$0x3F9A] =	sst s2  }
0xb: {  	[smem:$0x3F9B] =	sst s3  }
0xc: {  	[smem:$0x3F9C] =	sst s4  }
0xd: {  	[smem:$0x3F9D] =	sst s5  }
0xe: {  	[smem:$0x3F9E] =	sst s6  }
0xf: {  	[smem:$0x3F9F] =	sst s7  }
0x10: {  	[smem:$0x3FA0] =	sst s8  }
0x11: {  	[smem:$0x3FA1] =	sst s9;
	s0 =	simm.s32 @!p0 $0x0  }
0x12: {  	s1 =	sld [smem:$0x3F87];
	s0 =	simm.s32 @p0 $0x1  }
0x13: {  	[smem:$0x3FA2] =	sst s0;
	s0 =	simm.s32 @!p1 $0x0  }
0x14: {  	s2 =	sld [smem:$0x3F86];
	s0 =	simm.s32 @p1 $0x1  }
0x15: {  	[smem:$0x3FA3] =	sst s0;
	s0 =	simm.s32 @!p2 $0x0  }
0x16: {  	s3 =	sld [smem:$0x3FDB];
	s0 =	simm.s32 @p2 $0x1  }
0x17: {  	s4 =	simm.s32 $0x1BF5;
	[smem:$0x3FA5] =	sst s0  }
0x18: {  	s0 =	sld [smem:$0x3F88];
	_ =	swait.ge [sflag:s4], $0x0  }
0x19: {  	s7 =	sld [smem:$0x3F89]  }
0x1a: {  	s8 =	sadd.s32 $0xFFFFE003, lr  }
0x1b: {  	s9 =	sadd.s32 $0xFFFFFEF7, lr;
	s5 =	simm.s32 $0xFFFFFFFF;
	p2 =	slt.u32 s8, $0xFFFFF086  }
0x1c: {  	p1 =	slt.u32 s9, $0xF7A;
	s5 =	simm.s32 @!p2 $0x0  }
0x1d: {  	s5 =	simm.s32 @p1 $0x1;
	p0 =	seq.s32 s7, s2  }
0x1e: {  	s7 =	smul.u32 @!p0 $0xF7A, s2;
	p2 =	seq.s32 @!p0 s5, $0x0  }
0x1f: {  	s9 =	smul.u32 $0xF7A, s1;
	s8 =	simm.s32 @!p0 $0x1BF5;
	p2 =	por !p2, p0  }
0x20: {  	[sflag:s8] =	ssyncset.s32 @!p0 $0xFFFFF086;
	s6 =	sadd.s32 @!p0 s3, s7;
	s7 =	simm.s32 @!p0 $0x108  }
0x21: {  	s3 =	sadd.s32 s3, s9;
	s6 =	sadd.s32 @!p0 $0x88, s6;
	s7 =	simm.s32 @p2 $0x1082  }
0x22: {  	[simem:s7], [sflag:s8] =	dma.local @!p0 [hbm:s6], $0xF7A  }
0x23: {  	s9 =	sor.u32 $0xD0000000, s2;
	s6 =	simm.s32 $0x108;
	_ =	swait.ge @!p0 [sflag:s8], $0x0  }
0x24: {  	s3 =	sadd.s32 $0x88, s3;
	s6 =	simm.s32 @!p1 $0x1082;
	[sflag:s4] =	ssyncset.s32 $0xFFFFF086  }
0x25: {  	[simem:s6], [sflag:s4] =	dma.local [hbm:s3], $0xF7A  }
0x26: {  	[smem:$0x3F89] =	sst s1;
	(tag) =	ssettag s2;
	_ =	strace s9  }
0x27: {  	s1 =	sld [smem:$0x3F99]  }
0x28: {  	s2 =	sld [smem:$0x3F9A]  }
0x29: {  	s4 =	sld [smem:$0x3F9C]  }
0x2a: {  	p0 =	seq.s32 s5, $0x0;
	s5 =	sld [smem:$0x3F9D]  }
0x2b: {  	s6 =	sld [smem:$0x3F9E]  }
0x2c: {  	s7 =	sld [smem:$0x3F9F]  }
0x2d: {  	s3 =	simm.s32 $0x108;
	s8 =	sld [smem:$0x3FA0]  }
0x2e: {  	s3 =	simm.s32 @!p0 $0x1082;
	s9 =	sld [smem:$0x3FA1]  }
0x2f: {  	lr =	sadd.s32 s0, s3;
	s0 =	sld [smem:$0x3F98]  }
0x30: {  	s3 =	sld [smem:$0x3F9B]  }
0x31: {  	[smem:$0x3FA4] =	sst s10  }
0x32: {  	s10 =	sld [smem:$0x3FA2];
	_ =	sdelay $0x3  }
0x33: {  	p0 =	seq.s32 s10, $0x1;
	s10 =	sld [smem:$0x3FA4];
	_ =	sdelay $0x3  }
0x34: {  	[smem:$0x3FA4] =	sst s10  }
0x35: {  	s10 =	sld [smem:$0x3FA3];
	_ =	sdelay $0x3  }
0x36: {  	p1 =	seq.s32 s10, $0x1;
	s10 =	sld [smem:$0x3FA4];
	_ =	sdelay $0x3  }
0x37: {  	[smem:$0x3FA4] =	sst s10  }
0x38: {  	s10 =	sld [smem:$0x3FA5]  }
0x39: {  	_ = 	snop;
	(pc) =	sbr.ind lr, $3  }
0x3a: {  	_ = 	snop  }
0x3b: {  	_ = 	snop  }
0x3c: {  	p2 =	seq.s32 s10, $0x1;
	s10 =	sld [smem:$0x3FA4]  }
0x3d: {  	_ =	shalt  }
0x3e: {  	_ =	shalt  }
0x3f: {  	_ =	shalt  }
0x40: {  	_ =	shalt  }
0x41: {  	_ =	shalt  }
0x42: {  	_ =	shalt  }
0x43: {  	_ =	shalt  }
0x44: {  	_ =	shalt  }
0x45: {  	_ =	shalt  }
0x46: {  	_ =	shalt  }
0x47: {  	_ =	shalt  }
0x48: {  	_ =	shalt  }
0x49: {  	_ =	shalt  }
0x4a: {  	_ =	shalt  }
0x4b: {  	_ =	shalt  }
0x4c: {  	_ =	shalt  }
0x4d: {  	_ =	shalt  }
0x4e: {  	_ =	shalt  }
0x4f: {  	_ =	shalt  }
0x50: {  	_ =	shalt  }
0x51: {  	_ =	shalt  }
0x52: {  	_ =	shalt  }
0x53: {  	_ =	shalt  }
0x54: {  	_ =	shalt  }
0x55: {  	_ =	shalt  }
0x56: {  	_ =	shalt  }
0x57: {  	_ =	shalt  }
0x58: {  	_ =	shalt  }
0x59: {  	_ =	shalt  }
0x5a: {  	_ =	shalt  }
0x5b: {  	_ =	shalt  }
0x5c: {  	_ =	shalt  }
0x5d: {  	_ =	shalt  }
0x5e: {  	_ =	shalt  }
0x5f: {  	_ =	shalt  }
0x60: {  	_ =	shalt  }
0x61: {  	_ =	shalt  }
0x62: {  	_ =	shalt  }
0x63: {  	_ =	shalt  }
0x64: {  	_ =	shalt  }
0x65: {  	_ =	shalt  }
0x66: {  	_ =	shalt  }
0x67: {  	_ =	shalt  }
0x68: {  	_ =	shalt  }
0x69: {  	_ =	shalt  }
0x6a: {  	_ =	shalt  }
0x6b: {  	_ =	shalt  }
0x6c: {  	_ =	shalt  }
0x6d: {  	_ =	shalt  }
0x6e: {  	_ =	shalt  }
0x6f: {  	_ =	shalt  }
0x70: {  	_ =	shalt  }
0x71: {  	_ =	shalt  }
0x72: {  	_ =	shalt  }
0x73: {  	_ =	shalt  }
0x74: {  	_ =	shalt  }
0x75: {  	_ =	shalt  }
0x76: {  	_ =	shalt  }
0x77: {  	_ =	shalt  }
0x78: {  	_ =	shalt  }
0x79: {  	_ =	shalt  }
0x7a: {  	_ =	shalt  }
0x7b: {  	_ =	shalt  }
0x7c: {  	_ =	shalt  }
0x7d: {  	_ =	shalt  }
0x7e: {  	_ =	shalt  }
0x7f: {  	_ =	shalt  }
0x80: {  	_ =	shalt  }
0x81: {  	_ =	shalt  }
0x82: {  	_ =	shalt  }
0x83: {  	_ =	shalt  }
0x84: {  	_ =	shalt  }
0x85: {  	_ =	shalt  }
0x86: {  	_ =	shalt  }
0x87: {  	_ =	shalt  }
.Lfunc_end0:
.L_simem_size_0:
called_computation.1_lowered:
.L_overlay_start_0:
0x88: {  	s2 =	sld [smem:$0x3FD9]  }
0x89: {  	s3 =	sld [smem:$0x3FFE];
	_ =	sdelay $0x1  }
0x8a: {  	s1 =	srdreg.scid  }
0x8b: {  	s0 =	sand.u32 $0x1, s1  }
0x8c: {  	s16 =	sshll.u32 s0, $0xA;
	s2 =	sadd.s32 s3, s2  }
0x8d: {  	s2 =	sadd.s32 s2, s16  }
0x8e: {  	[smem:$0x3FB0] =	sst s2  }
0x8f: {  	_ = 	snop  }
0x90: {  	(tm) =	ssettm $0x1  }
0x91: {  	s17 =	sld [smem:$0x3FFB];
	_ =	sdelay $0x3  }
0x92: {  	_ =	strace s17  }
0x93: {  	s2 =	sld [smem:$0x3FFC];
	_ =	sdelay $0x3  }
0x94: {  	_ =	strace s2  }
0x95: {  	s2 =	sld [smem:$0x3FFD];
	_ =	sdelay $0x3  }
0x96: {  	_ =	strace s2  }
0x97: {  	_ =	strace $0x8FFFFFFF  }
0x98: {  	s18 =	sld [smem:$0x3FDB];
	_ =	sdelay $0x1  }
0x99: {  	s19 =	simm.s32 $_scs_section_size  }
0x9a: {  	s4 =	simm.s32 $_size__tile_overlayer_lowered;
	s5 =	simm.s32 $_tile_overlayer_lowered  }
0x9b: {  	s22 =	simm.s32 $0x1BFF;
	s21 =	sshll.u32 s5, $0x1;
	s2 =	sadd.s32 s19, s18  }
0x9c: {  	s6 =	simm.s32 $0x0;
	s20 =	sshll.u32 s4, $0x1;
	s4 =	sadd.s32 s21, s2  }
0x9d: {  	[timem:s6], [sflag:s22] =	dma.local [hbm:s4], s20  }
0x9e: {  	_ =	swait.ge [sflag:s22], s20  }
0x9f: {  	s3 =	ssub.s32 $0x0, s20;
	[sflag:s22] =	ssyncset.done $0x0  }
0xa0: {  	[sflag:s22] =	ssyncadd.s32 s3;
	_ =	sdelay $0x1  }
0xa1: {  	s23 =	simm.s32 $0x1B8B  }
0xa2: {  	_ =	swait.ge [sflag:s23], $0x1  }
0xa3: {  	[sflag:s23] =	ssyncset.done $0x0  }
0xa4: {  	s25 =	simm.s32 $0x1B8E;
	s24 =	sld [smem:$0x3FFE];
	[sflag:s23] =	ssyncadd.s32 $0xFFFFFFFF  }
0xa5: {  	s26 =	simm.s32 $execute0_lowered;
	[smem:$0x3FD2] =	sst s25  }
0xa6: {  	s4 =	sshll.u32 s26, $0x1;
	_ =	strace $0x80000049;
	[dreg:$0x1] =	wrdreg $0xFFFFFFFF  }
0xa7: {  	s28 =	simm.s32 $_size_execute0_lowered;
	s2 =	sadd.s32 s2, s4;
	[dreg:$0x0] =	wrdreg $0x0  }
0xa8: {  	s4 =	sshll.u32 s28, $0x1;
	[dreg:$0x2] =	wrdreg s2  }
0xa9: {  	[dreg:$0x3] =	wrdreg s4  }
0xaa: {  	[dreg:$0x4] =	wrdreg $0xC0  }
0xab: {  	_ =	task [dreg:s6], $0x5FFFF  }
0xac: {  	[dreg:$0x1] =	wrdreg $0xFFFFFFFF  }
0xad: {  	[dreg:$0x0] =	wrdreg $0x60  }
0xae: {  	[dreg:$0x2] =	wrdreg s24  }
0xaf: {  	[dreg:$0x3] =	wrdreg $0x0  }
0xb0: {  	[dreg:$0x4] =	wrdreg $0x9  }
0xb1: {  	_ =	task.clear_ibuf [dreg:s6], $0x5FFFF;
	_ =	strace $0x90000049  }
0xb2: {  	s29 =	simm.s32 $0x9;
	_ =	strace $0x8000004B  }
0xb3: {  	_ =	swait.ge [sflag:s29], $0x1  }
0xb4: {  	[sflag:s29] =	ssyncadd.s32 $0xFFFFFFFF  }
0xb5: {  	_ =	strace $0x9000004B  }
0xb6: {  	_ =	sfence  }
0xb7: {  	s30 =	sld [smem:$0x0];
	_ =	sdelay $0x2  }
0xb8: {  	s31 =	sshll.u32 s1, $0xD;
	s1 =	sshrl.u32 s1, $0x2  }
0xb9: {  	s3 =	sand.u32 $0x4000, s31;
	s1 =	sadd.s32 s1, s30  }
0xba: {  	s0 =	sor.u32 s3, s0;
	s1 =	sshll.u32 s1, $0x11  }
0xbb: {  	s0 =	sor.u32 s1, s0  }
0xbc: {  	s0 =	sadd.s32 $0x8F2B, s0  }
0xbd: {  	[sflag:s0] =	ssyncadd.remote.s32 $0x1  }
0xbe: {  	_ =	sfence.sel $0xFFFF  }
0xbf: {  	[dreg:$0x0] =	wrdreg $0xFFFFFFFF;
	(pc) =	sbr.abs _section_cstart, $3  }
0xc0: {  	[dreg:$0x1] =	wrdreg $0xFFFFFFFF  }
0xc1: {  	_ =	task.clear_ibuf [dreg:s6], $0x2FFFF;
	_ =	strace $0x9FFFFFFF  }
0xc2: {  	(tm) =	ssettm $0x7FFFFFFF  }
0xc3: {  	_ =	shalt  }
tec
execute0_lowered:
.L_overlay_start_1:
0x0: {  	(tag) =	ssettag $0x1  }
0x1: {  	s0 =	rddreg [dreg:$0x0]  }
0x2: {  	s2 =	rddreg [dreg:$0x1]  }
0x3: {  	s1 =	srdreg.scid;
	s3 =	simm.s32 $0x0;
	s18 =	stileid.u32  }
0x4: {  	s28 =	simm.s32 $0x1;
	s29 =	simm.s32 $0x2;
	s30 =	simm.s32 $0x16300  }
0x5: {  	s31 =	simm.s32 $0x16380;
	s1 =	sand.u32 $0x1, s1;
	[smem:$0x7FF] =	sst s3  }
0x6: {  	s15 =	sshll.u32 s18, $0x1;
	s7 =	smul.u32 $0x13C00, s18;
	s4 =	sadd.s32 $0x6E00, s0  }
0x7: {  	s5 =	sadd.s32 $0x3E600, s0;
	s10 =	sadd.s32 $0xD8600, s0;
	s11 =	sadd.s32 $0x2E600, s0  }
0x8: {  	s16 =	sshll.u32 s18, $0xC;
	s12 =	smul.u32 $0x4F000, s18;
	s21 =	sshll.u32 s18, $0x6  }
0x9: {  	s25 =	sshll.u32 s18, $0xF;
	s6 =	smul.u32 $0x13C000, s1;
	_ =	strace $0x8000004A  }
0xa: {  	s3 =	sor.u32 s1, s15;
	s9 =	ssub.s32 $0x2, s1;
	s15 =	smul.u32 $0x21000, s18  }
0xb: {  	s1 =	sshll.u32 s1, $0x10;
	s26 =	sadd.s32 s25, s2;
	s8 =	smul.u32 $0x180, s3  }
0xc: {  	s18 =	simm.s32 $0x3;
	s17 =	sshrl.u32 s9, $0x1;
	s20 =	smul.u32 $0x2800, s3  }
0xd: {  	s19 =	sshrl.u32 s12, $0x2;
	s3 =	smul.u32 $0x500, s3;
	s25 =	sshrl.u32 s26, $0x3  }
0xe: {  	s26 =	simm.s32 $0x1A400;
	s7 =	sadd.s32 s7, s6;
	s6 =	sadd.s32 $0x3BE00, s0  }
0xf: {  	s24 =	sshrl.u32 s15, $0x2;
	s14 =	sadd.s32 s8, s0;
	s7 =	sshrl.u32 s7, $0x3  }
0x10: {  	s22 =	sshrl.u32 s20, $0x3;
	s20 =	simm.s32 $0x15000;
	s13 =	sadd.s32 s7, s0  }
0x11: {  	s0 =	sadd.s32 s16, s0;
	s16 =	ssub.s32 s9, s17;
	s17 =	sadd.s32 s19, s2  }
0x12: {  	s7 =	sor.u32 $0x1C03, s21;
	s8 =	sadd.s32 s10, s22;
	s9 =	sadd.s32 s11, s3  }
0x13: {  	s23 =	sadd.s32 $0x280, s22;
	s3 =	sadd.s32 s24, s2;
	s19 =	simm.s32 $0x13C00  }
0x14: {  	s21 =	simm.s32 $0x80;
	s22 =	simm.s32 $0x16400;
	[dreg:$0x3] =	wrdreg s8  }
0x15: {  	s10 =	sadd.s32 s10, s23;
	s11 =	sadd.s32 s11, s23;
	s12 =	sadd.s32 $0xE2600, s13  }
0x16: {  	s13 =	sadd.s32 $0xD5600, s14;
	s0 =	sadd.s32 s1, s0;
	s14 =	sadd.s32 $0x38600, s14  }
0x17: {  	s16 =	smax.u32 s16, $0x1;
	s17 =	sshrl.u32 s17, $0x3;
	s23 =	simm.s32 $0x13C80  }
0x18: {  	s24 =	sshrl.u32 s3, $0x3;
	s15 =	sadd.s32 $0x131600, s0;
	s0 =	simm.s32 $0x0  }
.LBB2_1:
0x19: {  	[spmem:s17], [sflag:s7] =	dma.local [hbm:s6], $0x2780  }
0x1a: {  	_ =	swait.ge [sflag:s18], $0x2780  }
0x1b: {  	[sflag:s18] =	ssyncset.done $0x0  }
0x1c: {  	s1 =	simm.s32 $0x0;
	s3 =	rddreg [dreg:$0x3];
	[sflag:s18] =	ssyncadd.s32 $0xFFFFD880  }
0x1d: {  	[tilespmem:s19], [sflag:$0x3] =	stream.linear.gather [hbm4b:s3+s1], $0x1400, $0x38;
	[tilespmem:$0x1E400] =	vst v63  }
0x1e: {  	_ =	swait.ge [sflag:s18], $0x1400  }
0x1f: {  	[sflag:s18] =	ssyncset.done $0x0  }
0x20: {  	[sflag:s18] =	ssyncadd.s32 $0xFFFFEC00  }
0x21: {  	[tilespmem:s20], [sflag:$0x3] =	stream.linear.gather [hbm4b:s9+s1], $0x1400, $0x38;
	[tilespmem:$0x1E400] =	vst v63  }
0x22: {  	_ =	swait.ge [sflag:s18], $0x1400  }
0x23: {  	[sflag:s18] =	ssyncset.done $0x0  }
0x24: {  	[sflag:s18] =	ssyncadd.s32 $0xFFFFEC00  }
0x25: {  	[bflag:$0x0] =	sbarrier.arrive $0xFFFF  }
0x26: {  	[tilespmem:s22], [sflag:$0x1] =	stream.indirect.gather [hbm4b:s4+s21], $0x80, s19, s21, $0xb8;
	[tilespmem:$0x1E400] =	vst v63  }
0x27: {  	_ = 	snop  }
0x28: {  	[tilespmem:s26], [sflag:$0x2] =	stream.indirect.gather [hbm4b:s4+s21], $0x80, s23, s21, $0xb8;
	[tilespmem:$0x1E400] =	vst v63  }
0x29: {  	_ =	swait.ge [sflag:s28], $0x4000  }
0x2a: {  	[sflag:s28] =	ssyncset.done $0x0  }
0x2b: {  	s8 =	simm.s32 $0x15000;
	[sflag:s28] =	ssyncadd.s32 $0xFFFFC000  }
0x2c: {  	[spmem:s2] =	stream.indirect.scatter.add.f32 [tilespmem:s22], [sflag:$0x3], $0x80, s8, s21, $0xb8;
	[tilespmem:$0x1E400] =	vst v63  }
0x2d: {  	_ =	swait.ge [sflag:s18], $0x4000  }
0x2e: {  	[sflag:s18] =	ssyncset.done $0x0  }
0x2f: {  	s3 =	simm.s32 $0x13D00;
	[sflag:s18] =	ssyncadd.s32 $0xFFFFC000  }
0x30: {  	[tilespmem:s22], [sflag:$0x1] =	stream.indirect.gather [hbm4b:s4+s21], $0x80, s3, s21, $0xb8;
	[tilespmem:$0x1E400] =	vst v63  }
0x31: {  	_ =	swait.ge [sflag:s29], $0x4000  }
0x32: {  	[sflag:s29] =	ssyncset.done $0x0  }
0x33: {  	s8 =	simm.s32 $0x15080;
	[sflag:s29] =	ssyncadd.s32 $0xFFFFC000  }
0x34: {  	[spmem:s2] =	stream.indirect.scatter.add.f32 [tilespmem:s26], [sflag:$0x3], $0x80, s8, s21, $0xb8;
	[tilespmem:$0x1E400] =	vst v63  }
0x35: {  	_ =	swait.ge [sflag:s18], $0x4000  }
0x36: {  	[sflag:s18] =	ssyncset.done $0x0  }
0x37: {  	s1 =	simm.s32 $0x400;
	s3 =	simm.s32 $0x13D80;
	[sflag:s18] =	ssyncadd.s32 $0xFFFFC000  }
.LBB2_2:
0x38: {  	[tilespmem:s26], [sflag:$0x2] =	stream.indirect.gather [hbm4b:s4+s21], $0x80, s3, s21, $0xb8;
	[tilespmem:$0x1E400] =	vst v63  }
0x39: {  	s3 =	smov.u32 s1  }
0x3a: {  	p0 =	sne.s32 s1, $0x4800;
	s1 =	sadd.s32 $0x400, s1;
	_ =	swait.ge [sflag:s28], $0x4000  }
0x3b: {  	s3 =	sshra.s32 s3, $0x2;
	[sflag:s28] =	ssyncset.done $0x0  }
0x3c: {  	s8 =	sadd.s32 $0x15000, s3;
	[sflag:s28] =	ssyncadd.s32 $0xFFFFC000  }
0x3d: {  	[spmem:s2] =	stream.indirect.scatter.add.f32 [tilespmem:s22], [sflag:$0x3], $0x80, s8, s21, $0xb8;
	[tilespmem:$0x1E400] =	vst v63  }
0x3e: {  	_ =	swait.ge [sflag:s18], $0x4000  }
0x3f: {  	[sflag:s18] =	ssyncset.done $0x0  }
0x40: {  	s8 =	sadd.s32 $0x13D00, s3;
	[sflag:s18] =	ssyncadd.s32 $0xFFFFC000  }
0x41: {  	[tilespmem:s22], [sflag:$0x1] =	stream.indirect.gather [hbm4b:s4+s21], $0x80, s8, s21, $0xb8;
	[tilespmem:$0x1E400] =	vst v63  }
0x42: {  	_ =	swait.ge [sflag:s29], $0x4000  }
0x43: {  	[sflag:s29] =	ssyncset.done $0x0  }
.Ltmp0:
0x44: {  	s8 =	sadd.s32 $0x15080, s3;
	[sflag:s29] =	ssyncadd.s32 $0xFFFFC000;
	(pc) =	sbr.rel @p0 .LBB2_2-.Ltmp0, $4  }
0x45: {  	[spmem:s2] =	stream.indirect.scatter.add.f32 [tilespmem:s26], [sflag:$0x3], $0x80, s8, s21, $0xb8;
	[tilespmem:$0x1E400] =	vst v63  }
0x46: {  	_ =	swait.ge [sflag:s18], $0x4000  }
0x47: {  	[sflag:s18] =	ssyncset.done $0x0  }
0x48: {  	s3 =	sadd.s32 $0x13D80, s3;
	[sflag:s18] =	ssyncadd.s32 $0xFFFFC000  }
0x49: {  	[tilespmem:s26], [sflag:$0x2] =	stream.indirect.gather [hbm4b:s4+s21], $0x80, s3, s21, $0xb8;
	[tilespmem:$0x1E400] =	vst v63  }
0x4a: {  	_ =	swait.ge [sflag:s28], $0x4000  }
0x4b: {  	[sflag:s28] =	ssyncset.done $0x0  }
0x4c: {  	[sflag:s28] =	ssyncadd.s32 $0xFFFFC000  }
0x4d: {  	[spmem:s2] =	stream.indirect.scatter.add.f32 [tilespmem:s22], [sflag:$0x3], $0x80, s30, s21, $0xb8;
	[tilespmem:$0x1E400] =	vst v63  }
0x4e: {  	_ =	swait.ge [sflag:s18], $0x4000  }
0x4f: {  	[sflag:s18] =	ssyncset.done $0x0  }
0x50: {  	[sflag:s18] =	ssyncadd.s32 $0xFFFFC000  }
0x51: {  	_ =	swait.ge [sflag:s29], $0x4000  }
0x52: {  	[sflag:s29] =	ssyncset.done $0x0  }
0x53: {  	[sflag:s29] =	ssyncadd.s32 $0xFFFFC000  }
0x54: {  	[spmem:s2] =	stream.indirect.scatter.add.f32 [tilespmem:s26], [sflag:$0x3], $0x80, s31, s21, $0xb8;
	[tilespmem:$0x1E400] =	vst v63  }
0x55: {  	_ =	swait.ge [sflag:s18], $0x4000  }
0x56: {  	[sflag:s18] =	ssyncset.done $0x0  }
0x57: {  	s1 =	simm.s32 $0x0;
	[sflag:s18] =	ssyncadd.s32 $0xFFFFC000  }
0x58: {  	[tilespmem:s19], [sflag:$0x3] =	stream.linear.gather [hbm4b:s10+s1], $0x1400, $0x38;
	[tilespmem:$0x1E400] =	vst v63  }
0x59: {  	_ =	swait.ge [sflag:s18], $0x1400  }
0x5a: {  	[sflag:s18] =	ssyncset.done $0x0  }
0x5b: {  	[sflag:s18] =	ssyncadd.s32 $0xFFFFEC00  }
0x5c: {  	[tilespmem:s20], [sflag:$0x3] =	stream.linear.gather [hbm4b:s11+s1], $0x1400, $0x38;
	[tilespmem:$0x1E400] =	vst v63  }
0x5d: {  	_ =	swait.ge [sflag:s18], $0x1400  }
0x5e: {  	[sflag:s18] =	ssyncset.done $0x0  }
0x5f: {  	[sflag:s18] =	ssyncadd.s32 $0xFFFFEC00  }
0x60: {  	[tilespmem:s22], [sflag:$0x1] =	stream.indirect.gather [hbm4b:s4+s21], $0x80, s19, s21, $0xb8;
	[tilespmem:$0x1E400] =	vst v63  }
0x61: {  	_ = 	snop  }
0x62: {  	[tilespmem:s26], [sflag:$0x2] =	stream.indirect.gather [hbm4b:s4+s21], $0x80, s23, s21, $0xb8;
	[tilespmem:$0x1E400] =	vst v63  }
0x63: {  	_ =	swait.ge [sflag:s28], $0x4000  }
0x64: {  	[sflag:s28] =	ssyncset.done $0x0  }
0x65: {  	s8 =	simm.s32 $0x15000;
	[sflag:s28] =	ssyncadd.s32 $0xFFFFC000  }
0x66: {  	[spmem:s2] =	stream.indirect.scatter.add.f32 [tilespmem:s22], [sflag:$0x3], $0x80, s8, s21, $0xb8;
	[tilespmem:$0x1E400] =	vst v63  }
0x67: {  	_ =	swait.ge [sflag:s18], $0x4000  }
0x68: {  	[sflag:s18] =	ssyncset.done $0x0  }
0x69: {  	s3 =	simm.s32 $0x13D00;
	[sflag:s18] =	ssyncadd.s32 $0xFFFFC000  }
0x6a: {  	[tilespmem:s22], [sflag:$0x1] =	stream.indirect.gather [hbm4b:s4+s21], $0x80, s3, s21, $0xb8;
	[tilespmem:$0x1E400] =	vst v63  }
0x6b: {  	_ =	swait.ge [sflag:s29], $0x4000  }
0x6c: {  	[sflag:s29] =	ssyncset.done $0x0  }
0x6d: {  	s8 =	simm.s32 $0x15080;
	[sflag:s29] =	ssyncadd.s32 $0xFFFFC000  }
0x6e: {  	[spmem:s2] =	stream.indirect.scatter.add.f32 [tilespmem:s26], [sflag:$0x3], $0x80, s8, s21, $0xb8;
	[tilespmem:$0x1E400] =	vst v63  }
0x6f: {  	_ =	swait.ge [sflag:s18], $0x4000  }
0x70: {  	[sflag:s18] =	ssyncset.done $0x0  }
0x71: {  	s1 =	simm.s32 $0x400;
	s3 =	simm.s32 $0x13D80;
	[sflag:s18] =	ssyncadd.s32 $0xFFFFC000  }
.LBB2_4:
0x72: {  	[tilespmem:s26], [sflag:$0x2] =	stream.indirect.gather [hbm4b:s4+s21], $0x80, s3, s21, $0xb8;
	[tilespmem:$0x1E400] =	vst v63  }
0x73: {  	s3 =	smov.u32 s1  }
0x74: {  	p0 =	sne.s32 s1, $0x4800;
	s1 =	sadd.s32 $0x400, s1;
	_ =	swait.ge [sflag:s28], $0x4000  }
0x75: {  	s3 =	sshra.s32 s3, $0x2;
	[sflag:s28] =	ssyncset.done $0x0  }
0x76: {  	s8 =	sadd.s32 $0x15000, s3;
	[sflag:s28] =	ssyncadd.s32 $0xFFFFC000  }
0x77: {  	[spmem:s2] =	stream.indirect.scatter.add.f32 [tilespmem:s22], [sflag:$0x3], $0x80, s8, s21, $0xb8;
	[tilespmem:$0x1E400] =	vst v63  }
0x78: {  	_ =	swait.ge [sflag:s18], $0x4000  }
0x79: {  	[sflag:s18] =	ssyncset.done $0x0  }
0x7a: {  	s8 =	sadd.s32 $0x13D00, s3;
	[sflag:s18] =	ssyncadd.s32 $0xFFFFC000  }
0x7b: {  	[tilespmem:s22], [sflag:$0x1] =	stream.indirect.gather [hbm4b:s4+s21], $0x80, s8, s21, $0xb8;
	[tilespmem:$0x1E400] =	vst v63  }
0x7c: {  	_ =	swait.ge [sflag:s29], $0x4000  }
0x7d: {  	[sflag:s29] =	ssyncset.done $0x0  }
.Ltmp1:
0x7e: {  	s8 =	sadd.s32 $0x15080, s3;
	[sflag:s29] =	ssyncadd.s32 $0xFFFFC000;
	(pc) =	sbr.rel @p0 .LBB2_4-.Ltmp1, $4  }
0x7f: {  	[spmem:s2] =	stream.indirect.scatter.add.f32 [tilespmem:s26], [sflag:$0x3], $0x80, s8, s21, $0xb8;
	[tilespmem:$0x1E400] =	vst v63  }
0x80: {  	_ =	swait.ge [sflag:s18], $0x4000  }
0x81: {  	[sflag:s18] =	ssyncset.done $0x0  }
0x82: {  	s3 =	sadd.s32 $0x13D80, s3;
	[sflag:s18] =	ssyncadd.s32 $0xFFFFC000  }
0x83: {  	[tilespmem:s26], [sflag:$0x2] =	stream.indirect.gather [hbm4b:s4+s21], $0x80, s3, s21, $0xb8;
	[tilespmem:$0x1E400] =	vst v63  }
0x84: {  	_ =	swait.ge [sflag:s28], $0x4000  }
0x85: {  	[sflag:s28] =	ssyncset.done $0x0  }
0x86: {  	[sflag:s28] =	ssyncadd.s32 $0xFFFFC000  }
0x87: {  	[spmem:s2] =	stream.indirect.scatter.add.f32 [tilespmem:s22], [sflag:$0x3], $0x80, s30, s21, $0xb8;
	[tilespmem:$0x1E400] =	vst v63  }
0x88: {  	_ =	swait.ge [sflag:s18], $0x4000  }
0x89: {  	[sflag:s18] =	ssyncset.done $0x0  }
0x8a: {  	[sflag:s18] =	ssyncadd.s32 $0xFFFFC000  }
0x8b: {  	_ =	swait.ge [sflag:s29], $0x4000  }
0x8c: {  	[sflag:s29] =	ssyncset.done $0x0  }
0x8d: {  	[sflag:s29] =	ssyncadd.s32 $0xFFFFC000  }
0x8e: {  	[spmem:s2] =	stream.indirect.scatter.add.f32 [tilespmem:s26], [sflag:$0x3], $0x80, s31, s21, $0xb8;
	[tilespmem:$0x1E400] =	vst v63  }
0x8f: {  	_ =	swait.ge [sflag:s18], $0x4000  }
0x90: {  	[sflag:s18] =	ssyncset.done $0x0  }
0x91: {  	[sflag:s18] =	ssyncadd.s32 $0xFFFFC000  }
0x92: {  	[bflag:$0x0] =	sbarrier.arrive $0xFFFF  }
0x93: {  	[hbm:s12], [sflag:s7] =	dma.local [spmem:s17], $0x2780  }
0x94: {  	_ =	swait.ge [sflag:s18], $0x2780  }
0x95: {  	[sflag:s18] =	ssyncset.done $0x0  }
0x96: {  	[sflag:s18] =	ssyncadd.s32 $0xFFFFD880  }
0x97: {  	[bflag:$0x0] =	sbarrier.arrive $0xFFFF  }
0x98: {  	[spmem:s24], [sflag:s7] =	dma.local [hbm:s6], $0x1080  }
0x99: {  	_ =	swait.ge [sflag:s18], $0x1080  }
0x9a: {  	[sflag:s18] =	ssyncset.done $0x0  }
0x9b: {  	s1 =	simm.s32 $0x0;
	[sflag:s18] =	ssyncadd.s32 $0xFFFFEF80  }
0x9c: {  	[tilespmem:s19], [sflag:$0x3] =	stream.linear.gather [hbm4b:s13+s1], $0xC00, $0x38;
	[tilespmem:$0x1E400] =	vst v63  }
0x9d: {  	_ =	swait.ge [sflag:s18], $0xC00  }
0x9e: {  	[sflag:s18] =	ssyncset.done $0x0  }
0x9f: {  	[sflag:s18] =	ssyncadd.s32 $0xFFFFF400  }
0xa0: {  	[tilespmem:s20], [sflag:$0x3] =	stream.linear.gather [hbm4b:s14+s1], $0xC00, $0x38;
	[tilespmem:$0x1E400] =	vst v63  }
0xa1: {  	_ =	swait.ge [sflag:s18], $0xC00  }
0xa2: {  	[sflag:s18] =	ssyncset.done $0x0  }
0xa3: {  	[sflag:s18] =	ssyncadd.s32 $0xFFFFF400  }
0xa4: {  	[bflag:$0x0] =	sbarrier.arrive $0xFFFF  }
0xa5: {  	[tilespmem:s22], [sflag:$0x1] =	stream.indirect.gather [hbm4b:s5+s21], $0x80, s19, s21, $0xb8;
	[tilespmem:$0x1E400] =	vst v63  }
0xa6: {  	_ = 	snop  }
0xa7: {  	[tilespmem:s26], [sflag:$0x2] =	stream.indirect.gather [hbm4b:s5+s21], $0x80, s23, s21, $0xb8;
	[tilespmem:$0x1E400] =	vst v63  }
0xa8: {  	_ =	swait.ge [sflag:s28], $0x4000  }
0xa9: {  	[sflag:s28] =	ssyncset.done $0x0  }
0xaa: {  	s8 =	simm.s32 $0x15000;
	[sflag:s28] =	ssyncadd.s32 $0xFFFFC000  }
0xab: {  	[spmem:s2] =	stream.indirect.scatter.add.f32 [tilespmem:s22], [sflag:$0x3], $0x80, s8, s21, $0xb8;
	[tilespmem:$0x1E400] =	vst v63  }
0xac: {  	_ =	swait.ge [sflag:s18], $0x4000  }
0xad: {  	[sflag:s18] =	ssyncset.done $0x0  }
0xae: {  	s3 =	simm.s32 $0x13D00;
	[sflag:s18] =	ssyncadd.s32 $0xFFFFC000  }
0xaf: {  	[tilespmem:s22], [sflag:$0x1] =	stream.indirect.gather [hbm4b:s5+s21], $0x80, s3, s21, $0xb8;
	[tilespmem:$0x1E400] =	vst v63  }
0xb0: {  	_ =	swait.ge [sflag:s29], $0x4000  }
0xb1: {  	[sflag:s29] =	ssyncset.done $0x0  }
0xb2: {  	s8 =	simm.s32 $0x15080;
	[sflag:s29] =	ssyncadd.s32 $0xFFFFC000  }
0xb3: {  	[spmem:s2] =	stream.indirect.scatter.add.f32 [tilespmem:s26], [sflag:$0x3], $0x80, s8, s21, $0xb8;
	[tilespmem:$0x1E400] =	vst v63  }
0xb4: {  	_ =	swait.ge [sflag:s18], $0x4000  }
0xb5: {  	[sflag:s18] =	ssyncset.done $0x0  }
0xb6: {  	s1 =	simm.s32 $0x400;
	s3 =	simm.s32 $0x13D80;
	[sflag:s18] =	ssyncadd.s32 $0xFFFFC000  }
.LBB2_6:
0xb7: {  	[tilespmem:s26], [sflag:$0x2] =	stream.indirect.gather [hbm4b:s5+s21], $0x80, s3, s21, $0xb8;
	[tilespmem:$0x1E400] =	vst v63  }
0xb8: {  	s3 =	smov.u32 s1  }
0xb9: {  	p0 =	sne.s32 s1, $0x2800;
	s1 =	sadd.s32 $0x400, s1;
	_ =	swait.ge [sflag:s28], $0x4000  }
0xba: {  	s3 =	sshra.s32 s3, $0x2;
	[sflag:s28] =	ssyncset.done $0x0  }
0xbb: {  	s8 =	sadd.s32 $0x15000, s3;
	[sflag:s28] =	ssyncadd.s32 $0xFFFFC000  }
0xbc: {  	[spmem:s2] =	stream.indirect.scatter.add.f32 [tilespmem:s22], [sflag:$0x3], $0x80, s8, s21, $0xb8;
	[tilespmem:$0x1E400] =	vst v63  }
0xbd: {  	_ =	swait.ge [sflag:s18], $0x4000  }
0xbe: {  	[sflag:s18] =	ssyncset.done $0x0  }
0xbf: {  	s8 =	sadd.s32 $0x13D00, s3;
	[sflag:s18] =	ssyncadd.s32 $0xFFFFC000  }
0xc0: {  	[tilespmem:s22], [sflag:$0x1] =	stream.indirect.gather [hbm4b:s5+s21], $0x80, s8, s21, $0xb8;
	[tilespmem:$0x1E400] =	vst v63  }
0xc1: {  	_ =	swait.ge [sflag:s29], $0x4000  }
0xc2: {  	[sflag:s29] =	ssyncset.done $0x0  }
.Ltmp2:
0xc3: {  	s8 =	sadd.s32 $0x15080, s3;
	[sflag:s29] =	ssyncadd.s32 $0xFFFFC000;
	(pc) =	sbr.rel @p0 .LBB2_6-.Ltmp2, $4  }
0xc4: {  	[spmem:s2] =	stream.indirect.scatter.add.f32 [tilespmem:s26], [sflag:$0x3], $0x80, s8, s21, $0xb8;
	[tilespmem:$0x1E400] =	vst v63  }
0xc5: {  	_ =	swait.ge [sflag:s18], $0x4000  }
0xc6: {  	[sflag:s18] =	ssyncset.done $0x0  }
0xc7: {  	s3 =	sadd.s32 $0x13D80, s3;
	[sflag:s18] =	ssyncadd.s32 $0xFFFFC000  }
0xc8: {  	[tilespmem:s26], [sflag:$0x2] =	stream.indirect.gather [hbm4b:s5+s21], $0x80, s3, s21, $0xb8;
	[tilespmem:$0x1E400] =	vst v63  }
0xc9: {  	_ =	swait.ge [sflag:s28], $0x4000  }
0xca: {  	[sflag:s28] =	ssyncset.done $0x0  }
0xcb: {  	s1 =	simm.s32 $0x15B00;
	[sflag:s28] =	ssyncadd.s32 $0xFFFFC000  }
0xcc: {  	[spmem:s2] =	stream.indirect.scatter.add.f32 [tilespmem:s22], [sflag:$0x3], $0x80, s1, s21, $0xb8;
	[tilespmem:$0x1E400] =	vst v63  }
0xcd: {  	_ =	swait.ge [sflag:s18], $0x4000  }
0xce: {  	[sflag:s18] =	ssyncset.done $0x0  }
0xcf: {  	[sflag:s18] =	ssyncadd.s32 $0xFFFFC000  }
0xd0: {  	_ =	swait.ge [sflag:s29], $0x4000  }
0xd1: {  	[sflag:s29] =	ssyncset.done $0x0  }
0xd2: {  	s8 =	simm.s32 $0x15B80;
	[sflag:s29] =	ssyncadd.s32 $0xFFFFC000  }
0xd3: {  	[spmem:s2] =	stream.indirect.scatter.add.f32 [tilespmem:s26], [sflag:$0x3], $0x80, s8, s21, $0xb8;
	[tilespmem:$0x1E400] =	vst v63  }
0xd4: {  	_ =	swait.ge [sflag:s18], $0x4000  }
0xd5: {  	s0 =	sadd.s32 $0x1, s0;
	[sflag:s18] =	ssyncset.done $0x0  }
0xd6: {  	p0 =	sne.s32 s0, s16;
	[sflag:s18] =	ssyncadd.s32 $0xFFFFC000  }
.Ltmp3:
0xd7: {  	[bflag:$0x0] =	sbarrier.arrive $0xFFFF;
	(pc) =	sbr.rel @p0 .LBB2_1-.Ltmp3, $4  }
0xd8: {  	[hbm:s15], [sflag:s7] =	dma.local [spmem:s25], $0x1000  }
0xd9: {  	_ =	swait.ge [sflag:s18], $0x1000  }
0xda: {  	[sflag:s18] =	ssyncset.done $0x0  }
0xdb: {  	[sflag:s18] =	ssyncadd.s32 $0xFFFFF000  }
0xdc: {  	_ =	sfence.sel $0x180000  }
0xdd: {  	[bflag:$0x0] =	sbarrier.arrive $0xFFFF  }
0xde: {  	_ =	strace $0x9000004A  }
0xdf: {  	s0 =	stileid.u32;
	[bflag:$0x2] =	sbarrier.arrive $0xFFFF  }
0xe0: {  	p0 =	sne.s32 s0, $0x0;
	s0 =	rddreg [dreg:$0x2]  }
0xe1: {  	s0 =	sadd.s32 @!p0 $0x100000, s0  }
0xe2: {  	[sflag:s0] =	ssyncadd.tile.s32 @!p0 $0x1;
	_ =	shalt  }
.Lfunc_end2:
_tile_overlayer_lowered:
.L_overlay_start_2:
0xe3: {  	(tag) =	ssettag $0x2  }
0xe4: {  	s0 =	rddreg [dreg:$0x0];
	s2 =	stileid.u32  }
0xe5: {  	s1 =	rddreg [dreg:$0x1];
	p0 =	sne.s32 s2, $0x0  }
0xe6: {  	s3 =	rddreg [dreg:$0x2];
	[bflag:$0x3] =	sbarrier.arrive $0xFFFF;
	s2 =	simm.s32 @!p0 $0x1C03  }
0xe7: {  	[timem:s3], [sflag:s2] =	dma.local @!p0 [hbm:s0], s1  }
0xe8: {  	s0 =	simm.s32 @!p0 $0x3  }
0xe9: {  	_ =	swait.ge @!p0 [sflag:s0], s1  }
0xea: {  	s1 =	ssub.s32 @!p0 $0x0, s1;
	[sflag:s0] =	ssyncset.done @!p0 $0x0  }
0xeb: {  	[sflag:s0] =	ssyncadd.s32 @!p0 s1  }
0xec: {  	[bflag:$0x3] =	sbarrier.arrive $0xFFFF  }
0xed: {  	_ =	shalt  }

// kernel: kernel.19.cloned.1.call-start
scs
__scs_entry_jumppad:
0x0: {  	(pc) =	sbr.rel $0x88, $3  }
0x1: {  	(tag) =	ssettag $0x0;
	lr =	simm.s32 $0x1  }
0x2: {  	[smem:$0x3F89] =	sst lr;
	_ =	strace $0xD0000000  }
0x3: {  	_ = 	snop  }
0x4: {  	_ = 	snop  }
0x5: {  	_ = 	snop  }
0x6: {  	_ = 	snop  }
0x7: {  	_ = 	snop  }
__scs_overlays_trampoline_lowered:
0x8: {  	[smem:$0x3F98] =	sst s0  }
0x9: {  	[smem:$0x3F99] =	sst s1  }
0xa: {  	[smem:$0x3F9A] =	sst s2  }
0xb: {  	[smem:$0x3F9B] =	sst s3  }
0xc: {  	[smem:$0x3F9C] =	sst s4  }
0xd: {  	[smem:$0x3F9D] =	sst s5  }
0xe: {  	[smem:$0x3F9E] =	sst s6  }
0xf: {  	[smem:$0x3F9F] =	sst s7  }
0x10: {  	[smem:$0x3FA0] =	sst s8  }
0x11: {  	[smem:$0x3FA1] =	sst s9;
	s0 =	simm.s32 @!p0 $0x0  }
0x12: {  	s1 =	sld [smem:$0x3F87];
	s0 =	simm.s32 @p0 $0x1  }
0x13: {  	[smem:$0x3FA2] =	sst s0;
	s0 =	simm.s32 @!p1 $0x0  }
0x14: {  	s2 =	sld [smem:$0x3F86];
	s0 =	simm.s32 @p1 $0x1  }
0x15: {  	[smem:$0x3FA3] =	sst s0;
	s0 =	simm.s32 @!p2 $0x0  }
0x16: {  	s3 =	sld [smem:$0x3FDB];
	s0 =	simm.s32 @p2 $0x1  }
0x17: {  	s4 =	simm.s32 $0x1BF5;
	[smem:$0x3FA5] =	sst s0  }
0x18: {  	s0 =	sld [smem:$0x3F88];
	_ =	swait.ge [sflag:s4], $0x0  }
0x19: {  	s7 =	sld [smem:$0x3F89]  }
0x1a: {  	s8 =	sadd.s32 $0xFFFFE003, lr  }
0x1b: {  	s9 =	sadd.s32 $0xFFFFFEF7, lr;
	s5 =	simm.s32 $0xFFFFFFFF;
	p2 =	slt.u32 s8, $0xFFFFF086  }
0x1c: {  	p1 =	slt.u32 s9, $0xF7A;
	s5 =	simm.s32 @!p2 $0x0  }
0x1d: {  	s5 =	simm.s32 @p1 $0x1;
	p0 =	seq.s32 s7, s2  }
0x1e: {  	s7 =	smul.u32 @!p0 $0xF7A, s2;
	p2 =	seq.s32 @!p0 s5, $0x0  }
0x1f: {  	s9 =	smul.u32 $0xF7A, s1;
	s8 =	simm.s32 @!p0 $0x1BF5;
	p2 =	por !p2, p0  }
0x20: {  	[sflag:s8] =	ssyncset.s32 @!p0 $0xFFFFF086;
	s6 =	sadd.s32 @!p0 s3, s7;
	s7 =	simm.s32 @!p0 $0x108  }
0x21: {  	s3 =	sadd.s32 s3, s9;
	s6 =	sadd.s32 @!p0 $0x88, s6;
	s7 =	simm.s32 @p2 $0x1082  }
0x22: {  	[simem:s7], [sflag:s8] =	dma.local @!p0 [hbm:s6], $0xF7A  }
0x23: {  	s9 =	sor.u32 $0xD0000000, s2;
	s6 =	simm.s32 $0x108;
	_ =	swait.ge @!p0 [sflag:s8], $0x0  }
0x24: {  	s3 =	sadd.s32 $0x88, s3;
	s6 =	simm.s32 @!p1 $0x1082;
	[sflag:s4] =	ssyncset.s32 $0xFFFFF086  }
0x25: {  	[simem:s6], [sflag:s4] =	dma.local [hbm:s3], $0xF7A  }
0x26: {  	[smem:$0x3F89] =	sst s1;
	(tag) =	ssettag s2;
	_ =	strace s9  }
0x27: {  	s1 =	sld [smem:$0x3F99]  }
0x28: {  	s2 =	sld [smem:$0x3F9A]  }
0x29: {  	s4 =	sld [smem:$0x3F9C]  }
0x2a: {  	p0 =	seq.s32 s5, $0x0;
	s5 =	sld [smem:$0x3F9D]  }
0x2b: {  	s6 =	sld [smem:$0x3F9E]  }
0x2c: {  	s7 =	sld [smem:$0x3F9F]  }
0x2d: {  	s3 =	simm.s32 $0x108;
	s8 =	sld [smem:$0x3FA0]  }
0x2e: {  	s3 =	simm.s32 @!p0 $0x1082;
	s9 =	sld [smem:$0x3FA1]  }
0x2f: {  	lr =	sadd.s32 s0, s3;
	s0 =	sld [smem:$0x3F98]  }
0x30: {  	s3 =	sld [smem:$0x3F9B]  }
0x31: {  	[smem:$0x3FA4] =	sst s10  }
0x32: {  	s10 =	sld [smem:$0x3FA2];
	_ =	sdelay $0x3  }
0x33: {  	p0 =	seq.s32 s10, $0x1;
	s10 =	sld [smem:$0x3FA4];
	_ =	sdelay $0x3  }
0x34: {  	[smem:$0x3FA4] =	sst s10  }
0x35: {  	s10 =	sld [smem:$0x3FA3];
	_ =	sdelay $0x3  }
0x36: {  	p1 =	seq.s32 s10, $0x1;
	s10 =	sld [smem:$0x3FA4];
	_ =	sdelay $0x3  }
0x37: {  	[smem:$0x3FA4] =	sst s10  }
0x38: {  	s10 =	sld [smem:$0x3FA5]  }
0x39: {  	_ = 	snop;
	(pc) =	sbr.ind lr, $3  }
0x3a: {  	_ = 	snop  }
0x3b: {  	_ = 	snop  }
0x3c: {  	p2 =	seq.s32 s10, $0x1;
	s10 =	sld [smem:$0x3FA4]  }
0x3d: {  	_ =	shalt  }
0x3e: {  	_ =	shalt  }
0x3f: {  	_ =	shalt  }
0x40: {  	_ =	shalt  }
0x41: {  	_ =	shalt  }
0x42: {  	_ =	shalt  }
0x43: {  	_ =	shalt  }
0x44: {  	_ =	shalt  }
0x45: {  	_ =	shalt  }
0x46: {  	_ =	shalt  }
0x47: {  	_ =	shalt  }
0x48: {  	_ =	shalt  }
0x49: {  	_ =	shalt  }
0x4a: {  	_ =	shalt  }
0x4b: {  	_ =	shalt  }
0x4c: {  	_ =	shalt  }
0x4d: {  	_ =	shalt  }
0x4e: {  	_ =	shalt  }
0x4f: {  	_ =	shalt  }
0x50: {  	_ =	shalt  }
0x51: {  	_ =	shalt  }
0x52: {  	_ =	shalt  }
0x53: {  	_ =	shalt  }
0x54: {  	_ =	shalt  }
0x55: {  	_ =	shalt  }
0x56: {  	_ =	shalt  }
0x57: {  	_ =	shalt  }
0x58: {  	_ =	shalt  }
0x59: {  	_ =	shalt  }
0x5a: {  	_ =	shalt  }
0x5b: {  	_ =	shalt  }
0x5c: {  	_ =	shalt  }
0x5d: {  	_ =	shalt  }
0x5e: {  	_ =	shalt  }
0x5f: {  	_ =	shalt  }
0x60: {  	_ =	shalt  }
0x61: {  	_ =	shalt  }
0x62: {  	_ =	shalt  }
0x63: {  	_ =	shalt  }
0x64: {  	_ =	shalt  }
0x65: {  	_ =	shalt  }
0x66: {  	_ =	shalt  }
0x67: {  	_ =	shalt  }
0x68: {  	_ =	shalt  }
0x69: {  	_ =	shalt  }
0x6a: {  	_ =	shalt  }
0x6b: {  	_ =	shalt  }
0x6c: {  	_ =	shalt  }
0x6d: {  	_ =	shalt  }
0x6e: {  	_ =	shalt  }
0x6f: {  	_ =	shalt  }
0x70: {  	_ =	shalt  }
0x71: {  	_ =	shalt  }
0x72: {  	_ =	shalt  }
0x73: {  	_ =	shalt  }
0x74: {  	_ =	shalt  }
0x75: {  	_ =	shalt  }
0x76: {  	_ =	shalt  }
0x77: {  	_ =	shalt  }
0x78: {  	_ =	shalt  }
0x79: {  	_ =	shalt  }
0x7a: {  	_ =	shalt  }
0x7b: {  	_ =	shalt  }
0x7c: {  	_ =	shalt  }
0x7d: {  	_ =	shalt  }
0x7e: {  	_ =	shalt  }
0x7f: {  	_ =	shalt  }
0x80: {  	_ =	shalt  }
0x81: {  	_ =	shalt  }
0x82: {  	_ =	shalt  }
0x83: {  	_ =	shalt  }
0x84: {  	_ =	shalt  }
0x85: {  	_ =	shalt  }
0x86: {  	_ =	shalt  }
0x87: {  	_ =	shalt  }
.Lfunc_end0:
.L_simem_size_0:
called_computation.2_lowered:
.L_overlay_start_0:
0x88: {  	s2 =	sld [smem:$0x3FD9]  }
0x89: {  	s3 =	sld [smem:$0x3FFE];
	_ =	sdelay $0x1  }
0x8a: {  	s1 =	srdreg.scid  }
0x8b: {  	s0 =	sand.u32 $0x1, s1  }
0x8c: {  	s16 =	sshll.u32 s0, $0xA;
	s2 =	sadd.s32 s3, s2  }
0x8d: {  	s2 =	sadd.s32 s2, s16  }
0x8e: {  	[smem:$0x3FB0] =	sst s2  }
0x8f: {  	_ = 	snop  }
0x90: {  	(tm) =	ssettm $0x1  }
0x91: {  	s17 =	sld [smem:$0x3FFB];
	_ =	sdelay $0x3  }
0x92: {  	_ =	strace s17  }
0x93: {  	s2 =	sld [smem:$0x3FFC];
	_ =	sdelay $0x3  }
0x94: {  	_ =	strace s2  }
0x95: {  	s2 =	sld [smem:$0x3FFD];
	_ =	sdelay $0x3  }
0x96: {  	_ =	strace s2  }
0x97: {  	_ =	strace $0x8FFFFFFF  }
0x98: {  	s18 =	sld [smem:$0x3FDB];
	_ =	sdelay $0x1  }
0x99: {  	s19 =	simm.s32 $_scs_section_size  }
0x9a: {  	s4 =	simm.s32 $_size__tile_overlayer_lowered;
	s5 =	simm.s32 $_tile_overlayer_lowered  }
0x9b: {  	s22 =	simm.s32 $0x1BFF;
	s21 =	sshll.u32 s5, $0x1;
	s2 =	sadd.s32 s19, s18  }
0x9c: {  	s6 =	simm.s32 $0x0;
	s20 =	sshll.u32 s4, $0x1;
	s4 =	sadd.s32 s21, s2  }
0x9d: {  	[timem:s6], [sflag:s22] =	dma.local [hbm:s4], s20  }
0x9e: {  	_ =	swait.ge [sflag:s22], s20  }
0x9f: {  	s3 =	ssub.s32 $0x0, s20;
	[sflag:s22] =	ssyncset.done $0x0  }
0xa0: {  	[sflag:s22] =	ssyncadd.s32 s3;
	_ =	sdelay $0x1  }
0xa1: {  	s23 =	simm.s32 $0x1B8B  }
0xa2: {  	_ =	swait.ge [sflag:s23], $0x1  }
0xa3: {  	[sflag:s23] =	ssyncset.done $0x0  }
0xa4: {  	s25 =	simm.s32 $0x1B8E;
	s24 =	sld [smem:$0x3FFE];
	[sflag:s23] =	ssyncadd.s32 $0xFFFFFFFF  }
0xa5: {  	s26 =	simm.s32 $execute0_lowered;
	[smem:$0x3FD2] =	sst s25  }
0xa6: {  	s4 =	sshll.u32 s26, $0x1;
	_ =	strace $0x8000004C;
	[dreg:$0x1] =	wrdreg $0xFFFFFFFF  }
0xa7: {  	s28 =	simm.s32 $_size_execute0_lowered;
	s2 =	sadd.s32 s2, s4;
	[dreg:$0x0] =	wrdreg $0x0  }
0xa8: {  	s4 =	sshll.u32 s28, $0x1;
	[dreg:$0x2] =	wrdreg s2  }
0xa9: {  	[dreg:$0x3] =	wrdreg s4  }
0xaa: {  	[dreg:$0x4] =	wrdreg $0xC0  }
0xab: {  	_ =	task [dreg:s6], $0x5FFFF  }
0xac: {  	[dreg:$0x1] =	wrdreg $0xFFFFFFFF  }
0xad: {  	[dreg:$0x0] =	wrdreg $0x60  }
0xae: {  	[dreg:$0x2] =	wrdreg s24  }
0xaf: {  	[dreg:$0x3] =	wrdreg $0x0  }
0xb0: {  	[dreg:$0x4] =	wrdreg $0x9  }
0xb1: {  	_ =	task.clear_ibuf [dreg:s6], $0x5FFFF;
	_ =	strace $0x9000004C  }
0xb2: {  	s29 =	simm.s32 $0x9;
	_ =	strace $0x8000004E  }
0xb3: {  	_ =	swait.ge [sflag:s29], $0x1  }
0xb4: {  	[sflag:s29] =	ssyncadd.s32 $0xFFFFFFFF  }
0xb5: {  	_ =	strace $0x9000004E  }
0xb6: {  	_ =	sfence  }
0xb7: {  	s30 =	sld [smem:$0x0];
	_ =	sdelay $0x2  }
0xb8: {  	s31 =	sshll.u32 s1, $0xD;
	s1 =	sshrl.u32 s1, $0x2  }
0xb9: {  	s3 =	sand.u32 $0x4000, s31;
	s1 =	sadd.s32 s1, s30  }
0xba: {  	s0 =	sor.u32 s3, s0;
	s1 =	sshll.u32 s1, $0x11  }
0xbb: {  	s0 =	sor.u32 s1, s0  }
0xbc: {  	s0 =	sadd.s32 $0x8F2B, s0  }
0xbd: {  	[sflag:s0] =	ssyncadd.remote.s32 $0x1  }
0xbe: {  	_ =	sfence.sel $0xFFFF  }
0xbf: {  	[dreg:$0x0] =	wrdreg $0xFFFFFFFF;
	(pc) =	sbr.abs _section_cstart, $3  }
0xc0: {  	[dreg:$0x1] =	wrdreg $0xFFFFFFFF  }
0xc1: {  	_ =	task.clear_ibuf [dreg:s6], $0x2FFFF;
	_ =	strace $0x9FFFFFFF  }
0xc2: {  	(tm) =	ssettm $0x7FFFFFFF  }
0xc3: {  	_ =	shalt  }
tec
execute0_lowered:
.L_overlay_start_1:
0x0: {  	(tag) =	ssettag $0x1  }
0x1: {  	s0 =	rddreg [dreg:$0x0]  }
0x2: {  	s2 =	rddreg [dreg:$0x1]  }
0x3: {  	s1 =	srdreg.scid;
	s3 =	simm.s32 $0x0;
	s18 =	stileid.u32  }
0x4: {  	s28 =	simm.s32 $0x1;
	s29 =	simm.s32 $0x2;
	s30 =	simm.s32 $0x16300  }
0x5: {  	s31 =	simm.s32 $0x16380;
	s1 =	sand.u32 $0x1, s1;
	[smem:$0x7FF] =	sst s3  }
0x6: {  	s15 =	sshll.u32 s18, $0x1;
	s7 =	smul.u32 $0x13C00, s18;
	s4 =	sadd.s32 $0x3E600, s0  }
0x7: {  	s5 =	sadd.s32 $0x6E00, s0;
	s10 =	sadd.s32 $0xD8600, s0;
	s11 =	sadd.s32 $0x2E600, s0  }
0x8: {  	s16 =	sshll.u32 s18, $0xC;
	s12 =	smul.u32 $0x4F000, s18;
	s21 =	sshll.u32 s18, $0x6  }
0x9: {  	s25 =	sshll.u32 s18, $0xF;
	s6 =	smul.u32 $0x13C000, s1;
	_ =	strace $0x8000004D  }
0xa: {  	s3 =	sor.u32 s1, s15;
	s9 =	ssub.s32 $0x2, s1;
	s15 =	smul.u32 $0x21000, s18  }
0xb: {  	s1 =	sshll.u32 s1, $0x10;
	s26 =	sadd.s32 s25, s2;
	s8 =	smul.u32 $0x180, s3  }
0xc: {  	s18 =	simm.s32 $0x3;
	s17 =	sshrl.u32 s9, $0x1;
	s20 =	smul.u32 $0x2800, s3  }
0xd: {  	s19 =	sshrl.u32 s12, $0x2;
	s3 =	smul.u32 $0x500, s3;
	s25 =	sshrl.u32 s26, $0x3  }
0xe: {  	s26 =	simm.s32 $0x1A400;
	s7 =	sadd.s32 s7, s6;
	s6 =	sadd.s32 $0x3BE00, s0  }
0xf: {  	s24 =	sshrl.u32 s15, $0x2;
	s14 =	sadd.s32 s8, s0;
	s7 =	sshrl.u32 s7, $0x3  }
0x10: {  	s22 =	sshrl.u32 s20, $0x3;
	s20 =	simm.s32 $0x15000;
	s13 =	sadd.s32 s7, s0  }
0x11: {  	s0 =	sadd.s32 s16, s0;
	s16 =	ssub.s32 s9, s17;
	s17 =	sadd.s32 s19, s2  }
0x12: {  	s7 =	sor.u32 $0x1C03, s21;
	s8 =	sadd.s32 s10, s22;
	s9 =	sadd.s32 s11, s3  }
0x13: {  	s23 =	sadd.s32 $0x280, s22;
	s3 =	sadd.s32 s24, s2;
	s19 =	simm.s32 $0x13C00  }
0x14: {  	s21 =	simm.s32 $0x80;
	s22 =	simm.s32 $0x16400;
	[dreg:$0x3] =	wrdreg s8  }
0x15: {  	s10 =	sadd.s32 s10, s23;
	s11 =	sadd.s32 s11, s23;
	s12 =	sadd.s32 $0xE2600, s13  }
0x16: {  	s13 =	sadd.s32 $0xD5600, s14;
	s0 =	sadd.s32 s1, s0;
	s14 =	sadd.s32 $0x38600, s14  }
0x17: {  	s16 =	smax.u32 s16, $0x1;
	s17 =	sshrl.u32 s17, $0x3;
	s23 =	simm.s32 $0x13C80  }
0x18: {  	s24 =	sshrl.u32 s3, $0x3;
	s15 =	sadd.s32 $0x8D000, s0;
	s0 =	simm.s32 $0x0  }
.LBB2_1:
0x19: {  	[spmem:s17], [sflag:s7] =	dma.local [hbm:s6], $0x2780  }
0x1a: {  	_ =	swait.ge [sflag:s18], $0x2780  }
0x1b: {  	[sflag:s18] =	ssyncset.done $0x0  }
0x1c: {  	s1 =	simm.s32 $0x0;
	s3 =	rddreg [dreg:$0x3];
	[sflag:s18] =	ssyncadd.s32 $0xFFFFD880  }
0x1d: {  	[tilespmem:s19], [sflag:$0x3] =	stream.linear.gather [hbm4b:s3+s1], $0x1400, $0x38;
	[tilespmem:$0x1E400] =	vst v63  }
0x1e: {  	_ =	swait.ge [sflag:s18], $0x1400  }
0x1f: {  	[sflag:s18] =	ssyncset.done $0x0  }
0x20: {  	[sflag:s18] =	ssyncadd.s32 $0xFFFFEC00  }
0x21: {  	[tilespmem:s20], [sflag:$0x3] =	stream.linear.gather [hbm4b:s9+s1], $0x1400, $0x38;
	[tilespmem:$0x1E400] =	vst v63  }
0x22: {  	_ =	swait.ge [sflag:s18], $0x1400  }
0x23: {  	[sflag:s18] =	ssyncset.done $0x0  }
0x24: {  	[sflag:s18] =	ssyncadd.s32 $0xFFFFEC00  }
0x25: {  	[bflag:$0x0] =	sbarrier.arrive $0xFFFF  }
0x26: {  	[tilespmem:s22], [sflag:$0x1] =	stream.indirect.gather [hbm4b:s4+s21], $0x80, s19, s21, $0xb8;
	[tilespmem:$0x1E400] =	vst v63  }
0x27: {  	_ = 	snop  }
0x28: {  	[tilespmem:s26], [sflag:$0x2] =	stream.indirect.gather [hbm4b:s4+s21], $0x80, s23, s21, $0xb8;
	[tilespmem:$0x1E400] =	vst v63  }
0x29: {  	_ =	swait.ge [sflag:s28], $0x4000  }
0x2a: {  	[sflag:s28] =	ssyncset.done $0x0  }
0x2b: {  	s8 =	simm.s32 $0x15000;
	[sflag:s28] =	ssyncadd.s32 $0xFFFFC000  }
0x2c: {  	[spmem:s2] =	stream.indirect.scatter.add.f32 [tilespmem:s22], [sflag:$0x3], $0x80, s8, s21, $0xb8;
	[tilespmem:$0x1E400] =	vst v63  }
0x2d: {  	_ =	swait.ge [sflag:s18], $0x4000  }
0x2e: {  	[sflag:s18] =	ssyncset.done $0x0  }
0x2f: {  	s3 =	simm.s32 $0x13D00;
	[sflag:s18] =	ssyncadd.s32 $0xFFFFC000  }
0x30: {  	[tilespmem:s22], [sflag:$0x1] =	stream.indirect.gather [hbm4b:s4+s21], $0x80, s3, s21, $0xb8;
	[tilespmem:$0x1E400] =	vst v63  }
0x31: {  	_ =	swait.ge [sflag:s29], $0x4000  }
0x32: {  	[sflag:s29] =	ssyncset.done $0x0  }
0x33: {  	s8 =	simm.s32 $0x15080;
	[sflag:s29] =	ssyncadd.s32 $0xFFFFC000  }
0x34: {  	[spmem:s2] =	stream.indirect.scatter.add.f32 [tilespmem:s26], [sflag:$0x3], $0x80, s8, s21, $0xb8;
	[tilespmem:$0x1E400] =	vst v63  }
0x35: {  	_ =	swait.ge [sflag:s18], $0x4000  }
0x36: {  	[sflag:s18] =	ssyncset.done $0x0  }
0x37: {  	s1 =	simm.s32 $0x400;
	s3 =	simm.s32 $0x13D80;
	[sflag:s18] =	ssyncadd.s32 $0xFFFFC000  }
.LBB2_2:
0x38: {  	[tilespmem:s26], [sflag:$0x2] =	stream.indirect.gather [hbm4b:s4+s21], $0x80, s3, s21, $0xb8;
	[tilespmem:$0x1E400] =	vst v63  }
0x39: {  	s3 =	smov.u32 s1  }
0x3a: {  	p0 =	sne.s32 s1, $0x4800;
	s1 =	sadd.s32 $0x400, s1;
	_ =	swait.ge [sflag:s28], $0x4000  }
0x3b: {  	s3 =	sshra.s32 s3, $0x2;
	[sflag:s28] =	ssyncset.done $0x0  }
0x3c: {  	s8 =	sadd.s32 $0x15000, s3;
	[sflag:s28] =	ssyncadd.s32 $0xFFFFC000  }
0x3d: {  	[spmem:s2] =	stream.indirect.scatter.add.f32 [tilespmem:s22], [sflag:$0x3], $0x80, s8, s21, $0xb8;
	[tilespmem:$0x1E400] =	vst v63  }
0x3e: {  	_ =	swait.ge [sflag:s18], $0x4000  }
0x3f: {  	[sflag:s18] =	ssyncset.done $0x0  }
0x40: {  	s8 =	sadd.s32 $0x13D00, s3;
	[sflag:s18] =	ssyncadd.s32 $0xFFFFC000  }
0x41: {  	[tilespmem:s22], [sflag:$0x1] =	stream.indirect.gather [hbm4b:s4+s21], $0x80, s8, s21, $0xb8;
	[tilespmem:$0x1E400] =	vst v63  }
0x42: {  	_ =	swait.ge [sflag:s29], $0x4000  }
0x43: {  	[sflag:s29] =	ssyncset.done $0x0  }
.Ltmp0:
0x44: {  	s8 =	sadd.s32 $0x15080, s3;
	[sflag:s29] =	ssyncadd.s32 $0xFFFFC000;
	(pc) =	sbr.rel @p0 .LBB2_2-.Ltmp0, $4  }
0x45: {  	[spmem:s2] =	stream.indirect.scatter.add.f32 [tilespmem:s26], [sflag:$0x3], $0x80, s8, s21, $0xb8;
	[tilespmem:$0x1E400] =	vst v63  }
0x46: {  	_ =	swait.ge [sflag:s18], $0x4000  }
0x47: {  	[sflag:s18] =	ssyncset.done $0x0  }
0x48: {  	s3 =	sadd.s32 $0x13D80, s3;
	[sflag:s18] =	ssyncadd.s32 $0xFFFFC000  }
0x49: {  	[tilespmem:s26], [sflag:$0x2] =	stream.indirect.gather [hbm4b:s4+s21], $0x80, s3, s21, $0xb8;
	[tilespmem:$0x1E400] =	vst v63  }
0x4a: {  	_ =	swait.ge [sflag:s28], $0x4000  }
0x4b: {  	[sflag:s28] =	ssyncset.done $0x0  }
0x4c: {  	[sflag:s28] =	ssyncadd.s32 $0xFFFFC000  }
0x4d: {  	[spmem:s2] =	stream.indirect.scatter.add.f32 [tilespmem:s22], [sflag:$0x3], $0x80, s30, s21, $0xb8;
	[tilespmem:$0x1E400] =	vst v63  }
0x4e: {  	_ =	swait.ge [sflag:s18], $0x4000  }
0x4f: {  	[sflag:s18] =	ssyncset.done $0x0  }
0x50: {  	[sflag:s18] =	ssyncadd.s32 $0xFFFFC000  }
0x51: {  	_ =	swait.ge [sflag:s29], $0x4000  }
0x52: {  	[sflag:s29] =	ssyncset.done $0x0  }
0x53: {  	[sflag:s29] =	ssyncadd.s32 $0xFFFFC000  }
0x54: {  	[spmem:s2] =	stream.indirect.scatter.add.f32 [tilespmem:s26], [sflag:$0x3], $0x80, s31, s21, $0xb8;
	[tilespmem:$0x1E400] =	vst v63  }
0x55: {  	_ =	swait.ge [sflag:s18], $0x4000  }
0x56: {  	[sflag:s18] =	ssyncset.done $0x0  }
0x57: {  	s1 =	simm.s32 $0x0;
	[sflag:s18] =	ssyncadd.s32 $0xFFFFC000  }
0x58: {  	[tilespmem:s19], [sflag:$0x3] =	stream.linear.gather [hbm4b:s10+s1], $0x1400, $0x38;
	[tilespmem:$0x1E400] =	vst v63  }
0x59: {  	_ =	swait.ge [sflag:s18], $0x1400  }
0x5a: {  	[sflag:s18] =	ssyncset.done $0x0  }
0x5b: {  	[sflag:s18] =	ssyncadd.s32 $0xFFFFEC00  }
0x5c: {  	[tilespmem:s20], [sflag:$0x3] =	stream.linear.gather [hbm4b:s11+s1], $0x1400, $0x38;
	[tilespmem:$0x1E400] =	vst v63  }
0x5d: {  	_ =	swait.ge [sflag:s18], $0x1400  }
0x5e: {  	[sflag:s18] =	ssyncset.done $0x0  }
0x5f: {  	[sflag:s18] =	ssyncadd.s32 $0xFFFFEC00  }
0x60: {  	[tilespmem:s22], [sflag:$0x1] =	stream.indirect.gather [hbm4b:s4+s21], $0x80, s19, s21, $0xb8;
	[tilespmem:$0x1E400] =	vst v63  }
0x61: {  	_ = 	snop  }
0x62: {  	[tilespmem:s26], [sflag:$0x2] =	stream.indirect.gather [hbm4b:s4+s21], $0x80, s23, s21, $0xb8;
	[tilespmem:$0x1E400] =	vst v63  }
0x63: {  	_ =	swait.ge [sflag:s28], $0x4000  }
0x64: {  	[sflag:s28] =	ssyncset.done $0x0  }
0x65: {  	s8 =	simm.s32 $0x15000;
	[sflag:s28] =	ssyncadd.s32 $0xFFFFC000  }
0x66: {  	[spmem:s2] =	stream.indirect.scatter.add.f32 [tilespmem:s22], [sflag:$0x3], $0x80, s8, s21, $0xb8;
	[tilespmem:$0x1E400] =	vst v63  }
0x67: {  	_ =	swait.ge [sflag:s18], $0x4000  }
0x68: {  	[sflag:s18] =	ssyncset.done $0x0  }
0x69: {  	s3 =	simm.s32 $0x13D00;
	[sflag:s18] =	ssyncadd.s32 $0xFFFFC000  }
0x6a: {  	[tilespmem:s22], [sflag:$0x1] =	stream.indirect.gather [hbm4b:s4+s21], $0x80, s3, s21, $0xb8;
	[tilespmem:$0x1E400] =	vst v63  }
0x6b: {  	_ =	swait.ge [sflag:s29], $0x4000  }
0x6c: {  	[sflag:s29] =	ssyncset.done $0x0  }
0x6d: {  	s8 =	simm.s32 $0x15080;
	[sflag:s29] =	ssyncadd.s32 $0xFFFFC000  }
0x6e: {  	[spmem:s2] =	stream.indirect.scatter.add.f32 [tilespmem:s26], [sflag:$0x3], $0x80, s8, s21, $0xb8;
	[tilespmem:$0x1E400] =	vst v63  }
0x6f: {  	_ =	swait.ge [sflag:s18], $0x4000  }
0x70: {  	[sflag:s18] =	ssyncset.done $0x0  }
0x71: {  	s1 =	simm.s32 $0x400;
	s3 =	simm.s32 $0x13D80;
	[sflag:s18] =	ssyncadd.s32 $0xFFFFC000  }
.LBB2_4:
0x72: {  	[tilespmem:s26], [sflag:$0x2] =	stream.indirect.gather [hbm4b:s4+s21], $0x80, s3, s21, $0xb8;
	[tilespmem:$0x1E400] =	vst v63  }
0x73: {  	s3 =	smov.u32 s1  }
0x74: {  	p0 =	sne.s32 s1, $0x4800;
	s1 =	sadd.s32 $0x400, s1;
	_ =	swait.ge [sflag:s28], $0x4000  }
0x75: {  	s3 =	sshra.s32 s3, $0x2;
	[sflag:s28] =	ssyncset.done $0x0  }
0x76: {  	s8 =	sadd.s32 $0x15000, s3;
	[sflag:s28] =	ssyncadd.s32 $0xFFFFC000  }
0x77: {  	[spmem:s2] =	stream.indirect.scatter.add.f32 [tilespmem:s22], [sflag:$0x3], $0x80, s8, s21, $0xb8;
	[tilespmem:$0x1E400] =	vst v63  }
0x78: {  	_ =	swait.ge [sflag:s18], $0x4000  }
0x79: {  	[sflag:s18] =	ssyncset.done $0x0  }
0x7a: {  	s8 =	sadd.s32 $0x13D00, s3;
	[sflag:s18] =	ssyncadd.s32 $0xFFFFC000  }
0x7b: {  	[tilespmem:s22], [sflag:$0x1] =	stream.indirect.gather [hbm4b:s4+s21], $0x80, s8, s21, $0xb8;
	[tilespmem:$0x1E400] =	vst v63  }
0x7c: {  	_ =	swait.ge [sflag:s29], $0x4000  }
0x7d: {  	[sflag:s29] =	ssyncset.done $0x0  }
.Ltmp1:
0x7e: {  	s8 =	sadd.s32 $0x15080, s3;
	[sflag:s29] =	ssyncadd.s32 $0xFFFFC000;
	(pc) =	sbr.rel @p0 .LBB2_4-.Ltmp1, $4  }
0x7f: {  	[spmem:s2] =	stream.indirect.scatter.add.f32 [tilespmem:s26], [sflag:$0x3], $0x80, s8, s21, $0xb8;
	[tilespmem:$0x1E400] =	vst v63  }
0x80: {  	_ =	swait.ge [sflag:s18], $0x4000  }
0x81: {  	[sflag:s18] =	ssyncset.done $0x0  }
0x82: {  	s3 =	sadd.s32 $0x13D80, s3;
	[sflag:s18] =	ssyncadd.s32 $0xFFFFC000  }
0x83: {  	[tilespmem:s26], [sflag:$0x2] =	stream.indirect.gather [hbm4b:s4+s21], $0x80, s3, s21, $0xb8;
	[tilespmem:$0x1E400] =	vst v63  }
0x84: {  	_ =	swait.ge [sflag:s28], $0x4000  }
0x85: {  	[sflag:s28] =	ssyncset.done $0x0  }
0x86: {  	[sflag:s28] =	ssyncadd.s32 $0xFFFFC000  }
0x87: {  	[spmem:s2] =	stream.indirect.scatter.add.f32 [tilespmem:s22], [sflag:$0x3], $0x80, s30, s21, $0xb8;
	[tilespmem:$0x1E400] =	vst v63  }
0x88: {  	_ =	swait.ge [sflag:s18], $0x4000  }
0x89: {  	[sflag:s18] =	ssyncset.done $0x0  }
0x8a: {  	[sflag:s18] =	ssyncadd.s32 $0xFFFFC000  }
0x8b: {  	_ =	swait.ge [sflag:s29], $0x4000  }
0x8c: {  	[sflag:s29] =	ssyncset.done $0x0  }
0x8d: {  	[sflag:s29] =	ssyncadd.s32 $0xFFFFC000  }
0x8e: {  	[spmem:s2] =	stream.indirect.scatter.add.f32 [tilespmem:s26], [sflag:$0x3], $0x80, s31, s21, $0xb8;
	[tilespmem:$0x1E400] =	vst v63  }
0x8f: {  	_ =	swait.ge [sflag:s18], $0x4000  }
0x90: {  	[sflag:s18] =	ssyncset.done $0x0  }
0x91: {  	[sflag:s18] =	ssyncadd.s32 $0xFFFFC000  }
0x92: {  	[bflag:$0x0] =	sbarrier.arrive $0xFFFF  }
0x93: {  	[hbm:s12], [sflag:s7] =	dma.local [spmem:s17], $0x2780  }
0x94: {  	_ =	swait.ge [sflag:s18], $0x2780  }
0x95: {  	[sflag:s18] =	ssyncset.done $0x0  }
0x96: {  	[sflag:s18] =	ssyncadd.s32 $0xFFFFD880  }
0x97: {  	[bflag:$0x0] =	sbarrier.arrive $0xFFFF  }
0x98: {  	[spmem:s24], [sflag:s7] =	dma.local [hbm:s6], $0x1080  }
0x99: {  	_ =	swait.ge [sflag:s18], $0x1080  }
0x9a: {  	[sflag:s18] =	ssyncset.done $0x0  }
0x9b: {  	s1 =	simm.s32 $0x0;
	[sflag:s18] =	ssyncadd.s32 $0xFFFFEF80  }
0x9c: {  	[tilespmem:s19], [sflag:$0x3] =	stream.linear.gather [hbm4b:s13+s1], $0xC00, $0x38;
	[tilespmem:$0x1E400] =	vst v63  }
0x9d: {  	_ =	swait.ge [sflag:s18], $0xC00  }
0x9e: {  	[sflag:s18] =	ssyncset.done $0x0  }
0x9f: {  	[sflag:s18] =	ssyncadd.s32 $0xFFFFF400  }
0xa0: {  	[tilespmem:s20], [sflag:$0x3] =	stream.linear.gather [hbm4b:s14+s1], $0xC00, $0x38;
	[tilespmem:$0x1E400] =	vst v63  }
0xa1: {  	_ =	swait.ge [sflag:s18], $0xC00  }
0xa2: {  	[sflag:s18] =	ssyncset.done $0x0  }
0xa3: {  	[sflag:s18] =	ssyncadd.s32 $0xFFFFF400  }
0xa4: {  	[bflag:$0x0] =	sbarrier.arrive $0xFFFF  }
0xa5: {  	[tilespmem:s22], [sflag:$0x1] =	stream.indirect.gather [hbm4b:s5+s21], $0x80, s19, s21, $0xb8;
	[tilespmem:$0x1E400] =	vst v63  }
0xa6: {  	_ = 	snop  }
0xa7: {  	[tilespmem:s26], [sflag:$0x2] =	stream.indirect.gather [hbm4b:s5+s21], $0x80, s23, s21, $0xb8;
	[tilespmem:$0x1E400] =	vst v63  }
0xa8: {  	_ =	swait.ge [sflag:s28], $0x4000  }
0xa9: {  	[sflag:s28] =	ssyncset.done $0x0  }
0xaa: {  	s8 =	simm.s32 $0x15000;
	[sflag:s28] =	ssyncadd.s32 $0xFFFFC000  }
0xab: {  	[spmem:s2] =	stream.indirect.scatter.add.f32 [tilespmem:s22], [sflag:$0x3], $0x80, s8, s21, $0xb8;
	[tilespmem:$0x1E400] =	vst v63  }
0xac: {  	_ =	swait.ge [sflag:s18], $0x4000  }
0xad: {  	[sflag:s18] =	ssyncset.done $0x0  }
0xae: {  	s3 =	simm.s32 $0x13D00;
	[sflag:s18] =	ssyncadd.s32 $0xFFFFC000  }
0xaf: {  	[tilespmem:s22], [sflag:$0x1] =	stream.indirect.gather [hbm4b:s5+s21], $0x80, s3, s21, $0xb8;
	[tilespmem:$0x1E400] =	vst v63  }
0xb0: {  	_ =	swait.ge [sflag:s29], $0x4000  }
0xb1: {  	[sflag:s29] =	ssyncset.done $0x0  }
0xb2: {  	s8 =	simm.s32 $0x15080;
	[sflag:s29] =	ssyncadd.s32 $0xFFFFC000  }
0xb3: {  	[spmem:s2] =	stream.indirect.scatter.add.f32 [tilespmem:s26], [sflag:$0x3], $0x80, s8, s21, $0xb8;
	[tilespmem:$0x1E400] =	vst v63  }
0xb4: {  	_ =	swait.ge [sflag:s18], $0x4000  }
0xb5: {  	[sflag:s18] =	ssyncset.done $0x0  }
0xb6: {  	s1 =	simm.s32 $0x400;
	s3 =	simm.s32 $0x13D80;
	[sflag:s18] =	ssyncadd.s32 $0xFFFFC000  }
.LBB2_6:
0xb7: {  	[tilespmem:s26], [sflag:$0x2] =	stream.indirect.gather [hbm4b:s5+s21], $0x80, s3, s21, $0xb8;
	[tilespmem:$0x1E400] =	vst v63  }
0xb8: {  	s3 =	smov.u32 s1  }
0xb9: {  	p0 =	sne.s32 s1, $0x2800;
	s1 =	sadd.s32 $0x400, s1;
	_ =	swait.ge [sflag:s28], $0x4000  }
0xba: {  	s3 =	sshra.s32 s3, $0x2;
	[sflag:s28] =	ssyncset.done $0x0  }
0xbb: {  	s8 =	sadd.s32 $0x15000, s3;
	[sflag:s28] =	ssyncadd.s32 $0xFFFFC000  }
0xbc: {  	[spmem:s2] =	stream.indirect.scatter.add.f32 [tilespmem:s22], [sflag:$0x3], $0x80, s8, s21, $0xb8;
	[tilespmem:$0x1E400] =	vst v63  }
0xbd: {  	_ =	swait.ge [sflag:s18], $0x4000  }
0xbe: {  	[sflag:s18] =	ssyncset.done $0x0  }
0xbf: {  	s8 =	sadd.s32 $0x13D00, s3;
	[sflag:s18] =	ssyncadd.s32 $0xFFFFC000  }
0xc0: {  	[tilespmem:s22], [sflag:$0x1] =	stream.indirect.gather [hbm4b:s5+s21], $0x80, s8, s21, $0xb8;
	[tilespmem:$0x1E400] =	vst v63  }
0xc1: {  	_ =	swait.ge [sflag:s29], $0x4000  }
0xc2: {  	[sflag:s29] =	ssyncset.done $0x0  }
.Ltmp2:
0xc3: {  	s8 =	sadd.s32 $0x15080, s3;
	[sflag:s29] =	ssyncadd.s32 $0xFFFFC000;
	(pc) =	sbr.rel @p0 .LBB2_6-.Ltmp2, $4  }
0xc4: {  	[spmem:s2] =	stream.indirect.scatter.add.f32 [tilespmem:s26], [sflag:$0x3], $0x80, s8, s21, $0xb8;
	[tilespmem:$0x1E400] =	vst v63  }
0xc5: {  	_ =	swait.ge [sflag:s18], $0x4000  }
0xc6: {  	[sflag:s18] =	ssyncset.done $0x0  }
0xc7: {  	s3 =	sadd.s32 $0x13D80, s3;
	[sflag:s18] =	ssyncadd.s32 $0xFFFFC000  }
0xc8: {  	[tilespmem:s26], [sflag:$0x2] =	stream.indirect.gather [hbm4b:s5+s21], $0x80, s3, s21, $0xb8;
	[tilespmem:$0x1E400] =	vst v63  }
0xc9: {  	_ =	swait.ge [sflag:s28], $0x4000  }
0xca: {  	[sflag:s28] =	ssyncset.done $0x0  }
0xcb: {  	s1 =	simm.s32 $0x15B00;
	[sflag:s28] =	ssyncadd.s32 $0xFFFFC000  }
0xcc: {  	[spmem:s2] =	stream.indirect.scatter.add.f32 [tilespmem:s22], [sflag:$0x3], $0x80, s1, s21, $0xb8;
	[tilespmem:$0x1E400] =	vst v63  }
0xcd: {  	_ =	swait.ge [sflag:s18], $0x4000  }
0xce: {  	[sflag:s18] =	ssyncset.done $0x0  }
0xcf: {  	[sflag:s18] =	ssyncadd.s32 $0xFFFFC000  }
0xd0: {  	_ =	swait.ge [sflag:s29], $0x4000  }
0xd1: {  	[sflag:s29] =	ssyncset.done $0x0  }
0xd2: {  	s8 =	simm.s32 $0x15B80;
	[sflag:s29] =	ssyncadd.s32 $0xFFFFC000  }
0xd3: {  	[spmem:s2] =	stream.indirect.scatter.add.f32 [tilespmem:s26], [sflag:$0x3], $0x80, s8, s21, $0xb8;
	[tilespmem:$0x1E400] =	vst v63  }
0xd4: {  	_ =	swait.ge [sflag:s18], $0x4000  }
0xd5: {  	s0 =	sadd.s32 $0x1, s0;
	[sflag:s18] =	ssyncset.done $0x0  }
0xd6: {  	p0 =	sne.s32 s0, s16;
	[sflag:s18] =	ssyncadd.s32 $0xFFFFC000  }
.Ltmp3:
0xd7: {  	[bflag:$0x0] =	sbarrier.arrive $0xFFFF;
	(pc) =	sbr.rel @p0 .LBB2_1-.Ltmp3, $4  }
0xd8: {  	[hbm:s15], [sflag:s7] =	dma.local [spmem:s25], $0x1000  }
0xd9: {  	_ =	swait.ge [sflag:s18], $0x1000  }
0xda: {  	[sflag:s18] =	ssyncset.done $0x0  }
0xdb: {  	[sflag:s18] =	ssyncadd.s32 $0xFFFFF000  }
0xdc: {  	_ =	sfence.sel $0x180000  }
0xdd: {  	[bflag:$0x0] =	sbarrier.arrive $0xFFFF  }
0xde: {  	_ =	strace $0x9000004D  }
0xdf: {  	s0 =	stileid.u32;
	[bflag:$0x2] =	sbarrier.arrive $0xFFFF  }
0xe0: {  	p0 =	sne.s32 s0, $0x0;
	s0 =	rddreg [dreg:$0x2]  }
0xe1: {  	s0 =	sadd.s32 @!p0 $0x100000, s0  }
0xe2: {  	[sflag:s0] =	ssyncadd.tile.s32 @!p0 $0x1;
	_ =	shalt  }
.Lfunc_end2:
_tile_overlayer_lowered:
.L_overlay_start_2:
0xe3: {  	(tag) =	ssettag $0x2  }
0xe4: {  	s0 =	rddreg [dreg:$0x0];
	s2 =	stileid.u32  }
0xe5: {  	s1 =	rddreg [dreg:$0x1];
	p0 =	sne.s32 s2, $0x0  }
0xe6: {  	s3 =	rddreg [dreg:$0x2];
	[bflag:$0x3] =	sbarrier.arrive $0xFFFF;
	s2 =	simm.s32 @!p0 $0x1C03  }
0xe7: {  	[timem:s3], [sflag:s2] =	dma.local @!p0 [hbm:s0], s1  }
0xe8: {  	s0 =	simm.s32 @!p0 $0x3  }
0xe9: {  	_ =	swait.ge @!p0 [sflag:s0], s1  }
0xea: {  	s1 =	ssub.s32 @!p0 $0x0, s1;
	[sflag:s0] =	ssyncset.done @!p0 $0x0  }
0xeb: {  	[sflag:s0] =	ssyncadd.s32 @!p0 s1  }
0xec: {  	[bflag:$0x3] =	sbarrier.arrive $0xFFFF  }
0xed: {  	_ =	shalt  }

// kernel: kernel.22.cloned.1.call-start
scs
__scs_entry_jumppad:
0x0: {  	(pc) =	sbr.rel $0x88, $3  }
0x1: {  	(tag) =	ssettag $0x0;
	lr =	simm.s32 $0x1  }
0x2: {  	[smem:$0x3F89] =	sst lr;
	_ =	strace $0xD0000000  }
0x3: {  	_ = 	snop  }
0x4: {  	_ = 	snop  }
0x5: {  	_ = 	snop  }
0x6: {  	_ = 	snop  }
0x7: {  	_ = 	snop  }
__scs_overlays_trampoline_lowered:
0x8: {  	[smem:$0x3F98] =	sst s0  }
0x9: {  	[smem:$0x3F99] =	sst s1  }
0xa: {  	[smem:$0x3F9A] =	sst s2  }
0xb: {  	[smem:$0x3F9B] =	sst s3  }
0xc: {  	[smem:$0x3F9C] =	sst s4  }
0xd: {  	[smem:$0x3F9D] =	sst s5  }
0xe: {  	[smem:$0x3F9E] =	sst s6  }
0xf: {  	[smem:$0x3F9F] =	sst s7  }
0x10: {  	[smem:$0x3FA0] =	sst s8  }
0x11: {  	[smem:$0x3FA1] =	sst s9;
	s0 =	simm.s32 @!p0 $0x0  }
0x12: {  	s1 =	sld [smem:$0x3F87];
	s0 =	simm.s32 @p0 $0x1  }
0x13: {  	[smem:$0x3FA2] =	sst s0;
	s0 =	simm.s32 @!p1 $0x0  }
0x14: {  	s2 =	sld [smem:$0x3F86];
	s0 =	simm.s32 @p1 $0x1  }
0x15: {  	[smem:$0x3FA3] =	sst s0;
	s0 =	simm.s32 @!p2 $0x0  }
0x16: {  	s3 =	sld [smem:$0x3FDB];
	s0 =	simm.s32 @p2 $0x1  }
0x17: {  	s4 =	simm.s32 $0x1BF5;
	[smem:$0x3FA5] =	sst s0  }
0x18: {  	s0 =	sld [smem:$0x3F88];
	_ =	swait.ge [sflag:s4], $0x0  }
0x19: {  	s7 =	sld [smem:$0x3F89]  }
0x1a: {  	s8 =	sadd.s32 $0xFFFFE003, lr  }
0x1b: {  	s9 =	sadd.s32 $0xFFFFFEF7, lr;
	s5 =	simm.s32 $0xFFFFFFFF;
	p2 =	slt.u32 s8, $0xFFFFF086  }
0x1c: {  	p1 =	slt.u32 s9, $0xF7A;
	s5 =	simm.s32 @!p2 $0x0  }
0x1d: {  	s5 =	simm.s32 @p1 $0x1;
	p0 =	seq.s32 s7, s2  }
0x1e: {  	s7 =	smul.u32 @!p0 $0xF7A, s2;
	p2 =	seq.s32 @!p0 s5, $0x0  }
0x1f: {  	s9 =	smul.u32 $0xF7A, s1;
	s8 =	simm.s32 @!p0 $0x1BF5;
	p2 =	por !p2, p0  }
0x20: {  	[sflag:s8] =	ssyncset.s32 @!p0 $0xFFFFF086;
	s6 =	sadd.s32 @!p0 s3, s7;
	s7 =	simm.s32 @!p0 $0x108  }
0x21: {  	s3 =	sadd.s32 s3, s9;
	s6 =	sadd.s32 @!p0 $0x88, s6;
	s7 =	simm.s32 @p2 $0x1082  }
0x22: {  	[simem:s7], [sflag:s8] =	dma.local @!p0 [hbm:s6], $0xF7A  }
0x23: {  	s9 =	sor.u32 $0xD0000000, s2;
	s6 =	simm.s32 $0x108;
	_ =	swait.ge @!p0 [sflag:s8], $0x0  }
0x24: {  	s3 =	sadd.s32 $0x88, s3;
	s6 =	simm.s32 @!p1 $0x1082;
	[sflag:s4] =	ssyncset.s32 $0xFFFFF086  }
0x25: {  	[simem:s6], [sflag:s4] =	dma.local [hbm:s3], $0xF7A  }
0x26: {  	[smem:$0x3F89] =	sst s1;
	(tag) =	ssettag s2;
	_ =	strace s9  }
0x27: {  	s1 =	sld [smem:$0x3F99]  }
0x28: {  	s2 =	sld [smem:$0x3F9A]  }
0x29: {  	s4 =	sld [smem:$0x3F9C]  }
0x2a: {  	p0 =	seq.s32 s5, $0x0;
	s5 =	sld [smem:$0x3F9D]  }
0x2b: {  	s6 =	sld [smem:$0x3F9E]  }
0x2c: {  	s7 =	sld [smem:$0x3F9F]  }
0x2d: {  	s3 =	simm.s32 $0x108;
	s8 =	sld [smem:$0x3FA0]  }
0x2e: {  	s3 =	simm.s32 @!p0 $0x1082;
	s9 =	sld [smem:$0x3FA1]  }
0x2f: {  	lr =	sadd.s32 s0, s3;
	s0 =	sld [smem:$0x3F98]  }
0x30: {  	s3 =	sld [smem:$0x3F9B]  }
0x31: {  	[smem:$0x3FA4] =	sst s10  }
0x32: {  	s10 =	sld [smem:$0x3FA2];
	_ =	sdelay $0x3  }
0x33: {  	p0 =	seq.s32 s10, $0x1;
	s10 =	sld [smem:$0x3FA4];
	_ =	sdelay $0x3  }
0x34: {  	[smem:$0x3FA4] =	sst s10  }
0x35: {  	s10 =	sld [smem:$0x3FA3];
	_ =	sdelay $0x3  }
0x36: {  	p1 =	seq.s32 s10, $0x1;
	s10 =	sld [smem:$0x3FA4];
	_ =	sdelay $0x3  }
0x37: {  	[smem:$0x3FA4] =	sst s10  }
0x38: {  	s10 =	sld [smem:$0x3FA5]  }
0x39: {  	_ = 	snop;
	(pc) =	sbr.ind lr, $3  }
0x3a: {  	_ = 	snop  }
0x3b: {  	_ = 	snop  }
0x3c: {  	p2 =	seq.s32 s10, $0x1;
	s10 =	sld [smem:$0x3FA4]  }
0x3d: {  	_ =	shalt  }
0x3e: {  	_ =	shalt  }
0x3f: {  	_ =	shalt  }
0x40: {  	_ =	shalt  }
0x41: {  	_ =	shalt  }
0x42: {  	_ =	shalt  }
0x43: {  	_ =	shalt  }
0x44: {  	_ =	shalt  }
0x45: {  	_ =	shalt  }
0x46: {  	_ =	shalt  }
0x47: {  	_ =	shalt  }
0x48: {  	_ =	shalt  }
0x49: {  	_ =	shalt  }
0x4a: {  	_ =	shalt  }
0x4b: {  	_ =	shalt  }
0x4c: {  	_ =	shalt  }
0x4d: {  	_ =	shalt  }
0x4e: {  	_ =	shalt  }
0x4f: {  	_ =	shalt  }
0x50: {  	_ =	shalt  }
0x51: {  	_ =	shalt  }
0x52: {  	_ =	shalt  }
0x53: {  	_ =	shalt  }
0x54: {  	_ =	shalt  }
0x55: {  	_ =	shalt  }
0x56: {  	_ =	shalt  }
0x57: {  	_ =	shalt  }
0x58: {  	_ =	shalt  }
0x59: {  	_ =	shalt  }
0x5a: {  	_ =	shalt  }
0x5b: {  	_ =	shalt  }
0x5c: {  	_ =	shalt  }
0x5d: {  	_ =	shalt  }
0x5e: {  	_ =	shalt  }
0x5f: {  	_ =	shalt  }
0x60: {  	_ =	shalt  }
0x61: {  	_ =	shalt  }
0x62: {  	_ =	shalt  }
0x63: {  	_ =	shalt  }
0x64: {  	_ =	shalt  }
0x65: {  	_ =	shalt  }
0x66: {  	_ =	shalt  }
0x67: {  	_ =	shalt  }
0x68: {  	_ =	shalt  }
0x69: {  	_ =	shalt  }
0x6a: {  	_ =	shalt  }
0x6b: {  	_ =	shalt  }
0x6c: {  	_ =	shalt  }
0x6d: {  	_ =	shalt  }
0x6e: {  	_ =	shalt  }
0x6f: {  	_ =	shalt  }
0x70: {  	_ =	shalt  }
0x71: {  	_ =	shalt  }
0x72: {  	_ =	shalt  }
0x73: {  	_ =	shalt  }
0x74: {  	_ =	shalt  }
0x75: {  	_ =	shalt  }
0x76: {  	_ =	shalt  }
0x77: {  	_ =	shalt  }
0x78: {  	_ =	shalt  }
0x79: {  	_ =	shalt  }
0x7a: {  	_ =	shalt  }
0x7b: {  	_ =	shalt  }
0x7c: {  	_ =	shalt  }
0x7d: {  	_ =	shalt  }
0x7e: {  	_ =	shalt  }
0x7f: {  	_ =	shalt  }
0x80: {  	_ =	shalt  }
0x81: {  	_ =	shalt  }
0x82: {  	_ =	shalt  }
0x83: {  	_ =	shalt  }
0x84: {  	_ =	shalt  }
0x85: {  	_ =	shalt  }
0x86: {  	_ =	shalt  }
0x87: {  	_ =	shalt  }
.Lfunc_end0:
.L_simem_size_0:
called_computation.3_lowered:
.L_overlay_start_0:
0x88: {  	s2 =	sld [smem:$0x3FD9]  }
0x89: {  	s3 =	sld [smem:$0x3FFE];
	_ =	sdelay $0x1  }
0x8a: {  	s1 =	srdreg.scid  }
0x8b: {  	s0 =	sand.u32 $0x1, s1  }
0x8c: {  	s16 =	sshll.u32 s0, $0xA;
	s2 =	sadd.s32 s3, s2  }
0x8d: {  	s2 =	sadd.s32 s2, s16  }
0x8e: {  	[smem:$0x3FB0] =	sst s2  }
0x8f: {  	_ = 	snop  }
0x90: {  	(tm) =	ssettm $0x1  }
0x91: {  	s17 =	sld [smem:$0x3FFB];
	_ =	sdelay $0x3  }
0x92: {  	_ =	strace s17  }
0x93: {  	s2 =	sld [smem:$0x3FFC];
	_ =	sdelay $0x3  }
0x94: {  	_ =	strace s2  }
0x95: {  	s2 =	sld [smem:$0x3FFD];
	_ =	sdelay $0x3  }
0x96: {  	_ =	strace s2  }
0x97: {  	_ =	strace $0x8FFFFFFF  }
0x98: {  	s18 =	sld [smem:$0x3FDB];
	_ =	sdelay $0x1  }
0x99: {  	s19 =	simm.s32 $_scs_section_size  }
0x9a: {  	s4 =	simm.s32 $_size__tile_overlayer_lowered;
	s5 =	simm.s32 $_tile_overlayer_lowered  }
0x9b: {  	s22 =	simm.s32 $0x1BFF;
	s21 =	sshll.u32 s5, $0x1;
	s2 =	sadd.s32 s19, s18  }
0x9c: {  	s6 =	simm.s32 $0x0;
	s20 =	sshll.u32 s4, $0x1;
	s4 =	sadd.s32 s21, s2  }
0x9d: {  	[timem:s6], [sflag:s22] =	dma.local [hbm:s4], s20  }
0x9e: {  	_ =	swait.ge [sflag:s22], s20  }
0x9f: {  	s3 =	ssub.s32 $0x0, s20;
	[sflag:s22] =	ssyncset.done $0x0  }
0xa0: {  	[sflag:s22] =	ssyncadd.s32 s3;
	_ =	sdelay $0x1  }
0xa1: {  	s23 =	simm.s32 $0x1B8B  }
0xa2: {  	_ =	swait.ge [sflag:s23], $0x1  }
0xa3: {  	[sflag:s23] =	ssyncset.done $0x0  }
0xa4: {  	s25 =	simm.s32 $0x1B8E;
	s24 =	sld [smem:$0x3FFE];
	[sflag:s23] =	ssyncadd.s32 $0xFFFFFFFF  }
0xa5: {  	s26 =	simm.s32 $execute0_lowered;
	[smem:$0x3FD2] =	sst s25  }
0xa6: {  	s4 =	sshll.u32 s26, $0x1;
	_ =	strace $0x8000004F;
	[dreg:$0x1] =	wrdreg $0xFFFFFFFF  }
0xa7: {  	s28 =	simm.s32 $_size_execute0_lowered;
	s2 =	sadd.s32 s2, s4;
	[dreg:$0x0] =	wrdreg $0x0  }
0xa8: {  	s4 =	sshll.u32 s28, $0x1;
	[dreg:$0x2] =	wrdreg s2  }
0xa9: {  	[dreg:$0x3] =	wrdreg s4  }
0xaa: {  	[dreg:$0x4] =	wrdreg $0xC0  }
0xab: {  	_ =	task [dreg:s6], $0x5FFFF  }
0xac: {  	[dreg:$0x1] =	wrdreg $0xFFFFFFFF  }
0xad: {  	[dreg:$0x0] =	wrdreg $0x60  }
0xae: {  	[dreg:$0x2] =	wrdreg s24  }
0xaf: {  	[dreg:$0x3] =	wrdreg $0x0  }
0xb0: {  	[dreg:$0x4] =	wrdreg $0x9  }
0xb1: {  	_ =	task.clear_ibuf [dreg:s6], $0x5FFFF;
	_ =	strace $0x9000004F  }
0xb2: {  	s29 =	simm.s32 $0x9;
	_ =	strace $0x80000051  }
0xb3: {  	_ =	swait.ge [sflag:s29], $0x1  }
0xb4: {  	[sflag:s29] =	ssyncadd.s32 $0xFFFFFFFF  }
0xb5: {  	_ =	strace $0x90000051  }
0xb6: {  	_ =	sfence  }
0xb7: {  	s30 =	sld [smem:$0x0];
	_ =	sdelay $0x2  }
0xb8: {  	s31 =	sshll.u32 s1, $0xD;
	s1 =	sshrl.u32 s1, $0x2  }
0xb9: {  	s3 =	sand.u32 $0x4000, s31;
	s1 =	sadd.s32 s1, s30  }
0xba: {  	s0 =	sor.u32 s3, s0;
	s1 =	sshll.u32 s1, $0x11  }
0xbb: {  	s0 =	sor.u32 s1, s0  }
0xbc: {  	s0 =	sadd.s32 $0x8F2B, s0  }
0xbd: {  	[sflag:s0] =	ssyncadd.remote.s32 $0x1  }
0xbe: {  	_ =	sfence.sel $0xFFFF  }
0xbf: {  	[dreg:$0x0] =	wrdreg $0xFFFFFFFF;
	(pc) =	sbr.abs _section_cstart, $3  }
0xc0: {  	[dreg:$0x1] =	wrdreg $0xFFFFFFFF  }
0xc1: {  	_ =	task.clear_ibuf [dreg:s6], $0x2FFFF;
	_ =	strace $0x9FFFFFFF  }
0xc2: {  	(tm) =	ssettm $0x7FFFFFFF  }
0xc3: {  	_ =	shalt  }
tec
execute0_lowered:
.L_overlay_start_1:
0x0: {  	(tag) =	ssettag $0x1  }
0x1: {  	s0 =	rddreg [dreg:$0x0]  }
0x2: {  	s2 =	rddreg [dreg:$0x1]  }
0x3: {  	s1 =	srdreg.scid;
	s3 =	simm.s32 $0x0;
	s18 =	stileid.u32  }
0x4: {  	s28 =	simm.s32 $0x1;
	s29 =	simm.s32 $0x2;
	s30 =	simm.s32 $0x16300  }
0x5: {  	s31 =	simm.s32 $0x16380;
	s1 =	sand.u32 $0x1, s1;
	[smem:$0x7FF] =	sst s3  }
0x6: {  	s15 =	sshll.u32 s18, $0x1;
	s7 =	smul.u32 $0x13C00, s18;
	s4 =	sadd.s32 $0x6E00, s0  }
0x7: {  	s5 =	sadd.s32 $0xAD000, s0;
	s10 =	sadd.s32 $0xD8600, s0;
	s11 =	sadd.s32 $0x2E600, s0  }
0x8: {  	s16 =	sshll.u32 s18, $0xC;
	s12 =	smul.u32 $0x4F000, s18;
	s21 =	sshll.u32 s18, $0x6  }
0x9: {  	s25 =	sshll.u32 s18, $0xF;
	s6 =	smul.u32 $0x13C000, s1;
	_ =	strace $0x80000050  }
0xa: {  	s3 =	sor.u32 s1, s15;
	s9 =	ssub.s32 $0x2, s1;
	s15 =	smul.u32 $0x21000, s18  }
0xb: {  	s1 =	sshll.u32 s1, $0x10;
	s26 =	sadd.s32 s25, s2;
	s8 =	smul.u32 $0x180, s3  }
0xc: {  	s18 =	simm.s32 $0x3;
	s17 =	sshrl.u32 s9, $0x1;
	s20 =	smul.u32 $0x2800, s3  }
0xd: {  	s19 =	sshrl.u32 s12, $0x2;
	s3 =	smul.u32 $0x500, s3;
	s25 =	sshrl.u32 s26, $0x3  }
0xe: {  	s26 =	simm.s32 $0x1A400;
	s7 =	sadd.s32 s7, s6;
	s6 =	sadd.s32 $0x3BE00, s0  }
0xf: {  	s24 =	sshrl.u32 s15, $0x2;
	s14 =	sadd.s32 s8, s0;
	s7 =	sshrl.u32 s7, $0x3  }
0x10: {  	s22 =	sshrl.u32 s20, $0x3;
	s20 =	simm.s32 $0x15000;
	s13 =	sadd.s32 s7, s0  }
0x11: {  	s0 =	sadd.s32 s16, s0;
	s16 =	ssub.s32 s9, s17;
	s17 =	sadd.s32 s19, s2  }
0x12: {  	s7 =	sor.u32 $0x1C03, s21;
	s8 =	sadd.s32 s10, s22;
	s9 =	sadd.s32 s11, s3  }
0x13: {  	s23 =	sadd.s32 $0x280, s22;
	s3 =	sadd.s32 s24, s2;
	s19 =	simm.s32 $0x13C00  }
0x14: {  	s21 =	simm.s32 $0x80;
	s22 =	simm.s32 $0x16400;
	[dreg:$0x3] =	wrdreg s8  }
0x15: {  	s10 =	sadd.s32 s10, s23;
	s11 =	sadd.s32 s11, s23;
	s12 =	sadd.s32 $0xE2600, s13  }
0x16: {  	s13 =	sadd.s32 $0xD5600, s14;
	s0 =	sadd.s32 s1, s0;
	s14 =	sadd.s32 $0x38600, s14  }
0x17: {  	s16 =	smax.u32 s16, $0x1;
	s17 =	sshrl.u32 s17, $0x3;
	s23 =	simm.s32 $0x13C80  }
0x18: {  	s24 =	sshrl.u32 s3, $0x3;
	s15 =	sadd.s32 $0x3E600, s0;
	s0 =	simm.s32 $0x0  }
.LBB2_1:
0x19: {  	[spmem:s17], [sflag:s7] =	dma.local [hbm:s6], $0x2780  }
0x1a: {  	_ =	swait.ge [sflag:s18], $0x2780  }
0x1b: {  	[sflag:s18] =	ssyncset.done $0x0  }
0x1c: {  	s1 =	simm.s32 $0x0;
	s3 =	rddreg [dreg:$0x3];
	[sflag:s18] =	ssyncadd.s32 $0xFFFFD880  }
0x1d: {  	[tilespmem:s19], [sflag:$0x3] =	stream.linear.gather [hbm4b:s3+s1], $0x1400, $0x38;
	[tilespmem:$0x1E400] =	vst v63  }
0x1e: {  	_ =	swait.ge [sflag:s18], $0x1400  }
0x1f: {  	[sflag:s18] =	ssyncset.done $0x0  }
0x20: {  	[sflag:s18] =	ssyncadd.s32 $0xFFFFEC00  }
0x21: {  	[tilespmem:s20], [sflag:$0x3] =	stream.linear.gather [hbm4b:s9+s1], $0x1400, $0x38;
	[tilespmem:$0x1E400] =	vst v63  }
0x22: {  	_ =	swait.ge [sflag:s18], $0x1400  }
0x23: {  	[sflag:s18] =	ssyncset.done $0x0  }
0x24: {  	[sflag:s18] =	ssyncadd.s32 $0xFFFFEC00  }
0x25: {  	[bflag:$0x0] =	sbarrier.arrive $0xFFFF  }
0x26: {  	[tilespmem:s22], [sflag:$0x1] =	stream.indirect.gather [hbm4b:s4+s21], $0x80, s19, s21, $0xb8;
	[tilespmem:$0x1E400] =	vst v63  }
0x27: {  	_ = 	snop  }
0x28: {  	[tilespmem:s26], [sflag:$0x2] =	stream.indirect.gather [hbm4b:s4+s21], $0x80, s23, s21, $0xb8;
	[tilespmem:$0x1E400] =	vst v63  }
0x29: {  	_ =	swait.ge [sflag:s28], $0x4000  }
0x2a: {  	[sflag:s28] =	ssyncset.done $0x0  }
0x2b: {  	s8 =	simm.s32 $0x15000;
	[sflag:s28] =	ssyncadd.s32 $0xFFFFC000  }
0x2c: {  	[spmem:s2] =	stream.indirect.scatter.add.f32 [tilespmem:s22], [sflag:$0x3], $0x80, s8, s21, $0xb8;
	[tilespmem:$0x1E400] =	vst v63  }
0x2d: {  	_ =	swait.ge [sflag:s18], $0x4000  }
0x2e: {  	[sflag:s18] =	ssyncset.done $0x0  }
0x2f: {  	s3 =	simm.s32 $0x13D00;
	[sflag:s18] =	ssyncadd.s32 $0xFFFFC000  }
0x30: {  	[tilespmem:s22], [sflag:$0x1] =	stream.indirect.gather [hbm4b:s4+s21], $0x80, s3, s21, $0xb8;
	[tilespmem:$0x1E400] =	vst v63  }
0x31: {  	_ =	swait.ge [sflag:s29], $0x4000  }
0x32: {  	[sflag:s29] =	ssyncset.done $0x0  }
0x33: {  	s8 =	simm.s32 $0x15080;
	[sflag:s29] =	ssyncadd.s32 $0xFFFFC000  }
0x34: {  	[spmem:s2] =	stream.indirect.scatter.add.f32 [tilespmem:s26], [sflag:$0x3], $0x80, s8, s21, $0xb8;
	[tilespmem:$0x1E400] =	vst v63  }
0x35: {  	_ =	swait.ge [sflag:s18], $0x4000  }
0x36: {  	[sflag:s18] =	ssyncset.done $0x0  }
0x37: {  	s1 =	simm.s32 $0x400;
	s3 =	simm.s32 $0x13D80;
	[sflag:s18] =	ssyncadd.s32 $0xFFFFC000  }
.LBB2_2:
0x38: {  	[tilespmem:s26], [sflag:$0x2] =	stream.indirect.gather [hbm4b:s4+s21], $0x80, s3, s21, $0xb8;
	[tilespmem:$0x1E400] =	vst v63  }
0x39: {  	s3 =	smov.u32 s1  }
0x3a: {  	p0 =	sne.s32 s1, $0x4800;
	s1 =	sadd.s32 $0x400, s1;
	_ =	swait.ge [sflag:s28], $0x4000  }
0x3b: {  	s3 =	sshra.s32 s3, $0x2;
	[sflag:s28] =	ssyncset.done $0x0  }
0x3c: {  	s8 =	sadd.s32 $0x15000, s3;
	[sflag:s28] =	ssyncadd.s32 $0xFFFFC000  }
0x3d: {  	[spmem:s2] =	stream.indirect.scatter.add.f32 [tilespmem:s22], [sflag:$0x3], $0x80, s8, s21, $0xb8;
	[tilespmem:$0x1E400] =	vst v63  }
0x3e: {  	_ =	swait.ge [sflag:s18], $0x4000  }
0x3f: {  	[sflag:s18] =	ssyncset.done $0x0  }
0x40: {  	s8 =	sadd.s32 $0x13D00, s3;
	[sflag:s18] =	ssyncadd.s32 $0xFFFFC000  }
0x41: {  	[tilespmem:s22], [sflag:$0x1] =	stream.indirect.gather [hbm4b:s4+s21], $0x80, s8, s21, $0xb8;
	[tilespmem:$0x1E400] =	vst v63  }
0x42: {  	_ =	swait.ge [sflag:s29], $0x4000  }
0x43: {  	[sflag:s29] =	ssyncset.done $0x0  }
.Ltmp0:
0x44: {  	s8 =	sadd.s32 $0x15080, s3;
	[sflag:s29] =	ssyncadd.s32 $0xFFFFC000;
	(pc) =	sbr.rel @p0 .LBB2_2-.Ltmp0, $4  }
0x45: {  	[spmem:s2] =	stream.indirect.scatter.add.f32 [tilespmem:s26], [sflag:$0x3], $0x80, s8, s21, $0xb8;
	[tilespmem:$0x1E400] =	vst v63  }
0x46: {  	_ =	swait.ge [sflag:s18], $0x4000  }
0x47: {  	[sflag:s18] =	ssyncset.done $0x0  }
0x48: {  	s3 =	sadd.s32 $0x13D80, s3;
	[sflag:s18] =	ssyncadd.s32 $0xFFFFC000  }
0x49: {  	[tilespmem:s26], [sflag:$0x2] =	stream.indirect.gather [hbm4b:s4+s21], $0x80, s3, s21, $0xb8;
	[tilespmem:$0x1E400] =	vst v63  }
0x4a: {  	_ =	swait.ge [sflag:s28], $0x4000  }
0x4b: {  	[sflag:s28] =	ssyncset.done $0x0  }
0x4c: {  	[sflag:s28] =	ssyncadd.s32 $0xFFFFC000  }
0x4d: {  	[spmem:s2] =	stream.indirect.scatter.add.f32 [tilespmem:s22], [sflag:$0x3], $0x80, s30, s21, $0xb8;
	[tilespmem:$0x1E400] =	vst v63  }
0x4e: {  	_ =	swait.ge [sflag:s18], $0x4000  }
0x4f: {  	[sflag:s18] =	ssyncset.done $0x0  }
0x50: {  	[sflag:s18] =	ssyncadd.s32 $0xFFFFC000  }
0x51: {  	_ =	swait.ge [sflag:s29], $0x4000  }
0x52: {  	[sflag:s29] =	ssyncset.done $0x0  }
0x53: {  	[sflag:s29] =	ssyncadd.s32 $0xFFFFC000  }
0x54: {  	[spmem:s2] =	stream.indirect.scatter.add.f32 [tilespmem:s26], [sflag:$0x3], $0x80, s31, s21, $0xb8;
	[tilespmem:$0x1E400] =	vst v63  }
0x55: {  	_ =	swait.ge [sflag:s18], $0x4000  }
0x56: {  	[sflag:s18] =	ssyncset.done $0x0  }
0x57: {  	s1 =	simm.s32 $0x0;
	[sflag:s18] =	ssyncadd.s32 $0xFFFFC000  }
0x58: {  	[tilespmem:s19], [sflag:$0x3] =	stream.linear.gather [hbm4b:s10+s1], $0x1400, $0x38;
	[tilespmem:$0x1E400] =	vst v63  }
0x59: {  	_ =	swait.ge [sflag:s18], $0x1400  }
0x5a: {  	[sflag:s18] =	ssyncset.done $0x0  }
0x5b: {  	[sflag:s18] =	ssyncadd.s32 $0xFFFFEC00  }
0x5c: {  	[tilespmem:s20], [sflag:$0x3] =	stream.linear.gather [hbm4b:s11+s1], $0x1400, $0x38;
	[tilespmem:$0x1E400] =	vst v63  }
0x5d: {  	_ =	swait.ge [sflag:s18], $0x1400  }
0x5e: {  	[sflag:s18] =	ssyncset.done $0x0  }
0x5f: {  	[sflag:s18] =	ssyncadd.s32 $0xFFFFEC00  }
0x60: {  	[tilespmem:s22], [sflag:$0x1] =	stream.indirect.gather [hbm4b:s4+s21], $0x80, s19, s21, $0xb8;
	[tilespmem:$0x1E400] =	vst v63  }
0x61: {  	_ = 	snop  }
0x62: {  	[tilespmem:s26], [sflag:$0x2] =	stream.indirect.gather [hbm4b:s4+s21], $0x80, s23, s21, $0xb8;
	[tilespmem:$0x1E400] =	vst v63  }
0x63: {  	_ =	swait.ge [sflag:s28], $0x4000  }
0x64: {  	[sflag:s28] =	ssyncset.done $0x0  }
0x65: {  	s8 =	simm.s32 $0x15000;
	[sflag:s28] =	ssyncadd.s32 $0xFFFFC000  }
0x66: {  	[spmem:s2] =	stream.indirect.scatter.add.f32 [tilespmem:s22], [sflag:$0x3], $0x80, s8, s21, $0xb8;
	[tilespmem:$0x1E400] =	vst v63  }
0x67: {  	_ =	swait.ge [sflag:s18], $0x4000  }
0x68: {  	[sflag:s18] =	ssyncset.done $0x0  }
0x69: {  	s3 =	simm.s32 $0x13D00;
	[sflag:s18] =	ssyncadd.s32 $0xFFFFC000  }
0x6a: {  	[tilespmem:s22], [sflag:$0x1] =	stream.indirect.gather [hbm4b:s4+s21], $0x80, s3, s21, $0xb8;
	[tilespmem:$0x1E400] =	vst v63  }
0x6b: {  	_ =	swait.ge [sflag:s29], $0x4000  }
0x6c: {  	[sflag:s29] =	ssyncset.done $0x0  }
0x6d: {  	s8 =	simm.s32 $0x15080;
	[sflag:s29] =	ssyncadd.s32 $0xFFFFC000  }
0x6e: {  	[spmem:s2] =	stream.indirect.scatter.add.f32 [tilespmem:s26], [sflag:$0x3], $0x80, s8, s21, $0xb8;
	[tilespmem:$0x1E400] =	vst v63  }
0x6f: {  	_ =	swait.ge [sflag:s18], $0x4000  }
0x70: {  	[sflag:s18] =	ssyncset.done $0x0  }
0x71: {  	s1 =	simm.s32 $0x400;
	s3 =	simm.s32 $0x13D80;
	[sflag:s18] =	ssyncadd.s32 $0xFFFFC000  }
.LBB2_4:
0x72: {  	[tilespmem:s26], [sflag:$0x2] =	stream.indirect.gather [hbm4b:s4+s21], $0x80, s3, s21, $0xb8;
	[tilespmem:$0x1E400] =	vst v63  }
0x73: {  	s3 =	smov.u32 s1  }
0x74: {  	p0 =	sne.s32 s1, $0x4800;
	s1 =	sadd.s32 $0x400, s1;
	_ =	swait.ge [sflag:s28], $0x4000  }
0x75: {  	s3 =	sshra.s32 s3, $0x2;
	[sflag:s28] =	ssyncset.done $0x0  }
0x76: {  	s8 =	sadd.s32 $0x15000, s3;
	[sflag:s28] =	ssyncadd.s32 $0xFFFFC000  }
0x77: {  	[spmem:s2] =	stream.indirect.scatter.add.f32 [tilespmem:s22], [sflag:$0x3], $0x80, s8, s21, $0xb8;
	[tilespmem:$0x1E400] =	vst v63  }
0x78: {  	_ =	swait.ge [sflag:s18], $0x4000  }
0x79: {  	[sflag:s18] =	ssyncset.done $0x0  }
0x7a: {  	s8 =	sadd.s32 $0x13D00, s3;
	[sflag:s18] =	ssyncadd.s32 $0xFFFFC000  }
0x7b: {  	[tilespmem:s22], [sflag:$0x1] =	stream.indirect.gather [hbm4b:s4+s21], $0x80, s8, s21, $0xb8;
	[tilespmem:$0x1E400] =	vst v63  }
0x7c: {  	_ =	swait.ge [sflag:s29], $0x4000  }
0x7d: {  	[sflag:s29] =	ssyncset.done $0x0  }
.Ltmp1:
0x7e: {  	s8 =	sadd.s32 $0x15080, s3;
	[sflag:s29] =	ssyncadd.s32 $0xFFFFC000;
	(pc) =	sbr.rel @p0 .LBB2_4-.Ltmp1, $4  }
0x7f: {  	[spmem:s2] =	stream.indirect.scatter.add.f32 [tilespmem:s26], [sflag:$0x3], $0x80, s8, s21, $0xb8;
	[tilespmem:$0x1E400] =	vst v63  }
0x80: {  	_ =	swait.ge [sflag:s18], $0x4000  }
0x81: {  	[sflag:s18] =	ssyncset.done $0x0  }
0x82: {  	s3 =	sadd.s32 $0x13D80, s3;
	[sflag:s18] =	ssyncadd.s32 $0xFFFFC000  }
0x83: {  	[tilespmem:s26], [sflag:$0x2] =	stream.indirect.gather [hbm4b:s4+s21], $0x80, s3, s21, $0xb8;
	[tilespmem:$0x1E400] =	vst v63  }
0x84: {  	_ =	swait.ge [sflag:s28], $0x4000  }
0x85: {  	[sflag:s28] =	ssyncset.done $0x0  }
0x86: {  	[sflag:s28] =	ssyncadd.s32 $0xFFFFC000  }
0x87: {  	[spmem:s2] =	stream.indirect.scatter.add.f32 [tilespmem:s22], [sflag:$0x3], $0x80, s30, s21, $0xb8;
	[tilespmem:$0x1E400] =	vst v63  }
0x88: {  	_ =	swait.ge [sflag:s18], $0x4000  }
0x89: {  	[sflag:s18] =	ssyncset.done $0x0  }
0x8a: {  	[sflag:s18] =	ssyncadd.s32 $0xFFFFC000  }
0x8b: {  	_ =	swait.ge [sflag:s29], $0x4000  }
0x8c: {  	[sflag:s29] =	ssyncset.done $0x0  }
0x8d: {  	[sflag:s29] =	ssyncadd.s32 $0xFFFFC000  }
0x8e: {  	[spmem:s2] =	stream.indirect.scatter.add.f32 [tilespmem:s26], [sflag:$0x3], $0x80, s31, s21, $0xb8;
	[tilespmem:$0x1E400] =	vst v63  }
0x8f: {  	_ =	swait.ge [sflag:s18], $0x4000  }
0x90: {  	[sflag:s18] =	ssyncset.done $0x0  }
0x91: {  	[sflag:s18] =	ssyncadd.s32 $0xFFFFC000  }
0x92: {  	[bflag:$0x0] =	sbarrier.arrive $0xFFFF  }
0x93: {  	[hbm:s12], [sflag:s7] =	dma.local [spmem:s17], $0x2780  }
0x94: {  	_ =	swait.ge [sflag:s18], $0x2780  }
0x95: {  	[sflag:s18] =	ssyncset.done $0x0  }
0x96: {  	[sflag:s18] =	ssyncadd.s32 $0xFFFFD880  }
0x97: {  	[bflag:$0x0] =	sbarrier.arrive $0xFFFF  }
0x98: {  	[spmem:s24], [sflag:s7] =	dma.local [hbm:s6], $0x1080  }
0x99: {  	_ =	swait.ge [sflag:s18], $0x1080  }
0x9a: {  	[sflag:s18] =	ssyncset.done $0x0  }
0x9b: {  	s1 =	simm.s32 $0x0;
	[sflag:s18] =	ssyncadd.s32 $0xFFFFEF80  }
0x9c: {  	[tilespmem:s19], [sflag:$0x3] =	stream.linear.gather [hbm4b:s13+s1], $0xC00, $0x38;
	[tilespmem:$0x1E400] =	vst v63  }
0x9d: {  	_ =	swait.ge [sflag:s18], $0xC00  }
0x9e: {  	[sflag:s18] =	ssyncset.done $0x0  }
0x9f: {  	[sflag:s18] =	ssyncadd.s32 $0xFFFFF400  }
0xa0: {  	[tilespmem:s20], [sflag:$0x3] =	stream.linear.gather [hbm4b:s14+s1], $0xC00, $0x38;
	[tilespmem:$0x1E400] =	vst v63  }
0xa1: {  	_ =	swait.ge [sflag:s18], $0xC00  }
0xa2: {  	[sflag:s18] =	ssyncset.done $0x0  }
0xa3: {  	[sflag:s18] =	ssyncadd.s32 $0xFFFFF400  }
0xa4: {  	[bflag:$0x0] =	sbarrier.arrive $0xFFFF  }
0xa5: {  	[tilespmem:s22], [sflag:$0x1] =	stream.indirect.gather [hbm4b:s5+s21], $0x80, s19, s21, $0xb8;
	[tilespmem:$0x1E400] =	vst v63  }
0xa6: {  	_ = 	snop  }
0xa7: {  	[tilespmem:s26], [sflag:$0x2] =	stream.indirect.gather [hbm4b:s5+s21], $0x80, s23, s21, $0xb8;
	[tilespmem:$0x1E400] =	vst v63  }
0xa8: {  	_ =	swait.ge [sflag:s28], $0x4000  }
0xa9: {  	[sflag:s28] =	ssyncset.done $0x0  }
0xaa: {  	s8 =	simm.s32 $0x15000;
	[sflag:s28] =	ssyncadd.s32 $0xFFFFC000  }
0xab: {  	[spmem:s2] =	stream.indirect.scatter.add.f32 [tilespmem:s22], [sflag:$0x3], $0x80, s8, s21, $0xb8;
	[tilespmem:$0x1E400] =	vst v63  }
0xac: {  	_ =	swait.ge [sflag:s18], $0x4000  }
0xad: {  	[sflag:s18] =	ssyncset.done $0x0  }
0xae: {  	s3 =	simm.s32 $0x13D00;
	[sflag:s18] =	ssyncadd.s32 $0xFFFFC000  }
0xaf: {  	[tilespmem:s22], [sflag:$0x1] =	stream.indirect.gather [hbm4b:s5+s21], $0x80, s3, s21, $0xb8;
	[tilespmem:$0x1E400] =	vst v63  }
0xb0: {  	_ =	swait.ge [sflag:s29], $0x4000  }
0xb1: {  	[sflag:s29] =	ssyncset.done $0x0  }
0xb2: {  	s8 =	simm.s32 $0x15080;
	[sflag:s29] =	ssyncadd.s32 $0xFFFFC000  }
0xb3: {  	[spmem:s2] =	stream.indirect.scatter.add.f32 [tilespmem:s26], [sflag:$0x3], $0x80, s8, s21, $0xb8;
	[tilespmem:$0x1E400] =	vst v63  }
0xb4: {  	_ =	swait.ge [sflag:s18], $0x4000  }
0xb5: {  	[sflag:s18] =	ssyncset.done $0x0  }
0xb6: {  	s1 =	simm.s32 $0x400;
	s3 =	simm.s32 $0x13D80;
	[sflag:s18] =	ssyncadd.s32 $0xFFFFC000  }
.LBB2_6:
0xb7: {  	[tilespmem:s26], [sflag:$0x2] =	stream.indirect.gather [hbm4b:s5+s21], $0x80, s3, s21, $0xb8;
	[tilespmem:$0x1E400] =	vst v63  }
0xb8: {  	s3 =	smov.u32 s1  }
0xb9: {  	p0 =	sne.s32 s1, $0x2800;
	s1 =	sadd.s32 $0x400, s1;
	_ =	swait.ge [sflag:s28], $0x4000  }
0xba: {  	s3 =	sshra.s32 s3, $0x2;
	[sflag:s28] =	ssyncset.done $0x0  }
0xbb: {  	s8 =	sadd.s32 $0x15000, s3;
	[sflag:s28] =	ssyncadd.s32 $0xFFFFC000  }
0xbc: {  	[spmem:s2] =	stream.indirect.scatter.add.f32 [tilespmem:s22], [sflag:$0x3], $0x80, s8, s21, $0xb8;
	[tilespmem:$0x1E400] =	vst v63  }
0xbd: {  	_ =	swait.ge [sflag:s18], $0x4000  }
0xbe: {  	[sflag:s18] =	ssyncset.done $0x0  }
0xbf: {  	s8 =	sadd.s32 $0x13D00, s3;
	[sflag:s18] =	ssyncadd.s32 $0xFFFFC000  }
0xc0: {  	[tilespmem:s22], [sflag:$0x1] =	stream.indirect.gather [hbm4b:s5+s21], $0x80, s8, s21, $0xb8;
	[tilespmem:$0x1E400] =	vst v63  }
0xc1: {  	_ =	swait.ge [sflag:s29], $0x4000  }
0xc2: {  	[sflag:s29] =	ssyncset.done $0x0  }
.Ltmp2:
0xc3: {  	s8 =	sadd.s32 $0x15080, s3;
	[sflag:s29] =	ssyncadd.s32 $0xFFFFC000;
	(pc) =	sbr.rel @p0 .LBB2_6-.Ltmp2, $4  }
0xc4: {  	[spmem:s2] =	stream.indirect.scatter.add.f32 [tilespmem:s26], [sflag:$0x3], $0x80, s8, s21, $0xb8;
	[tilespmem:$0x1E400] =	vst v63  }
0xc5: {  	_ =	swait.ge [sflag:s18], $0x4000  }
0xc6: {  	[sflag:s18] =	ssyncset.done $0x0  }
0xc7: {  	s3 =	sadd.s32 $0x13D80, s3;
	[sflag:s18] =	ssyncadd.s32 $0xFFFFC000  }
0xc8: {  	[tilespmem:s26], [sflag:$0x2] =	stream.indirect.gather [hbm4b:s5+s21], $0x80, s3, s21, $0xb8;
	[tilespmem:$0x1E400] =	vst v63  }
0xc9: {  	_ =	swait.ge [sflag:s28], $0x4000  }
0xca: {  	[sflag:s28] =	ssyncset.done $0x0  }
0xcb: {  	s1 =	simm.s32 $0x15B00;
	[sflag:s28] =	ssyncadd.s32 $0xFFFFC000  }
0xcc: {  	[spmem:s2] =	stream.indirect.scatter.add.f32 [tilespmem:s22], [sflag:$0x3], $0x80, s1, s21, $0xb8;
	[tilespmem:$0x1E400] =	vst v63  }
0xcd: {  	_ =	swait.ge [sflag:s18], $0x4000  }
0xce: {  	[sflag:s18] =	ssyncset.done $0x0  }
0xcf: {  	[sflag:s18] =	ssyncadd.s32 $0xFFFFC000  }
0xd0: {  	_ =	swait.ge [sflag:s29], $0x4000  }
0xd1: {  	[sflag:s29] =	ssyncset.done $0x0  }
0xd2: {  	s8 =	simm.s32 $0x15B80;
	[sflag:s29] =	ssyncadd.s32 $0xFFFFC000  }
0xd3: {  	[spmem:s2] =	stream.indirect.scatter.add.f32 [tilespmem:s26], [sflag:$0x3], $0x80, s8, s21, $0xb8;
	[tilespmem:$0x1E400] =	vst v63  }
0xd4: {  	_ =	swait.ge [sflag:s18], $0x4000  }
0xd5: {  	s0 =	sadd.s32 $0x1, s0;
	[sflag:s18] =	ssyncset.done $0x0  }
0xd6: {  	p0 =	sne.s32 s0, s16;
	[sflag:s18] =	ssyncadd.s32 $0xFFFFC000  }
.Ltmp3:
0xd7: {  	[bflag:$0x0] =	sbarrier.arrive $0xFFFF;
	(pc) =	sbr.rel @p0 .LBB2_1-.Ltmp3, $4  }
0xd8: {  	[hbm:s15], [sflag:s7] =	dma.local [spmem:s25], $0x1000  }
0xd9: {  	_ =	swait.ge [sflag:s18], $0x1000  }
0xda: {  	[sflag:s18] =	ssyncset.done $0x0  }
0xdb: {  	[sflag:s18] =	ssyncadd.s32 $0xFFFFF000  }
0xdc: {  	_ =	sfence.sel $0x180000  }
0xdd: {  	[bflag:$0x0] =	sbarrier.arrive $0xFFFF  }
0xde: {  	_ =	strace $0x90000050  }
0xdf: {  	s0 =	stileid.u32;
	[bflag:$0x2] =	sbarrier.arrive $0xFFFF  }
0xe0: {  	p0 =	sne.s32 s0, $0x0;
	s0 =	rddreg [dreg:$0x2]  }
0xe1: {  	s0 =	sadd.s32 @!p0 $0x100000, s0  }
0xe2: {  	[sflag:s0] =	ssyncadd.tile.s32 @!p0 $0x1;
	_ =	shalt  }
.Lfunc_end2:
_tile_overlayer_lowered:
.L_overlay_start_2:
0xe3: {  	(tag) =	ssettag $0x2  }
0xe4: {  	s0 =	rddreg [dreg:$0x0];
	s2 =	stileid.u32  }
0xe5: {  	s1 =	rddreg [dreg:$0x1];
	p0 =	sne.s32 s2, $0x0  }
0xe6: {  	s3 =	rddreg [dreg:$0x2];
	[bflag:$0x3] =	sbarrier.arrive $0xFFFF;
	s2 =	simm.s32 @!p0 $0x1C03  }
0xe7: {  	[timem:s3], [sflag:s2] =	dma.local @!p0 [hbm:s0], s1  }
0xe8: {  	s0 =	simm.s32 @!p0 $0x3  }
0xe9: {  	_ =	swait.ge @!p0 [sflag:s0], s1  }
0xea: {  	s1 =	ssub.s32 @!p0 $0x0, s1;
	[sflag:s0] =	ssyncset.done @!p0 $0x0  }
0xeb: {  	[sflag:s0] =	ssyncadd.s32 @!p0 s1  }
0xec: {  	[bflag:$0x3] =	sbarrier.arrive $0xFFFF  }
0xed: {  	_ =	shalt  }

</sc_bundles>
